<compile_context>
chip_gen: v7x
topology: tpu7x:2x2x1
jax: 0.10.2.dev20260603
libtpu: 0.0.44.dev20260713+nightly
codegen_flags: <defaults>
</compile_context>

<pallas_src>
import functools

import jax
import jax.numpy as jnp
from jax import lax
from jax.experimental import pallas as pl
from jax.experimental.pallas import tpu as pltpu
from jax.experimental.pallas import tpu_sc as plsc

N = 10000
D = 128
E = 320000

NC = 2
NS = 16
L = 16
NW = NC * NS

K = 128
EP = NW * 80 * K
EROWS = EP // K

NP = 10240
RPT = NP // NS

BN = 512
GB = NP // BN

_mesh = plsc.VectorSubcoreMesh(core_axis_name="c", subcore_axis_name="s")


def _zero_vmem_2d(ref, nrows, qcols):
    def body(i, carry):
        for q in range(qcols):
            ref[i, pl.ds(q * L, L)] = jnp.zeros((L,), jnp.float32)
        return carry
    lax.fori_loop(0, nrows, body, 0)


HR = NP // K
TROWS = EROWS // NW


@functools.partial(
    pl.kernel,
    out_type=jax.ShapeDtypeStruct((NC, 2 * HR, K), jnp.int32),
    mesh=_mesh,
    scratch_types=[
        pltpu.VMEM((TROWS, K), jnp.int32),
        pltpu.VMEM((NP,), jnp.int32),
        pltpu.VMEM((HR, K), jnp.int32),
        pltpu.VMEM((HR,), jnp.int32),
        pltpu.VMEM((HR,), jnp.int32),
        pltpu.VMEM_SHARED((2 * HR, K), jnp.int32),
    ],
    compiler_params=pltpu.CompilerParams(needs_layout_passes=False),
)
def _deg_kernel(srci, dsti, out, idxv, hist, stage, idro, idri, acc):
    c = lax.axis_index("c")
    s = lax.axis_index("s")
    wid = s * NC + c

    def zs(i, carry):
        for q in range(K // L):
            stage[i, pl.ds(q * L, L)] = jnp.zeros((L,), jnp.int32)
        return carry
    lax.fori_loop(0, HR, zs, 0)

    def zi(i, carry):
        idro[pl.ds(i * L, L)] = lax.iota(jnp.int32, L) + i * L
        idri[pl.ds(i * L, L)] = lax.iota(jnp.int32, L) + (HR + i * L)
        return carry
    lax.fori_loop(0, HR // L, zi, 0)

    zr = (2 * HR) // NS
    pltpu.sync_copy(stage.at[pl.ds(0, zr)], acc.at[pl.ds(s * zr, zr)])
    plsc.subcore_barrier()

    for idx_hbm, idr in ((srci, idro), (dsti, idri)):
        def zh(i, carry):
            hist[pl.ds(i * L, L)] = jnp.zeros((L,), jnp.int32)
            return carry
        lax.fori_loop(0, NP // L, zh, 0)
        pltpu.sync_copy(idx_hbm.at[pl.ds(wid * TROWS, TROWS)], idxv)

        def body(i, carry):
            r = i // (K // L)
            q = i % (K // L)
            vec = idxv[r, pl.ds(q * L, L)]
            cnt, last = plsc.scan_count(vec)
            vals = plsc.load_gather(hist, [vec], mask=last)
            plsc.store_scatter(hist, [vec], vals + cnt, mask=last)
            return carry
        lax.fori_loop(0, TROWS * (K // L), body, 0)

        def pack(r, carry):
            for q in range(K // L):
                stage[r, pl.ds(q * L, L)] = hist[pl.ds(r * K + q * L, L)]
            return carry
        lax.fori_loop(0, HR, pack, 0)
        pltpu.sync_copy(stage, acc.at[idr], add=True)
    plsc.subcore_barrier()

    @pl.when(s < 10)
    def _():
        pltpu.sync_copy(acc.at[pl.ds(s * 16, 16)],
                        out.at[c, pl.ds(s * 16, 16)])


DH = 64


CH2 = EROWS // NS


NB = 4
PD = NB // 2


def _edge_sweep(h, idxs, idxd, bufs, gsems, ssems, acc):
    for b in range(PD):
        pltpu.async_copy(h.at[idxs.at[b]], bufs[b], gsems[b])

    def outer(i, carry):
        g0 = i * NB
        for b in range(NB):
            g = g0 + b
            bp = (b + PD) % NB
            if b < PD:
                @pl.when(i > 0)
                def _():
                    pltpu.make_async_copy(
                        bufs[bp], acc.at[idxd.at[g - PD]], ssems[bp]).wait()
            else:
                pltpu.make_async_copy(
                    bufs[bp], acc.at[idxd.at[g - PD]], ssems[bp]).wait()
            nxt = jnp.minimum(g + PD, CH2 - 1)
            pltpu.async_copy(h.at[idxs.at[nxt]], bufs[bp], gsems[bp])
            pltpu.make_async_copy(h.at[idxs.at[g]], bufs[b], gsems[b]).wait()
            pltpu.async_copy(bufs[b], acc.at[idxd.at[g]], ssems[b], add=True)
        return carry
    lax.fori_loop(0, CH2 // NB, outer, 0)
    for b in range(PD):
        pltpu.make_async_copy(h.at[idxs.at[CH2 - 1]], bufs[b], gsems[b]).wait()
        gl = CH2 - PD + b
        pltpu.make_async_copy(
            bufs[PD + b], acc.at[idxd.at[gl]], ssems[PD + b]).wait()


@functools.partial(
    pl.kernel,
    out_type=jax.ShapeDtypeStruct((NC, NP, DH), jnp.float32),
    mesh=_mesh,
    scratch_types=[
        pltpu.VMEM((CH2, K), jnp.int32),
        pltpu.VMEM((CH2, K), jnp.int32),
        [pltpu.VMEM((K, DH), jnp.float32) for _ in range(NB)],
        [pltpu.SemaphoreType.DMA for _ in range(NB)],
        [pltpu.SemaphoreType.DMA for _ in range(NB)],
        pltpu.VMEM_SHARED((NP, DH), jnp.float32),
    ],
    compiler_params=pltpu.CompilerParams(use_tc_tiling_on_sc=False),
)
def _mp_kernel(ha, hb, srci, dsti, out, idxs, idxd, bufs, gsems, ssems, acc):
    c = lax.axis_index("c")
    s = lax.axis_index("s")

    pltpu.sync_copy(srci.at[pl.ds(s * CH2, CH2)], idxs)
    pltpu.sync_copy(dsti.at[pl.ds(s * CH2, CH2)], idxd)

    _zero_vmem_2d(bufs[0], K, DH // L)
    for t in range(RPT // K):
        pltpu.sync_copy(bufs[0], acc.at[pl.ds(s * RPT + t * K, K)])
    plsc.subcore_barrier()

    @pl.when(c == 0)
    def _():
        _edge_sweep(ha, idxs, idxd, bufs, gsems, ssems, acc)

    @pl.when(c == 1)
    def _():
        _edge_sweep(hb, idxs, idxd, bufs, gsems, ssems, acc)

    plsc.subcore_barrier()
    for t in range(RPT // K):
        pltpu.sync_copy(acc.at[pl.ds(s * RPT + t * K, K)],
                        out.at[c, pl.ds(s * RPT + t * K, K)])


def _norm(deg):
    return lax.rsqrt(jnp.maximum(deg, 1.0))


def _scale_body(x_ref, do0_ref, do1_ref, oa_ref, ob_ref):
    scaled = x_ref[...] * _norm(do0_ref[...] + do1_ref[...])
    oa_ref[...] = scaled[:, :DH]
    ob_ref[...] = scaled[:, DH:]


def _mid_body(pa_ref, pb_ref, di0_ref, di1_ref,
              do0_ref, do1_ref, w_ref, oa_ref, ob_ref):
    agg = jnp.concatenate([pa_ref[...], pb_ref[...]], axis=1)
    agg = agg * _norm(di0_ref[...] + di1_ref[...])
    hidden = jnp.dot(agg, w_ref[...], preferred_element_type=jnp.float32)
    scaled = jnp.maximum(hidden, 0.0) * _norm(do0_ref[...] + do1_ref[...])
    oa_ref[...] = scaled[:, :DH]
    ob_ref[...] = scaled[:, DH:]


def _final_body(pa_ref, pb_ref, di0_ref, di1_ref, w_ref, o_ref):
    agg = jnp.concatenate([pa_ref[...], pb_ref[...]], axis=1)
    agg = agg * _norm(di0_ref[...] + di1_ref[...])
    o_ref[...] = jnp.dot(agg, w_ref[...], preferred_element_type=jnp.float32)


_row_spec = pl.BlockSpec((BN, D), lambda i: (i, 0))
_half_spec = pl.BlockSpec((BN, DH), lambda i: (i, 0))
_col_spec = pl.BlockSpec((BN, 1), lambda i: (i, 0))
_w_spec = pl.BlockSpec((D, D), lambda i: (0, 0))
_out_struct = jax.ShapeDtypeStruct((NP, D), jnp.float32)
_half_struct = jax.ShapeDtypeStruct((NP, DH), jnp.float32)

_scale_call = pl.pallas_call(
    _scale_body, grid=(GB,),
    in_specs=[_row_spec, _col_spec, _col_spec],
    out_specs=(_half_spec, _half_spec),
    out_shape=(_half_struct, _half_struct))

_mid_call = pl.pallas_call(
    _mid_body, grid=(GB,),
    in_specs=[_half_spec, _half_spec,
              _col_spec, _col_spec, _col_spec, _col_spec, _w_spec],
    out_specs=(_half_spec, _half_spec),
    out_shape=(_half_struct, _half_struct))

_final_call = pl.pallas_call(
    _final_body, grid=(GB,),
    in_specs=[_half_spec, _half_spec, _col_spec, _col_spec, _w_spec],
    out_specs=_row_spec, out_shape=_out_struct)


def kernel(features, edge_index, W1, W2):
    src = edge_index[0].astype(jnp.int32)
    dst = edge_index[1].astype(jnp.int32)
    pad = jnp.full((EP - E,), N, jnp.int32)
    srcp = jnp.concatenate([src, pad]).reshape(EROWS, K)
    dstp = jnp.concatenate([dst, pad]).reshape(EROWS, K)
    xpad = jnp.pad(features, ((0, NP - N), (0, 0)))

    deg = _deg_kernel(srcp, dstp)
    degf = deg.reshape(NC, 2, NP).astype(jnp.float32)
    do0 = degf[0, 0].reshape(NP, 1)
    do1 = degf[1, 0].reshape(NP, 1)
    di0 = degf[0, 1].reshape(NP, 1)
    di1 = degf[1, 1].reshape(NP, 1)

    ha, hb = _scale_call(xpad, do0, do1)
    p = _mp_kernel(ha, hb, srcp, dstp)
    ha2, hb2 = _mid_call(p[0], p[1], di0, di1, do0, do1, W1)
    p2 = _mp_kernel(ha2, hb2, srcp, dstp)
    out = _final_call(p2[0], p2[1], di0, di1, W2)
    return out[:N]

# --- scband reference (transcript-rebuilt; emitter-appended) ---
"""Pipeline reference for scband-gcnopt-21114059227154 (READ-ONLY COPY).

The authoritative reference and input builder live on the scoring server;
editing this copy changes nothing except your own understanding.
"""

import jax, jax.numpy as jnp
import numpy as np

N = 10000
D = 128
E = 320000


def setup_inputs(seed: int = 0) -> dict:
    key = jax.random.key(seed)
    k1, k2, k3, k4 = jax.random.split(key, 4)
    features = jax.random.normal(k1, (N, D), dtype=jnp.float32)
    edge_index = jax.random.randint(k2, (2, E), 0, N)
    # GraphConv weights (no bias). Xavier/glorot uniform-ish init via scaled normal.
    scale1 = np.sqrt(2.0 / (D + D)).astype(np.float32)
    W1 = jax.random.normal(k3, (D, D), dtype=jnp.float32) * scale1
    W2 = jax.random.normal(k4, (D, D), dtype=jnp.float32) * scale1
    return {"features": features, "edge_index": edge_index, "W1": W1, "W2": W2}


def _gcn_conv(h, src, dst, W, n_nodes):
    # DGL GraphConv, norm='both', weight=True, bias=False.
    # in_feats == out_feats, so aggregate first, then matmul (DGL picks mult-first
    # only when in_feats > out_feats).
    deg_out = jnp.zeros((n_nodes,), jnp.float32).at[src].add(1.0)
    deg_out = jnp.maximum(deg_out, 1.0)
    norm_out = deg_out ** -0.5
    h = h * norm_out[:, None]
    # message passing: copy_u + sum over destination nodes
    msg = jnp.take(h, src, axis=0)
    agg = jnp.zeros((n_nodes, h.shape[1]), jnp.float32).at[dst].add(msg)
    deg_in = jnp.zeros((n_nodes,), jnp.float32).at[dst].add(1.0)
    deg_in = jnp.maximum(deg_in, 1.0)
    norm_in = deg_in ** -0.5
    agg = agg * norm_in[:, None]
    return agg @ W


def reference(features, edge_index, W1, W2):
    src = edge_index[0]
    dst = edge_index[1]
    n_nodes = features.shape[0]
    # layer 1: GraphConv + ReLU activation
    h = jax.nn.relu(_gcn_conv(features, src, dst, W1, n_nodes))
    # layer 2 (output): GraphConv, no activation
    h = _gcn_conv(h, src, dst, W2, n_nodes)
    return h

if __name__ == "__main__":
    import jax
    _d = setup_inputs()
    print(jax.jit(kernel)(*tuple(_d.values())))

</pallas_src>

<mosaic_0001>
#map = affine_map<(d0, d1) -> (0, 0)>
#map1 = affine_map<(d0, d1) -> (0, 0, 0)>
module attributes {stable_mosaic.version = 14 : i64} {
  func.func @_deg_kernel(%arg0: i32, %arg1: i32, %arg2: memref<2560x128xi32, #tpu.memory_space<hbm>>, %arg3: memref<2560x128xi32, #tpu.memory_space<hbm>>, %arg4: memref<2x160x128xi32, #tpu.memory_space<hbm>>, %arg5: memref<80x128xi32, #tpu.memory_space<vmem>>, %arg6: memref<10240xi32, #tpu.memory_space<vmem>>, %arg7: memref<80x128xi32, #tpu.memory_space<vmem>>, %arg8: memref<80xi32, #tpu.memory_space<vmem>>, %arg9: memref<80xi32, #tpu.memory_space<vmem>>, %arg10: memref<160x128xi32, #tpu.memory_space<vmem_shared>>) attributes {dimension_semantics = [#tpu.dimension_semantics<core_parallel>, #tpu.dimension_semantics<subcore_parallel>], iteration_bounds = array<i64: 2, 16>, scalar_prefetch = 0 : i64, scratch_operands = 6 : i64, tpu.core_type = #tpu.core_type<sc_vector_subcore>, window_params = [{transform_indices = #map}, {transform_indices = #map}, {transform_indices = #map1}]} {
    %mul3A = arith.constant 2 : i32
    %mul3A_0 = arith.muli %arg1, %mul3A : i32
    %add3A = arith.addi %mul3A_0, %arg0 : i32
    %scan3A = arith.constant 0 : i32
    %scan3A_1 = arith.constant 0 : i32
    %scan3A_2 = arith.constant 80 : i32
    %scan3A_3 = arith.addi %scan3A_1, %scan3A_2 : i32
    %scan3A_4 = arith.constant 1 : i32
    scf.for %scan3A_57 = %scan3A_1 to %scan3A_3 step %scan3A_4  : i32 {
      %broadcast_in_dim3A = arith.constant 0 : i32
      %broadcast_in_dim3A_58 = vector.broadcast %broadcast_in_dim3A : i32 to vector<16xi32>
      %swap3A = arith.index_cast %scan3A_57 : i32 to index
      %swap3A_59 = arith.constant 0 : index
      %swap3A_60 = tpu.vector_load %arg7[%swap3A, %swap3A_59] {strides = array<i32>} : memref<80x128xi32, #tpu.memory_space<vmem>>, vector<16xi32>,
      tpu.vector_store %arg7[%swap3A, %swap3A_59], %broadcast_in_dim3A_58 {strides = array<i32>} : memref<80x128xi32, #tpu.memory_space<vmem>>, vector<16xi32>,
      %broadcast_in_dim3A_61 = arith.constant 0 : i32
      %broadcast_in_dim3A_62 = vector.broadcast %broadcast_in_dim3A_61 : i32 to vector<16xi32>
      %swap3A_63 = arith.index_cast %scan3A_57 : i32 to index
      %swap3A_64 = arith.constant 16 : index
      %swap3A_65 = tpu.vector_load %arg7[%swap3A_63, %swap3A_64] {strides = array<i32>} : memref<80x128xi32, #tpu.memory_space<vmem>>, vector<16xi32>,
      tpu.vector_store %arg7[%swap3A_63, %swap3A_64], %broadcast_in_dim3A_62 {strides = array<i32>} : memref<80x128xi32, #tpu.memory_space<vmem>>, vector<16xi32>,
      %broadcast_in_dim3A_66 = arith.constant 0 : i32
      %broadcast_in_dim3A_67 = vector.broadcast %broadcast_in_dim3A_66 : i32 to vector<16xi32>
      %swap3A_68 = arith.index_cast %scan3A_57 : i32 to index
      %swap3A_69 = arith.constant 32 : index
      %swap3A_70 = tpu.vector_load %arg7[%swap3A_68, %swap3A_69] {strides = array<i32>} : memref<80x128xi32, #tpu.memory_space<vmem>>, vector<16xi32>,
      tpu.vector_store %arg7[%swap3A_68, %swap3A_69], %broadcast_in_dim3A_67 {strides = array<i32>} : memref<80x128xi32, #tpu.memory_space<vmem>>, vector<16xi32>,
      %broadcast_in_dim3A_71 = arith.constant 0 : i32
      %broadcast_in_dim3A_72 = vector.broadcast %broadcast_in_dim3A_71 : i32 to vector<16xi32>
      %swap3A_73 = arith.index_cast %scan3A_57 : i32 to index
      %swap3A_74 = arith.constant 48 : index
      %swap3A_75 = tpu.vector_load %arg7[%swap3A_73, %swap3A_74] {strides = array<i32>} : memref<80x128xi32, #tpu.memory_space<vmem>>, vector<16xi32>,
      tpu.vector_store %arg7[%swap3A_73, %swap3A_74], %broadcast_in_dim3A_72 {strides = array<i32>} : memref<80x128xi32, #tpu.memory_space<vmem>>, vector<16xi32>,
      %broadcast_in_dim3A_76 = arith.constant 0 : i32
      %broadcast_in_dim3A_77 = vector.broadcast %broadcast_in_dim3A_76 : i32 to vector<16xi32>
      %swap3A_78 = arith.index_cast %scan3A_57 : i32 to index
      %swap3A_79 = arith.constant 64 : index
      %swap3A_80 = tpu.vector_load %arg7[%swap3A_78, %swap3A_79] {strides = array<i32>} : memref<80x128xi32, #tpu.memory_space<vmem>>, vector<16xi32>,
      tpu.vector_store %arg7[%swap3A_78, %swap3A_79], %broadcast_in_dim3A_77 {strides = array<i32>} : memref<80x128xi32, #tpu.memory_space<vmem>>, vector<16xi32>,
      %broadcast_in_dim3A_81 = arith.constant 0 : i32
      %broadcast_in_dim3A_82 = vector.broadcast %broadcast_in_dim3A_81 : i32 to vector<16xi32>
      %swap3A_83 = arith.index_cast %scan3A_57 : i32 to index
      %swap3A_84 = arith.constant 80 : index
      %swap3A_85 = tpu.vector_load %arg7[%swap3A_83, %swap3A_84] {strides = array<i32>} : memref<80x128xi32, #tpu.memory_space<vmem>>, vector<16xi32>,
      tpu.vector_store %arg7[%swap3A_83, %swap3A_84], %broadcast_in_dim3A_82 {strides = array<i32>} : memref<80x128xi32, #tpu.memory_space<vmem>>, vector<16xi32>,
      %broadcast_in_dim3A_86 = arith.constant 0 : i32
      %broadcast_in_dim3A_87 = vector.broadcast %broadcast_in_dim3A_86 : i32 to vector<16xi32>
      %swap3A_88 = arith.index_cast %scan3A_57 : i32 to index
      %swap3A_89 = arith.constant 96 : index
      %swap3A_90 = tpu.vector_load %arg7[%swap3A_88, %swap3A_89] {strides = array<i32>} : memref<80x128xi32, #tpu.memory_space<vmem>>, vector<16xi32>,
      tpu.vector_store %arg7[%swap3A_88, %swap3A_89], %broadcast_in_dim3A_87 {strides = array<i32>} : memref<80x128xi32, #tpu.memory_space<vmem>>, vector<16xi32>,
      %broadcast_in_dim3A_91 = arith.constant 0 : i32
      %broadcast_in_dim3A_92 = vector.broadcast %broadcast_in_dim3A_91 : i32 to vector<16xi32>
      %swap3A_93 = arith.index_cast %scan3A_57 : i32 to index
      %swap3A_94 = arith.constant 112 : index
      %swap3A_95 = tpu.vector_load %arg7[%swap3A_93, %swap3A_94] {strides = array<i32>} : memref<80x128xi32, #tpu.memory_space<vmem>>, vector<16xi32>,
      tpu.vector_store %arg7[%swap3A_93, %swap3A_94], %broadcast_in_dim3A_92 {strides = array<i32>} : memref<80x128xi32, #tpu.memory_space<vmem>>, vector<16xi32>,
    }
    %scan3A_5 = arith.constant 80 : i32
    %scan3A_6 = arith.constant 0 : i32
    %scan3A_7 = arith.constant 0 : i32
    %scan3A_8 = arith.constant 5 : i32
    %scan3A_9 = arith.addi %scan3A_7, %scan3A_8 : i32
    %scan3A_10 = arith.constant 1 : i32
    scf.for %scan3A_57 = %scan3A_7 to %scan3A_9 step %scan3A_10  : i32 {
      %iota3A = tpu.iota {dimensions = array<i32: 0>} : vector<16xi32>
      %mul3A_58 = arith.constant 16 : i32
      %mul3A_59 = arith.muli %scan3A_57, %mul3A_58 : i32
      %add3A_60 = vector.broadcast %mul3A_59 : i32 to vector<16xi32>
      %add3A_61 = arith.addi %iota3A, %add3A_60 : vector<16xi32>
      %mul3A_62 = arith.constant 16 : i32
      %mul3A_63 = arith.muli %scan3A_57, %mul3A_62 : i32
      %swap3A = arith.index_cast %mul3A_63 : i32 to index
      %swap3A_64 = tpu.vector_load %arg8[%swap3A] {strides = array<i32>} : memref<80xi32, #tpu.memory_space<vmem>>, vector<16xi32>,
      tpu.vector_store %arg8[%swap3A], %add3A_61 {strides = array<i32>} : memref<80xi32, #tpu.memory_space<vmem>>, vector<16xi32>,
      %iota3A_65 = tpu.iota {dimensions = array<i32: 0>} : vector<16xi32>
      %mul3A_66 = arith.constant 16 : i32
      %mul3A_67 = arith.muli %scan3A_57, %mul3A_66 : i32
      %add3A_68 = arith.constant 80 : i32
      %add3A_69 = arith.addi %add3A_68, %mul3A_67 : i32
      %add3A_70 = vector.broadcast %add3A_69 : i32 to vector<16xi32>
      %add3A_71 = arith.addi %iota3A_65, %add3A_70 : vector<16xi32>
      %mul3A_72 = arith.constant 16 : i32
      %mul3A_73 = arith.muli %scan3A_57, %mul3A_72 : i32
      %swap3A_74 = arith.index_cast %mul3A_73 : i32 to index
      %swap3A_75 = tpu.vector_load %arg9[%swap3A_74] {strides = array<i32>} : memref<80xi32, #tpu.memory_space<vmem>>, vector<16xi32>,
      tpu.vector_store %arg9[%swap3A_74], %add3A_71 {strides = array<i32>} : memref<80xi32, #tpu.memory_space<vmem>>, vector<16xi32>,
    }
    %scan3A_11 = arith.constant 5 : i32
    %mul3A_12 = arith.constant 10 : i32
    %mul3A_13 = arith.muli %arg1, %mul3A_12 : i32
    "tpu.region"() ({
      %run_scoped3A = tpu.sem_alloc : memref<!tpu.dma_semaphore, #tpu.memory_space<semaphore_mem>>
      %dma_start3A = arith.constant 0 : i32
      %dma_start3A_57 = arith.constant 0 : i32
      %dma_start3A_58 = tpu.memref_slice %arg7[%dma_start3A, %dma_start3A_57] : memref<80x128xi32, #tpu.memory_space<vmem>> -> memref<10x128xi32, #tpu.memory_space<vmem>>
      %dma_start3A_59 = arith.constant 0 : i32
      %dma_start3A_60 = tpu.memref_slice %arg10[%mul3A_13, %dma_start3A_59] : memref<160x128xi32, #tpu.memory_space<vmem_shared>> -> memref<10x128xi32, #tpu.memory_space<vmem_shared>>
      %dma_start3A_61 = arith.constant 0 : i32
      %dma_start3A_62 = tpu.memref_slice %arg10[%mul3A_13, %dma_start3A_61] : memref<160x128xi32, #tpu.memory_space<vmem_shared>> -> memref<10x128xi32, #tpu.memory_space<vmem_shared>>
      %dma_start3A_63 = arith.constant 0 : i32
      %dma_start3A_64 = arith.constant 0 : i32
      %dma_start3A_65 = tpu.memref_slice %arg7[%dma_start3A_63, %dma_start3A_64] : memref<80x128xi32, #tpu.memory_space<vmem>> -> memref<10x128xi32, #tpu.memory_space<vmem>>
      tpu.enqueue_dma source(%dma_start3A_65 : memref<10x128xi32, #tpu.memory_space<vmem>>) target(%dma_start3A_62 : memref<10x128xi32, #tpu.memory_space<vmem_shared>>) target_semaphore(%run_scoped3A : memref<!tpu.dma_semaphore, #tpu.memory_space<semaphore_mem>>)
      %dma_wait3A = arith.constant 0 : i32
      %dma_wait3A_66 = arith.constant 0 : i32
      %dma_wait3A_67 = tpu.memref_slice %arg7[%dma_wait3A, %dma_wait3A_66] : memref<80x128xi32, #tpu.memory_space<vmem>> -> memref<10x128xi32, #tpu.memory_space<vmem>>
      %dma_wait3A_68 = arith.constant 0 : i32
      %dma_wait3A_69 = tpu.memref_slice %arg10[%mul3A_13, %dma_wait3A_68] : memref<160x128xi32, #tpu.memory_space<vmem_shared>> -> memref<10x128xi32, #tpu.memory_space<vmem_shared>>
      %dma_wait3A_70 = arith.constant 0 : i32
      %dma_wait3A_71 = tpu.memref_slice %arg10[%mul3A_13, %dma_wait3A_70] : memref<160x128xi32, #tpu.memory_space<vmem_shared>> -> memref<10x128xi32, #tpu.memory_space<vmem_shared>>
      %dma_wait3A_72 = arith.constant 0 : i32
      %dma_wait3A_73 = arith.constant 0 : i32
      %dma_wait3A_74 = tpu.memref_slice %arg7[%dma_wait3A_72, %dma_wait3A_73] : memref<80x128xi32, #tpu.memory_space<vmem>> -> memref<10x128xi32, #tpu.memory_space<vmem>>
      tpu.wait_dma2 semaphore(%run_scoped3A : memref<!tpu.dma_semaphore, #tpu.memory_space<semaphore_mem>>) src(%dma_wait3A_74 : memref<10x128xi32, #tpu.memory_space<vmem>>) dst(%dma_wait3A_71 : memref<10x128xi32, #tpu.memory_space<vmem_shared>>)
      tpu.yield
    }) : () -> ()
    %barrier3A = arith.constant 0 : index
    tpu.barrier barrier_id(%barrier3A)
    %scan3A_14 = arith.constant 0 : i32
    %scan3A_15 = arith.constant 0 : i32
    %scan3A_16 = arith.constant 640 : i32
    %scan3A_17 = arith.addi %scan3A_15, %scan3A_16 : i32
    %scan3A_18 = arith.constant 1 : i32
    scf.for %scan3A_57 = %scan3A_15 to %scan3A_17 step %scan3A_18  : i32 {
      %broadcast_in_dim3A = arith.constant 0 : i32
      %broadcast_in_dim3A_58 = vector.broadcast %broadcast_in_dim3A : i32 to vector<16xi32>
      %mul3A_59 = arith.constant 16 : i32
      %mul3A_60 = arith.muli %scan3A_57, %mul3A_59 : i32
      %swap3A = arith.index_cast %mul3A_60 : i32 to index
      %swap3A_61 = tpu.vector_load %arg6[%swap3A] {strides = array<i32>} : memref<10240xi32, #tpu.memory_space<vmem>>, vector<16xi32>,
      tpu.vector_store %arg6[%swap3A], %broadcast_in_dim3A_58 {strides = array<i32>} : memref<10240xi32, #tpu.memory_space<vmem>>, vector<16xi32>,
    }
    %scan3A_19 = arith.constant 640 : i32
    %mul3A_20 = arith.constant 80 : i32
    %mul3A_21 = arith.muli %add3A, %mul3A_20 : i32
    "tpu.region"() ({
      %run_scoped3A = tpu.sem_alloc : memref<!tpu.dma_semaphore, #tpu.memory_space<semaphore_mem>>
      %dma_start3A = arith.constant 0 : i32
      %dma_start3A_57 = tpu.memref_slice %arg2[%mul3A_21, %dma_start3A] : memref<2560x128xi32, #tpu.memory_space<hbm>> -> memref<80x128xi32, #tpu.memory_space<hbm>>
      %dma_start3A_58 = arith.constant 0 : i32
      %dma_start3A_59 = tpu.memref_slice %arg2[%mul3A_21, %dma_start3A_58] : memref<2560x128xi32, #tpu.memory_space<hbm>> -> memref<80x128xi32, #tpu.memory_space<hbm>>
      tpu.enqueue_dma source(%dma_start3A_59 : memref<80x128xi32, #tpu.memory_space<hbm>>) target(%arg5 : memref<80x128xi32, #tpu.memory_space<vmem>>) target_semaphore(%run_scoped3A : memref<!tpu.dma_semaphore, #tpu.memory_space<semaphore_mem>>)
      %dma_wait3A = arith.constant 0 : i32
      %dma_wait3A_60 = tpu.memref_slice %arg2[%mul3A_21, %dma_wait3A] : memref<2560x128xi32, #tpu.memory_space<hbm>> -> memref<80x128xi32, #tpu.memory_space<hbm>>
      %dma_wait3A_61 = arith.constant 0 : i32
      %dma_wait3A_62 = tpu.memref_slice %arg2[%mul3A_21, %dma_wait3A_61] : memref<2560x128xi32, #tpu.memory_space<hbm>> -> memref<80x128xi32, #tpu.memory_space<hbm>>
      tpu.wait_dma2 semaphore(%run_scoped3A : memref<!tpu.dma_semaphore, #tpu.memory_space<semaphore_mem>>) src(%dma_wait3A_62 : memref<80x128xi32, #tpu.memory_space<hbm>>) dst(%arg5 : memref<80x128xi32, #tpu.memory_space<vmem>>)
      tpu.yield
    }) : () -> ()
    %scan3A_22 = arith.constant 0 : i32
    %scan3A_23 = arith.constant 0 : i32
    %scan3A_24 = arith.constant 640 : i32
    %scan3A_25 = arith.addi %scan3A_23, %scan3A_24 : i32
    %scan3A_26 = arith.constant 1 : i32
    scf.for %scan3A_57 = %scan3A_23 to %scan3A_25 step %scan3A_26  : i32 {
      %jit3A = arith.constant 8 : i32
      %div3A = arith.divsi %scan3A_57, %jit3A : i32
      %sign3A = arith.constant 0 : i32
      %sign3A_58 = arith.cmpi sgt, %scan3A_57, %sign3A : i32
      %sign3A_59 = arith.extui %sign3A_58 : i1 to i32
      %sign3A_60 = arith.constant 0 : i32
      %sign3A_61 = arith.cmpi slt, %scan3A_57, %sign3A_60 : i32
      %sign3A_62 = arith.extui %sign3A_61 : i1 to i32
      %sign3A_63 = arith.subi %sign3A_59, %sign3A_62 : i32
      %sign3A_64 = arith.constant 0 : i32
      %sign3A_65 = arith.cmpi sgt, %jit3A, %sign3A_64 : i32
      %sign3A_66 = arith.extui %sign3A_65 : i1 to i32
      %sign3A_67 = arith.constant 0 : i32
      %sign3A_68 = arith.cmpi slt, %jit3A, %sign3A_67 : i32
      %sign3A_69 = arith.extui %sign3A_68 : i1 to i32
      %sign3A_70 = arith.subi %sign3A_66, %sign3A_69 : i32
      %ne3A = arith.cmpi ne, %sign3A_63, %sign3A_70 : i32
      %rem3A = arith.remsi %scan3A_57, %jit3A : i32
      %ne3A_71 = arith.constant 0 : i32
      %ne3A_72 = arith.cmpi ne, %rem3A, %ne3A_71 : i32
      %and3A = arith.andi %ne3A, %ne3A_72 : i1
      %sub3A = arith.constant 1 : i32
      %sub3A_73 = arith.subi %div3A, %sub3A : i32
      %select_n3A = arith.select %and3A, %sub3A_73, %div3A : i32
      %jit3A_74 = arith.constant 8 : i32
      %eq3A = arith.constant 0 : i32
      %eq3A_75 = arith.cmpi eq, %jit3A_74, %eq3A : i32
      %jit3A_76 = arith.constant 1 : i32
      %select_n3A_77 = arith.select %eq3A_75, %jit3A_76, %jit3A_74 : i32
      %rem3A_78 = arith.remsi %scan3A_57, %select_n3A_77 : i32
      %ne3A_79 = arith.constant 0 : i32
      %ne3A_80 = arith.cmpi ne, %rem3A_78, %ne3A_79 : i32
      %lt3A_81 = arith.constant 0 : i32
      %lt3A_82 = arith.cmpi slt, %rem3A_78, %lt3A_81 : i32
      %lt3A_83 = arith.constant 0 : i32
      %lt3A_84 = arith.cmpi slt, %select_n3A_77, %lt3A_83 : i32
      %ne3A_85 = arith.xori %lt3A_82, %lt3A_84 : i1
      %and3A_86 = arith.andi %ne3A_85, %ne3A_80 : i1
      %add3A_87 = arith.addi %rem3A_78, %select_n3A_77 : i32
      %select_n3A_88 = arith.select %and3A_86, %add3A_87, %rem3A_78 : i32
      %mul3A_89 = arith.constant 16 : i32
      %mul3A_90 = arith.muli %select_n3A_88, %mul3A_89 : i32
      %get3A = arith.index_cast %select_n3A : i32 to index
      %get3A_91 = arith.index_cast %mul3A_90 : i32 to index
      %get3A_92 = tpu.vector_load %arg5[%get3A, %get3A_91] {strides = array<i32>} : memref<80x128xi32, #tpu.memory_space<vmem>>, vector<16xi32>,
      %broadcast_in_dim3A = arith.constant true
      %broadcast_in_dim3A_93 = vector.broadcast %broadcast_in_dim3A : i1 to vector<16xi1>
      %unique3A, %unique3A_94 = tpu.scan_count mask(%broadcast_in_dim3A_93 : vector<16xi1>) value(%get3A_92 : vector<16xi32>) : vector<16xi1>, vector<16xi32>
      %gather3A = tpu.vector_load_idx %arg6[%get3A_92] masked %unique3A : memref<10240xi32, #tpu.memory_space<vmem>>[vector<16xi32>], vector<16xi32>, vector<16xi1>
      %add3A_95 = arith.addi %gather3A, %unique3A_94 : vector<16xi32>
      tpu.vector_store_idx %arg6[%get3A_92], %add3A_95 masked %unique3A : memref<10240xi32, #tpu.memory_space<vmem>>[vector<16xi32>], vector<16xi32>, vector<16xi1>
    }
    %scan3A_27 = arith.constant 640 : i32
    %scan3A_28 = arith.constant 0 : i32
    %scan3A_29 = arith.constant 0 : i32
    %scan3A_30 = arith.constant 80 : i32
    %scan3A_31 = arith.addi %scan3A_29, %scan3A_30 : i32
    %scan3A_32 = arith.constant 1 : i32
    scf.for %scan3A_57 = %scan3A_29 to %scan3A_31 step %scan3A_32  : i32 {
      %mul3A_58 = arith.constant 128 : i32
      %mul3A_59 = arith.muli %scan3A_57, %mul3A_58 : i32
      %add3A_60 = arith.constant 0 : i32
      %add3A_61 = arith.addi %mul3A_59, %add3A_60 : i32
      %get3A = arith.index_cast %add3A_61 : i32 to index
      %get3A_62 = tpu.vector_load %arg6[%get3A] {strides = array<i32>} : memref<10240xi32, #tpu.memory_space<vmem>>, vector<16xi32>,
      %swap3A = arith.index_cast %scan3A_57 : i32 to index
      %swap3A_63 = arith.constant 0 : index
      %swap3A_64 = tpu.vector_load %arg7[%swap3A, %swap3A_63] {strides = array<i32>} : memref<80x128xi32, #tpu.memory_space<vmem>>, vector<16xi32>,
      tpu.vector_store %arg7[%swap3A, %swap3A_63], %get3A_62 {strides = array<i32>} : memref<80x128xi32, #tpu.memory_space<vmem>>, vector<16xi32>,
      %mul3A_65 = arith.constant 128 : i32
      %mul3A_66 = arith.muli %scan3A_57, %mul3A_65 : i32
      %add3A_67 = arith.constant 16 : i32
      %add3A_68 = arith.addi %mul3A_66, %add3A_67 : i32
      %get3A_69 = arith.index_cast %add3A_68 : i32 to index
      %get3A_70 = tpu.vector_load %arg6[%get3A_69] {strides = array<i32>} : memref<10240xi32, #tpu.memory_space<vmem>>, vector<16xi32>,
      %swap3A_71 = arith.index_cast %scan3A_57 : i32 to index
      %swap3A_72 = arith.constant 16 : index
      %swap3A_73 = tpu.vector_load %arg7[%swap3A_71, %swap3A_72] {strides = array<i32>} : memref<80x128xi32, #tpu.memory_space<vmem>>, vector<16xi32>,
      tpu.vector_store %arg7[%swap3A_71, %swap3A_72], %get3A_70 {strides = array<i32>} : memref<80x128xi32, #tpu.memory_space<vmem>>, vector<16xi32>,
      %mul3A_74 = arith.constant 128 : i32
      %mul3A_75 = arith.muli %scan3A_57, %mul3A_74 : i32
      %add3A_76 = arith.constant 32 : i32
      %add3A_77 = arith.addi %mul3A_75, %add3A_76 : i32
      %get3A_78 = arith.index_cast %add3A_77 : i32 to index
      %get3A_79 = tpu.vector_load %arg6[%get3A_78] {strides = array<i32>} : memref<10240xi32, #tpu.memory_space<vmem>>, vector<16xi32>,
      %swap3A_80 = arith.index_cast %scan3A_57 : i32 to index
      %swap3A_81 = arith.constant 32 : index
      %swap3A_82 = tpu.vector_load %arg7[%swap3A_80, %swap3A_81] {strides = array<i32>} : memref<80x128xi32, #tpu.memory_space<vmem>>, vector<16xi32>,
      tpu.vector_store %arg7[%swap3A_80, %swap3A_81], %get3A_79 {strides = array<i32>} : memref<80x128xi32, #tpu.memory_space<vmem>>, vector<16xi32>,
      %mul3A_83 = arith.constant 128 : i32
      %mul3A_84 = arith.muli %scan3A_57, %mul3A_83 : i32
      %add3A_85 = arith.constant 48 : i32
      %add3A_86 = arith.addi %mul3A_84, %add3A_85 : i32
      %get3A_87 = arith.index_cast %add3A_86 : i32 to index
      %get3A_88 = tpu.vector_load %arg6[%get3A_87] {strides = array<i32>} : memref<10240xi32, #tpu.memory_space<vmem>>, vector<16xi32>,
      %swap3A_89 = arith.index_cast %scan3A_57 : i32 to index
      %swap3A_90 = arith.constant 48 : index
      %swap3A_91 = tpu.vector_load %arg7[%swap3A_89, %swap3A_90] {strides = array<i32>} : memref<80x128xi32, #tpu.memory_space<vmem>>, vector<16xi32>,
      tpu.vector_store %arg7[%swap3A_89, %swap3A_90], %get3A_88 {strides = array<i32>} : memref<80x128xi32, #tpu.memory_space<vmem>>, vector<16xi32>,
      %mul3A_92 = arith.constant 128 : i32
      %mul3A_93 = arith.muli %scan3A_57, %mul3A_92 : i32
      %add3A_94 = arith.constant 64 : i32
      %add3A_95 = arith.addi %mul3A_93, %add3A_94 : i32
      %get3A_96 = arith.index_cast %add3A_95 : i32 to index
      %get3A_97 = tpu.vector_load %arg6[%get3A_96] {strides = array<i32>} : memref<10240xi32, #tpu.memory_space<vmem>>, vector<16xi32>,
      %swap3A_98 = arith.index_cast %scan3A_57 : i32 to index
      %swap3A_99 = arith.constant 64 : index
      %swap3A_100 = tpu.vector_load %arg7[%swap3A_98, %swap3A_99] {strides = array<i32>} : memref<80x128xi32, #tpu.memory_space<vmem>>, vector<16xi32>,
      tpu.vector_store %arg7[%swap3A_98, %swap3A_99], %get3A_97 {strides = array<i32>} : memref<80x128xi32, #tpu.memory_space<vmem>>, vector<16xi32>,
      %mul3A_101 = arith.constant 128 : i32
      %mul3A_102 = arith.muli %scan3A_57, %mul3A_101 : i32
      %add3A_103 = arith.constant 80 : i32
      %add3A_104 = arith.addi %mul3A_102, %add3A_103 : i32
      %get3A_105 = arith.index_cast %add3A_104 : i32 to index
      %get3A_106 = tpu.vector_load %arg6[%get3A_105] {strides = array<i32>} : memref<10240xi32, #tpu.memory_space<vmem>>, vector<16xi32>,
      %swap3A_107 = arith.index_cast %scan3A_57 : i32 to index
      %swap3A_108 = arith.constant 80 : index
      %swap3A_109 = tpu.vector_load %arg7[%swap3A_107, %swap3A_108] {strides = array<i32>} : memref<80x128xi32, #tpu.memory_space<vmem>>, vector<16xi32>,
      tpu.vector_store %arg7[%swap3A_107, %swap3A_108], %get3A_106 {strides = array<i32>} : memref<80x128xi32, #tpu.memory_space<vmem>>, vector<16xi32>,
      %mul3A_110 = arith.constant 128 : i32
      %mul3A_111 = arith.muli %scan3A_57, %mul3A_110 : i32
      %add3A_112 = arith.constant 96 : i32
      %add3A_113 = arith.addi %mul3A_111, %add3A_112 : i32
      %get3A_114 = arith.index_cast %add3A_113 : i32 to index
      %get3A_115 = tpu.vector_load %arg6[%get3A_114] {strides = array<i32>} : memref<10240xi32, #tpu.memory_space<vmem>>, vector<16xi32>,
      %swap3A_116 = arith.index_cast %scan3A_57 : i32 to index
      %swap3A_117 = arith.constant 96 : index
      %swap3A_118 = tpu.vector_load %arg7[%swap3A_116, %swap3A_117] {strides = array<i32>} : memref<80x128xi32, #tpu.memory_space<vmem>>, vector<16xi32>,
      tpu.vector_store %arg7[%swap3A_116, %swap3A_117], %get3A_115 {strides = array<i32>} : memref<80x128xi32, #tpu.memory_space<vmem>>, vector<16xi32>,
      %mul3A_119 = arith.constant 128 : i32
      %mul3A_120 = arith.muli %scan3A_57, %mul3A_119 : i32
      %add3A_121 = arith.constant 112 : i32
      %add3A_122 = arith.addi %mul3A_120, %add3A_121 : i32
      %get3A_123 = arith.index_cast %add3A_122 : i32 to index
      %get3A_124 = tpu.vector_load %arg6[%get3A_123] {strides = array<i32>} : memref<10240xi32, #tpu.memory_space<vmem>>, vector<16xi32>,
      %swap3A_125 = arith.index_cast %scan3A_57 : i32 to index
      %swap3A_126 = arith.constant 112 : index
      %swap3A_127 = tpu.vector_load %arg7[%swap3A_125, %swap3A_126] {strides = array<i32>} : memref<80x128xi32, #tpu.memory_space<vmem>>, vector<16xi32>,
      tpu.vector_store %arg7[%swap3A_125, %swap3A_126], %get3A_124 {strides = array<i32>} : memref<80x128xi32, #tpu.memory_space<vmem>>, vector<16xi32>,
    }
    %scan3A_33 = arith.constant 80 : i32
    "tpu.region"() ({
      %run_scoped3A = tpu.sem_alloc : memref<!tpu.dma_semaphore, #tpu.memory_space<semaphore_mem>>
      %dma_start3A = arith.constant 0 : i32
      %dma_start3A_57 = arith.constant 0 : i32
      %dma_start3A_58 = tpu.memref_slice %arg10[%dma_start3A, %dma_start3A_57] : memref<160x128xi32, #tpu.memory_space<vmem_shared>> -> memref<160x128xi32, #tpu.memory_space<vmem_shared>>
      tpu.enqueue_indirect_dma source(%arg7 : memref<80x128xi32, #tpu.memory_space<vmem>>) target(%dma_start3A_58 : memref<160x128xi32, #tpu.memory_space<vmem_shared>>) offsets(%arg8 : memref<80xi32, #tpu.memory_space<vmem>>) semaphore(%run_scoped3A : memref<!tpu.dma_semaphore, #tpu.memory_space<semaphore_mem>>) {add = true}
      %dma_wait3A = arith.constant 0 : i32
      %dma_wait3A_59 = arith.constant 0 : i32
      %dma_wait3A_60 = tpu.memref_slice %arg10[%dma_wait3A, %dma_wait3A_59] : memref<160x128xi32, #tpu.memory_space<vmem_shared>> -> memref<160x128xi32, #tpu.memory_space<vmem_shared>>
      tpu.wait_indirect_dma semaphore(%run_scoped3A : memref<!tpu.dma_semaphore, #tpu.memory_space<semaphore_mem>>) src(%arg7 : memref<80x128xi32, #tpu.memory_space<vmem>>) dst(%dma_wait3A_60 : memref<160x128xi32, #tpu.memory_space<vmem_shared>>)
      tpu.yield
    }) : () -> ()
    %scan3A_34 = arith.constant 0 : i32
    %scan3A_35 = arith.constant 0 : i32
    %scan3A_36 = arith.constant 640 : i32
    %scan3A_37 = arith.addi %scan3A_35, %scan3A_36 : i32
    %scan3A_38 = arith.constant 1 : i32
    scf.for %scan3A_57 = %scan3A_35 to %scan3A_37 step %scan3A_38  : i32 {
      %broadcast_in_dim3A = arith.constant 0 : i32
      %broadcast_in_dim3A_58 = vector.broadcast %broadcast_in_dim3A : i32 to vector<16xi32>
      %mul3A_59 = arith.constant 16 : i32
      %mul3A_60 = arith.muli %scan3A_57, %mul3A_59 : i32
      %swap3A = arith.index_cast %mul3A_60 : i32 to index
      %swap3A_61 = tpu.vector_load %arg6[%swap3A] {strides = array<i32>} : memref<10240xi32, #tpu.memory_space<vmem>>, vector<16xi32>,
      tpu.vector_store %arg6[%swap3A], %broadcast_in_dim3A_58 {strides = array<i32>} : memref<10240xi32, #tpu.memory_space<vmem>>, vector<16xi32>,
    }
    %scan3A_39 = arith.constant 640 : i32
    %mul3A_40 = arith.constant 80 : i32
    %mul3A_41 = arith.muli %add3A, %mul3A_40 : i32
    "tpu.region"() ({
      %run_scoped3A = tpu.sem_alloc : memref<!tpu.dma_semaphore, #tpu.memory_space<semaphore_mem>>
      %dma_start3A = arith.constant 0 : i32
      %dma_start3A_57 = tpu.memref_slice %arg3[%mul3A_41, %dma_start3A] : memref<2560x128xi32, #tpu.memory_space<hbm>> -> memref<80x128xi32, #tpu.memory_space<hbm>>
      %dma_start3A_58 = arith.constant 0 : i32
      %dma_start3A_59 = tpu.memref_slice %arg3[%mul3A_41, %dma_start3A_58] : memref<2560x128xi32, #tpu.memory_space<hbm>> -> memref<80x128xi32, #tpu.memory_space<hbm>>
      tpu.enqueue_dma source(%dma_start3A_59 : memref<80x128xi32, #tpu.memory_space<hbm>>) target(%arg5 : memref<80x128xi32, #tpu.memory_space<vmem>>) target_semaphore(%run_scoped3A : memref<!tpu.dma_semaphore, #tpu.memory_space<semaphore_mem>>)
      %dma_wait3A = arith.constant 0 : i32
      %dma_wait3A_60 = tpu.memref_slice %arg3[%mul3A_41, %dma_wait3A] : memref<2560x128xi32, #tpu.memory_space<hbm>> -> memref<80x128xi32, #tpu.memory_space<hbm>>
      %dma_wait3A_61 = arith.constant 0 : i32
      %dma_wait3A_62 = tpu.memref_slice %arg3[%mul3A_41, %dma_wait3A_61] : memref<2560x128xi32, #tpu.memory_space<hbm>> -> memref<80x128xi32, #tpu.memory_space<hbm>>
      tpu.wait_dma2 semaphore(%run_scoped3A : memref<!tpu.dma_semaphore, #tpu.memory_space<semaphore_mem>>) src(%dma_wait3A_62 : memref<80x128xi32, #tpu.memory_space<hbm>>) dst(%arg5 : memref<80x128xi32, #tpu.memory_space<vmem>>)
      tpu.yield
    }) : () -> ()
    %scan3A_42 = arith.constant 0 : i32
    %scan3A_43 = arith.constant 0 : i32
    %scan3A_44 = arith.constant 640 : i32
    %scan3A_45 = arith.addi %scan3A_43, %scan3A_44 : i32
    %scan3A_46 = arith.constant 1 : i32
    scf.for %scan3A_57 = %scan3A_43 to %scan3A_45 step %scan3A_46  : i32 {
      %jit3A = arith.constant 8 : i32
      %div3A = arith.divsi %scan3A_57, %jit3A : i32
      %sign3A = arith.constant 0 : i32
      %sign3A_58 = arith.cmpi sgt, %scan3A_57, %sign3A : i32
      %sign3A_59 = arith.extui %sign3A_58 : i1 to i32
      %sign3A_60 = arith.constant 0 : i32
      %sign3A_61 = arith.cmpi slt, %scan3A_57, %sign3A_60 : i32
      %sign3A_62 = arith.extui %sign3A_61 : i1 to i32
      %sign3A_63 = arith.subi %sign3A_59, %sign3A_62 : i32
      %sign3A_64 = arith.constant 0 : i32
      %sign3A_65 = arith.cmpi sgt, %jit3A, %sign3A_64 : i32
      %sign3A_66 = arith.extui %sign3A_65 : i1 to i32
      %sign3A_67 = arith.constant 0 : i32
      %sign3A_68 = arith.cmpi slt, %jit3A, %sign3A_67 : i32
      %sign3A_69 = arith.extui %sign3A_68 : i1 to i32
      %sign3A_70 = arith.subi %sign3A_66, %sign3A_69 : i32
      %ne3A = arith.cmpi ne, %sign3A_63, %sign3A_70 : i32
      %rem3A = arith.remsi %scan3A_57, %jit3A : i32
      %ne3A_71 = arith.constant 0 : i32
      %ne3A_72 = arith.cmpi ne, %rem3A, %ne3A_71 : i32
      %and3A = arith.andi %ne3A, %ne3A_72 : i1
      %sub3A = arith.constant 1 : i32
      %sub3A_73 = arith.subi %div3A, %sub3A : i32
      %select_n3A = arith.select %and3A, %sub3A_73, %div3A : i32
      %jit3A_74 = arith.constant 8 : i32
      %eq3A = arith.constant 0 : i32
      %eq3A_75 = arith.cmpi eq, %jit3A_74, %eq3A : i32
      %jit3A_76 = arith.constant 1 : i32
      %select_n3A_77 = arith.select %eq3A_75, %jit3A_76, %jit3A_74 : i32
      %rem3A_78 = arith.remsi %scan3A_57, %select_n3A_77 : i32
      %ne3A_79 = arith.constant 0 : i32
      %ne3A_80 = arith.cmpi ne, %rem3A_78, %ne3A_79 : i32
      %lt3A_81 = arith.constant 0 : i32
      %lt3A_82 = arith.cmpi slt, %rem3A_78, %lt3A_81 : i32
      %lt3A_83 = arith.constant 0 : i32
      %lt3A_84 = arith.cmpi slt, %select_n3A_77, %lt3A_83 : i32
      %ne3A_85 = arith.xori %lt3A_82, %lt3A_84 : i1
      %and3A_86 = arith.andi %ne3A_85, %ne3A_80 : i1
      %add3A_87 = arith.addi %rem3A_78, %select_n3A_77 : i32
      %select_n3A_88 = arith.select %and3A_86, %add3A_87, %rem3A_78 : i32
      %mul3A_89 = arith.constant 16 : i32
      %mul3A_90 = arith.muli %select_n3A_88, %mul3A_89 : i32
      %get3A = arith.index_cast %select_n3A : i32 to index
      %get3A_91 = arith.index_cast %mul3A_90 : i32 to index
      %get3A_92 = tpu.vector_load %arg5[%get3A, %get3A_91] {strides = array<i32>} : memref<80x128xi32, #tpu.memory_space<vmem>>, vector<16xi32>,
      %broadcast_in_dim3A = arith.constant true
      %broadcast_in_dim3A_93 = vector.broadcast %broadcast_in_dim3A : i1 to vector<16xi1>
      %unique3A, %unique3A_94 = tpu.scan_count mask(%broadcast_in_dim3A_93 : vector<16xi1>) value(%get3A_92 : vector<16xi32>) : vector<16xi1>, vector<16xi32>
      %gather3A = tpu.vector_load_idx %arg6[%get3A_92] masked %unique3A : memref<10240xi32, #tpu.memory_space<vmem>>[vector<16xi32>], vector<16xi32>, vector<16xi1>
      %add3A_95 = arith.addi %gather3A, %unique3A_94 : vector<16xi32>
      tpu.vector_store_idx %arg6[%get3A_92], %add3A_95 masked %unique3A : memref<10240xi32, #tpu.memory_space<vmem>>[vector<16xi32>], vector<16xi32>, vector<16xi1>
    }
    %scan3A_47 = arith.constant 640 : i32
    %scan3A_48 = arith.constant 0 : i32
    %scan3A_49 = arith.constant 0 : i32
    %scan3A_50 = arith.constant 80 : i32
    %scan3A_51 = arith.addi %scan3A_49, %scan3A_50 : i32
    %scan3A_52 = arith.constant 1 : i32
    scf.for %scan3A_57 = %scan3A_49 to %scan3A_51 step %scan3A_52  : i32 {
      %mul3A_58 = arith.constant 128 : i32
      %mul3A_59 = arith.muli %scan3A_57, %mul3A_58 : i32
      %add3A_60 = arith.constant 0 : i32
      %add3A_61 = arith.addi %mul3A_59, %add3A_60 : i32
      %get3A = arith.index_cast %add3A_61 : i32 to index
      %get3A_62 = tpu.vector_load %arg6[%get3A] {strides = array<i32>} : memref<10240xi32, #tpu.memory_space<vmem>>, vector<16xi32>,
      %swap3A = arith.index_cast %scan3A_57 : i32 to index
      %swap3A_63 = arith.constant 0 : index
      %swap3A_64 = tpu.vector_load %arg7[%swap3A, %swap3A_63] {strides = array<i32>} : memref<80x128xi32, #tpu.memory_space<vmem>>, vector<16xi32>,
      tpu.vector_store %arg7[%swap3A, %swap3A_63], %get3A_62 {strides = array<i32>} : memref<80x128xi32, #tpu.memory_space<vmem>>, vector<16xi32>,
      %mul3A_65 = arith.constant 128 : i32
      %mul3A_66 = arith.muli %scan3A_57, %mul3A_65 : i32
      %add3A_67 = arith.constant 16 : i32
      %add3A_68 = arith.addi %mul3A_66, %add3A_67 : i32
      %get3A_69 = arith.index_cast %add3A_68 : i32 to index
      %get3A_70 = tpu.vector_load %arg6[%get3A_69] {strides = array<i32>} : memref<10240xi32, #tpu.memory_space<vmem>>, vector<16xi32>,
      %swap3A_71 = arith.index_cast %scan3A_57 : i32 to index
      %swap3A_72 = arith.constant 16 : index
      %swap3A_73 = tpu.vector_load %arg7[%swap3A_71, %swap3A_72] {strides = array<i32>} : memref<80x128xi32, #tpu.memory_space<vmem>>, vector<16xi32>,
      tpu.vector_store %arg7[%swap3A_71, %swap3A_72], %get3A_70 {strides = array<i32>} : memref<80x128xi32, #tpu.memory_space<vmem>>, vector<16xi32>,
      %mul3A_74 = arith.constant 128 : i32
      %mul3A_75 = arith.muli %scan3A_57, %mul3A_74 : i32
      %add3A_76 = arith.constant 32 : i32
      %add3A_77 = arith.addi %mul3A_75, %add3A_76 : i32
      %get3A_78 = arith.index_cast %add3A_77 : i32 to index
      %get3A_79 = tpu.vector_load %arg6[%get3A_78] {strides = array<i32>} : memref<10240xi32, #tpu.memory_space<vmem>>, vector<16xi32>,
      %swap3A_80 = arith.index_cast %scan3A_57 : i32 to index
      %swap3A_81 = arith.constant 32 : index
      %swap3A_82 = tpu.vector_load %arg7[%swap3A_80, %swap3A_81] {strides = array<i32>} : memref<80x128xi32, #tpu.memory_space<vmem>>, vector<16xi32>,
      tpu.vector_store %arg7[%swap3A_80, %swap3A_81], %get3A_79 {strides = array<i32>} : memref<80x128xi32, #tpu.memory_space<vmem>>, vector<16xi32>,
      %mul3A_83 = arith.constant 128 : i32
      %mul3A_84 = arith.muli %scan3A_57, %mul3A_83 : i32
      %add3A_85 = arith.constant 48 : i32
      %add3A_86 = arith.addi %mul3A_84, %add3A_85 : i32
      %get3A_87 = arith.index_cast %add3A_86 : i32 to index
      %get3A_88 = tpu.vector_load %arg6[%get3A_87] {strides = array<i32>} : memref<10240xi32, #tpu.memory_space<vmem>>, vector<16xi32>,
      %swap3A_89 = arith.index_cast %scan3A_57 : i32 to index
      %swap3A_90 = arith.constant 48 : index
      %swap3A_91 = tpu.vector_load %arg7[%swap3A_89, %swap3A_90] {strides = array<i32>} : memref<80x128xi32, #tpu.memory_space<vmem>>, vector<16xi32>,
      tpu.vector_store %arg7[%swap3A_89, %swap3A_90], %get3A_88 {strides = array<i32>} : memref<80x128xi32, #tpu.memory_space<vmem>>, vector<16xi32>,
      %mul3A_92 = arith.constant 128 : i32
      %mul3A_93 = arith.muli %scan3A_57, %mul3A_92 : i32
      %add3A_94 = arith.constant 64 : i32
      %add3A_95 = arith.addi %mul3A_93, %add3A_94 : i32
      %get3A_96 = arith.index_cast %add3A_95 : i32 to index
      %get3A_97 = tpu.vector_load %arg6[%get3A_96] {strides = array<i32>} : memref<10240xi32, #tpu.memory_space<vmem>>, vector<16xi32>,
      %swap3A_98 = arith.index_cast %scan3A_57 : i32 to index
      %swap3A_99 = arith.constant 64 : index
      %swap3A_100 = tpu.vector_load %arg7[%swap3A_98, %swap3A_99] {strides = array<i32>} : memref<80x128xi32, #tpu.memory_space<vmem>>, vector<16xi32>,
      tpu.vector_store %arg7[%swap3A_98, %swap3A_99], %get3A_97 {strides = array<i32>} : memref<80x128xi32, #tpu.memory_space<vmem>>, vector<16xi32>,
      %mul3A_101 = arith.constant 128 : i32
      %mul3A_102 = arith.muli %scan3A_57, %mul3A_101 : i32
      %add3A_103 = arith.constant 80 : i32
      %add3A_104 = arith.addi %mul3A_102, %add3A_103 : i32
      %get3A_105 = arith.index_cast %add3A_104 : i32 to index
      %get3A_106 = tpu.vector_load %arg6[%get3A_105] {strides = array<i32>} : memref<10240xi32, #tpu.memory_space<vmem>>, vector<16xi32>,
      %swap3A_107 = arith.index_cast %scan3A_57 : i32 to index
      %swap3A_108 = arith.constant 80 : index
      %swap3A_109 = tpu.vector_load %arg7[%swap3A_107, %swap3A_108] {strides = array<i32>} : memref<80x128xi32, #tpu.memory_space<vmem>>, vector<16xi32>,
      tpu.vector_store %arg7[%swap3A_107, %swap3A_108], %get3A_106 {strides = array<i32>} : memref<80x128xi32, #tpu.memory_space<vmem>>, vector<16xi32>,
      %mul3A_110 = arith.constant 128 : i32
      %mul3A_111 = arith.muli %scan3A_57, %mul3A_110 : i32
      %add3A_112 = arith.constant 96 : i32
      %add3A_113 = arith.addi %mul3A_111, %add3A_112 : i32
      %get3A_114 = arith.index_cast %add3A_113 : i32 to index
      %get3A_115 = tpu.vector_load %arg6[%get3A_114] {strides = array<i32>} : memref<10240xi32, #tpu.memory_space<vmem>>, vector<16xi32>,
      %swap3A_116 = arith.index_cast %scan3A_57 : i32 to index
      %swap3A_117 = arith.constant 96 : index
      %swap3A_118 = tpu.vector_load %arg7[%swap3A_116, %swap3A_117] {strides = array<i32>} : memref<80x128xi32, #tpu.memory_space<vmem>>, vector<16xi32>,
      tpu.vector_store %arg7[%swap3A_116, %swap3A_117], %get3A_115 {strides = array<i32>} : memref<80x128xi32, #tpu.memory_space<vmem>>, vector<16xi32>,
      %mul3A_119 = arith.constant 128 : i32
      %mul3A_120 = arith.muli %scan3A_57, %mul3A_119 : i32
      %add3A_121 = arith.constant 112 : i32
      %add3A_122 = arith.addi %mul3A_120, %add3A_121 : i32
      %get3A_123 = arith.index_cast %add3A_122 : i32 to index
      %get3A_124 = tpu.vector_load %arg6[%get3A_123] {strides = array<i32>} : memref<10240xi32, #tpu.memory_space<vmem>>, vector<16xi32>,
      %swap3A_125 = arith.index_cast %scan3A_57 : i32 to index
      %swap3A_126 = arith.constant 112 : index
      %swap3A_127 = tpu.vector_load %arg7[%swap3A_125, %swap3A_126] {strides = array<i32>} : memref<80x128xi32, #tpu.memory_space<vmem>>, vector<16xi32>,
      tpu.vector_store %arg7[%swap3A_125, %swap3A_126], %get3A_124 {strides = array<i32>} : memref<80x128xi32, #tpu.memory_space<vmem>>, vector<16xi32>,
    }
    %scan3A_53 = arith.constant 80 : i32
    "tpu.region"() ({
      %run_scoped3A = tpu.sem_alloc : memref<!tpu.dma_semaphore, #tpu.memory_space<semaphore_mem>>
      %dma_start3A = arith.constant 0 : i32
      %dma_start3A_57 = arith.constant 0 : i32
      %dma_start3A_58 = tpu.memref_slice %arg10[%dma_start3A, %dma_start3A_57] : memref<160x128xi32, #tpu.memory_space<vmem_shared>> -> memref<160x128xi32, #tpu.memory_space<vmem_shared>>
      tpu.enqueue_indirect_dma source(%arg7 : memref<80x128xi32, #tpu.memory_space<vmem>>) target(%dma_start3A_58 : memref<160x128xi32, #tpu.memory_space<vmem_shared>>) offsets(%arg9 : memref<80xi32, #tpu.memory_space<vmem>>) semaphore(%run_scoped3A : memref<!tpu.dma_semaphore, #tpu.memory_space<semaphore_mem>>) {add = true}
      %dma_wait3A = arith.constant 0 : i32
      %dma_wait3A_59 = arith.constant 0 : i32
      %dma_wait3A_60 = tpu.memref_slice %arg10[%dma_wait3A, %dma_wait3A_59] : memref<160x128xi32, #tpu.memory_space<vmem_shared>> -> memref<160x128xi32, #tpu.memory_space<vmem_shared>>
      tpu.wait_indirect_dma semaphore(%run_scoped3A : memref<!tpu.dma_semaphore, #tpu.memory_space<semaphore_mem>>) src(%arg7 : memref<80x128xi32, #tpu.memory_space<vmem>>) dst(%dma_wait3A_60 : memref<160x128xi32, #tpu.memory_space<vmem_shared>>)
      tpu.yield
    }) : () -> ()
    %barrier3A_54 = arith.constant 0 : index
    tpu.barrier barrier_id(%barrier3A_54)
    %lt3A = arith.constant 10 : i32
    %lt3A_55 = arith.cmpi slt, %arg1, %lt3A : i32
    %convert_element_type3A = arith.extui %lt3A_55 : i1 to i32
    %cond3A = arith.constant 0 : i32
    %cond3A_56 = arith.cmpi ne, %convert_element_type3A, %cond3A : i32
    scf.if %cond3A_56 {
      %mul3A_57 = arith.constant 16 : i32
      %mul3A_58 = arith.muli %arg1, %mul3A_57 : i32
      %mul3A_59 = arith.constant 16 : i32
      %mul3A_60 = arith.muli %arg1, %mul3A_59 : i32
      "tpu.region"() ({
        %run_scoped3A = tpu.sem_alloc : memref<!tpu.dma_semaphore, #tpu.memory_space<semaphore_mem>>
        %dma_start3A = arith.constant 0 : i32
        %dma_start3A_61 = tpu.memref_slice %arg4[%arg0, %mul3A_60, %dma_start3A] : memref<2x160x128xi32, #tpu.memory_space<hbm>> -> memref<1x16x128xi32, #tpu.memory_space<hbm>>
        %dma_start3A_62 = tpu.memref_squeeze %dma_start3A_61 : memref<1x16x128xi32, #tpu.memory_space<hbm>> -> memref<16x128xi32, #tpu.memory_space<hbm>>
        %dma_start3A_63 = arith.constant 0 : i32
        %dma_start3A_64 = tpu.memref_slice %arg10[%mul3A_58, %dma_start3A_63] : memref<160x128xi32, #tpu.memory_space<vmem_shared>> -> memref<16x128xi32, #tpu.memory_space<vmem_shared>>
        tpu.enqueue_dma source(%dma_start3A_64 : memref<16x128xi32, #tpu.memory_space<vmem_shared>>) target(%dma_start3A_62 : memref<16x128xi32, #tpu.memory_space<hbm>>) target_semaphore(%run_scoped3A : memref<!tpu.dma_semaphore, #tpu.memory_space<semaphore_mem>>)
        %dma_wait3A = arith.constant 0 : i32
        %dma_wait3A_65 = tpu.memref_slice %arg4[%arg0, %mul3A_60, %dma_wait3A] : memref<2x160x128xi32, #tpu.memory_space<hbm>> -> memref<1x16x128xi32, #tpu.memory_space<hbm>>
        %dma_wait3A_66 = tpu.memref_squeeze %dma_wait3A_65 : memref<1x16x128xi32, #tpu.memory_space<hbm>> -> memref<16x128xi32, #tpu.memory_space<hbm>>
        %dma_wait3A_67 = arith.constant 0 : i32
        %dma_wait3A_68 = tpu.memref_slice %arg10[%mul3A_58, %dma_wait3A_67] : memref<160x128xi32, #tpu.memory_space<vmem_shared>> -> memref<16x128xi32, #tpu.memory_space<vmem_shared>>
        tpu.wait_dma2 semaphore(%run_scoped3A : memref<!tpu.dma_semaphore, #tpu.memory_space<semaphore_mem>>) src(%dma_wait3A_68 : memref<16x128xi32, #tpu.memory_space<vmem_shared>>) dst(%dma_wait3A_66 : memref<16x128xi32, #tpu.memory_space<hbm>>)
        tpu.yield
      }) : () -> ()
    } else {
    }
    return
  }
}

#map = affine_map<(d0, d1) -> (0, 0)>
#map1 = affine_map<(d0, d1) -> (0, 0, 0)>
module attributes {stable_mosaic.version = 14 : i64} {
  func.func @_mp_kernel(%arg0: i32, %arg1: i32, %arg2: memref<10240x64xf32, #tpu.memory_space<hbm>>, %arg3: memref<10240x64xf32, #tpu.memory_space<hbm>>, %arg4: memref<2560x128xi32, #tpu.memory_space<hbm>>, %arg5: memref<2560x128xi32, #tpu.memory_space<hbm>>, %arg6: memref<2x10240x64xf32, #tpu.memory_space<hbm>>, %arg7: memref<160x128xi32, #tpu.memory_space<vmem>>, %arg8: memref<160x128xi32, #tpu.memory_space<vmem>>, %arg9: memref<128x64xf32, #tpu.memory_space<vmem>>, %arg10: memref<128x64xf32, #tpu.memory_space<vmem>>, %arg11: memref<128x64xf32, #tpu.memory_space<vmem>>, %arg12: memref<128x64xf32, #tpu.memory_space<vmem>>, %arg13: memref<!tpu.dma_semaphore, #tpu.memory_space<semaphore_mem>>, %arg14: memref<!tpu.dma_semaphore, #tpu.memory_space<semaphore_mem>>, %arg15: memref<!tpu.dma_semaphore, #tpu.memory_space<semaphore_mem>>, %arg16: memref<!tpu.dma_semaphore, #tpu.memory_space<semaphore_mem>>, %arg17: memref<!tpu.dma_semaphore, #tpu.memory_space<semaphore_mem>>, %arg18: memref<!tpu.dma_semaphore, #tpu.memory_space<semaphore_mem>>, %arg19: memref<!tpu.dma_semaphore, #tpu.memory_space<semaphore_mem>>, %arg20: memref<!tpu.dma_semaphore, #tpu.memory_space<semaphore_mem>>, %arg21: memref<10240x64xf32, #tpu.memory_space<vmem_shared>>) attributes {dimension_semantics = [#tpu.dimension_semantics<core_parallel>, #tpu.dimension_semantics<subcore_parallel>], iteration_bounds = array<i64: 2, 16>, scalar_prefetch = 0 : i64, scratch_operands = 15 : i64, tpu.core_type = #tpu.core_type<sc_vector_subcore>, window_params = [{transform_indices = #map}, {transform_indices = #map}, {transform_indices = #map}, {transform_indices = #map}, {transform_indices = #map1}]} {
    %mul3A = arith.constant 160 : i32
    %mul3A_0 = arith.muli %arg1, %mul3A : i32
    "tpu.region"() ({
      %run_scoped3A = tpu.sem_alloc : memref<!tpu.dma_semaphore, #tpu.memory_space<semaphore_mem>>
      %dma_start3A = arith.constant 0 : i32
      %dma_start3A_75 = tpu.memref_slice %arg4[%mul3A_0, %dma_start3A] : memref<2560x128xi32, #tpu.memory_space<hbm>> -> memref<160x128xi32, #tpu.memory_space<hbm>>
      %dma_start3A_76 = arith.constant 0 : i32
      %dma_start3A_77 = tpu.memref_slice %arg4[%mul3A_0, %dma_start3A_76] : memref<2560x128xi32, #tpu.memory_space<hbm>> -> memref<160x128xi32, #tpu.memory_space<hbm>>
      tpu.enqueue_dma source(%dma_start3A_77 : memref<160x128xi32, #tpu.memory_space<hbm>>) target(%arg7 : memref<160x128xi32, #tpu.memory_space<vmem>>) target_semaphore(%run_scoped3A : memref<!tpu.dma_semaphore, #tpu.memory_space<semaphore_mem>>)
      %dma_wait3A = arith.constant 0 : i32
      %dma_wait3A_78 = tpu.memref_slice %arg4[%mul3A_0, %dma_wait3A] : memref<2560x128xi32, #tpu.memory_space<hbm>> -> memref<160x128xi32, #tpu.memory_space<hbm>>
      %dma_wait3A_79 = arith.constant 0 : i32
      %dma_wait3A_80 = tpu.memref_slice %arg4[%mul3A_0, %dma_wait3A_79] : memref<2560x128xi32, #tpu.memory_space<hbm>> -> memref<160x128xi32, #tpu.memory_space<hbm>>
      tpu.wait_dma2 semaphore(%run_scoped3A : memref<!tpu.dma_semaphore, #tpu.memory_space<semaphore_mem>>) src(%dma_wait3A_80 : memref<160x128xi32, #tpu.memory_space<hbm>>) dst(%arg7 : memref<160x128xi32, #tpu.memory_space<vmem>>)
      tpu.yield
    }) : () -> ()
    %mul3A_1 = arith.constant 160 : i32
    %mul3A_2 = arith.muli %arg1, %mul3A_1 : i32
    "tpu.region"() ({
      %run_scoped3A = tpu.sem_alloc : memref<!tpu.dma_semaphore, #tpu.memory_space<semaphore_mem>>
      %dma_start3A = arith.constant 0 : i32
      %dma_start3A_75 = tpu.memref_slice %arg5[%mul3A_2, %dma_start3A] : memref<2560x128xi32, #tpu.memory_space<hbm>> -> memref<160x128xi32, #tpu.memory_space<hbm>>
      %dma_start3A_76 = arith.constant 0 : i32
      %dma_start3A_77 = tpu.memref_slice %arg5[%mul3A_2, %dma_start3A_76] : memref<2560x128xi32, #tpu.memory_space<hbm>> -> memref<160x128xi32, #tpu.memory_space<hbm>>
      tpu.enqueue_dma source(%dma_start3A_77 : memref<160x128xi32, #tpu.memory_space<hbm>>) target(%arg8 : memref<160x128xi32, #tpu.memory_space<vmem>>) target_semaphore(%run_scoped3A : memref<!tpu.dma_semaphore, #tpu.memory_space<semaphore_mem>>)
      %dma_wait3A = arith.constant 0 : i32
      %dma_wait3A_78 = tpu.memref_slice %arg5[%mul3A_2, %dma_wait3A] : memref<2560x128xi32, #tpu.memory_space<hbm>> -> memref<160x128xi32, #tpu.memory_space<hbm>>
      %dma_wait3A_79 = arith.constant 0 : i32
      %dma_wait3A_80 = tpu.memref_slice %arg5[%mul3A_2, %dma_wait3A_79] : memref<2560x128xi32, #tpu.memory_space<hbm>> -> memref<160x128xi32, #tpu.memory_space<hbm>>
      tpu.wait_dma2 semaphore(%run_scoped3A : memref<!tpu.dma_semaphore, #tpu.memory_space<semaphore_mem>>) src(%dma_wait3A_80 : memref<160x128xi32, #tpu.memory_space<hbm>>) dst(%arg8 : memref<160x128xi32, #tpu.memory_space<vmem>>)
      tpu.yield
    }) : () -> ()
    %scan3A = arith.constant 0 : i32
    %scan3A_3 = arith.constant 0 : i32
    %scan3A_4 = arith.constant 128 : i32
    %scan3A_5 = arith.addi %scan3A_3, %scan3A_4 : i32
    %scan3A_6 = arith.constant 1 : i32
    scf.for %scan3A_75 = %scan3A_3 to %scan3A_5 step %scan3A_6  : i32 {
      %broadcast_in_dim3A = arith.constant 0.000000e+00 : f32
      %broadcast_in_dim3A_76 = vector.broadcast %broadcast_in_dim3A : f32 to vector<16xf32>
      %swap3A = arith.index_cast %scan3A_75 : i32 to index
      %swap3A_77 = arith.constant 0 : index
      %swap3A_78 = tpu.vector_load %arg9[%swap3A, %swap3A_77] {strides = array<i32>} : memref<128x64xf32, #tpu.memory_space<vmem>>, vector<1x16xf32>,
      %swap3A_79 = vector.shape_cast %swap3A_78 : vector<1x16xf32> to vector<16xf32>
      %swap3A_80 = vector.shape_cast %broadcast_in_dim3A_76 : vector<16xf32> to vector<1x16xf32>
      tpu.vector_store %arg9[%swap3A, %swap3A_77], %swap3A_80 {strides = array<i32>} : memref<128x64xf32, #tpu.memory_space<vmem>>, vector<1x16xf32>,
      %broadcast_in_dim3A_81 = arith.constant 0.000000e+00 : f32
      %broadcast_in_dim3A_82 = vector.broadcast %broadcast_in_dim3A_81 : f32 to vector<16xf32>
      %swap3A_83 = arith.index_cast %scan3A_75 : i32 to index
      %swap3A_84 = arith.constant 16 : index
      %swap3A_85 = tpu.vector_load %arg9[%swap3A_83, %swap3A_84] {strides = array<i32>} : memref<128x64xf32, #tpu.memory_space<vmem>>, vector<1x16xf32>,
      %swap3A_86 = vector.shape_cast %swap3A_85 : vector<1x16xf32> to vector<16xf32>
      %swap3A_87 = vector.shape_cast %broadcast_in_dim3A_82 : vector<16xf32> to vector<1x16xf32>
      tpu.vector_store %arg9[%swap3A_83, %swap3A_84], %swap3A_87 {strides = array<i32>} : memref<128x64xf32, #tpu.memory_space<vmem>>, vector<1x16xf32>,
      %broadcast_in_dim3A_88 = arith.constant 0.000000e+00 : f32
      %broadcast_in_dim3A_89 = vector.broadcast %broadcast_in_dim3A_88 : f32 to vector<16xf32>
      %swap3A_90 = arith.index_cast %scan3A_75 : i32 to index
      %swap3A_91 = arith.constant 32 : index
      %swap3A_92 = tpu.vector_load %arg9[%swap3A_90, %swap3A_91] {strides = array<i32>} : memref<128x64xf32, #tpu.memory_space<vmem>>, vector<1x16xf32>,
      %swap3A_93 = vector.shape_cast %swap3A_92 : vector<1x16xf32> to vector<16xf32>
      %swap3A_94 = vector.shape_cast %broadcast_in_dim3A_89 : vector<16xf32> to vector<1x16xf32>
      tpu.vector_store %arg9[%swap3A_90, %swap3A_91], %swap3A_94 {strides = array<i32>} : memref<128x64xf32, #tpu.memory_space<vmem>>, vector<1x16xf32>,
      %broadcast_in_dim3A_95 = arith.constant 0.000000e+00 : f32
      %broadcast_in_dim3A_96 = vector.broadcast %broadcast_in_dim3A_95 : f32 to vector<16xf32>
      %swap3A_97 = arith.index_cast %scan3A_75 : i32 to index
      %swap3A_98 = arith.constant 48 : index
      %swap3A_99 = tpu.vector_load %arg9[%swap3A_97, %swap3A_98] {strides = array<i32>} : memref<128x64xf32, #tpu.memory_space<vmem>>, vector<1x16xf32>,
      %swap3A_100 = vector.shape_cast %swap3A_99 : vector<1x16xf32> to vector<16xf32>
      %swap3A_101 = vector.shape_cast %broadcast_in_dim3A_96 : vector<16xf32> to vector<1x16xf32>
      tpu.vector_store %arg9[%swap3A_97, %swap3A_98], %swap3A_101 {strides = array<i32>} : memref<128x64xf32, #tpu.memory_space<vmem>>, vector<1x16xf32>,
    }
    %scan3A_7 = arith.constant 128 : i32
    %mul3A_8 = arith.constant 640 : i32
    %mul3A_9 = arith.muli %arg1, %mul3A_8 : i32
    %add3A = arith.constant 0 : i32
    %add3A_10 = arith.addi %mul3A_9, %add3A : i32
    "tpu.region"() ({
      %run_scoped3A = tpu.sem_alloc : memref<!tpu.dma_semaphore, #tpu.memory_space<semaphore_mem>>
      %dma_start3A = arith.constant 0 : i32
      %dma_start3A_75 = tpu.memref_slice %arg21[%add3A_10, %dma_start3A] : memref<10240x64xf32, #tpu.memory_space<vmem_shared>> -> memref<128x64xf32, #tpu.memory_space<vmem_shared>>
      %dma_start3A_76 = arith.constant 0 : i32
      %dma_start3A_77 = tpu.memref_slice %arg21[%add3A_10, %dma_start3A_76] : memref<10240x64xf32, #tpu.memory_space<vmem_shared>> -> memref<128x64xf32, #tpu.memory_space<vmem_shared>>
      tpu.enqueue_dma source(%arg9 : memref<128x64xf32, #tpu.memory_space<vmem>>) target(%dma_start3A_77 : memref<128x64xf32, #tpu.memory_space<vmem_shared>>) target_semaphore(%run_scoped3A : memref<!tpu.dma_semaphore, #tpu.memory_space<semaphore_mem>>)
      %dma_wait3A = arith.constant 0 : i32
      %dma_wait3A_78 = tpu.memref_slice %arg21[%add3A_10, %dma_wait3A] : memref<10240x64xf32, #tpu.memory_space<vmem_shared>> -> memref<128x64xf32, #tpu.memory_space<vmem_shared>>
      %dma_wait3A_79 = arith.constant 0 : i32
      %dma_wait3A_80 = tpu.memref_slice %arg21[%add3A_10, %dma_wait3A_79] : memref<10240x64xf32, #tpu.memory_space<vmem_shared>> -> memref<128x64xf32, #tpu.memory_space<vmem_shared>>
      tpu.wait_dma2 semaphore(%run_scoped3A : memref<!tpu.dma_semaphore, #tpu.memory_space<semaphore_mem>>) src(%arg9 : memref<128x64xf32, #tpu.memory_space<vmem>>) dst(%dma_wait3A_80 : memref<128x64xf32, #tpu.memory_space<vmem_shared>>)
      tpu.yield
    }) : () -> ()
    %mul3A_11 = arith.constant 640 : i32
    %mul3A_12 = arith.muli %arg1, %mul3A_11 : i32
    %add3A_13 = arith.constant 128 : i32
    %add3A_14 = arith.addi %mul3A_12, %add3A_13 : i32
    "tpu.region"() ({
      %run_scoped3A = tpu.sem_alloc : memref<!tpu.dma_semaphore, #tpu.memory_space<semaphore_mem>>
      %dma_start3A = arith.constant 0 : i32
      %dma_start3A_75 = tpu.memref_slice %arg21[%add3A_14, %dma_start3A] : memref<10240x64xf32, #tpu.memory_space<vmem_shared>> -> memref<128x64xf32, #tpu.memory_space<vmem_shared>>
      %dma_start3A_76 = arith.constant 0 : i32
      %dma_start3A_77 = tpu.memref_slice %arg21[%add3A_14, %dma_start3A_76] : memref<10240x64xf32, #tpu.memory_space<vmem_shared>> -> memref<128x64xf32, #tpu.memory_space<vmem_shared>>
      tpu.enqueue_dma source(%arg9 : memref<128x64xf32, #tpu.memory_space<vmem>>) target(%dma_start3A_77 : memref<128x64xf32, #tpu.memory_space<vmem_shared>>) target_semaphore(%run_scoped3A : memref<!tpu.dma_semaphore, #tpu.memory_space<semaphore_mem>>)
      %dma_wait3A = arith.constant 0 : i32
      %dma_wait3A_78 = tpu.memref_slice %arg21[%add3A_14, %dma_wait3A] : memref<10240x64xf32, #tpu.memory_space<vmem_shared>> -> memref<128x64xf32, #tpu.memory_space<vmem_shared>>
      %dma_wait3A_79 = arith.constant 0 : i32
      %dma_wait3A_80 = tpu.memref_slice %arg21[%add3A_14, %dma_wait3A_79] : memref<10240x64xf32, #tpu.memory_space<vmem_shared>> -> memref<128x64xf32, #tpu.memory_space<vmem_shared>>
      tpu.wait_dma2 semaphore(%run_scoped3A : memref<!tpu.dma_semaphore, #tpu.memory_space<semaphore_mem>>) src(%arg9 : memref<128x64xf32, #tpu.memory_space<vmem>>) dst(%dma_wait3A_80 : memref<128x64xf32, #tpu.memory_space<vmem_shared>>)
      tpu.yield
    }) : () -> ()
    %mul3A_15 = arith.constant 640 : i32
    %mul3A_16 = arith.muli %arg1, %mul3A_15 : i32
    %add3A_17 = arith.constant 256 : i32
    %add3A_18 = arith.addi %mul3A_16, %add3A_17 : i32
    "tpu.region"() ({
      %run_scoped3A = tpu.sem_alloc : memref<!tpu.dma_semaphore, #tpu.memory_space<semaphore_mem>>
      %dma_start3A = arith.constant 0 : i32
      %dma_start3A_75 = tpu.memref_slice %arg21[%add3A_18, %dma_start3A] : memref<10240x64xf32, #tpu.memory_space<vmem_shared>> -> memref<128x64xf32, #tpu.memory_space<vmem_shared>>
      %dma_start3A_76 = arith.constant 0 : i32
      %dma_start3A_77 = tpu.memref_slice %arg21[%add3A_18, %dma_start3A_76] : memref<10240x64xf32, #tpu.memory_space<vmem_shared>> -> memref<128x64xf32, #tpu.memory_space<vmem_shared>>
      tpu.enqueue_dma source(%arg9 : memref<128x64xf32, #tpu.memory_space<vmem>>) target(%dma_start3A_77 : memref<128x64xf32, #tpu.memory_space<vmem_shared>>) target_semaphore(%run_scoped3A : memref<!tpu.dma_semaphore, #tpu.memory_space<semaphore_mem>>)
      %dma_wait3A = arith.constant 0 : i32
      %dma_wait3A_78 = tpu.memref_slice %arg21[%add3A_18, %dma_wait3A] : memref<10240x64xf32, #tpu.memory_space<vmem_shared>> -> memref<128x64xf32, #tpu.memory_space<vmem_shared>>
      %dma_wait3A_79 = arith.constant 0 : i32
      %dma_wait3A_80 = tpu.memref_slice %arg21[%add3A_18, %dma_wait3A_79] : memref<10240x64xf32, #tpu.memory_space<vmem_shared>> -> memref<128x64xf32, #tpu.memory_space<vmem_shared>>
      tpu.wait_dma2 semaphore(%run_scoped3A : memref<!tpu.dma_semaphore, #tpu.memory_space<semaphore_mem>>) src(%arg9 : memref<128x64xf32, #tpu.memory_space<vmem>>) dst(%dma_wait3A_80 : memref<128x64xf32, #tpu.memory_space<vmem_shared>>)
      tpu.yield
    }) : () -> ()
    %mul3A_19 = arith.constant 640 : i32
    %mul3A_20 = arith.muli %arg1, %mul3A_19 : i32
    %add3A_21 = arith.constant 384 : i32
    %add3A_22 = arith.addi %mul3A_20, %add3A_21 : i32
    "tpu.region"() ({
      %run_scoped3A = tpu.sem_alloc : memref<!tpu.dma_semaphore, #tpu.memory_space<semaphore_mem>>
      %dma_start3A = arith.constant 0 : i32
      %dma_start3A_75 = tpu.memref_slice %arg21[%add3A_22, %dma_start3A] : memref<10240x64xf32, #tpu.memory_space<vmem_shared>> -> memref<128x64xf32, #tpu.memory_space<vmem_shared>>
      %dma_start3A_76 = arith.constant 0 : i32
      %dma_start3A_77 = tpu.memref_slice %arg21[%add3A_22, %dma_start3A_76] : memref<10240x64xf32, #tpu.memory_space<vmem_shared>> -> memref<128x64xf32, #tpu.memory_space<vmem_shared>>
      tpu.enqueue_dma source(%arg9 : memref<128x64xf32, #tpu.memory_space<vmem>>) target(%dma_start3A_77 : memref<128x64xf32, #tpu.memory_space<vmem_shared>>) target_semaphore(%run_scoped3A : memref<!tpu.dma_semaphore, #tpu.memory_space<semaphore_mem>>)
      %dma_wait3A = arith.constant 0 : i32
      %dma_wait3A_78 = tpu.memref_slice %arg21[%add3A_22, %dma_wait3A] : memref<10240x64xf32, #tpu.memory_space<vmem_shared>> -> memref<128x64xf32, #tpu.memory_space<vmem_shared>>
      %dma_wait3A_79 = arith.constant 0 : i32
      %dma_wait3A_80 = tpu.memref_slice %arg21[%add3A_22, %dma_wait3A_79] : memref<10240x64xf32, #tpu.memory_space<vmem_shared>> -> memref<128x64xf32, #tpu.memory_space<vmem_shared>>
      tpu.wait_dma2 semaphore(%run_scoped3A : memref<!tpu.dma_semaphore, #tpu.memory_space<semaphore_mem>>) src(%arg9 : memref<128x64xf32, #tpu.memory_space<vmem>>) dst(%dma_wait3A_80 : memref<128x64xf32, #tpu.memory_space<vmem_shared>>)
      tpu.yield
    }) : () -> ()
    %mul3A_23 = arith.constant 640 : i32
    %mul3A_24 = arith.muli %arg1, %mul3A_23 : i32
    %add3A_25 = arith.constant 512 : i32
    %add3A_26 = arith.addi %mul3A_24, %add3A_25 : i32
    "tpu.region"() ({
      %run_scoped3A = tpu.sem_alloc : memref<!tpu.dma_semaphore, #tpu.memory_space<semaphore_mem>>
      %dma_start3A = arith.constant 0 : i32
      %dma_start3A_75 = tpu.memref_slice %arg21[%add3A_26, %dma_start3A] : memref<10240x64xf32, #tpu.memory_space<vmem_shared>> -> memref<128x64xf32, #tpu.memory_space<vmem_shared>>
      %dma_start3A_76 = arith.constant 0 : i32
      %dma_start3A_77 = tpu.memref_slice %arg21[%add3A_26, %dma_start3A_76] : memref<10240x64xf32, #tpu.memory_space<vmem_shared>> -> memref<128x64xf32, #tpu.memory_space<vmem_shared>>
      tpu.enqueue_dma source(%arg9 : memref<128x64xf32, #tpu.memory_space<vmem>>) target(%dma_start3A_77 : memref<128x64xf32, #tpu.memory_space<vmem_shared>>) target_semaphore(%run_scoped3A : memref<!tpu.dma_semaphore, #tpu.memory_space<semaphore_mem>>)
      %dma_wait3A = arith.constant 0 : i32
      %dma_wait3A_78 = tpu.memref_slice %arg21[%add3A_26, %dma_wait3A] : memref<10240x64xf32, #tpu.memory_space<vmem_shared>> -> memref<128x64xf32, #tpu.memory_space<vmem_shared>>
      %dma_wait3A_79 = arith.constant 0 : i32
      %dma_wait3A_80 = tpu.memref_slice %arg21[%add3A_26, %dma_wait3A_79] : memref<10240x64xf32, #tpu.memory_space<vmem_shared>> -> memref<128x64xf32, #tpu.memory_space<vmem_shared>>
      tpu.wait_dma2 semaphore(%run_scoped3A : memref<!tpu.dma_semaphore, #tpu.memory_space<semaphore_mem>>) src(%arg9 : memref<128x64xf32, #tpu.memory_space<vmem>>) dst(%dma_wait3A_80 : memref<128x64xf32, #tpu.memory_space<vmem_shared>>)
      tpu.yield
    }) : () -> ()
    %barrier3A = arith.constant 0 : index
    tpu.barrier barrier_id(%barrier3A)
    %eq3A = arith.constant 0 : i32
    %eq3A_27 = arith.cmpi eq, %arg0, %eq3A : i32
    %convert_element_type3A = arith.extui %eq3A_27 : i1 to i32
    %cond3A = arith.constant 0 : i32
    %cond3A_28 = arith.cmpi ne, %convert_element_type3A, %cond3A : i32
    scf.if %cond3A_28 {
      %dma_start3A = arith.constant 0 : i32
      %dma_start3A_75 = arith.constant 0 : i32
      %dma_start3A_76 = tpu.memref_slice %arg7[%dma_start3A, %dma_start3A_75] : memref<160x128xi32, #tpu.memory_space<vmem>> -> memref<1x128xi32, #tpu.memory_space<vmem>>
      %dma_start3A_77 = tpu.memref_squeeze %dma_start3A_76 : memref<1x128xi32, #tpu.memory_space<vmem>> -> memref<128xi32, #tpu.memory_space<vmem>>
      %dma_start3A_78 = arith.constant 0 : i32
      %dma_start3A_79 = arith.constant 0 : i32
      %dma_start3A_80 = tpu.memref_slice %arg2[%dma_start3A_78, %dma_start3A_79] : memref<10240x64xf32, #tpu.memory_space<hbm>> -> memref<10240x64xf32, #tpu.memory_space<hbm>>
      tpu.enqueue_indirect_dma source(%dma_start3A_80 : memref<10240x64xf32, #tpu.memory_space<hbm>>) target(%arg9 : memref<128x64xf32, #tpu.memory_space<vmem>>) offsets(%dma_start3A_77 : memref<128xi32, #tpu.memory_space<vmem>>) semaphore(%arg13 : memref<!tpu.dma_semaphore, #tpu.memory_space<semaphore_mem>>)
      %dma_start3A_81 = arith.constant 1 : i32
      %dma_start3A_82 = arith.constant 0 : i32
      %dma_start3A_83 = tpu.memref_slice %arg7[%dma_start3A_81, %dma_start3A_82] : memref<160x128xi32, #tpu.memory_space<vmem>> -> memref<1x128xi32, #tpu.memory_space<vmem>>
      %dma_start3A_84 = tpu.memref_squeeze %dma_start3A_83 : memref<1x128xi32, #tpu.memory_space<vmem>> -> memref<128xi32, #tpu.memory_space<vmem>>
      %dma_start3A_85 = arith.constant 0 : i32
      %dma_start3A_86 = arith.constant 0 : i32
      %dma_start3A_87 = tpu.memref_slice %arg2[%dma_start3A_85, %dma_start3A_86] : memref<10240x64xf32, #tpu.memory_space<hbm>> -> memref<10240x64xf32, #tpu.memory_space<hbm>>
      tpu.enqueue_indirect_dma source(%dma_start3A_87 : memref<10240x64xf32, #tpu.memory_space<hbm>>) target(%arg10 : memref<128x64xf32, #tpu.memory_space<vmem>>) offsets(%dma_start3A_84 : memref<128xi32, #tpu.memory_space<vmem>>) semaphore(%arg14 : memref<!tpu.dma_semaphore, #tpu.memory_space<semaphore_mem>>)
      %scan3A_88 = arith.constant 0 : i32
      %scan3A_89 = arith.constant 0 : i32
      %scan3A_90 = arith.constant 40 : i32
      %scan3A_91 = arith.addi %scan3A_89, %scan3A_90 : i32
      %scan3A_92 = arith.constant 1 : i32
      scf.for %scan3A_121 = %scan3A_89 to %scan3A_91 step %scan3A_92  : i32 {
        %mul3A_122 = arith.constant 4 : i32
        %mul3A_123 = arith.muli %scan3A_121, %mul3A_122 : i32
        %add3A_124 = arith.constant 0 : i32
        %add3A_125 = arith.addi %mul3A_123, %add3A_124 : i32
        %gt3A = arith.constant 0 : i32
        %gt3A_126 = arith.cmpi sgt, %scan3A_121, %gt3A : i32
        %convert_element_type3A_127 = arith.extui %gt3A_126 : i1 to i32
        %cond3A_128 = arith.constant 0 : i32
        %cond3A_129 = arith.cmpi ne, %convert_element_type3A_127, %cond3A_128 : i32
        scf.if %cond3A_129 {
          %sub3A_243 = arith.constant 2 : i32
          %sub3A_244 = arith.subi %add3A_125, %sub3A_243 : i32
          %dma_wait3A_245 = arith.constant 0 : i32
          %dma_wait3A_246 = tpu.memref_slice %arg8[%sub3A_244, %dma_wait3A_245] : memref<160x128xi32, #tpu.memory_space<vmem>> -> memref<1x128xi32, #tpu.memory_space<vmem>>
          %dma_wait3A_247 = tpu.memref_squeeze %dma_wait3A_246 : memref<1x128xi32, #tpu.memory_space<vmem>> -> memref<128xi32, #tpu.memory_space<vmem>>
          %dma_wait3A_248 = arith.constant 0 : i32
          %dma_wait3A_249 = arith.constant 0 : i32
          %dma_wait3A_250 = tpu.memref_slice %arg21[%dma_wait3A_248, %dma_wait3A_249] : memref<10240x64xf32, #tpu.memory_space<vmem_shared>> -> memref<10240x64xf32, #tpu.memory_space<vmem_shared>>
          tpu.wait_indirect_dma semaphore(%arg19 : memref<!tpu.dma_semaphore, #tpu.memory_space<semaphore_mem>>) src(%arg11 : memref<128x64xf32, #tpu.memory_space<vmem>>) dst(%dma_wait3A_250 : memref<10240x64xf32, #tpu.memory_space<vmem_shared>>)
        } else {
        }
        %add3A_130 = arith.constant 2 : i32
        %add3A_131 = arith.addi %add3A_125, %add3A_130 : i32
        %min3A = arith.constant 159 : i32
        %min3A_132 = arith.minsi %add3A_131, %min3A : i32
        %dma_start3A_133 = arith.constant 0 : i32
        %dma_start3A_134 = tpu.memref_slice %arg7[%min3A_132, %dma_start3A_133] : memref<160x128xi32, #tpu.memory_space<vmem>> -> memref<1x128xi32, #tpu.memory_space<vmem>>
        %dma_start3A_135 = tpu.memref_squeeze %dma_start3A_134 : memref<1x128xi32, #tpu.memory_space<vmem>> -> memref<128xi32, #tpu.memory_space<vmem>>
        %dma_start3A_136 = arith.constant 0 : i32
        %dma_start3A_137 = arith.constant 0 : i32
        %dma_start3A_138 = tpu.memref_slice %arg2[%dma_start3A_136, %dma_start3A_137] : memref<10240x64xf32, #tpu.memory_space<hbm>> -> memref<10240x64xf32, #tpu.memory_space<hbm>>
        tpu.enqueue_indirect_dma source(%dma_start3A_138 : memref<10240x64xf32, #tpu.memory_space<hbm>>) target(%arg11 : memref<128x64xf32, #tpu.memory_space<vmem>>) offsets(%dma_start3A_135 : memref<128xi32, #tpu.memory_space<vmem>>) semaphore(%arg15 : memref<!tpu.dma_semaphore, #tpu.memory_space<semaphore_mem>>)
        %dma_wait3A_139 = arith.constant 0 : i32
        %dma_wait3A_140 = tpu.memref_slice %arg7[%add3A_125, %dma_wait3A_139] : memref<160x128xi32, #tpu.memory_space<vmem>> -> memref<1x128xi32, #tpu.memory_space<vmem>>
        %dma_wait3A_141 = tpu.memref_squeeze %dma_wait3A_140 : memref<1x128xi32, #tpu.memory_space<vmem>> -> memref<128xi32, #tpu.memory_space<vmem>>
        %dma_wait3A_142 = arith.constant 0 : i32
        %dma_wait3A_143 = arith.constant 0 : i32
        %dma_wait3A_144 = tpu.memref_slice %arg2[%dma_wait3A_142, %dma_wait3A_143] : memref<10240x64xf32, #tpu.memory_space<hbm>> -> memref<10240x64xf32, #tpu.memory_space<hbm>>
        tpu.wait_indirect_dma semaphore(%arg13 : memref<!tpu.dma_semaphore, #tpu.memory_space<semaphore_mem>>) src(%dma_wait3A_144 : memref<10240x64xf32, #tpu.memory_space<hbm>>) dst(%arg9 : memref<128x64xf32, #tpu.memory_space<vmem>>)
        %dma_start3A_145 = arith.constant 0 : i32
        %dma_start3A_146 = tpu.memref_slice %arg8[%add3A_125, %dma_start3A_145] : memref<160x128xi32, #tpu.memory_space<vmem>> -> memref<1x128xi32, #tpu.memory_space<vmem>>
        %dma_start3A_147 = tpu.memref_squeeze %dma_start3A_146 : memref<1x128xi32, #tpu.memory_space<vmem>> -> memref<128xi32, #tpu.memory_space<vmem>>
        %dma_start3A_148 = arith.constant 0 : i32
        %dma_start3A_149 = arith.constant 0 : i32
        %dma_start3A_150 = tpu.memref_slice %arg21[%dma_start3A_148, %dma_start3A_149] : memref<10240x64xf32, #tpu.memory_space<vmem_shared>> -> memref<10240x64xf32, #tpu.memory_space<vmem_shared>>
        tpu.enqueue_indirect_dma source(%arg9 : memref<128x64xf32, #tpu.memory_space<vmem>>) target(%dma_start3A_150 : memref<10240x64xf32, #tpu.memory_space<vmem_shared>>) offsets(%dma_start3A_147 : memref<128xi32, #tpu.memory_space<vmem>>) semaphore(%arg17 : memref<!tpu.dma_semaphore, #tpu.memory_space<semaphore_mem>>) {add = true}
        %add3A_151 = arith.constant 1 : i32
        %add3A_152 = arith.addi %mul3A_123, %add3A_151 : i32
        %gt3A_153 = arith.constant 0 : i32
        %gt3A_154 = arith.cmpi sgt, %scan3A_121, %gt3A_153 : i32
        %convert_element_type3A_155 = arith.extui %gt3A_154 : i1 to i32
        %cond3A_156 = arith.constant 0 : i32
        %cond3A_157 = arith.cmpi ne, %convert_element_type3A_155, %cond3A_156 : i32
        scf.if %cond3A_157 {
          %sub3A_243 = arith.constant 2 : i32
          %sub3A_244 = arith.subi %add3A_152, %sub3A_243 : i32
          %dma_wait3A_245 = arith.constant 0 : i32
          %dma_wait3A_246 = tpu.memref_slice %arg8[%sub3A_244, %dma_wait3A_245] : memref<160x128xi32, #tpu.memory_space<vmem>> -> memref<1x128xi32, #tpu.memory_space<vmem>>
          %dma_wait3A_247 = tpu.memref_squeeze %dma_wait3A_246 : memref<1x128xi32, #tpu.memory_space<vmem>> -> memref<128xi32, #tpu.memory_space<vmem>>
          %dma_wait3A_248 = arith.constant 0 : i32
          %dma_wait3A_249 = arith.constant 0 : i32
          %dma_wait3A_250 = tpu.memref_slice %arg21[%dma_wait3A_248, %dma_wait3A_249] : memref<10240x64xf32, #tpu.memory_space<vmem_shared>> -> memref<10240x64xf32, #tpu.memory_space<vmem_shared>>
          tpu.wait_indirect_dma semaphore(%arg20 : memref<!tpu.dma_semaphore, #tpu.memory_space<semaphore_mem>>) src(%arg12 : memref<128x64xf32, #tpu.memory_space<vmem>>) dst(%dma_wait3A_250 : memref<10240x64xf32, #tpu.memory_space<vmem_shared>>)
        } else {
        }
        %add3A_158 = arith.constant 2 : i32
        %add3A_159 = arith.addi %add3A_152, %add3A_158 : i32
        %min3A_160 = arith.constant 159 : i32
        %min3A_161 = arith.minsi %add3A_159, %min3A_160 : i32
        %dma_start3A_162 = arith.constant 0 : i32
        %dma_start3A_163 = tpu.memref_slice %arg7[%min3A_161, %dma_start3A_162] : memref<160x128xi32, #tpu.memory_space<vmem>> -> memref<1x128xi32, #tpu.memory_space<vmem>>
        %dma_start3A_164 = tpu.memref_squeeze %dma_start3A_163 : memref<1x128xi32, #tpu.memory_space<vmem>> -> memref<128xi32, #tpu.memory_space<vmem>>
        %dma_start3A_165 = arith.constant 0 : i32
        %dma_start3A_166 = arith.constant 0 : i32
        %dma_start3A_167 = tpu.memref_slice %arg2[%dma_start3A_165, %dma_start3A_166] : memref<10240x64xf32, #tpu.memory_space<hbm>> -> memref<10240x64xf32, #tpu.memory_space<hbm>>
        tpu.enqueue_indirect_dma source(%dma_start3A_167 : memref<10240x64xf32, #tpu.memory_space<hbm>>) target(%arg12 : memref<128x64xf32, #tpu.memory_space<vmem>>) offsets(%dma_start3A_164 : memref<128xi32, #tpu.memory_space<vmem>>) semaphore(%arg16 : memref<!tpu.dma_semaphore, #tpu.memory_space<semaphore_mem>>)
        %dma_wait3A_168 = arith.constant 0 : i32
        %dma_wait3A_169 = tpu.memref_slice %arg7[%add3A_152, %dma_wait3A_168] : memref<160x128xi32, #tpu.memory_space<vmem>> -> memref<1x128xi32, #tpu.memory_space<vmem>>
        %dma_wait3A_170 = tpu.memref_squeeze %dma_wait3A_169 : memref<1x128xi32, #tpu.memory_space<vmem>> -> memref<128xi32, #tpu.memory_space<vmem>>
        %dma_wait3A_171 = arith.constant 0 : i32
        %dma_wait3A_172 = arith.constant 0 : i32
        %dma_wait3A_173 = tpu.memref_slice %arg2[%dma_wait3A_171, %dma_wait3A_172] : memref<10240x64xf32, #tpu.memory_space<hbm>> -> memref<10240x64xf32, #tpu.memory_space<hbm>>
        tpu.wait_indirect_dma semaphore(%arg14 : memref<!tpu.dma_semaphore, #tpu.memory_space<semaphore_mem>>) src(%dma_wait3A_173 : memref<10240x64xf32, #tpu.memory_space<hbm>>) dst(%arg10 : memref<128x64xf32, #tpu.memory_space<vmem>>)
        %dma_start3A_174 = arith.constant 0 : i32
        %dma_start3A_175 = tpu.memref_slice %arg8[%add3A_152, %dma_start3A_174] : memref<160x128xi32, #tpu.memory_space<vmem>> -> memref<1x128xi32, #tpu.memory_space<vmem>>
        %dma_start3A_176 = tpu.memref_squeeze %dma_start3A_175 : memref<1x128xi32, #tpu.memory_space<vmem>> -> memref<128xi32, #tpu.memory_space<vmem>>
        %dma_start3A_177 = arith.constant 0 : i32
        %dma_start3A_178 = arith.constant 0 : i32
        %dma_start3A_179 = tpu.memref_slice %arg21[%dma_start3A_177, %dma_start3A_178] : memref<10240x64xf32, #tpu.memory_space<vmem_shared>> -> memref<10240x64xf32, #tpu.memory_space<vmem_shared>>
        tpu.enqueue_indirect_dma source(%arg10 : memref<128x64xf32, #tpu.memory_space<vmem>>) target(%dma_start3A_179 : memref<10240x64xf32, #tpu.memory_space<vmem_shared>>) offsets(%dma_start3A_176 : memref<128xi32, #tpu.memory_space<vmem>>) semaphore(%arg18 : memref<!tpu.dma_semaphore, #tpu.memory_space<semaphore_mem>>) {add = true}
        %add3A_180 = arith.constant 2 : i32
        %add3A_181 = arith.addi %mul3A_123, %add3A_180 : i32
        %sub3A = arith.constant 2 : i32
        %sub3A_182 = arith.subi %add3A_181, %sub3A : i32
        %dma_wait3A_183 = arith.constant 0 : i32
        %dma_wait3A_184 = tpu.memref_slice %arg8[%sub3A_182, %dma_wait3A_183] : memref<160x128xi32, #tpu.memory_space<vmem>> -> memref<1x128xi32, #tpu.memory_space<vmem>>
        %dma_wait3A_185 = tpu.memref_squeeze %dma_wait3A_184 : memref<1x128xi32, #tpu.memory_space<vmem>> -> memref<128xi32, #tpu.memory_space<vmem>>
        %dma_wait3A_186 = arith.constant 0 : i32
        %dma_wait3A_187 = arith.constant 0 : i32
        %dma_wait3A_188 = tpu.memref_slice %arg21[%dma_wait3A_186, %dma_wait3A_187] : memref<10240x64xf32, #tpu.memory_space<vmem_shared>> -> memref<10240x64xf32, #tpu.memory_space<vmem_shared>>
        tpu.wait_indirect_dma semaphore(%arg17 : memref<!tpu.dma_semaphore, #tpu.memory_space<semaphore_mem>>) src(%arg9 : memref<128x64xf32, #tpu.memory_space<vmem>>) dst(%dma_wait3A_188 : memref<10240x64xf32, #tpu.memory_space<vmem_shared>>)
        %add3A_189 = arith.constant 2 : i32
        %add3A_190 = arith.addi %add3A_181, %add3A_189 : i32
        %min3A_191 = arith.constant 159 : i32
        %min3A_192 = arith.minsi %add3A_190, %min3A_191 : i32
        %dma_start3A_193 = arith.constant 0 : i32
        %dma_start3A_194 = tpu.memref_slice %arg7[%min3A_192, %dma_start3A_193] : memref<160x128xi32, #tpu.memory_space<vmem>> -> memref<1x128xi32, #tpu.memory_space<vmem>>
        %dma_start3A_195 = tpu.memref_squeeze %dma_start3A_194 : memref<1x128xi32, #tpu.memory_space<vmem>> -> memref<128xi32, #tpu.memory_space<vmem>>
        %dma_start3A_196 = arith.constant 0 : i32
        %dma_start3A_197 = arith.constant 0 : i32
        %dma_start3A_198 = tpu.memref_slice %arg2[%dma_start3A_196, %dma_start3A_197] : memref<10240x64xf32, #tpu.memory_space<hbm>> -> memref<10240x64xf32, #tpu.memory_space<hbm>>
        tpu.enqueue_indirect_dma source(%dma_start3A_198 : memref<10240x64xf32, #tpu.memory_space<hbm>>) target(%arg9 : memref<128x64xf32, #tpu.memory_space<vmem>>) offsets(%dma_start3A_195 : memref<128xi32, #tpu.memory_space<vmem>>) semaphore(%arg13 : memref<!tpu.dma_semaphore, #tpu.memory_space<semaphore_mem>>)
        %dma_wait3A_199 = arith.constant 0 : i32
        %dma_wait3A_200 = tpu.memref_slice %arg7[%add3A_181, %dma_wait3A_199] : memref<160x128xi32, #tpu.memory_space<vmem>> -> memref<1x128xi32, #tpu.memory_space<vmem>>
        %dma_wait3A_201 = tpu.memref_squeeze %dma_wait3A_200 : memref<1x128xi32, #tpu.memory_space<vmem>> -> memref<128xi32, #tpu.memory_space<vmem>>
        %dma_wait3A_202 = arith.constant 0 : i32
        %dma_wait3A_203 = arith.constant 0 : i32
        %dma_wait3A_204 = tpu.memref_slice %arg2[%dma_wait3A_202, %dma_wait3A_203] : memref<10240x64xf32, #tpu.memory_space<hbm>> -> memref<10240x64xf32, #tpu.memory_space<hbm>>
        tpu.wait_indirect_dma semaphore(%arg15 : memref<!tpu.dma_semaphore, #tpu.memory_space<semaphore_mem>>) src(%dma_wait3A_204 : memref<10240x64xf32, #tpu.memory_space<hbm>>) dst(%arg11 : memref<128x64xf32, #tpu.memory_space<vmem>>)
        %dma_start3A_205 = arith.constant 0 : i32
        %dma_start3A_206 = tpu.memref_slice %arg8[%add3A_181, %dma_start3A_205] : memref<160x128xi32, #tpu.memory_space<vmem>> -> memref<1x128xi32, #tpu.memory_space<vmem>>
        %dma_start3A_207 = tpu.memref_squeeze %dma_start3A_206 : memref<1x128xi32, #tpu.memory_space<vmem>> -> memref<128xi32, #tpu.memory_space<vmem>>
        %dma_start3A_208 = arith.constant 0 : i32
        %dma_start3A_209 = arith.constant 0 : i32
        %dma_start3A_210 = tpu.memref_slice %arg21[%dma_start3A_208, %dma_start3A_209] : memref<10240x64xf32, #tpu.memory_space<vmem_shared>> -> memref<10240x64xf32, #tpu.memory_space<vmem_shared>>
        tpu.enqueue_indirect_dma source(%arg11 : memref<128x64xf32, #tpu.memory_space<vmem>>) target(%dma_start3A_210 : memref<10240x64xf32, #tpu.memory_space<vmem_shared>>) offsets(%dma_start3A_207 : memref<128xi32, #tpu.memory_space<vmem>>) semaphore(%arg19 : memref<!tpu.dma_semaphore, #tpu.memory_space<semaphore_mem>>) {add = true}
        %add3A_211 = arith.constant 3 : i32
        %add3A_212 = arith.addi %mul3A_123, %add3A_211 : i32
        %sub3A_213 = arith.constant 2 : i32
        %sub3A_214 = arith.subi %add3A_212, %sub3A_213 : i32
        %dma_wait3A_215 = arith.constant 0 : i32
        %dma_wait3A_216 = tpu.memref_slice %arg8[%sub3A_214, %dma_wait3A_215] : memref<160x128xi32, #tpu.memory_space<vmem>> -> memref<1x128xi32, #tpu.memory_space<vmem>>
        %dma_wait3A_217 = tpu.memref_squeeze %dma_wait3A_216 : memref<1x128xi32, #tpu.memory_space<vmem>> -> memref<128xi32, #tpu.memory_space<vmem>>
        %dma_wait3A_218 = arith.constant 0 : i32
        %dma_wait3A_219 = arith.constant 0 : i32
        %dma_wait3A_220 = tpu.memref_slice %arg21[%dma_wait3A_218, %dma_wait3A_219] : memref<10240x64xf32, #tpu.memory_space<vmem_shared>> -> memref<10240x64xf32, #tpu.memory_space<vmem_shared>>
        tpu.wait_indirect_dma semaphore(%arg18 : memref<!tpu.dma_semaphore, #tpu.memory_space<semaphore_mem>>) src(%arg10 : memref<128x64xf32, #tpu.memory_space<vmem>>) dst(%dma_wait3A_220 : memref<10240x64xf32, #tpu.memory_space<vmem_shared>>)
        %add3A_221 = arith.constant 2 : i32
        %add3A_222 = arith.addi %add3A_212, %add3A_221 : i32
        %min3A_223 = arith.constant 159 : i32
        %min3A_224 = arith.minsi %add3A_222, %min3A_223 : i32
        %dma_start3A_225 = arith.constant 0 : i32
        %dma_start3A_226 = tpu.memref_slice %arg7[%min3A_224, %dma_start3A_225] : memref<160x128xi32, #tpu.memory_space<vmem>> -> memref<1x128xi32, #tpu.memory_space<vmem>>
        %dma_start3A_227 = tpu.memref_squeeze %dma_start3A_226 : memref<1x128xi32, #tpu.memory_space<vmem>> -> memref<128xi32, #tpu.memory_space<vmem>>
        %dma_start3A_228 = arith.constant 0 : i32
        %dma_start3A_229 = arith.constant 0 : i32
        %dma_start3A_230 = tpu.memref_slice %arg2[%dma_start3A_228, %dma_start3A_229] : memref<10240x64xf32, #tpu.memory_space<hbm>> -> memref<10240x64xf32, #tpu.memory_space<hbm>>
        tpu.enqueue_indirect_dma source(%dma_start3A_230 : memref<10240x64xf32, #tpu.memory_space<hbm>>) target(%arg10 : memref<128x64xf32, #tpu.memory_space<vmem>>) offsets(%dma_start3A_227 : memref<128xi32, #tpu.memory_space<vmem>>) semaphore(%arg14 : memref<!tpu.dma_semaphore, #tpu.memory_space<semaphore_mem>>)
        %dma_wait3A_231 = arith.constant 0 : i32
        %dma_wait3A_232 = tpu.memref_slice %arg7[%add3A_212, %dma_wait3A_231] : memref<160x128xi32, #tpu.memory_space<vmem>> -> memref<1x128xi32, #tpu.memory_space<vmem>>
        %dma_wait3A_233 = tpu.memref_squeeze %dma_wait3A_232 : memref<1x128xi32, #tpu.memory_space<vmem>> -> memref<128xi32, #tpu.memory_space<vmem>>
        %dma_wait3A_234 = arith.constant 0 : i32
        %dma_wait3A_235 = arith.constant 0 : i32
        %dma_wait3A_236 = tpu.memref_slice %arg2[%dma_wait3A_234, %dma_wait3A_235] : memref<10240x64xf32, #tpu.memory_space<hbm>> -> memref<10240x64xf32, #tpu.memory_space<hbm>>
        tpu.wait_indirect_dma semaphore(%arg16 : memref<!tpu.dma_semaphore, #tpu.memory_space<semaphore_mem>>) src(%dma_wait3A_236 : memref<10240x64xf32, #tpu.memory_space<hbm>>) dst(%arg12 : memref<128x64xf32, #tpu.memory_space<vmem>>)
        %dma_start3A_237 = arith.constant 0 : i32
        %dma_start3A_238 = tpu.memref_slice %arg8[%add3A_212, %dma_start3A_237] : memref<160x128xi32, #tpu.memory_space<vmem>> -> memref<1x128xi32, #tpu.memory_space<vmem>>
        %dma_start3A_239 = tpu.memref_squeeze %dma_start3A_238 : memref<1x128xi32, #tpu.memory_space<vmem>> -> memref<128xi32, #tpu.memory_space<vmem>>
        %dma_start3A_240 = arith.constant 0 : i32
        %dma_start3A_241 = arith.constant 0 : i32
        %dma_start3A_242 = tpu.memref_slice %arg21[%dma_start3A_240, %dma_start3A_241] : memref<10240x64xf32, #tpu.memory_space<vmem_shared>> -> memref<10240x64xf32, #tpu.memory_space<vmem_shared>>
        tpu.enqueue_indirect_dma source(%arg12 : memref<128x64xf32, #tpu.memory_space<vmem>>) target(%dma_start3A_242 : memref<10240x64xf32, #tpu.memory_space<vmem_shared>>) offsets(%dma_start3A_239 : memref<128xi32, #tpu.memory_space<vmem>>) semaphore(%arg20 : memref<!tpu.dma_semaphore, #tpu.memory_space<semaphore_mem>>) {add = true}
      }
      %scan3A_93 = arith.constant 40 : i32
      %dma_wait3A = arith.constant 159 : i32
      %dma_wait3A_94 = arith.constant 0 : i32
      %dma_wait3A_95 = tpu.memref_slice %arg7[%dma_wait3A, %dma_wait3A_94] : memref<160x128xi32, #tpu.memory_space<vmem>> -> memref<1x128xi32, #tpu.memory_space<vmem>>
      %dma_wait3A_96 = tpu.memref_squeeze %dma_wait3A_95 : memref<1x128xi32, #tpu.memory_space<vmem>> -> memref<128xi32, #tpu.memory_space<vmem>>
      %dma_wait3A_97 = arith.constant 0 : i32
      %dma_wait3A_98 = arith.constant 0 : i32
      %dma_wait3A_99 = tpu.memref_slice %arg2[%dma_wait3A_97, %dma_wait3A_98] : memref<10240x64xf32, #tpu.memory_space<hbm>> -> memref<10240x64xf32, #tpu.memory_space<hbm>>
      tpu.wait_indirect_dma semaphore(%arg13 : memref<!tpu.dma_semaphore, #tpu.memory_space<semaphore_mem>>) src(%dma_wait3A_99 : memref<10240x64xf32, #tpu.memory_space<hbm>>) dst(%arg9 : memref<128x64xf32, #tpu.memory_space<vmem>>)
      %dma_wait3A_100 = arith.constant 158 : i32
      %dma_wait3A_101 = arith.constant 0 : i32
      %dma_wait3A_102 = tpu.memref_slice %arg8[%dma_wait3A_100, %dma_wait3A_101] : memref<160x128xi32, #tpu.memory_space<vmem>> -> memref<1x128xi32, #tpu.memory_space<vmem>>
      %dma_wait3A_103 = tpu.memref_squeeze %dma_wait3A_102 : memref<1x128xi32, #tpu.memory_space<vmem>> -> memref<128xi32, #tpu.memory_space<vmem>>
      %dma_wait3A_104 = arith.constant 0 : i32
      %dma_wait3A_105 = arith.constant 0 : i32
      %dma_wait3A_106 = tpu.memref_slice %arg21[%dma_wait3A_104, %dma_wait3A_105] : memref<10240x64xf32, #tpu.memory_space<vmem_shared>> -> memref<10240x64xf32, #tpu.memory_space<vmem_shared>>
      tpu.wait_indirect_dma semaphore(%arg19 : memref<!tpu.dma_semaphore, #tpu.memory_space<semaphore_mem>>) src(%arg11 : memref<128x64xf32, #tpu.memory_space<vmem>>) dst(%dma_wait3A_106 : memref<10240x64xf32, #tpu.memory_space<vmem_shared>>)
      %dma_wait3A_107 = arith.constant 159 : i32
      %dma_wait3A_108 = arith.constant 0 : i32
      %dma_wait3A_109 = tpu.memref_slice %arg7[%dma_wait3A_107, %dma_wait3A_108] : memref<160x128xi32, #tpu.memory_space<vmem>> -> memref<1x128xi32, #tpu.memory_space<vmem>>
      %dma_wait3A_110 = tpu.memref_squeeze %dma_wait3A_109 : memref<1x128xi32, #tpu.memory_space<vmem>> -> memref<128xi32, #tpu.memory_space<vmem>>
      %dma_wait3A_111 = arith.constant 0 : i32
      %dma_wait3A_112 = arith.constant 0 : i32
      %dma_wait3A_113 = tpu.memref_slice %arg2[%dma_wait3A_111, %dma_wait3A_112] : memref<10240x64xf32, #tpu.memory_space<hbm>> -> memref<10240x64xf32, #tpu.memory_space<hbm>>
      tpu.wait_indirect_dma semaphore(%arg14 : memref<!tpu.dma_semaphore, #tpu.memory_space<semaphore_mem>>) src(%dma_wait3A_113 : memref<10240x64xf32, #tpu.memory_space<hbm>>) dst(%arg10 : memref<128x64xf32, #tpu.memory_space<vmem>>)
      %dma_wait3A_114 = arith.constant 159 : i32
      %dma_wait3A_115 = arith.constant 0 : i32
      %dma_wait3A_116 = tpu.memref_slice %arg8[%dma_wait3A_114, %dma_wait3A_115] : memref<160x128xi32, #tpu.memory_space<vmem>> -> memref<1x128xi32, #tpu.memory_space<vmem>>
      %dma_wait3A_117 = tpu.memref_squeeze %dma_wait3A_116 : memref<1x128xi32, #tpu.memory_space<vmem>> -> memref<128xi32, #tpu.memory_space<vmem>>
      %dma_wait3A_118 = arith.constant 0 : i32
      %dma_wait3A_119 = arith.constant 0 : i32
      %dma_wait3A_120 = tpu.memref_slice %arg21[%dma_wait3A_118, %dma_wait3A_119] : memref<10240x64xf32, #tpu.memory_space<vmem_shared>> -> memref<10240x64xf32, #tpu.memory_space<vmem_shared>>
      tpu.wait_indirect_dma semaphore(%arg20 : memref<!tpu.dma_semaphore, #tpu.memory_space<semaphore_mem>>) src(%arg12 : memref<128x64xf32, #tpu.memory_space<vmem>>) dst(%dma_wait3A_120 : memref<10240x64xf32, #tpu.memory_space<vmem_shared>>)
    } else {
    }
    %eq3A_29 = arith.constant 1 : i32
    %eq3A_30 = arith.cmpi eq, %arg0, %eq3A_29 : i32
    %convert_element_type3A_31 = arith.extui %eq3A_30 : i1 to i32
    %cond3A_32 = arith.constant 0 : i32
    %cond3A_33 = arith.cmpi ne, %convert_element_type3A_31, %cond3A_32 : i32
    scf.if %cond3A_33 {
      %dma_start3A = arith.constant 0 : i32
      %dma_start3A_75 = arith.constant 0 : i32
      %dma_start3A_76 = tpu.memref_slice %arg7[%dma_start3A, %dma_start3A_75] : memref<160x128xi32, #tpu.memory_space<vmem>> -> memref<1x128xi32, #tpu.memory_space<vmem>>
      %dma_start3A_77 = tpu.memref_squeeze %dma_start3A_76 : memref<1x128xi32, #tpu.memory_space<vmem>> -> memref<128xi32, #tpu.memory_space<vmem>>
      %dma_start3A_78 = arith.constant 0 : i32
      %dma_start3A_79 = arith.constant 0 : i32
      %dma_start3A_80 = tpu.memref_slice %arg3[%dma_start3A_78, %dma_start3A_79] : memref<10240x64xf32, #tpu.memory_space<hbm>> -> memref<10240x64xf32, #tpu.memory_space<hbm>>
      tpu.enqueue_indirect_dma source(%dma_start3A_80 : memref<10240x64xf32, #tpu.memory_space<hbm>>) target(%arg9 : memref<128x64xf32, #tpu.memory_space<vmem>>) offsets(%dma_start3A_77 : memref<128xi32, #tpu.memory_space<vmem>>) semaphore(%arg13 : memref<!tpu.dma_semaphore, #tpu.memory_space<semaphore_mem>>)
      %dma_start3A_81 = arith.constant 1 : i32
      %dma_start3A_82 = arith.constant 0 : i32
      %dma_start3A_83 = tpu.memref_slice %arg7[%dma_start3A_81, %dma_start3A_82] : memref<160x128xi32, #tpu.memory_space<vmem>> -> memref<1x128xi32, #tpu.memory_space<vmem>>
      %dma_start3A_84 = tpu.memref_squeeze %dma_start3A_83 : memref<1x128xi32, #tpu.memory_space<vmem>> -> memref<128xi32, #tpu.memory_space<vmem>>
      %dma_start3A_85 = arith.constant 0 : i32
      %dma_start3A_86 = arith.constant 0 : i32
      %dma_start3A_87 = tpu.memref_slice %arg3[%dma_start3A_85, %dma_start3A_86] : memref<10240x64xf32, #tpu.memory_space<hbm>> -> memref<10240x64xf32, #tpu.memory_space<hbm>>
      tpu.enqueue_indirect_dma source(%dma_start3A_87 : memref<10240x64xf32, #tpu.memory_space<hbm>>) target(%arg10 : memref<128x64xf32, #tpu.memory_space<vmem>>) offsets(%dma_start3A_84 : memref<128xi32, #tpu.memory_space<vmem>>) semaphore(%arg14 : memref<!tpu.dma_semaphore, #tpu.memory_space<semaphore_mem>>)
      %scan3A_88 = arith.constant 0 : i32
      %scan3A_89 = arith.constant 0 : i32
      %scan3A_90 = arith.constant 40 : i32
      %scan3A_91 = arith.addi %scan3A_89, %scan3A_90 : i32
      %scan3A_92 = arith.constant 1 : i32
      scf.for %scan3A_121 = %scan3A_89 to %scan3A_91 step %scan3A_92  : i32 {
        %mul3A_122 = arith.constant 4 : i32
        %mul3A_123 = arith.muli %scan3A_121, %mul3A_122 : i32
        %add3A_124 = arith.constant 0 : i32
        %add3A_125 = arith.addi %mul3A_123, %add3A_124 : i32
        %gt3A = arith.constant 0 : i32
        %gt3A_126 = arith.cmpi sgt, %scan3A_121, %gt3A : i32
        %convert_element_type3A_127 = arith.extui %gt3A_126 : i1 to i32
        %cond3A_128 = arith.constant 0 : i32
        %cond3A_129 = arith.cmpi ne, %convert_element_type3A_127, %cond3A_128 : i32
        scf.if %cond3A_129 {
          %sub3A_243 = arith.constant 2 : i32
          %sub3A_244 = arith.subi %add3A_125, %sub3A_243 : i32
          %dma_wait3A_245 = arith.constant 0 : i32
          %dma_wait3A_246 = tpu.memref_slice %arg8[%sub3A_244, %dma_wait3A_245] : memref<160x128xi32, #tpu.memory_space<vmem>> -> memref<1x128xi32, #tpu.memory_space<vmem>>
          %dma_wait3A_247 = tpu.memref_squeeze %dma_wait3A_246 : memref<1x128xi32, #tpu.memory_space<vmem>> -> memref<128xi32, #tpu.memory_space<vmem>>
          %dma_wait3A_248 = arith.constant 0 : i32
          %dma_wait3A_249 = arith.constant 0 : i32
          %dma_wait3A_250 = tpu.memref_slice %arg21[%dma_wait3A_248, %dma_wait3A_249] : memref<10240x64xf32, #tpu.memory_space<vmem_shared>> -> memref<10240x64xf32, #tpu.memory_space<vmem_shared>>
          tpu.wait_indirect_dma semaphore(%arg19 : memref<!tpu.dma_semaphore, #tpu.memory_space<semaphore_mem>>) src(%arg11 : memref<128x64xf32, #tpu.memory_space<vmem>>) dst(%dma_wait3A_250 : memref<10240x64xf32, #tpu.memory_space<vmem_shared>>)
        } else {
        }
        %add3A_130 = arith.constant 2 : i32
        %add3A_131 = arith.addi %add3A_125, %add3A_130 : i32
        %min3A = arith.constant 159 : i32
        %min3A_132 = arith.minsi %add3A_131, %min3A : i32
        %dma_start3A_133 = arith.constant 0 : i32
        %dma_start3A_134 = tpu.memref_slice %arg7[%min3A_132, %dma_start3A_133] : memref<160x128xi32, #tpu.memory_space<vmem>> -> memref<1x128xi32, #tpu.memory_space<vmem>>
        %dma_start3A_135 = tpu.memref_squeeze %dma_start3A_134 : memref<1x128xi32, #tpu.memory_space<vmem>> -> memref<128xi32, #tpu.memory_space<vmem>>
        %dma_start3A_136 = arith.constant 0 : i32
        %dma_start3A_137 = arith.constant 0 : i32
        %dma_start3A_138 = tpu.memref_slice %arg3[%dma_start3A_136, %dma_start3A_137] : memref<10240x64xf32, #tpu.memory_space<hbm>> -> memref<10240x64xf32, #tpu.memory_space<hbm>>
        tpu.enqueue_indirect_dma source(%dma_start3A_138 : memref<10240x64xf32, #tpu.memory_space<hbm>>) target(%arg11 : memref<128x64xf32, #tpu.memory_space<vmem>>) offsets(%dma_start3A_135 : memref<128xi32, #tpu.memory_space<vmem>>) semaphore(%arg15 : memref<!tpu.dma_semaphore, #tpu.memory_space<semaphore_mem>>)
        %dma_wait3A_139 = arith.constant 0 : i32
        %dma_wait3A_140 = tpu.memref_slice %arg7[%add3A_125, %dma_wait3A_139] : memref<160x128xi32, #tpu.memory_space<vmem>> -> memref<1x128xi32, #tpu.memory_space<vmem>>
        %dma_wait3A_141 = tpu.memref_squeeze %dma_wait3A_140 : memref<1x128xi32, #tpu.memory_space<vmem>> -> memref<128xi32, #tpu.memory_space<vmem>>
        %dma_wait3A_142 = arith.constant 0 : i32
        %dma_wait3A_143 = arith.constant 0 : i32
        %dma_wait3A_144 = tpu.memref_slice %arg3[%dma_wait3A_142, %dma_wait3A_143] : memref<10240x64xf32, #tpu.memory_space<hbm>> -> memref<10240x64xf32, #tpu.memory_space<hbm>>
        tpu.wait_indirect_dma semaphore(%arg13 : memref<!tpu.dma_semaphore, #tpu.memory_space<semaphore_mem>>) src(%dma_wait3A_144 : memref<10240x64xf32, #tpu.memory_space<hbm>>) dst(%arg9 : memref<128x64xf32, #tpu.memory_space<vmem>>)
        %dma_start3A_145 = arith.constant 0 : i32
        %dma_start3A_146 = tpu.memref_slice %arg8[%add3A_125, %dma_start3A_145] : memref<160x128xi32, #tpu.memory_space<vmem>> -> memref<1x128xi32, #tpu.memory_space<vmem>>
        %dma_start3A_147 = tpu.memref_squeeze %dma_start3A_146 : memref<1x128xi32, #tpu.memory_space<vmem>> -> memref<128xi32, #tpu.memory_space<vmem>>
        %dma_start3A_148 = arith.constant 0 : i32
        %dma_start3A_149 = arith.constant 0 : i32
        %dma_start3A_150 = tpu.memref_slice %arg21[%dma_start3A_148, %dma_start3A_149] : memref<10240x64xf32, #tpu.memory_space<vmem_shared>> -> memref<10240x64xf32, #tpu.memory_space<vmem_shared>>
        tpu.enqueue_indirect_dma source(%arg9 : memref<128x64xf32, #tpu.memory_space<vmem>>) target(%dma_start3A_150 : memref<10240x64xf32, #tpu.memory_space<vmem_shared>>) offsets(%dma_start3A_147 : memref<128xi32, #tpu.memory_space<vmem>>) semaphore(%arg17 : memref<!tpu.dma_semaphore, #tpu.memory_space<semaphore_mem>>) {add = true}
        %add3A_151 = arith.constant 1 : i32
        %add3A_152 = arith.addi %mul3A_123, %add3A_151 : i32
        %gt3A_153 = arith.constant 0 : i32
        %gt3A_154 = arith.cmpi sgt, %scan3A_121, %gt3A_153 : i32
        %convert_element_type3A_155 = arith.extui %gt3A_154 : i1 to i32
        %cond3A_156 = arith.constant 0 : i32
        %cond3A_157 = arith.cmpi ne, %convert_element_type3A_155, %cond3A_156 : i32
        scf.if %cond3A_157 {
          %sub3A_243 = arith.constant 2 : i32
          %sub3A_244 = arith.subi %add3A_152, %sub3A_243 : i32
          %dma_wait3A_245 = arith.constant 0 : i32
          %dma_wait3A_246 = tpu.memref_slice %arg8[%sub3A_244, %dma_wait3A_245] : memref<160x128xi32, #tpu.memory_space<vmem>> -> memref<1x128xi32, #tpu.memory_space<vmem>>
          %dma_wait3A_247 = tpu.memref_squeeze %dma_wait3A_246 : memref<1x128xi32, #tpu.memory_space<vmem>> -> memref<128xi32, #tpu.memory_space<vmem>>
          %dma_wait3A_248 = arith.constant 0 : i32
          %dma_wait3A_249 = arith.constant 0 : i32
          %dma_wait3A_250 = tpu.memref_slice %arg21[%dma_wait3A_248, %dma_wait3A_249] : memref<10240x64xf32, #tpu.memory_space<vmem_shared>> -> memref<10240x64xf32, #tpu.memory_space<vmem_shared>>
          tpu.wait_indirect_dma semaphore(%arg20 : memref<!tpu.dma_semaphore, #tpu.memory_space<semaphore_mem>>) src(%arg12 : memref<128x64xf32, #tpu.memory_space<vmem>>) dst(%dma_wait3A_250 : memref<10240x64xf32, #tpu.memory_space<vmem_shared>>)
        } else {
        }
        %add3A_158 = arith.constant 2 : i32
        %add3A_159 = arith.addi %add3A_152, %add3A_158 : i32
        %min3A_160 = arith.constant 159 : i32
        %min3A_161 = arith.minsi %add3A_159, %min3A_160 : i32
        %dma_start3A_162 = arith.constant 0 : i32
        %dma_start3A_163 = tpu.memref_slice %arg7[%min3A_161, %dma_start3A_162] : memref<160x128xi32, #tpu.memory_space<vmem>> -> memref<1x128xi32, #tpu.memory_space<vmem>>
        %dma_start3A_164 = tpu.memref_squeeze %dma_start3A_163 : memref<1x128xi32, #tpu.memory_space<vmem>> -> memref<128xi32, #tpu.memory_space<vmem>>
        %dma_start3A_165 = arith.constant 0 : i32
        %dma_start3A_166 = arith.constant 0 : i32
        %dma_start3A_167 = tpu.memref_slice %arg3[%dma_start3A_165, %dma_start3A_166] : memref<10240x64xf32, #tpu.memory_space<hbm>> -> memref<10240x64xf32, #tpu.memory_space<hbm>>
        tpu.enqueue_indirect_dma source(%dma_start3A_167 : memref<10240x64xf32, #tpu.memory_space<hbm>>) target(%arg12 : memref<128x64xf32, #tpu.memory_space<vmem>>) offsets(%dma_start3A_164 : memref<128xi32, #tpu.memory_space<vmem>>) semaphore(%arg16 : memref<!tpu.dma_semaphore, #tpu.memory_space<semaphore_mem>>)
        %dma_wait3A_168 = arith.constant 0 : i32
        %dma_wait3A_169 = tpu.memref_slice %arg7[%add3A_152, %dma_wait3A_168] : memref<160x128xi32, #tpu.memory_space<vmem>> -> memref<1x128xi32, #tpu.memory_space<vmem>>
        %dma_wait3A_170 = tpu.memref_squeeze %dma_wait3A_169 : memref<1x128xi32, #tpu.memory_space<vmem>> -> memref<128xi32, #tpu.memory_space<vmem>>
        %dma_wait3A_171 = arith.constant 0 : i32
        %dma_wait3A_172 = arith.constant 0 : i32
        %dma_wait3A_173 = tpu.memref_slice %arg3[%dma_wait3A_171, %dma_wait3A_172] : memref<10240x64xf32, #tpu.memory_space<hbm>> -> memref<10240x64xf32, #tpu.memory_space<hbm>>
        tpu.wait_indirect_dma semaphore(%arg14 : memref<!tpu.dma_semaphore, #tpu.memory_space<semaphore_mem>>) src(%dma_wait3A_173 : memref<10240x64xf32, #tpu.memory_space<hbm>>) dst(%arg10 : memref<128x64xf32, #tpu.memory_space<vmem>>)
        %dma_start3A_174 = arith.constant 0 : i32
        %dma_start3A_175 = tpu.memref_slice %arg8[%add3A_152, %dma_start3A_174] : memref<160x128xi32, #tpu.memory_space<vmem>> -> memref<1x128xi32, #tpu.memory_space<vmem>>
        %dma_start3A_176 = tpu.memref_squeeze %dma_start3A_175 : memref<1x128xi32, #tpu.memory_space<vmem>> -> memref<128xi32, #tpu.memory_space<vmem>>
        %dma_start3A_177 = arith.constant 0 : i32
        %dma_start3A_178 = arith.constant 0 : i32
        %dma_start3A_179 = tpu.memref_slice %arg21[%dma_start3A_177, %dma_start3A_178] : memref<10240x64xf32, #tpu.memory_space<vmem_shared>> -> memref<10240x64xf32, #tpu.memory_space<vmem_shared>>
        tpu.enqueue_indirect_dma source(%arg10 : memref<128x64xf32, #tpu.memory_space<vmem>>) target(%dma_start3A_179 : memref<10240x64xf32, #tpu.memory_space<vmem_shared>>) offsets(%dma_start3A_176 : memref<128xi32, #tpu.memory_space<vmem>>) semaphore(%arg18 : memref<!tpu.dma_semaphore, #tpu.memory_space<semaphore_mem>>) {add = true}
        %add3A_180 = arith.constant 2 : i32
        %add3A_181 = arith.addi %mul3A_123, %add3A_180 : i32
        %sub3A = arith.constant 2 : i32
        %sub3A_182 = arith.subi %add3A_181, %sub3A : i32
        %dma_wait3A_183 = arith.constant 0 : i32
        %dma_wait3A_184 = tpu.memref_slice %arg8[%sub3A_182, %dma_wait3A_183] : memref<160x128xi32, #tpu.memory_space<vmem>> -> memref<1x128xi32, #tpu.memory_space<vmem>>
        %dma_wait3A_185 = tpu.memref_squeeze %dma_wait3A_184 : memref<1x128xi32, #tpu.memory_space<vmem>> -> memref<128xi32, #tpu.memory_space<vmem>>
        %dma_wait3A_186 = arith.constant 0 : i32
        %dma_wait3A_187 = arith.constant 0 : i32
        %dma_wait3A_188 = tpu.memref_slice %arg21[%dma_wait3A_186, %dma_wait3A_187] : memref<10240x64xf32, #tpu.memory_space<vmem_shared>> -> memref<10240x64xf32, #tpu.memory_space<vmem_shared>>
        tpu.wait_indirect_dma semaphore(%arg17 : memref<!tpu.dma_semaphore, #tpu.memory_space<semaphore_mem>>) src(%arg9 : memref<128x64xf32, #tpu.memory_space<vmem>>) dst(%dma_wait3A_188 : memref<10240x64xf32, #tpu.memory_space<vmem_shared>>)
        %add3A_189 = arith.constant 2 : i32
        %add3A_190 = arith.addi %add3A_181, %add3A_189 : i32
        %min3A_191 = arith.constant 159 : i32
        %min3A_192 = arith.minsi %add3A_190, %min3A_191 : i32
        %dma_start3A_193 = arith.constant 0 : i32
        %dma_start3A_194 = tpu.memref_slice %arg7[%min3A_192, %dma_start3A_193] : memref<160x128xi32, #tpu.memory_space<vmem>> -> memref<1x128xi32, #tpu.memory_space<vmem>>
        %dma_start3A_195 = tpu.memref_squeeze %dma_start3A_194 : memref<1x128xi32, #tpu.memory_space<vmem>> -> memref<128xi32, #tpu.memory_space<vmem>>
        %dma_start3A_196 = arith.constant 0 : i32
        %dma_start3A_197 = arith.constant 0 : i32
        %dma_start3A_198 = tpu.memref_slice %arg3[%dma_start3A_196, %dma_start3A_197] : memref<10240x64xf32, #tpu.memory_space<hbm>> -> memref<10240x64xf32, #tpu.memory_space<hbm>>
        tpu.enqueue_indirect_dma source(%dma_start3A_198 : memref<10240x64xf32, #tpu.memory_space<hbm>>) target(%arg9 : memref<128x64xf32, #tpu.memory_space<vmem>>) offsets(%dma_start3A_195 : memref<128xi32, #tpu.memory_space<vmem>>) semaphore(%arg13 : memref<!tpu.dma_semaphore, #tpu.memory_space<semaphore_mem>>)
        %dma_wait3A_199 = arith.constant 0 : i32
        %dma_wait3A_200 = tpu.memref_slice %arg7[%add3A_181, %dma_wait3A_199] : memref<160x128xi32, #tpu.memory_space<vmem>> -> memref<1x128xi32, #tpu.memory_space<vmem>>
        %dma_wait3A_201 = tpu.memref_squeeze %dma_wait3A_200 : memref<1x128xi32, #tpu.memory_space<vmem>> -> memref<128xi32, #tpu.memory_space<vmem>>
        %dma_wait3A_202 = arith.constant 0 : i32
        %dma_wait3A_203 = arith.constant 0 : i32
        %dma_wait3A_204 = tpu.memref_slice %arg3[%dma_wait3A_202, %dma_wait3A_203] : memref<10240x64xf32, #tpu.memory_space<hbm>> -> memref<10240x64xf32, #tpu.memory_space<hbm>>
        tpu.wait_indirect_dma semaphore(%arg15 : memref<!tpu.dma_semaphore, #tpu.memory_space<semaphore_mem>>) src(%dma_wait3A_204 : memref<10240x64xf32, #tpu.memory_space<hbm>>) dst(%arg11 : memref<128x64xf32, #tpu.memory_space<vmem>>)
        %dma_start3A_205 = arith.constant 0 : i32
        %dma_start3A_206 = tpu.memref_slice %arg8[%add3A_181, %dma_start3A_205] : memref<160x128xi32, #tpu.memory_space<vmem>> -> memref<1x128xi32, #tpu.memory_space<vmem>>
        %dma_start3A_207 = tpu.memref_squeeze %dma_start3A_206 : memref<1x128xi32, #tpu.memory_space<vmem>> -> memref<128xi32, #tpu.memory_space<vmem>>
        %dma_start3A_208 = arith.constant 0 : i32
        %dma_start3A_209 = arith.constant 0 : i32
        %dma_start3A_210 = tpu.memref_slice %arg21[%dma_start3A_208, %dma_start3A_209] : memref<10240x64xf32, #tpu.memory_space<vmem_shared>> -> memref<10240x64xf32, #tpu.memory_space<vmem_shared>>
        tpu.enqueue_indirect_dma source(%arg11 : memref<128x64xf32, #tpu.memory_space<vmem>>) target(%dma_start3A_210 : memref<10240x64xf32, #tpu.memory_space<vmem_shared>>) offsets(%dma_start3A_207 : memref<128xi32, #tpu.memory_space<vmem>>) semaphore(%arg19 : memref<!tpu.dma_semaphore, #tpu.memory_space<semaphore_mem>>) {add = true}
        %add3A_211 = arith.constant 3 : i32
        %add3A_212 = arith.addi %mul3A_123, %add3A_211 : i32
        %sub3A_213 = arith.constant 2 : i32
        %sub3A_214 = arith.subi %add3A_212, %sub3A_213 : i32
        %dma_wait3A_215 = arith.constant 0 : i32
        %dma_wait3A_216 = tpu.memref_slice %arg8[%sub3A_214, %dma_wait3A_215] : memref<160x128xi32, #tpu.memory_space<vmem>> -> memref<1x128xi32, #tpu.memory_space<vmem>>
        %dma_wait3A_217 = tpu.memref_squeeze %dma_wait3A_216 : memref<1x128xi32, #tpu.memory_space<vmem>> -> memref<128xi32, #tpu.memory_space<vmem>>
        %dma_wait3A_218 = arith.constant 0 : i32
        %dma_wait3A_219 = arith.constant 0 : i32
        %dma_wait3A_220 = tpu.memref_slice %arg21[%dma_wait3A_218, %dma_wait3A_219] : memref<10240x64xf32, #tpu.memory_space<vmem_shared>> -> memref<10240x64xf32, #tpu.memory_space<vmem_shared>>
        tpu.wait_indirect_dma semaphore(%arg18 : memref<!tpu.dma_semaphore, #tpu.memory_space<semaphore_mem>>) src(%arg10 : memref<128x64xf32, #tpu.memory_space<vmem>>) dst(%dma_wait3A_220 : memref<10240x64xf32, #tpu.memory_space<vmem_shared>>)
        %add3A_221 = arith.constant 2 : i32
        %add3A_222 = arith.addi %add3A_212, %add3A_221 : i32
        %min3A_223 = arith.constant 159 : i32
        %min3A_224 = arith.minsi %add3A_222, %min3A_223 : i32
        %dma_start3A_225 = arith.constant 0 : i32
        %dma_start3A_226 = tpu.memref_slice %arg7[%min3A_224, %dma_start3A_225] : memref<160x128xi32, #tpu.memory_space<vmem>> -> memref<1x128xi32, #tpu.memory_space<vmem>>
        %dma_start3A_227 = tpu.memref_squeeze %dma_start3A_226 : memref<1x128xi32, #tpu.memory_space<vmem>> -> memref<128xi32, #tpu.memory_space<vmem>>
        %dma_start3A_228 = arith.constant 0 : i32
        %dma_start3A_229 = arith.constant 0 : i32
        %dma_start3A_230 = tpu.memref_slice %arg3[%dma_start3A_228, %dma_start3A_229] : memref<10240x64xf32, #tpu.memory_space<hbm>> -> memref<10240x64xf32, #tpu.memory_space<hbm>>
        tpu.enqueue_indirect_dma source(%dma_start3A_230 : memref<10240x64xf32, #tpu.memory_space<hbm>>) target(%arg10 : memref<128x64xf32, #tpu.memory_space<vmem>>) offsets(%dma_start3A_227 : memref<128xi32, #tpu.memory_space<vmem>>) semaphore(%arg14 : memref<!tpu.dma_semaphore, #tpu.memory_space<semaphore_mem>>)
        %dma_wait3A_231 = arith.constant 0 : i32
        %dma_wait3A_232 = tpu.memref_slice %arg7[%add3A_212, %dma_wait3A_231] : memref<160x128xi32, #tpu.memory_space<vmem>> -> memref<1x128xi32, #tpu.memory_space<vmem>>
        %dma_wait3A_233 = tpu.memref_squeeze %dma_wait3A_232 : memref<1x128xi32, #tpu.memory_space<vmem>> -> memref<128xi32, #tpu.memory_space<vmem>>
        %dma_wait3A_234 = arith.constant 0 : i32
        %dma_wait3A_235 = arith.constant 0 : i32
        %dma_wait3A_236 = tpu.memref_slice %arg3[%dma_wait3A_234, %dma_wait3A_235] : memref<10240x64xf32, #tpu.memory_space<hbm>> -> memref<10240x64xf32, #tpu.memory_space<hbm>>
        tpu.wait_indirect_dma semaphore(%arg16 : memref<!tpu.dma_semaphore, #tpu.memory_space<semaphore_mem>>) src(%dma_wait3A_236 : memref<10240x64xf32, #tpu.memory_space<hbm>>) dst(%arg12 : memref<128x64xf32, #tpu.memory_space<vmem>>)
        %dma_start3A_237 = arith.constant 0 : i32
        %dma_start3A_238 = tpu.memref_slice %arg8[%add3A_212, %dma_start3A_237] : memref<160x128xi32, #tpu.memory_space<vmem>> -> memref<1x128xi32, #tpu.memory_space<vmem>>
        %dma_start3A_239 = tpu.memref_squeeze %dma_start3A_238 : memref<1x128xi32, #tpu.memory_space<vmem>> -> memref<128xi32, #tpu.memory_space<vmem>>
        %dma_start3A_240 = arith.constant 0 : i32
        %dma_start3A_241 = arith.constant 0 : i32
        %dma_start3A_242 = tpu.memref_slice %arg21[%dma_start3A_240, %dma_start3A_241] : memref<10240x64xf32, #tpu.memory_space<vmem_shared>> -> memref<10240x64xf32, #tpu.memory_space<vmem_shared>>
        tpu.enqueue_indirect_dma source(%arg12 : memref<128x64xf32, #tpu.memory_space<vmem>>) target(%dma_start3A_242 : memref<10240x64xf32, #tpu.memory_space<vmem_shared>>) offsets(%dma_start3A_239 : memref<128xi32, #tpu.memory_space<vmem>>) semaphore(%arg20 : memref<!tpu.dma_semaphore, #tpu.memory_space<semaphore_mem>>) {add = true}
      }
      %scan3A_93 = arith.constant 40 : i32
      %dma_wait3A = arith.constant 159 : i32
      %dma_wait3A_94 = arith.constant 0 : i32
      %dma_wait3A_95 = tpu.memref_slice %arg7[%dma_wait3A, %dma_wait3A_94] : memref<160x128xi32, #tpu.memory_space<vmem>> -> memref<1x128xi32, #tpu.memory_space<vmem>>
      %dma_wait3A_96 = tpu.memref_squeeze %dma_wait3A_95 : memref<1x128xi32, #tpu.memory_space<vmem>> -> memref<128xi32, #tpu.memory_space<vmem>>
      %dma_wait3A_97 = arith.constant 0 : i32
      %dma_wait3A_98 = arith.constant 0 : i32
      %dma_wait3A_99 = tpu.memref_slice %arg3[%dma_wait3A_97, %dma_wait3A_98] : memref<10240x64xf32, #tpu.memory_space<hbm>> -> memref<10240x64xf32, #tpu.memory_space<hbm>>
      tpu.wait_indirect_dma semaphore(%arg13 : memref<!tpu.dma_semaphore, #tpu.memory_space<semaphore_mem>>) src(%dma_wait3A_99 : memref<10240x64xf32, #tpu.memory_space<hbm>>) dst(%arg9 : memref<128x64xf32, #tpu.memory_space<vmem>>)
      %dma_wait3A_100 = arith.constant 158 : i32
      %dma_wait3A_101 = arith.constant 0 : i32
      %dma_wait3A_102 = tpu.memref_slice %arg8[%dma_wait3A_100, %dma_wait3A_101] : memref<160x128xi32, #tpu.memory_space<vmem>> -> memref<1x128xi32, #tpu.memory_space<vmem>>
      %dma_wait3A_103 = tpu.memref_squeeze %dma_wait3A_102 : memref<1x128xi32, #tpu.memory_space<vmem>> -> memref<128xi32, #tpu.memory_space<vmem>>
      %dma_wait3A_104 = arith.constant 0 : i32
      %dma_wait3A_105 = arith.constant 0 : i32
      %dma_wait3A_106 = tpu.memref_slice %arg21[%dma_wait3A_104, %dma_wait3A_105] : memref<10240x64xf32, #tpu.memory_space<vmem_shared>> -> memref<10240x64xf32, #tpu.memory_space<vmem_shared>>
      tpu.wait_indirect_dma semaphore(%arg19 : memref<!tpu.dma_semaphore, #tpu.memory_space<semaphore_mem>>) src(%arg11 : memref<128x64xf32, #tpu.memory_space<vmem>>) dst(%dma_wait3A_106 : memref<10240x64xf32, #tpu.memory_space<vmem_shared>>)
      %dma_wait3A_107 = arith.constant 159 : i32
      %dma_wait3A_108 = arith.constant 0 : i32
      %dma_wait3A_109 = tpu.memref_slice %arg7[%dma_wait3A_107, %dma_wait3A_108] : memref<160x128xi32, #tpu.memory_space<vmem>> -> memref<1x128xi32, #tpu.memory_space<vmem>>
      %dma_wait3A_110 = tpu.memref_squeeze %dma_wait3A_109 : memref<1x128xi32, #tpu.memory_space<vmem>> -> memref<128xi32, #tpu.memory_space<vmem>>
      %dma_wait3A_111 = arith.constant 0 : i32
      %dma_wait3A_112 = arith.constant 0 : i32
      %dma_wait3A_113 = tpu.memref_slice %arg3[%dma_wait3A_111, %dma_wait3A_112] : memref<10240x64xf32, #tpu.memory_space<hbm>> -> memref<10240x64xf32, #tpu.memory_space<hbm>>
      tpu.wait_indirect_dma semaphore(%arg14 : memref<!tpu.dma_semaphore, #tpu.memory_space<semaphore_mem>>) src(%dma_wait3A_113 : memref<10240x64xf32, #tpu.memory_space<hbm>>) dst(%arg10 : memref<128x64xf32, #tpu.memory_space<vmem>>)
      %dma_wait3A_114 = arith.constant 159 : i32
      %dma_wait3A_115 = arith.constant 0 : i32
      %dma_wait3A_116 = tpu.memref_slice %arg8[%dma_wait3A_114, %dma_wait3A_115] : memref<160x128xi32, #tpu.memory_space<vmem>> -> memref<1x128xi32, #tpu.memory_space<vmem>>
      %dma_wait3A_117 = tpu.memref_squeeze %dma_wait3A_116 : memref<1x128xi32, #tpu.memory_space<vmem>> -> memref<128xi32, #tpu.memory_space<vmem>>
      %dma_wait3A_118 = arith.constant 0 : i32
      %dma_wait3A_119 = arith.constant 0 : i32
      %dma_wait3A_120 = tpu.memref_slice %arg21[%dma_wait3A_118, %dma_wait3A_119] : memref<10240x64xf32, #tpu.memory_space<vmem_shared>> -> memref<10240x64xf32, #tpu.memory_space<vmem_shared>>
      tpu.wait_indirect_dma semaphore(%arg20 : memref<!tpu.dma_semaphore, #tpu.memory_space<semaphore_mem>>) src(%arg12 : memref<128x64xf32, #tpu.memory_space<vmem>>) dst(%dma_wait3A_120 : memref<10240x64xf32, #tpu.memory_space<vmem_shared>>)
    } else {
    }
    %barrier3A_34 = arith.constant 0 : index
    tpu.barrier barrier_id(%barrier3A_34)
    %mul3A_35 = arith.constant 640 : i32
    %mul3A_36 = arith.muli %arg1, %mul3A_35 : i32
    %add3A_37 = arith.constant 0 : i32
    %add3A_38 = arith.addi %mul3A_36, %add3A_37 : i32
    %mul3A_39 = arith.constant 640 : i32
    %mul3A_40 = arith.muli %arg1, %mul3A_39 : i32
    %add3A_41 = arith.constant 0 : i32
    %add3A_42 = arith.addi %mul3A_40, %add3A_41 : i32
    "tpu.region"() ({
      %run_scoped3A = tpu.sem_alloc : memref<!tpu.dma_semaphore, #tpu.memory_space<semaphore_mem>>
      %dma_start3A = arith.constant 0 : i32
      %dma_start3A_75 = tpu.memref_slice %arg6[%arg0, %add3A_42, %dma_start3A] : memref<2x10240x64xf32, #tpu.memory_space<hbm>> -> memref<1x128x64xf32, #tpu.memory_space<hbm>>
      %dma_start3A_76 = tpu.memref_squeeze %dma_start3A_75 : memref<1x128x64xf32, #tpu.memory_space<hbm>> -> memref<128x64xf32, #tpu.memory_space<hbm>>
      %dma_start3A_77 = arith.constant 0 : i32
      %dma_start3A_78 = tpu.memref_slice %arg21[%add3A_38, %dma_start3A_77] : memref<10240x64xf32, #tpu.memory_space<vmem_shared>> -> memref<128x64xf32, #tpu.memory_space<vmem_shared>>
      tpu.enqueue_dma source(%dma_start3A_78 : memref<128x64xf32, #tpu.memory_space<vmem_shared>>) target(%dma_start3A_76 : memref<128x64xf32, #tpu.memory_space<hbm>>) target_semaphore(%run_scoped3A : memref<!tpu.dma_semaphore, #tpu.memory_space<semaphore_mem>>)
      %dma_wait3A = arith.constant 0 : i32
      %dma_wait3A_79 = tpu.memref_slice %arg6[%arg0, %add3A_42, %dma_wait3A] : memref<2x10240x64xf32, #tpu.memory_space<hbm>> -> memref<1x128x64xf32, #tpu.memory_space<hbm>>
      %dma_wait3A_80 = tpu.memref_squeeze %dma_wait3A_79 : memref<1x128x64xf32, #tpu.memory_space<hbm>> -> memref<128x64xf32, #tpu.memory_space<hbm>>
      %dma_wait3A_81 = arith.constant 0 : i32
      %dma_wait3A_82 = tpu.memref_slice %arg21[%add3A_38, %dma_wait3A_81] : memref<10240x64xf32, #tpu.memory_space<vmem_shared>> -> memref<128x64xf32, #tpu.memory_space<vmem_shared>>
      tpu.wait_dma2 semaphore(%run_scoped3A : memref<!tpu.dma_semaphore, #tpu.memory_space<semaphore_mem>>) src(%dma_wait3A_82 : memref<128x64xf32, #tpu.memory_space<vmem_shared>>) dst(%dma_wait3A_80 : memref<128x64xf32, #tpu.memory_space<hbm>>)
      tpu.yield
    }) : () -> ()
    %mul3A_43 = arith.constant 640 : i32
    %mul3A_44 = arith.muli %arg1, %mul3A_43 : i32
    %add3A_45 = arith.constant 128 : i32
    %add3A_46 = arith.addi %mul3A_44, %add3A_45 : i32
    %mul3A_47 = arith.constant 640 : i32
    %mul3A_48 = arith.muli %arg1, %mul3A_47 : i32
    %add3A_49 = arith.constant 128 : i32
    %add3A_50 = arith.addi %mul3A_48, %add3A_49 : i32
    "tpu.region"() ({
      %run_scoped3A = tpu.sem_alloc : memref<!tpu.dma_semaphore, #tpu.memory_space<semaphore_mem>>
      %dma_start3A = arith.constant 0 : i32
      %dma_start3A_75 = tpu.memref_slice %arg6[%arg0, %add3A_50, %dma_start3A] : memref<2x10240x64xf32, #tpu.memory_space<hbm>> -> memref<1x128x64xf32, #tpu.memory_space<hbm>>
      %dma_start3A_76 = tpu.memref_squeeze %dma_start3A_75 : memref<1x128x64xf32, #tpu.memory_space<hbm>> -> memref<128x64xf32, #tpu.memory_space<hbm>>
      %dma_start3A_77 = arith.constant 0 : i32
      %dma_start3A_78 = tpu.memref_slice %arg21[%add3A_46, %dma_start3A_77] : memref<10240x64xf32, #tpu.memory_space<vmem_shared>> -> memref<128x64xf32, #tpu.memory_space<vmem_shared>>
      tpu.enqueue_dma source(%dma_start3A_78 : memref<128x64xf32, #tpu.memory_space<vmem_shared>>) target(%dma_start3A_76 : memref<128x64xf32, #tpu.memory_space<hbm>>) target_semaphore(%run_scoped3A : memref<!tpu.dma_semaphore, #tpu.memory_space<semaphore_mem>>)
      %dma_wait3A = arith.constant 0 : i32
      %dma_wait3A_79 = tpu.memref_slice %arg6[%arg0, %add3A_50, %dma_wait3A] : memref<2x10240x64xf32, #tpu.memory_space<hbm>> -> memref<1x128x64xf32, #tpu.memory_space<hbm>>
      %dma_wait3A_80 = tpu.memref_squeeze %dma_wait3A_79 : memref<1x128x64xf32, #tpu.memory_space<hbm>> -> memref<128x64xf32, #tpu.memory_space<hbm>>
      %dma_wait3A_81 = arith.constant 0 : i32
      %dma_wait3A_82 = tpu.memref_slice %arg21[%add3A_46, %dma_wait3A_81] : memref<10240x64xf32, #tpu.memory_space<vmem_shared>> -> memref<128x64xf32, #tpu.memory_space<vmem_shared>>
      tpu.wait_dma2 semaphore(%run_scoped3A : memref<!tpu.dma_semaphore, #tpu.memory_space<semaphore_mem>>) src(%dma_wait3A_82 : memref<128x64xf32, #tpu.memory_space<vmem_shared>>) dst(%dma_wait3A_80 : memref<128x64xf32, #tpu.memory_space<hbm>>)
      tpu.yield
    }) : () -> ()
    %mul3A_51 = arith.constant 640 : i32
    %mul3A_52 = arith.muli %arg1, %mul3A_51 : i32
    %add3A_53 = arith.constant 256 : i32
    %add3A_54 = arith.addi %mul3A_52, %add3A_53 : i32
    %mul3A_55 = arith.constant 640 : i32
    %mul3A_56 = arith.muli %arg1, %mul3A_55 : i32
    %add3A_57 = arith.constant 256 : i32
    %add3A_58 = arith.addi %mul3A_56, %add3A_57 : i32
    "tpu.region"() ({
      %run_scoped3A = tpu.sem_alloc : memref<!tpu.dma_semaphore, #tpu.memory_space<semaphore_mem>>
      %dma_start3A = arith.constant 0 : i32
      %dma_start3A_75 = tpu.memref_slice %arg6[%arg0, %add3A_58, %dma_start3A] : memref<2x10240x64xf32, #tpu.memory_space<hbm>> -> memref<1x128x64xf32, #tpu.memory_space<hbm>>
      %dma_start3A_76 = tpu.memref_squeeze %dma_start3A_75 : memref<1x128x64xf32, #tpu.memory_space<hbm>> -> memref<128x64xf32, #tpu.memory_space<hbm>>
      %dma_start3A_77 = arith.constant 0 : i32
      %dma_start3A_78 = tpu.memref_slice %arg21[%add3A_54, %dma_start3A_77] : memref<10240x64xf32, #tpu.memory_space<vmem_shared>> -> memref<128x64xf32, #tpu.memory_space<vmem_shared>>
      tpu.enqueue_dma source(%dma_start3A_78 : memref<128x64xf32, #tpu.memory_space<vmem_shared>>) target(%dma_start3A_76 : memref<128x64xf32, #tpu.memory_space<hbm>>) target_semaphore(%run_scoped3A : memref<!tpu.dma_semaphore, #tpu.memory_space<semaphore_mem>>)
      %dma_wait3A = arith.constant 0 : i32
      %dma_wait3A_79 = tpu.memref_slice %arg6[%arg0, %add3A_58, %dma_wait3A] : memref<2x10240x64xf32, #tpu.memory_space<hbm>> -> memref<1x128x64xf32, #tpu.memory_space<hbm>>
      %dma_wait3A_80 = tpu.memref_squeeze %dma_wait3A_79 : memref<1x128x64xf32, #tpu.memory_space<hbm>> -> memref<128x64xf32, #tpu.memory_space<hbm>>
      %dma_wait3A_81 = arith.constant 0 : i32
      %dma_wait3A_82 = tpu.memref_slice %arg21[%add3A_54, %dma_wait3A_81] : memref<10240x64xf32, #tpu.memory_space<vmem_shared>> -> memref<128x64xf32, #tpu.memory_space<vmem_shared>>
      tpu.wait_dma2 semaphore(%run_scoped3A : memref<!tpu.dma_semaphore, #tpu.memory_space<semaphore_mem>>) src(%dma_wait3A_82 : memref<128x64xf32, #tpu.memory_space<vmem_shared>>) dst(%dma_wait3A_80 : memref<128x64xf32, #tpu.memory_space<hbm>>)
      tpu.yield
    }) : () -> ()
    %mul3A_59 = arith.constant 640 : i32
    %mul3A_60 = arith.muli %arg1, %mul3A_59 : i32
    %add3A_61 = arith.constant 384 : i32
    %add3A_62 = arith.addi %mul3A_60, %add3A_61 : i32
    %mul3A_63 = arith.constant 640 : i32
    %mul3A_64 = arith.muli %arg1, %mul3A_63 : i32
    %add3A_65 = arith.constant 384 : i32
    %add3A_66 = arith.addi %mul3A_64, %add3A_65 : i32
    "tpu.region"() ({
      %run_scoped3A = tpu.sem_alloc : memref<!tpu.dma_semaphore, #tpu.memory_space<semaphore_mem>>
      %dma_start3A = arith.constant 0 : i32
      %dma_start3A_75 = tpu.memref_slice %arg6[%arg0, %add3A_66, %dma_start3A] : memref<2x10240x64xf32, #tpu.memory_space<hbm>> -> memref<1x128x64xf32, #tpu.memory_space<hbm>>
      %dma_start3A_76 = tpu.memref_squeeze %dma_start3A_75 : memref<1x128x64xf32, #tpu.memory_space<hbm>> -> memref<128x64xf32, #tpu.memory_space<hbm>>
      %dma_start3A_77 = arith.constant 0 : i32
      %dma_start3A_78 = tpu.memref_slice %arg21[%add3A_62, %dma_start3A_77] : memref<10240x64xf32, #tpu.memory_space<vmem_shared>> -> memref<128x64xf32, #tpu.memory_space<vmem_shared>>
      tpu.enqueue_dma source(%dma_start3A_78 : memref<128x64xf32, #tpu.memory_space<vmem_shared>>) target(%dma_start3A_76 : memref<128x64xf32, #tpu.memory_space<hbm>>) target_semaphore(%run_scoped3A : memref<!tpu.dma_semaphore, #tpu.memory_space<semaphore_mem>>)
      %dma_wait3A = arith.constant 0 : i32
      %dma_wait3A_79 = tpu.memref_slice %arg6[%arg0, %add3A_66, %dma_wait3A] : memref<2x10240x64xf32, #tpu.memory_space<hbm>> -> memref<1x128x64xf32, #tpu.memory_space<hbm>>
      %dma_wait3A_80 = tpu.memref_squeeze %dma_wait3A_79 : memref<1x128x64xf32, #tpu.memory_space<hbm>> -> memref<128x64xf32, #tpu.memory_space<hbm>>
      %dma_wait3A_81 = arith.constant 0 : i32
      %dma_wait3A_82 = tpu.memref_slice %arg21[%add3A_62, %dma_wait3A_81] : memref<10240x64xf32, #tpu.memory_space<vmem_shared>> -> memref<128x64xf32, #tpu.memory_space<vmem_shared>>
      tpu.wait_dma2 semaphore(%run_scoped3A : memref<!tpu.dma_semaphore, #tpu.memory_space<semaphore_mem>>) src(%dma_wait3A_82 : memref<128x64xf32, #tpu.memory_space<vmem_shared>>) dst(%dma_wait3A_80 : memref<128x64xf32, #tpu.memory_space<hbm>>)
      tpu.yield
    }) : () -> ()
    %mul3A_67 = arith.constant 640 : i32
    %mul3A_68 = arith.muli %arg1, %mul3A_67 : i32
    %add3A_69 = arith.constant 512 : i32
    %add3A_70 = arith.addi %mul3A_68, %add3A_69 : i32
    %mul3A_71 = arith.constant 640 : i32
    %mul3A_72 = arith.muli %arg1, %mul3A_71 : i32
    %add3A_73 = arith.constant 512 : i32
    %add3A_74 = arith.addi %mul3A_72, %add3A_73 : i32
    "tpu.region"() ({
      %run_scoped3A = tpu.sem_alloc : memref<!tpu.dma_semaphore, #tpu.memory_space<semaphore_mem>>
      %dma_start3A = arith.constant 0 : i32
      %dma_start3A_75 = tpu.memref_slice %arg6[%arg0, %add3A_74, %dma_start3A] : memref<2x10240x64xf32, #tpu.memory_space<hbm>> -> memref<1x128x64xf32, #tpu.memory_space<hbm>>
      %dma_start3A_76 = tpu.memref_squeeze %dma_start3A_75 : memref<1x128x64xf32, #tpu.memory_space<hbm>> -> memref<128x64xf32, #tpu.memory_space<hbm>>
      %dma_start3A_77 = arith.constant 0 : i32
      %dma_start3A_78 = tpu.memref_slice %arg21[%add3A_70, %dma_start3A_77] : memref<10240x64xf32, #tpu.memory_space<vmem_shared>> -> memref<128x64xf32, #tpu.memory_space<vmem_shared>>
      tpu.enqueue_dma source(%dma_start3A_78 : memref<128x64xf32, #tpu.memory_space<vmem_shared>>) target(%dma_start3A_76 : memref<128x64xf32, #tpu.memory_space<hbm>>) target_semaphore(%run_scoped3A : memref<!tpu.dma_semaphore, #tpu.memory_space<semaphore_mem>>)
      %dma_wait3A = arith.constant 0 : i32
      %dma_wait3A_79 = tpu.memref_slice %arg6[%arg0, %add3A_74, %dma_wait3A] : memref<2x10240x64xf32, #tpu.memory_space<hbm>> -> memref<1x128x64xf32, #tpu.memory_space<hbm>>
      %dma_wait3A_80 = tpu.memref_squeeze %dma_wait3A_79 : memref<1x128x64xf32, #tpu.memory_space<hbm>> -> memref<128x64xf32, #tpu.memory_space<hbm>>
      %dma_wait3A_81 = arith.constant 0 : i32
      %dma_wait3A_82 = tpu.memref_slice %arg21[%add3A_70, %dma_wait3A_81] : memref<10240x64xf32, #tpu.memory_space<vmem_shared>> -> memref<128x64xf32, #tpu.memory_space<vmem_shared>>
      tpu.wait_dma2 semaphore(%run_scoped3A : memref<!tpu.dma_semaphore, #tpu.memory_space<semaphore_mem>>) src(%dma_wait3A_82 : memref<128x64xf32, #tpu.memory_space<vmem_shared>>) dst(%dma_wait3A_80 : memref<128x64xf32, #tpu.memory_space<hbm>>)
      tpu.yield
    }) : () -> ()
    return
  }
}

#map = affine_map<(d0, d1) -> (0, 0)>
#map1 = affine_map<(d0, d1) -> (0, 0, 0)>
module attributes {stable_mosaic.version = 14 : i64} {
  func.func @_mp_kernel(%arg0: i32, %arg1: i32, %arg2: memref<10240x64xf32, #tpu.memory_space<hbm>>, %arg3: memref<10240x64xf32, #tpu.memory_space<hbm>>, %arg4: memref<2560x128xi32, #tpu.memory_space<hbm>>, %arg5: memref<2560x128xi32, #tpu.memory_space<hbm>>, %arg6: memref<2x10240x64xf32, #tpu.memory_space<hbm>>, %arg7: memref<160x128xi32, #tpu.memory_space<vmem>>, %arg8: memref<160x128xi32, #tpu.memory_space<vmem>>, %arg9: memref<128x64xf32, #tpu.memory_space<vmem>>, %arg10: memref<128x64xf32, #tpu.memory_space<vmem>>, %arg11: memref<128x64xf32, #tpu.memory_space<vmem>>, %arg12: memref<128x64xf32, #tpu.memory_space<vmem>>, %arg13: memref<!tpu.dma_semaphore, #tpu.memory_space<semaphore_mem>>, %arg14: memref<!tpu.dma_semaphore, #tpu.memory_space<semaphore_mem>>, %arg15: memref<!tpu.dma_semaphore, #tpu.memory_space<semaphore_mem>>, %arg16: memref<!tpu.dma_semaphore, #tpu.memory_space<semaphore_mem>>, %arg17: memref<!tpu.dma_semaphore, #tpu.memory_space<semaphore_mem>>, %arg18: memref<!tpu.dma_semaphore, #tpu.memory_space<semaphore_mem>>, %arg19: memref<!tpu.dma_semaphore, #tpu.memory_space<semaphore_mem>>, %arg20: memref<!tpu.dma_semaphore, #tpu.memory_space<semaphore_mem>>, %arg21: memref<10240x64xf32, #tpu.memory_space<vmem_shared>>) attributes {dimension_semantics = [#tpu.dimension_semantics<core_parallel>, #tpu.dimension_semantics<subcore_parallel>], iteration_bounds = array<i64: 2, 16>, scalar_prefetch = 0 : i64, scratch_operands = 15 : i64, tpu.core_type = #tpu.core_type<sc_vector_subcore>, window_params = [{transform_indices = #map}, {transform_indices = #map}, {transform_indices = #map}, {transform_indices = #map}, {transform_indices = #map1}]} {
    %mul3A = arith.constant 160 : i32
    %mul3A_0 = arith.muli %arg1, %mul3A : i32
    "tpu.region"() ({
      %run_scoped3A = tpu.sem_alloc : memref<!tpu.dma_semaphore, #tpu.memory_space<semaphore_mem>>
      %dma_start3A = arith.constant 0 : i32
      %dma_start3A_75 = tpu.memref_slice %arg4[%mul3A_0, %dma_start3A] : memref<2560x128xi32, #tpu.memory_space<hbm>> -> memref<160x128xi32, #tpu.memory_space<hbm>>
      %dma_start3A_76 = arith.constant 0 : i32
      %dma_start3A_77 = tpu.memref_slice %arg4[%mul3A_0, %dma_start3A_76] : memref<2560x128xi32, #tpu.memory_space<hbm>> -> memref<160x128xi32, #tpu.memory_space<hbm>>
      tpu.enqueue_dma source(%dma_start3A_77 : memref<160x128xi32, #tpu.memory_space<hbm>>) target(%arg7 : memref<160x128xi32, #tpu.memory_space<vmem>>) target_semaphore(%run_scoped3A : memref<!tpu.dma_semaphore, #tpu.memory_space<semaphore_mem>>)
      %dma_wait3A = arith.constant 0 : i32
      %dma_wait3A_78 = tpu.memref_slice %arg4[%mul3A_0, %dma_wait3A] : memref<2560x128xi32, #tpu.memory_space<hbm>> -> memref<160x128xi32, #tpu.memory_space<hbm>>
      %dma_wait3A_79 = arith.constant 0 : i32
      %dma_wait3A_80 = tpu.memref_slice %arg4[%mul3A_0, %dma_wait3A_79] : memref<2560x128xi32, #tpu.memory_space<hbm>> -> memref<160x128xi32, #tpu.memory_space<hbm>>
      tpu.wait_dma2 semaphore(%run_scoped3A : memref<!tpu.dma_semaphore, #tpu.memory_space<semaphore_mem>>) src(%dma_wait3A_80 : memref<160x128xi32, #tpu.memory_space<hbm>>) dst(%arg7 : memref<160x128xi32, #tpu.memory_space<vmem>>)
      tpu.yield
    }) : () -> ()
    %mul3A_1 = arith.constant 160 : i32
    %mul3A_2 = arith.muli %arg1, %mul3A_1 : i32
    "tpu.region"() ({
      %run_scoped3A = tpu.sem_alloc : memref<!tpu.dma_semaphore, #tpu.memory_space<semaphore_mem>>
      %dma_start3A = arith.constant 0 : i32
      %dma_start3A_75 = tpu.memref_slice %arg5[%mul3A_2, %dma_start3A] : memref<2560x128xi32, #tpu.memory_space<hbm>> -> memref<160x128xi32, #tpu.memory_space<hbm>>
      %dma_start3A_76 = arith.constant 0 : i32
      %dma_start3A_77 = tpu.memref_slice %arg5[%mul3A_2, %dma_start3A_76] : memref<2560x128xi32, #tpu.memory_space<hbm>> -> memref<160x128xi32, #tpu.memory_space<hbm>>
      tpu.enqueue_dma source(%dma_start3A_77 : memref<160x128xi32, #tpu.memory_space<hbm>>) target(%arg8 : memref<160x128xi32, #tpu.memory_space<vmem>>) target_semaphore(%run_scoped3A : memref<!tpu.dma_semaphore, #tpu.memory_space<semaphore_mem>>)
      %dma_wait3A = arith.constant 0 : i32
      %dma_wait3A_78 = tpu.memref_slice %arg5[%mul3A_2, %dma_wait3A] : memref<2560x128xi32, #tpu.memory_space<hbm>> -> memref<160x128xi32, #tpu.memory_space<hbm>>
      %dma_wait3A_79 = arith.constant 0 : i32
      %dma_wait3A_80 = tpu.memref_slice %arg5[%mul3A_2, %dma_wait3A_79] : memref<2560x128xi32, #tpu.memory_space<hbm>> -> memref<160x128xi32, #tpu.memory_space<hbm>>
      tpu.wait_dma2 semaphore(%run_scoped3A : memref<!tpu.dma_semaphore, #tpu.memory_space<semaphore_mem>>) src(%dma_wait3A_80 : memref<160x128xi32, #tpu.memory_space<hbm>>) dst(%arg8 : memref<160x128xi32, #tpu.memory_space<vmem>>)
      tpu.yield
    }) : () -> ()
    %scan3A = arith.constant 0 : i32
    %scan3A_3 = arith.constant 0 : i32
    %scan3A_4 = arith.constant 128 : i32
    %scan3A_5 = arith.addi %scan3A_3, %scan3A_4 : i32
    %scan3A_6 = arith.constant 1 : i32
    scf.for %scan3A_75 = %scan3A_3 to %scan3A_5 step %scan3A_6  : i32 {
      %broadcast_in_dim3A = arith.constant 0.000000e+00 : f32
      %broadcast_in_dim3A_76 = vector.broadcast %broadcast_in_dim3A : f32 to vector<16xf32>
      %swap3A = arith.index_cast %scan3A_75 : i32 to index
      %swap3A_77 = arith.constant 0 : index
      %swap3A_78 = tpu.vector_load %arg9[%swap3A, %swap3A_77] {strides = array<i32>} : memref<128x64xf32, #tpu.memory_space<vmem>>, vector<1x16xf32>,
      %swap3A_79 = vector.shape_cast %swap3A_78 : vector<1x16xf32> to vector<16xf32>
      %swap3A_80 = vector.shape_cast %broadcast_in_dim3A_76 : vector<16xf32> to vector<1x16xf32>
      tpu.vector_store %arg9[%swap3A, %swap3A_77], %swap3A_80 {strides = array<i32>} : memref<128x64xf32, #tpu.memory_space<vmem>>, vector<1x16xf32>,
      %broadcast_in_dim3A_81 = arith.constant 0.000000e+00 : f32
      %broadcast_in_dim3A_82 = vector.broadcast %broadcast_in_dim3A_81 : f32 to vector<16xf32>
      %swap3A_83 = arith.index_cast %scan3A_75 : i32 to index
      %swap3A_84 = arith.constant 16 : index
      %swap3A_85 = tpu.vector_load %arg9[%swap3A_83, %swap3A_84] {strides = array<i32>} : memref<128x64xf32, #tpu.memory_space<vmem>>, vector<1x16xf32>,
      %swap3A_86 = vector.shape_cast %swap3A_85 : vector<1x16xf32> to vector<16xf32>
      %swap3A_87 = vector.shape_cast %broadcast_in_dim3A_82 : vector<16xf32> to vector<1x16xf32>
      tpu.vector_store %arg9[%swap3A_83, %swap3A_84], %swap3A_87 {strides = array<i32>} : memref<128x64xf32, #tpu.memory_space<vmem>>, vector<1x16xf32>,
      %broadcast_in_dim3A_88 = arith.constant 0.000000e+00 : f32
      %broadcast_in_dim3A_89 = vector.broadcast %broadcast_in_dim3A_88 : f32 to vector<16xf32>
      %swap3A_90 = arith.index_cast %scan3A_75 : i32 to index
      %swap3A_91 = arith.constant 32 : index
      %swap3A_92 = tpu.vector_load %arg9[%swap3A_90, %swap3A_91] {strides = array<i32>} : memref<128x64xf32, #tpu.memory_space<vmem>>, vector<1x16xf32>,
      %swap3A_93 = vector.shape_cast %swap3A_92 : vector<1x16xf32> to vector<16xf32>
      %swap3A_94 = vector.shape_cast %broadcast_in_dim3A_89 : vector<16xf32> to vector<1x16xf32>
      tpu.vector_store %arg9[%swap3A_90, %swap3A_91], %swap3A_94 {strides = array<i32>} : memref<128x64xf32, #tpu.memory_space<vmem>>, vector<1x16xf32>,
      %broadcast_in_dim3A_95 = arith.constant 0.000000e+00 : f32
      %broadcast_in_dim3A_96 = vector.broadcast %broadcast_in_dim3A_95 : f32 to vector<16xf32>
      %swap3A_97 = arith.index_cast %scan3A_75 : i32 to index
      %swap3A_98 = arith.constant 48 : index
      %swap3A_99 = tpu.vector_load %arg9[%swap3A_97, %swap3A_98] {strides = array<i32>} : memref<128x64xf32, #tpu.memory_space<vmem>>, vector<1x16xf32>,
      %swap3A_100 = vector.shape_cast %swap3A_99 : vector<1x16xf32> to vector<16xf32>
      %swap3A_101 = vector.shape_cast %broadcast_in_dim3A_96 : vector<16xf32> to vector<1x16xf32>
      tpu.vector_store %arg9[%swap3A_97, %swap3A_98], %swap3A_101 {strides = array<i32>} : memref<128x64xf32, #tpu.memory_space<vmem>>, vector<1x16xf32>,
    }
    %scan3A_7 = arith.constant 128 : i32
    %mul3A_8 = arith.constant 640 : i32
    %mul3A_9 = arith.muli %arg1, %mul3A_8 : i32
    %add3A = arith.constant 0 : i32
    %add3A_10 = arith.addi %mul3A_9, %add3A : i32
    "tpu.region"() ({
      %run_scoped3A = tpu.sem_alloc : memref<!tpu.dma_semaphore, #tpu.memory_space<semaphore_mem>>
      %dma_start3A = arith.constant 0 : i32
      %dma_start3A_75 = tpu.memref_slice %arg21[%add3A_10, %dma_start3A] : memref<10240x64xf32, #tpu.memory_space<vmem_shared>> -> memref<128x64xf32, #tpu.memory_space<vmem_shared>>
      %dma_start3A_76 = arith.constant 0 : i32
      %dma_start3A_77 = tpu.memref_slice %arg21[%add3A_10, %dma_start3A_76] : memref<10240x64xf32, #tpu.memory_space<vmem_shared>> -> memref<128x64xf32, #tpu.memory_space<vmem_shared>>
      tpu.enqueue_dma source(%arg9 : memref<128x64xf32, #tpu.memory_space<vmem>>) target(%dma_start3A_77 : memref<128x64xf32, #tpu.memory_space<vmem_shared>>) target_semaphore(%run_scoped3A : memref<!tpu.dma_semaphore, #tpu.memory_space<semaphore_mem>>)
      %dma_wait3A = arith.constant 0 : i32
      %dma_wait3A_78 = tpu.memref_slice %arg21[%add3A_10, %dma_wait3A] : memref<10240x64xf32, #tpu.memory_space<vmem_shared>> -> memref<128x64xf32, #tpu.memory_space<vmem_shared>>
      %dma_wait3A_79 = arith.constant 0 : i32
      %dma_wait3A_80 = tpu.memref_slice %arg21[%add3A_10, %dma_wait3A_79] : memref<10240x64xf32, #tpu.memory_space<vmem_shared>> -> memref<128x64xf32, #tpu.memory_space<vmem_shared>>
      tpu.wait_dma2 semaphore(%run_scoped3A : memref<!tpu.dma_semaphore, #tpu.memory_space<semaphore_mem>>) src(%arg9 : memref<128x64xf32, #tpu.memory_space<vmem>>) dst(%dma_wait3A_80 : memref<128x64xf32, #tpu.memory_space<vmem_shared>>)
      tpu.yield
    }) : () -> ()
    %mul3A_11 = arith.constant 640 : i32
    %mul3A_12 = arith.muli %arg1, %mul3A_11 : i32
    %add3A_13 = arith.constant 128 : i32
    %add3A_14 = arith.addi %mul3A_12, %add3A_13 : i32
    "tpu.region"() ({
      %run_scoped3A = tpu.sem_alloc : memref<!tpu.dma_semaphore, #tpu.memory_space<semaphore_mem>>
      %dma_start3A = arith.constant 0 : i32
      %dma_start3A_75 = tpu.memref_slice %arg21[%add3A_14, %dma_start3A] : memref<10240x64xf32, #tpu.memory_space<vmem_shared>> -> memref<128x64xf32, #tpu.memory_space<vmem_shared>>
      %dma_start3A_76 = arith.constant 0 : i32
      %dma_start3A_77 = tpu.memref_slice %arg21[%add3A_14, %dma_start3A_76] : memref<10240x64xf32, #tpu.memory_space<vmem_shared>> -> memref<128x64xf32, #tpu.memory_space<vmem_shared>>
      tpu.enqueue_dma source(%arg9 : memref<128x64xf32, #tpu.memory_space<vmem>>) target(%dma_start3A_77 : memref<128x64xf32, #tpu.memory_space<vmem_shared>>) target_semaphore(%run_scoped3A : memref<!tpu.dma_semaphore, #tpu.memory_space<semaphore_mem>>)
      %dma_wait3A = arith.constant 0 : i32
      %dma_wait3A_78 = tpu.memref_slice %arg21[%add3A_14, %dma_wait3A] : memref<10240x64xf32, #tpu.memory_space<vmem_shared>> -> memref<128x64xf32, #tpu.memory_space<vmem_shared>>
      %dma_wait3A_79 = arith.constant 0 : i32
      %dma_wait3A_80 = tpu.memref_slice %arg21[%add3A_14, %dma_wait3A_79] : memref<10240x64xf32, #tpu.memory_space<vmem_shared>> -> memref<128x64xf32, #tpu.memory_space<vmem_shared>>
      tpu.wait_dma2 semaphore(%run_scoped3A : memref<!tpu.dma_semaphore, #tpu.memory_space<semaphore_mem>>) src(%arg9 : memref<128x64xf32, #tpu.memory_space<vmem>>) dst(%dma_wait3A_80 : memref<128x64xf32, #tpu.memory_space<vmem_shared>>)
      tpu.yield
    }) : () -> ()
    %mul3A_15 = arith.constant 640 : i32
    %mul3A_16 = arith.muli %arg1, %mul3A_15 : i32
    %add3A_17 = arith.constant 256 : i32
    %add3A_18 = arith.addi %mul3A_16, %add3A_17 : i32
    "tpu.region"() ({
      %run_scoped3A = tpu.sem_alloc : memref<!tpu.dma_semaphore, #tpu.memory_space<semaphore_mem>>
      %dma_start3A = arith.constant 0 : i32
      %dma_start3A_75 = tpu.memref_slice %arg21[%add3A_18, %dma_start3A] : memref<10240x64xf32, #tpu.memory_space<vmem_shared>> -> memref<128x64xf32, #tpu.memory_space<vmem_shared>>
      %dma_start3A_76 = arith.constant 0 : i32
      %dma_start3A_77 = tpu.memref_slice %arg21[%add3A_18, %dma_start3A_76] : memref<10240x64xf32, #tpu.memory_space<vmem_shared>> -> memref<128x64xf32, #tpu.memory_space<vmem_shared>>
      tpu.enqueue_dma source(%arg9 : memref<128x64xf32, #tpu.memory_space<vmem>>) target(%dma_start3A_77 : memref<128x64xf32, #tpu.memory_space<vmem_shared>>) target_semaphore(%run_scoped3A : memref<!tpu.dma_semaphore, #tpu.memory_space<semaphore_mem>>)
      %dma_wait3A = arith.constant 0 : i32
      %dma_wait3A_78 = tpu.memref_slice %arg21[%add3A_18, %dma_wait3A] : memref<10240x64xf32, #tpu.memory_space<vmem_shared>> -> memref<128x64xf32, #tpu.memory_space<vmem_shared>>
      %dma_wait3A_79 = arith.constant 0 : i32
      %dma_wait3A_80 = tpu.memref_slice %arg21[%add3A_18, %dma_wait3A_79] : memref<10240x64xf32, #tpu.memory_space<vmem_shared>> -> memref<128x64xf32, #tpu.memory_space<vmem_shared>>
      tpu.wait_dma2 semaphore(%run_scoped3A : memref<!tpu.dma_semaphore, #tpu.memory_space<semaphore_mem>>) src(%arg9 : memref<128x64xf32, #tpu.memory_space<vmem>>) dst(%dma_wait3A_80 : memref<128x64xf32, #tpu.memory_space<vmem_shared>>)
      tpu.yield
    }) : () -> ()
    %mul3A_19 = arith.constant 640 : i32
    %mul3A_20 = arith.muli %arg1, %mul3A_19 : i32
    %add3A_21 = arith.constant 384 : i32
    %add3A_22 = arith.addi %mul3A_20, %add3A_21 : i32
    "tpu.region"() ({
      %run_scoped3A = tpu.sem_alloc : memref<!tpu.dma_semaphore, #tpu.memory_space<semaphore_mem>>
      %dma_start3A = arith.constant 0 : i32
      %dma_start3A_75 = tpu.memref_slice %arg21[%add3A_22, %dma_start3A] : memref<10240x64xf32, #tpu.memory_space<vmem_shared>> -> memref<128x64xf32, #tpu.memory_space<vmem_shared>>
      %dma_start3A_76 = arith.constant 0 : i32
      %dma_start3A_77 = tpu.memref_slice %arg21[%add3A_22, %dma_start3A_76] : memref<10240x64xf32, #tpu.memory_space<vmem_shared>> -> memref<128x64xf32, #tpu.memory_space<vmem_shared>>
      tpu.enqueue_dma source(%arg9 : memref<128x64xf32, #tpu.memory_space<vmem>>) target(%dma_start3A_77 : memref<128x64xf32, #tpu.memory_space<vmem_shared>>) target_semaphore(%run_scoped3A : memref<!tpu.dma_semaphore, #tpu.memory_space<semaphore_mem>>)
      %dma_wait3A = arith.constant 0 : i32
      %dma_wait3A_78 = tpu.memref_slice %arg21[%add3A_22, %dma_wait3A] : memref<10240x64xf32, #tpu.memory_space<vmem_shared>> -> memref<128x64xf32, #tpu.memory_space<vmem_shared>>
      %dma_wait3A_79 = arith.constant 0 : i32
      %dma_wait3A_80 = tpu.memref_slice %arg21[%add3A_22, %dma_wait3A_79] : memref<10240x64xf32, #tpu.memory_space<vmem_shared>> -> memref<128x64xf32, #tpu.memory_space<vmem_shared>>
      tpu.wait_dma2 semaphore(%run_scoped3A : memref<!tpu.dma_semaphore, #tpu.memory_space<semaphore_mem>>) src(%arg9 : memref<128x64xf32, #tpu.memory_space<vmem>>) dst(%dma_wait3A_80 : memref<128x64xf32, #tpu.memory_space<vmem_shared>>)
      tpu.yield
    }) : () -> ()
    %mul3A_23 = arith.constant 640 : i32
    %mul3A_24 = arith.muli %arg1, %mul3A_23 : i32
    %add3A_25 = arith.constant 512 : i32
    %add3A_26 = arith.addi %mul3A_24, %add3A_25 : i32
    "tpu.region"() ({
      %run_scoped3A = tpu.sem_alloc : memref<!tpu.dma_semaphore, #tpu.memory_space<semaphore_mem>>
      %dma_start3A = arith.constant 0 : i32
      %dma_start3A_75 = tpu.memref_slice %arg21[%add3A_26, %dma_start3A] : memref<10240x64xf32, #tpu.memory_space<vmem_shared>> -> memref<128x64xf32, #tpu.memory_space<vmem_shared>>
      %dma_start3A_76 = arith.constant 0 : i32
      %dma_start3A_77 = tpu.memref_slice %arg21[%add3A_26, %dma_start3A_76] : memref<10240x64xf32, #tpu.memory_space<vmem_shared>> -> memref<128x64xf32, #tpu.memory_space<vmem_shared>>
      tpu.enqueue_dma source(%arg9 : memref<128x64xf32, #tpu.memory_space<vmem>>) target(%dma_start3A_77 : memref<128x64xf32, #tpu.memory_space<vmem_shared>>) target_semaphore(%run_scoped3A : memref<!tpu.dma_semaphore, #tpu.memory_space<semaphore_mem>>)
      %dma_wait3A = arith.constant 0 : i32
      %dma_wait3A_78 = tpu.memref_slice %arg21[%add3A_26, %dma_wait3A] : memref<10240x64xf32, #tpu.memory_space<vmem_shared>> -> memref<128x64xf32, #tpu.memory_space<vmem_shared>>
      %dma_wait3A_79 = arith.constant 0 : i32
      %dma_wait3A_80 = tpu.memref_slice %arg21[%add3A_26, %dma_wait3A_79] : memref<10240x64xf32, #tpu.memory_space<vmem_shared>> -> memref<128x64xf32, #tpu.memory_space<vmem_shared>>
      tpu.wait_dma2 semaphore(%run_scoped3A : memref<!tpu.dma_semaphore, #tpu.memory_space<semaphore_mem>>) src(%arg9 : memref<128x64xf32, #tpu.memory_space<vmem>>) dst(%dma_wait3A_80 : memref<128x64xf32, #tpu.memory_space<vmem_shared>>)
      tpu.yield
    }) : () -> ()
    %barrier3A = arith.constant 0 : index
    tpu.barrier barrier_id(%barrier3A)
    %eq3A = arith.constant 0 : i32
    %eq3A_27 = arith.cmpi eq, %arg0, %eq3A : i32
    %convert_element_type3A = arith.extui %eq3A_27 : i1 to i32
    %cond3A = arith.constant 0 : i32
    %cond3A_28 = arith.cmpi ne, %convert_element_type3A, %cond3A : i32
    scf.if %cond3A_28 {
      %dma_start3A = arith.constant 0 : i32
      %dma_start3A_75 = arith.constant 0 : i32
      %dma_start3A_76 = tpu.memref_slice %arg7[%dma_start3A, %dma_start3A_75] : memref<160x128xi32, #tpu.memory_space<vmem>> -> memref<1x128xi32, #tpu.memory_space<vmem>>
      %dma_start3A_77 = tpu.memref_squeeze %dma_start3A_76 : memref<1x128xi32, #tpu.memory_space<vmem>> -> memref<128xi32, #tpu.memory_space<vmem>>
      %dma_start3A_78 = arith.constant 0 : i32
      %dma_start3A_79 = arith.constant 0 : i32
      %dma_start3A_80 = tpu.memref_slice %arg2[%dma_start3A_78, %dma_start3A_79] : memref<10240x64xf32, #tpu.memory_space<hbm>> -> memref<10240x64xf32, #tpu.memory_space<hbm>>
      tpu.enqueue_indirect_dma source(%dma_start3A_80 : memref<10240x64xf32, #tpu.memory_space<hbm>>) target(%arg9 : memref<128x64xf32, #tpu.memory_space<vmem>>) offsets(%dma_start3A_77 : memref<128xi32, #tpu.memory_space<vmem>>) semaphore(%arg13 : memref<!tpu.dma_semaphore, #tpu.memory_space<semaphore_mem>>)
      %dma_start3A_81 = arith.constant 1 : i32
      %dma_start3A_82 = arith.constant 0 : i32
      %dma_start3A_83 = tpu.memref_slice %arg7[%dma_start3A_81, %dma_start3A_82] : memref<160x128xi32, #tpu.memory_space<vmem>> -> memref<1x128xi32, #tpu.memory_space<vmem>>
      %dma_start3A_84 = tpu.memref_squeeze %dma_start3A_83 : memref<1x128xi32, #tpu.memory_space<vmem>> -> memref<128xi32, #tpu.memory_space<vmem>>
      %dma_start3A_85 = arith.constant 0 : i32
      %dma_start3A_86 = arith.constant 0 : i32
      %dma_start3A_87 = tpu.memref_slice %arg2[%dma_start3A_85, %dma_start3A_86] : memref<10240x64xf32, #tpu.memory_space<hbm>> -> memref<10240x64xf32, #tpu.memory_space<hbm>>
      tpu.enqueue_indirect_dma source(%dma_start3A_87 : memref<10240x64xf32, #tpu.memory_space<hbm>>) target(%arg10 : memref<128x64xf32, #tpu.memory_space<vmem>>) offsets(%dma_start3A_84 : memref<128xi32, #tpu.memory_space<vmem>>) semaphore(%arg14 : memref<!tpu.dma_semaphore, #tpu.memory_space<semaphore_mem>>)
      %scan3A_88 = arith.constant 0 : i32
      %scan3A_89 = arith.constant 0 : i32
      %scan3A_90 = arith.constant 40 : i32
      %scan3A_91 = arith.addi %scan3A_89, %scan3A_90 : i32
      %scan3A_92 = arith.constant 1 : i32
      scf.for %scan3A_121 = %scan3A_89 to %scan3A_91 step %scan3A_92  : i32 {
        %mul3A_122 = arith.constant 4 : i32
        %mul3A_123 = arith.muli %scan3A_121, %mul3A_122 : i32
        %add3A_124 = arith.constant 0 : i32
        %add3A_125 = arith.addi %mul3A_123, %add3A_124 : i32
        %gt3A = arith.constant 0 : i32
        %gt3A_126 = arith.cmpi sgt, %scan3A_121, %gt3A : i32
        %convert_element_type3A_127 = arith.extui %gt3A_126 : i1 to i32
        %cond3A_128 = arith.constant 0 : i32
        %cond3A_129 = arith.cmpi ne, %convert_element_type3A_127, %cond3A_128 : i32
        scf.if %cond3A_129 {
          %sub3A_243 = arith.constant 2 : i32
          %sub3A_244 = arith.subi %add3A_125, %sub3A_243 : i32
          %dma_wait3A_245 = arith.constant 0 : i32
          %dma_wait3A_246 = tpu.memref_slice %arg8[%sub3A_244, %dma_wait3A_245] : memref<160x128xi32, #tpu.memory_space<vmem>> -> memref<1x128xi32, #tpu.memory_space<vmem>>
          %dma_wait3A_247 = tpu.memref_squeeze %dma_wait3A_246 : memref<1x128xi32, #tpu.memory_space<vmem>> -> memref<128xi32, #tpu.memory_space<vmem>>
          %dma_wait3A_248 = arith.constant 0 : i32
          %dma_wait3A_249 = arith.constant 0 : i32
          %dma_wait3A_250 = tpu.memref_slice %arg21[%dma_wait3A_248, %dma_wait3A_249] : memref<10240x64xf32, #tpu.memory_space<vmem_shared>> -> memref<10240x64xf32, #tpu.memory_space<vmem_shared>>
          tpu.wait_indirect_dma semaphore(%arg19 : memref<!tpu.dma_semaphore, #tpu.memory_space<semaphore_mem>>) src(%arg11 : memref<128x64xf32, #tpu.memory_space<vmem>>) dst(%dma_wait3A_250 : memref<10240x64xf32, #tpu.memory_space<vmem_shared>>)
        } else {
        }
        %add3A_130 = arith.constant 2 : i32
        %add3A_131 = arith.addi %add3A_125, %add3A_130 : i32
        %min3A = arith.constant 159 : i32
        %min3A_132 = arith.minsi %add3A_131, %min3A : i32
        %dma_start3A_133 = arith.constant 0 : i32
        %dma_start3A_134 = tpu.memref_slice %arg7[%min3A_132, %dma_start3A_133] : memref<160x128xi32, #tpu.memory_space<vmem>> -> memref<1x128xi32, #tpu.memory_space<vmem>>
        %dma_start3A_135 = tpu.memref_squeeze %dma_start3A_134 : memref<1x128xi32, #tpu.memory_space<vmem>> -> memref<128xi32, #tpu.memory_space<vmem>>
        %dma_start3A_136 = arith.constant 0 : i32
        %dma_start3A_137 = arith.constant 0 : i32
        %dma_start3A_138 = tpu.memref_slice %arg2[%dma_start3A_136, %dma_start3A_137] : memref<10240x64xf32, #tpu.memory_space<hbm>> -> memref<10240x64xf32, #tpu.memory_space<hbm>>
        tpu.enqueue_indirect_dma source(%dma_start3A_138 : memref<10240x64xf32, #tpu.memory_space<hbm>>) target(%arg11 : memref<128x64xf32, #tpu.memory_space<vmem>>) offsets(%dma_start3A_135 : memref<128xi32, #tpu.memory_space<vmem>>) semaphore(%arg15 : memref<!tpu.dma_semaphore, #tpu.memory_space<semaphore_mem>>)
        %dma_wait3A_139 = arith.constant 0 : i32
        %dma_wait3A_140 = tpu.memref_slice %arg7[%add3A_125, %dma_wait3A_139] : memref<160x128xi32, #tpu.memory_space<vmem>> -> memref<1x128xi32, #tpu.memory_space<vmem>>
        %dma_wait3A_141 = tpu.memref_squeeze %dma_wait3A_140 : memref<1x128xi32, #tpu.memory_space<vmem>> -> memref<128xi32, #tpu.memory_space<vmem>>
        %dma_wait3A_142 = arith.constant 0 : i32
        %dma_wait3A_143 = arith.constant 0 : i32
        %dma_wait3A_144 = tpu.memref_slice %arg2[%dma_wait3A_142, %dma_wait3A_143] : memref<10240x64xf32, #tpu.memory_space<hbm>> -> memref<10240x64xf32, #tpu.memory_space<hbm>>
        tpu.wait_indirect_dma semaphore(%arg13 : memref<!tpu.dma_semaphore, #tpu.memory_space<semaphore_mem>>) src(%dma_wait3A_144 : memref<10240x64xf32, #tpu.memory_space<hbm>>) dst(%arg9 : memref<128x64xf32, #tpu.memory_space<vmem>>)
        %dma_start3A_145 = arith.constant 0 : i32
        %dma_start3A_146 = tpu.memref_slice %arg8[%add3A_125, %dma_start3A_145] : memref<160x128xi32, #tpu.memory_space<vmem>> -> memref<1x128xi32, #tpu.memory_space<vmem>>
        %dma_start3A_147 = tpu.memref_squeeze %dma_start3A_146 : memref<1x128xi32, #tpu.memory_space<vmem>> -> memref<128xi32, #tpu.memory_space<vmem>>
        %dma_start3A_148 = arith.constant 0 : i32
        %dma_start3A_149 = arith.constant 0 : i32
        %dma_start3A_150 = tpu.memref_slice %arg21[%dma_start3A_148, %dma_start3A_149] : memref<10240x64xf32, #tpu.memory_space<vmem_shared>> -> memref<10240x64xf32, #tpu.memory_space<vmem_shared>>
        tpu.enqueue_indirect_dma source(%arg9 : memref<128x64xf32, #tpu.memory_space<vmem>>) target(%dma_start3A_150 : memref<10240x64xf32, #tpu.memory_space<vmem_shared>>) offsets(%dma_start3A_147 : memref<128xi32, #tpu.memory_space<vmem>>) semaphore(%arg17 : memref<!tpu.dma_semaphore, #tpu.memory_space<semaphore_mem>>) {add = true}
        %add3A_151 = arith.constant 1 : i32
        %add3A_152 = arith.addi %mul3A_123, %add3A_151 : i32
        %gt3A_153 = arith.constant 0 : i32
        %gt3A_154 = arith.cmpi sgt, %scan3A_121, %gt3A_153 : i32
        %convert_element_type3A_155 = arith.extui %gt3A_154 : i1 to i32
        %cond3A_156 = arith.constant 0 : i32
        %cond3A_157 = arith.cmpi ne, %convert_element_type3A_155, %cond3A_156 : i32
        scf.if %cond3A_157 {
          %sub3A_243 = arith.constant 2 : i32
          %sub3A_244 = arith.subi %add3A_152, %sub3A_243 : i32
          %dma_wait3A_245 = arith.constant 0 : i32
          %dma_wait3A_246 = tpu.memref_slice %arg8[%sub3A_244, %dma_wait3A_245] : memref<160x128xi32, #tpu.memory_space<vmem>> -> memref<1x128xi32, #tpu.memory_space<vmem>>
          %dma_wait3A_247 = tpu.memref_squeeze %dma_wait3A_246 : memref<1x128xi32, #tpu.memory_space<vmem>> -> memref<128xi32, #tpu.memory_space<vmem>>
          %dma_wait3A_248 = arith.constant 0 : i32
          %dma_wait3A_249 = arith.constant 0 : i32
          %dma_wait3A_250 = tpu.memref_slice %arg21[%dma_wait3A_248, %dma_wait3A_249] : memref<10240x64xf32, #tpu.memory_space<vmem_shared>> -> memref<10240x64xf32, #tpu.memory_space<vmem_shared>>
          tpu.wait_indirect_dma semaphore(%arg20 : memref<!tpu.dma_semaphore, #tpu.memory_space<semaphore_mem>>) src(%arg12 : memref<128x64xf32, #tpu.memory_space<vmem>>) dst(%dma_wait3A_250 : memref<10240x64xf32, #tpu.memory_space<vmem_shared>>)
        } else {
        }
        %add3A_158 = arith.constant 2 : i32
        %add3A_159 = arith.addi %add3A_152, %add3A_158 : i32
        %min3A_160 = arith.constant 159 : i32
        %min3A_161 = arith.minsi %add3A_159, %min3A_160 : i32
        %dma_start3A_162 = arith.constant 0 : i32
        %dma_start3A_163 = tpu.memref_slice %arg7[%min3A_161, %dma_start3A_162] : memref<160x128xi32, #tpu.memory_space<vmem>> -> memref<1x128xi32, #tpu.memory_space<vmem>>
        %dma_start3A_164 = tpu.memref_squeeze %dma_start3A_163 : memref<1x128xi32, #tpu.memory_space<vmem>> -> memref<128xi32, #tpu.memory_space<vmem>>
        %dma_start3A_165 = arith.constant 0 : i32
        %dma_start3A_166 = arith.constant 0 : i32
        %dma_start3A_167 = tpu.memref_slice %arg2[%dma_start3A_165, %dma_start3A_166] : memref<10240x64xf32, #tpu.memory_space<hbm>> -> memref<10240x64xf32, #tpu.memory_space<hbm>>
        tpu.enqueue_indirect_dma source(%dma_start3A_167 : memref<10240x64xf32, #tpu.memory_space<hbm>>) target(%arg12 : memref<128x64xf32, #tpu.memory_space<vmem>>) offsets(%dma_start3A_164 : memref<128xi32, #tpu.memory_space<vmem>>) semaphore(%arg16 : memref<!tpu.dma_semaphore, #tpu.memory_space<semaphore_mem>>)
        %dma_wait3A_168 = arith.constant 0 : i32
        %dma_wait3A_169 = tpu.memref_slice %arg7[%add3A_152, %dma_wait3A_168] : memref<160x128xi32, #tpu.memory_space<vmem>> -> memref<1x128xi32, #tpu.memory_space<vmem>>
        %dma_wait3A_170 = tpu.memref_squeeze %dma_wait3A_169 : memref<1x128xi32, #tpu.memory_space<vmem>> -> memref<128xi32, #tpu.memory_space<vmem>>
        %dma_wait3A_171 = arith.constant 0 : i32
        %dma_wait3A_172 = arith.constant 0 : i32
        %dma_wait3A_173 = tpu.memref_slice %arg2[%dma_wait3A_171, %dma_wait3A_172] : memref<10240x64xf32, #tpu.memory_space<hbm>> -> memref<10240x64xf32, #tpu.memory_space<hbm>>
        tpu.wait_indirect_dma semaphore(%arg14 : memref<!tpu.dma_semaphore, #tpu.memory_space<semaphore_mem>>) src(%dma_wait3A_173 : memref<10240x64xf32, #tpu.memory_space<hbm>>) dst(%arg10 : memref<128x64xf32, #tpu.memory_space<vmem>>)
        %dma_start3A_174 = arith.constant 0 : i32
        %dma_start3A_175 = tpu.memref_slice %arg8[%add3A_152, %dma_start3A_174] : memref<160x128xi32, #tpu.memory_space<vmem>> -> memref<1x128xi32, #tpu.memory_space<vmem>>
        %dma_start3A_176 = tpu.memref_squeeze %dma_start3A_175 : memref<1x128xi32, #tpu.memory_space<vmem>> -> memref<128xi32, #tpu.memory_space<vmem>>
        %dma_start3A_177 = arith.constant 0 : i32
        %dma_start3A_178 = arith.constant 0 : i32
        %dma_start3A_179 = tpu.memref_slice %arg21[%dma_start3A_177, %dma_start3A_178] : memref<10240x64xf32, #tpu.memory_space<vmem_shared>> -> memref<10240x64xf32, #tpu.memory_space<vmem_shared>>
        tpu.enqueue_indirect_dma source(%arg10 : memref<128x64xf32, #tpu.memory_space<vmem>>) target(%dma_start3A_179 : memref<10240x64xf32, #tpu.memory_space<vmem_shared>>) offsets(%dma_start3A_176 : memref<128xi32, #tpu.memory_space<vmem>>) semaphore(%arg18 : memref<!tpu.dma_semaphore, #tpu.memory_space<semaphore_mem>>) {add = true}
        %add3A_180 = arith.constant 2 : i32
        %add3A_181 = arith.addi %mul3A_123, %add3A_180 : i32
        %sub3A = arith.constant 2 : i32
        %sub3A_182 = arith.subi %add3A_181, %sub3A : i32
        %dma_wait3A_183 = arith.constant 0 : i32
        %dma_wait3A_184 = tpu.memref_slice %arg8[%sub3A_182, %dma_wait3A_183] : memref<160x128xi32, #tpu.memory_space<vmem>> -> memref<1x128xi32, #tpu.memory_space<vmem>>
        %dma_wait3A_185 = tpu.memref_squeeze %dma_wait3A_184 : memref<1x128xi32, #tpu.memory_space<vmem>> -> memref<128xi32, #tpu.memory_space<vmem>>
        %dma_wait3A_186 = arith.constant 0 : i32
        %dma_wait3A_187 = arith.constant 0 : i32
        %dma_wait3A_188 = tpu.memref_slice %arg21[%dma_wait3A_186, %dma_wait3A_187] : memref<10240x64xf32, #tpu.memory_space<vmem_shared>> -> memref<10240x64xf32, #tpu.memory_space<vmem_shared>>
        tpu.wait_indirect_dma semaphore(%arg17 : memref<!tpu.dma_semaphore, #tpu.memory_space<semaphore_mem>>) src(%arg9 : memref<128x64xf32, #tpu.memory_space<vmem>>) dst(%dma_wait3A_188 : memref<10240x64xf32, #tpu.memory_space<vmem_shared>>)
        %add3A_189 = arith.constant 2 : i32
        %add3A_190 = arith.addi %add3A_181, %add3A_189 : i32
        %min3A_191 = arith.constant 159 : i32
        %min3A_192 = arith.minsi %add3A_190, %min3A_191 : i32
        %dma_start3A_193 = arith.constant 0 : i32
        %dma_start3A_194 = tpu.memref_slice %arg7[%min3A_192, %dma_start3A_193] : memref<160x128xi32, #tpu.memory_space<vmem>> -> memref<1x128xi32, #tpu.memory_space<vmem>>
        %dma_start3A_195 = tpu.memref_squeeze %dma_start3A_194 : memref<1x128xi32, #tpu.memory_space<vmem>> -> memref<128xi32, #tpu.memory_space<vmem>>
        %dma_start3A_196 = arith.constant 0 : i32
        %dma_start3A_197 = arith.constant 0 : i32
        %dma_start3A_198 = tpu.memref_slice %arg2[%dma_start3A_196, %dma_start3A_197] : memref<10240x64xf32, #tpu.memory_space<hbm>> -> memref<10240x64xf32, #tpu.memory_space<hbm>>
        tpu.enqueue_indirect_dma source(%dma_start3A_198 : memref<10240x64xf32, #tpu.memory_space<hbm>>) target(%arg9 : memref<128x64xf32, #tpu.memory_space<vmem>>) offsets(%dma_start3A_195 : memref<128xi32, #tpu.memory_space<vmem>>) semaphore(%arg13 : memref<!tpu.dma_semaphore, #tpu.memory_space<semaphore_mem>>)
        %dma_wait3A_199 = arith.constant 0 : i32
        %dma_wait3A_200 = tpu.memref_slice %arg7[%add3A_181, %dma_wait3A_199] : memref<160x128xi32, #tpu.memory_space<vmem>> -> memref<1x128xi32, #tpu.memory_space<vmem>>
        %dma_wait3A_201 = tpu.memref_squeeze %dma_wait3A_200 : memref<1x128xi32, #tpu.memory_space<vmem>> -> memref<128xi32, #tpu.memory_space<vmem>>
        %dma_wait3A_202 = arith.constant 0 : i32
        %dma_wait3A_203 = arith.constant 0 : i32
        %dma_wait3A_204 = tpu.memref_slice %arg2[%dma_wait3A_202, %dma_wait3A_203] : memref<10240x64xf32, #tpu.memory_space<hbm>> -> memref<10240x64xf32, #tpu.memory_space<hbm>>
        tpu.wait_indirect_dma semaphore(%arg15 : memref<!tpu.dma_semaphore, #tpu.memory_space<semaphore_mem>>) src(%dma_wait3A_204 : memref<10240x64xf32, #tpu.memory_space<hbm>>) dst(%arg11 : memref<128x64xf32, #tpu.memory_space<vmem>>)
        %dma_start3A_205 = arith.constant 0 : i32
        %dma_start3A_206 = tpu.memref_slice %arg8[%add3A_181, %dma_start3A_205] : memref<160x128xi32, #tpu.memory_space<vmem>> -> memref<1x128xi32, #tpu.memory_space<vmem>>
        %dma_start3A_207 = tpu.memref_squeeze %dma_start3A_206 : memref<1x128xi32, #tpu.memory_space<vmem>> -> memref<128xi32, #tpu.memory_space<vmem>>
        %dma_start3A_208 = arith.constant 0 : i32
        %dma_start3A_209 = arith.constant 0 : i32
        %dma_start3A_210 = tpu.memref_slice %arg21[%dma_start3A_208, %dma_start3A_209] : memref<10240x64xf32, #tpu.memory_space<vmem_shared>> -> memref<10240x64xf32, #tpu.memory_space<vmem_shared>>
        tpu.enqueue_indirect_dma source(%arg11 : memref<128x64xf32, #tpu.memory_space<vmem>>) target(%dma_start3A_210 : memref<10240x64xf32, #tpu.memory_space<vmem_shared>>) offsets(%dma_start3A_207 : memref<128xi32, #tpu.memory_space<vmem>>) semaphore(%arg19 : memref<!tpu.dma_semaphore, #tpu.memory_space<semaphore_mem>>) {add = true}
        %add3A_211 = arith.constant 3 : i32
        %add3A_212 = arith.addi %mul3A_123, %add3A_211 : i32
        %sub3A_213 = arith.constant 2 : i32
        %sub3A_214 = arith.subi %add3A_212, %sub3A_213 : i32
        %dma_wait3A_215 = arith.constant 0 : i32
        %dma_wait3A_216 = tpu.memref_slice %arg8[%sub3A_214, %dma_wait3A_215] : memref<160x128xi32, #tpu.memory_space<vmem>> -> memref<1x128xi32, #tpu.memory_space<vmem>>
        %dma_wait3A_217 = tpu.memref_squeeze %dma_wait3A_216 : memref<1x128xi32, #tpu.memory_space<vmem>> -> memref<128xi32, #tpu.memory_space<vmem>>
        %dma_wait3A_218 = arith.constant 0 : i32
        %dma_wait3A_219 = arith.constant 0 : i32
        %dma_wait3A_220 = tpu.memref_slice %arg21[%dma_wait3A_218, %dma_wait3A_219] : memref<10240x64xf32, #tpu.memory_space<vmem_shared>> -> memref<10240x64xf32, #tpu.memory_space<vmem_shared>>
        tpu.wait_indirect_dma semaphore(%arg18 : memref<!tpu.dma_semaphore, #tpu.memory_space<semaphore_mem>>) src(%arg10 : memref<128x64xf32, #tpu.memory_space<vmem>>) dst(%dma_wait3A_220 : memref<10240x64xf32, #tpu.memory_space<vmem_shared>>)
        %add3A_221 = arith.constant 2 : i32
        %add3A_222 = arith.addi %add3A_212, %add3A_221 : i32
        %min3A_223 = arith.constant 159 : i32
        %min3A_224 = arith.minsi %add3A_222, %min3A_223 : i32
        %dma_start3A_225 = arith.constant 0 : i32
        %dma_start3A_226 = tpu.memref_slice %arg7[%min3A_224, %dma_start3A_225] : memref<160x128xi32, #tpu.memory_space<vmem>> -> memref<1x128xi32, #tpu.memory_space<vmem>>
        %dma_start3A_227 = tpu.memref_squeeze %dma_start3A_226 : memref<1x128xi32, #tpu.memory_space<vmem>> -> memref<128xi32, #tpu.memory_space<vmem>>
        %dma_start3A_228 = arith.constant 0 : i32
        %dma_start3A_229 = arith.constant 0 : i32
        %dma_start3A_230 = tpu.memref_slice %arg2[%dma_start3A_228, %dma_start3A_229] : memref<10240x64xf32, #tpu.memory_space<hbm>> -> memref<10240x64xf32, #tpu.memory_space<hbm>>
        tpu.enqueue_indirect_dma source(%dma_start3A_230 : memref<10240x64xf32, #tpu.memory_space<hbm>>) target(%arg10 : memref<128x64xf32, #tpu.memory_space<vmem>>) offsets(%dma_start3A_227 : memref<128xi32, #tpu.memory_space<vmem>>) semaphore(%arg14 : memref<!tpu.dma_semaphore, #tpu.memory_space<semaphore_mem>>)
        %dma_wait3A_231 = arith.constant 0 : i32
        %dma_wait3A_232 = tpu.memref_slice %arg7[%add3A_212, %dma_wait3A_231] : memref<160x128xi32, #tpu.memory_space<vmem>> -> memref<1x128xi32, #tpu.memory_space<vmem>>
        %dma_wait3A_233 = tpu.memref_squeeze %dma_wait3A_232 : memref<1x128xi32, #tpu.memory_space<vmem>> -> memref<128xi32, #tpu.memory_space<vmem>>
        %dma_wait3A_234 = arith.constant 0 : i32
        %dma_wait3A_235 = arith.constant 0 : i32
        %dma_wait3A_236 = tpu.memref_slice %arg2[%dma_wait3A_234, %dma_wait3A_235] : memref<10240x64xf32, #tpu.memory_space<hbm>> -> memref<10240x64xf32, #tpu.memory_space<hbm>>
        tpu.wait_indirect_dma semaphore(%arg16 : memref<!tpu.dma_semaphore, #tpu.memory_space<semaphore_mem>>) src(%dma_wait3A_236 : memref<10240x64xf32, #tpu.memory_space<hbm>>) dst(%arg12 : memref<128x64xf32, #tpu.memory_space<vmem>>)
        %dma_start3A_237 = arith.constant 0 : i32
        %dma_start3A_238 = tpu.memref_slice %arg8[%add3A_212, %dma_start3A_237] : memref<160x128xi32, #tpu.memory_space<vmem>> -> memref<1x128xi32, #tpu.memory_space<vmem>>
        %dma_start3A_239 = tpu.memref_squeeze %dma_start3A_238 : memref<1x128xi32, #tpu.memory_space<vmem>> -> memref<128xi32, #tpu.memory_space<vmem>>
        %dma_start3A_240 = arith.constant 0 : i32
        %dma_start3A_241 = arith.constant 0 : i32
        %dma_start3A_242 = tpu.memref_slice %arg21[%dma_start3A_240, %dma_start3A_241] : memref<10240x64xf32, #tpu.memory_space<vmem_shared>> -> memref<10240x64xf32, #tpu.memory_space<vmem_shared>>
        tpu.enqueue_indirect_dma source(%arg12 : memref<128x64xf32, #tpu.memory_space<vmem>>) target(%dma_start3A_242 : memref<10240x64xf32, #tpu.memory_space<vmem_shared>>) offsets(%dma_start3A_239 : memref<128xi32, #tpu.memory_space<vmem>>) semaphore(%arg20 : memref<!tpu.dma_semaphore, #tpu.memory_space<semaphore_mem>>) {add = true}
      }
      %scan3A_93 = arith.constant 40 : i32
      %dma_wait3A = arith.constant 159 : i32
      %dma_wait3A_94 = arith.constant 0 : i32
      %dma_wait3A_95 = tpu.memref_slice %arg7[%dma_wait3A, %dma_wait3A_94] : memref<160x128xi32, #tpu.memory_space<vmem>> -> memref<1x128xi32, #tpu.memory_space<vmem>>
      %dma_wait3A_96 = tpu.memref_squeeze %dma_wait3A_95 : memref<1x128xi32, #tpu.memory_space<vmem>> -> memref<128xi32, #tpu.memory_space<vmem>>
      %dma_wait3A_97 = arith.constant 0 : i32
      %dma_wait3A_98 = arith.constant 0 : i32
      %dma_wait3A_99 = tpu.memref_slice %arg2[%dma_wait3A_97, %dma_wait3A_98] : memref<10240x64xf32, #tpu.memory_space<hbm>> -> memref<10240x64xf32, #tpu.memory_space<hbm>>
      tpu.wait_indirect_dma semaphore(%arg13 : memref<!tpu.dma_semaphore, #tpu.memory_space<semaphore_mem>>) src(%dma_wait3A_99 : memref<10240x64xf32, #tpu.memory_space<hbm>>) dst(%arg9 : memref<128x64xf32, #tpu.memory_space<vmem>>)
      %dma_wait3A_100 = arith.constant 158 : i32
      %dma_wait3A_101 = arith.constant 0 : i32
      %dma_wait3A_102 = tpu.memref_slice %arg8[%dma_wait3A_100, %dma_wait3A_101] : memref<160x128xi32, #tpu.memory_space<vmem>> -> memref<1x128xi32, #tpu.memory_space<vmem>>
      %dma_wait3A_103 = tpu.memref_squeeze %dma_wait3A_102 : memref<1x128xi32, #tpu.memory_space<vmem>> -> memref<128xi32, #tpu.memory_space<vmem>>
      %dma_wait3A_104 = arith.constant 0 : i32
      %dma_wait3A_105 = arith.constant 0 : i32
      %dma_wait3A_106 = tpu.memref_slice %arg21[%dma_wait3A_104, %dma_wait3A_105] : memref<10240x64xf32, #tpu.memory_space<vmem_shared>> -> memref<10240x64xf32, #tpu.memory_space<vmem_shared>>
      tpu.wait_indirect_dma semaphore(%arg19 : memref<!tpu.dma_semaphore, #tpu.memory_space<semaphore_mem>>) src(%arg11 : memref<128x64xf32, #tpu.memory_space<vmem>>) dst(%dma_wait3A_106 : memref<10240x64xf32, #tpu.memory_space<vmem_shared>>)
      %dma_wait3A_107 = arith.constant 159 : i32
      %dma_wait3A_108 = arith.constant 0 : i32
      %dma_wait3A_109 = tpu.memref_slice %arg7[%dma_wait3A_107, %dma_wait3A_108] : memref<160x128xi32, #tpu.memory_space<vmem>> -> memref<1x128xi32, #tpu.memory_space<vmem>>
      %dma_wait3A_110 = tpu.memref_squeeze %dma_wait3A_109 : memref<1x128xi32, #tpu.memory_space<vmem>> -> memref<128xi32, #tpu.memory_space<vmem>>
      %dma_wait3A_111 = arith.constant 0 : i32
      %dma_wait3A_112 = arith.constant 0 : i32
      %dma_wait3A_113 = tpu.memref_slice %arg2[%dma_wait3A_111, %dma_wait3A_112] : memref<10240x64xf32, #tpu.memory_space<hbm>> -> memref<10240x64xf32, #tpu.memory_space<hbm>>
      tpu.wait_indirect_dma semaphore(%arg14 : memref<!tpu.dma_semaphore, #tpu.memory_space<semaphore_mem>>) src(%dma_wait3A_113 : memref<10240x64xf32, #tpu.memory_space<hbm>>) dst(%arg10 : memref<128x64xf32, #tpu.memory_space<vmem>>)
      %dma_wait3A_114 = arith.constant 159 : i32
      %dma_wait3A_115 = arith.constant 0 : i32
      %dma_wait3A_116 = tpu.memref_slice %arg8[%dma_wait3A_114, %dma_wait3A_115] : memref<160x128xi32, #tpu.memory_space<vmem>> -> memref<1x128xi32, #tpu.memory_space<vmem>>
      %dma_wait3A_117 = tpu.memref_squeeze %dma_wait3A_116 : memref<1x128xi32, #tpu.memory_space<vmem>> -> memref<128xi32, #tpu.memory_space<vmem>>
      %dma_wait3A_118 = arith.constant 0 : i32
      %dma_wait3A_119 = arith.constant 0 : i32
      %dma_wait3A_120 = tpu.memref_slice %arg21[%dma_wait3A_118, %dma_wait3A_119] : memref<10240x64xf32, #tpu.memory_space<vmem_shared>> -> memref<10240x64xf32, #tpu.memory_space<vmem_shared>>
      tpu.wait_indirect_dma semaphore(%arg20 : memref<!tpu.dma_semaphore, #tpu.memory_space<semaphore_mem>>) src(%arg12 : memref<128x64xf32, #tpu.memory_space<vmem>>) dst(%dma_wait3A_120 : memref<10240x64xf32, #tpu.memory_space<vmem_shared>>)
    } else {
    }
    %eq3A_29 = arith.constant 1 : i32
    %eq3A_30 = arith.cmpi eq, %arg0, %eq3A_29 : i32
    %convert_element_type3A_31 = arith.extui %eq3A_30 : i1 to i32
    %cond3A_32 = arith.constant 0 : i32
    %cond3A_33 = arith.cmpi ne, %convert_element_type3A_31, %cond3A_32 : i32
    scf.if %cond3A_33 {
      %dma_start3A = arith.constant 0 : i32
      %dma_start3A_75 = arith.constant 0 : i32
      %dma_start3A_76 = tpu.memref_slice %arg7[%dma_start3A, %dma_start3A_75] : memref<160x128xi32, #tpu.memory_space<vmem>> -> memref<1x128xi32, #tpu.memory_space<vmem>>
      %dma_start3A_77 = tpu.memref_squeeze %dma_start3A_76 : memref<1x128xi32, #tpu.memory_space<vmem>> -> memref<128xi32, #tpu.memory_space<vmem>>
      %dma_start3A_78 = arith.constant 0 : i32
      %dma_start3A_79 = arith.constant 0 : i32
      %dma_start3A_80 = tpu.memref_slice %arg3[%dma_start3A_78, %dma_start3A_79] : memref<10240x64xf32, #tpu.memory_space<hbm>> -> memref<10240x64xf32, #tpu.memory_space<hbm>>
      tpu.enqueue_indirect_dma source(%dma_start3A_80 : memref<10240x64xf32, #tpu.memory_space<hbm>>) target(%arg9 : memref<128x64xf32, #tpu.memory_space<vmem>>) offsets(%dma_start3A_77 : memref<128xi32, #tpu.memory_space<vmem>>) semaphore(%arg13 : memref<!tpu.dma_semaphore, #tpu.memory_space<semaphore_mem>>)
      %dma_start3A_81 = arith.constant 1 : i32
      %dma_start3A_82 = arith.constant 0 : i32
      %dma_start3A_83 = tpu.memref_slice %arg7[%dma_start3A_81, %dma_start3A_82] : memref<160x128xi32, #tpu.memory_space<vmem>> -> memref<1x128xi32, #tpu.memory_space<vmem>>
      %dma_start3A_84 = tpu.memref_squeeze %dma_start3A_83 : memref<1x128xi32, #tpu.memory_space<vmem>> -> memref<128xi32, #tpu.memory_space<vmem>>
      %dma_start3A_85 = arith.constant 0 : i32
      %dma_start3A_86 = arith.constant 0 : i32
      %dma_start3A_87 = tpu.memref_slice %arg3[%dma_start3A_85, %dma_start3A_86] : memref<10240x64xf32, #tpu.memory_space<hbm>> -> memref<10240x64xf32, #tpu.memory_space<hbm>>
      tpu.enqueue_indirect_dma source(%dma_start3A_87 : memref<10240x64xf32, #tpu.memory_space<hbm>>) target(%arg10 : memref<128x64xf32, #tpu.memory_space<vmem>>) offsets(%dma_start3A_84 : memref<128xi32, #tpu.memory_space<vmem>>) semaphore(%arg14 : memref<!tpu.dma_semaphore, #tpu.memory_space<semaphore_mem>>)
      %scan3A_88 = arith.constant 0 : i32
      %scan3A_89 = arith.constant 0 : i32
      %scan3A_90 = arith.constant 40 : i32
      %scan3A_91 = arith.addi %scan3A_89, %scan3A_90 : i32
      %scan3A_92 = arith.constant 1 : i32
      scf.for %scan3A_121 = %scan3A_89 to %scan3A_91 step %scan3A_92  : i32 {
        %mul3A_122 = arith.constant 4 : i32
        %mul3A_123 = arith.muli %scan3A_121, %mul3A_122 : i32
        %add3A_124 = arith.constant 0 : i32
        %add3A_125 = arith.addi %mul3A_123, %add3A_124 : i32
        %gt3A = arith.constant 0 : i32
        %gt3A_126 = arith.cmpi sgt, %scan3A_121, %gt3A : i32
        %convert_element_type3A_127 = arith.extui %gt3A_126 : i1 to i32
        %cond3A_128 = arith.constant 0 : i32
        %cond3A_129 = arith.cmpi ne, %convert_element_type3A_127, %cond3A_128 : i32
        scf.if %cond3A_129 {
          %sub3A_243 = arith.constant 2 : i32
          %sub3A_244 = arith.subi %add3A_125, %sub3A_243 : i32
          %dma_wait3A_245 = arith.constant 0 : i32
          %dma_wait3A_246 = tpu.memref_slice %arg8[%sub3A_244, %dma_wait3A_245] : memref<160x128xi32, #tpu.memory_space<vmem>> -> memref<1x128xi32, #tpu.memory_space<vmem>>
          %dma_wait3A_247 = tpu.memref_squeeze %dma_wait3A_246 : memref<1x128xi32, #tpu.memory_space<vmem>> -> memref<128xi32, #tpu.memory_space<vmem>>
          %dma_wait3A_248 = arith.constant 0 : i32
          %dma_wait3A_249 = arith.constant 0 : i32
          %dma_wait3A_250 = tpu.memref_slice %arg21[%dma_wait3A_248, %dma_wait3A_249] : memref<10240x64xf32, #tpu.memory_space<vmem_shared>> -> memref<10240x64xf32, #tpu.memory_space<vmem_shared>>
          tpu.wait_indirect_dma semaphore(%arg19 : memref<!tpu.dma_semaphore, #tpu.memory_space<semaphore_mem>>) src(%arg11 : memref<128x64xf32, #tpu.memory_space<vmem>>) dst(%dma_wait3A_250 : memref<10240x64xf32, #tpu.memory_space<vmem_shared>>)
        } else {
        }
        %add3A_130 = arith.constant 2 : i32
        %add3A_131 = arith.addi %add3A_125, %add3A_130 : i32
        %min3A = arith.constant 159 : i32
        %min3A_132 = arith.minsi %add3A_131, %min3A : i32
        %dma_start3A_133 = arith.constant 0 : i32
        %dma_start3A_134 = tpu.memref_slice %arg7[%min3A_132, %dma_start3A_133] : memref<160x128xi32, #tpu.memory_space<vmem>> -> memref<1x128xi32, #tpu.memory_space<vmem>>
        %dma_start3A_135 = tpu.memref_squeeze %dma_start3A_134 : memref<1x128xi32, #tpu.memory_space<vmem>> -> memref<128xi32, #tpu.memory_space<vmem>>
        %dma_start3A_136 = arith.constant 0 : i32
        %dma_start3A_137 = arith.constant 0 : i32
        %dma_start3A_138 = tpu.memref_slice %arg3[%dma_start3A_136, %dma_start3A_137] : memref<10240x64xf32, #tpu.memory_space<hbm>> -> memref<10240x64xf32, #tpu.memory_space<hbm>>
        tpu.enqueue_indirect_dma source(%dma_start3A_138 : memref<10240x64xf32, #tpu.memory_space<hbm>>) target(%arg11 : memref<128x64xf32, #tpu.memory_space<vmem>>) offsets(%dma_start3A_135 : memref<128xi32, #tpu.memory_space<vmem>>) semaphore(%arg15 : memref<!tpu.dma_semaphore, #tpu.memory_space<semaphore_mem>>)
        %dma_wait3A_139 = arith.constant 0 : i32
        %dma_wait3A_140 = tpu.memref_slice %arg7[%add3A_125, %dma_wait3A_139] : memref<160x128xi32, #tpu.memory_space<vmem>> -> memref<1x128xi32, #tpu.memory_space<vmem>>
        %dma_wait3A_141 = tpu.memref_squeeze %dma_wait3A_140 : memref<1x128xi32, #tpu.memory_space<vmem>> -> memref<128xi32, #tpu.memory_space<vmem>>
        %dma_wait3A_142 = arith.constant 0 : i32
        %dma_wait3A_143 = arith.constant 0 : i32
        %dma_wait3A_144 = tpu.memref_slice %arg3[%dma_wait3A_142, %dma_wait3A_143] : memref<10240x64xf32, #tpu.memory_space<hbm>> -> memref<10240x64xf32, #tpu.memory_space<hbm>>
        tpu.wait_indirect_dma semaphore(%arg13 : memref<!tpu.dma_semaphore, #tpu.memory_space<semaphore_mem>>) src(%dma_wait3A_144 : memref<10240x64xf32, #tpu.memory_space<hbm>>) dst(%arg9 : memref<128x64xf32, #tpu.memory_space<vmem>>)
        %dma_start3A_145 = arith.constant 0 : i32
        %dma_start3A_146 = tpu.memref_slice %arg8[%add3A_125, %dma_start3A_145] : memref<160x128xi32, #tpu.memory_space<vmem>> -> memref<1x128xi32, #tpu.memory_space<vmem>>
        %dma_start3A_147 = tpu.memref_squeeze %dma_start3A_146 : memref<1x128xi32, #tpu.memory_space<vmem>> -> memref<128xi32, #tpu.memory_space<vmem>>
        %dma_start3A_148 = arith.constant 0 : i32
        %dma_start3A_149 = arith.constant 0 : i32
        %dma_start3A_150 = tpu.memref_slice %arg21[%dma_start3A_148, %dma_start3A_149] : memref<10240x64xf32, #tpu.memory_space<vmem_shared>> -> memref<10240x64xf32, #tpu.memory_space<vmem_shared>>
        tpu.enqueue_indirect_dma source(%arg9 : memref<128x64xf32, #tpu.memory_space<vmem>>) target(%dma_start3A_150 : memref<10240x64xf32, #tpu.memory_space<vmem_shared>>) offsets(%dma_start3A_147 : memref<128xi32, #tpu.memory_space<vmem>>) semaphore(%arg17 : memref<!tpu.dma_semaphore, #tpu.memory_space<semaphore_mem>>) {add = true}
        %add3A_151 = arith.constant 1 : i32
        %add3A_152 = arith.addi %mul3A_123, %add3A_151 : i32
        %gt3A_153 = arith.constant 0 : i32
        %gt3A_154 = arith.cmpi sgt, %scan3A_121, %gt3A_153 : i32
        %convert_element_type3A_155 = arith.extui %gt3A_154 : i1 to i32
        %cond3A_156 = arith.constant 0 : i32
        %cond3A_157 = arith.cmpi ne, %convert_element_type3A_155, %cond3A_156 : i32
        scf.if %cond3A_157 {
          %sub3A_243 = arith.constant 2 : i32
          %sub3A_244 = arith.subi %add3A_152, %sub3A_243 : i32
          %dma_wait3A_245 = arith.constant 0 : i32
          %dma_wait3A_246 = tpu.memref_slice %arg8[%sub3A_244, %dma_wait3A_245] : memref<160x128xi32, #tpu.memory_space<vmem>> -> memref<1x128xi32, #tpu.memory_space<vmem>>
          %dma_wait3A_247 = tpu.memref_squeeze %dma_wait3A_246 : memref<1x128xi32, #tpu.memory_space<vmem>> -> memref<128xi32, #tpu.memory_space<vmem>>
          %dma_wait3A_248 = arith.constant 0 : i32
          %dma_wait3A_249 = arith.constant 0 : i32
          %dma_wait3A_250 = tpu.memref_slice %arg21[%dma_wait3A_248, %dma_wait3A_249] : memref<10240x64xf32, #tpu.memory_space<vmem_shared>> -> memref<10240x64xf32, #tpu.memory_space<vmem_shared>>
          tpu.wait_indirect_dma semaphore(%arg20 : memref<!tpu.dma_semaphore, #tpu.memory_space<semaphore_mem>>) src(%arg12 : memref<128x64xf32, #tpu.memory_space<vmem>>) dst(%dma_wait3A_250 : memref<10240x64xf32, #tpu.memory_space<vmem_shared>>)
        } else {
        }
        %add3A_158 = arith.constant 2 : i32
        %add3A_159 = arith.addi %add3A_152, %add3A_158 : i32
        %min3A_160 = arith.constant 159 : i32
        %min3A_161 = arith.minsi %add3A_159, %min3A_160 : i32
        %dma_start3A_162 = arith.constant 0 : i32
        %dma_start3A_163 = tpu.memref_slice %arg7[%min3A_161, %dma_start3A_162] : memref<160x128xi32, #tpu.memory_space<vmem>> -> memref<1x128xi32, #tpu.memory_space<vmem>>
        %dma_start3A_164 = tpu.memref_squeeze %dma_start3A_163 : memref<1x128xi32, #tpu.memory_space<vmem>> -> memref<128xi32, #tpu.memory_space<vmem>>
        %dma_start3A_165 = arith.constant 0 : i32
        %dma_start3A_166 = arith.constant 0 : i32
        %dma_start3A_167 = tpu.memref_slice %arg3[%dma_start3A_165, %dma_start3A_166] : memref<10240x64xf32, #tpu.memory_space<hbm>> -> memref<10240x64xf32, #tpu.memory_space<hbm>>
        tpu.enqueue_indirect_dma source(%dma_start3A_167 : memref<10240x64xf32, #tpu.memory_space<hbm>>) target(%arg12 : memref<128x64xf32, #tpu.memory_space<vmem>>) offsets(%dma_start3A_164 : memref<128xi32, #tpu.memory_space<vmem>>) semaphore(%arg16 : memref<!tpu.dma_semaphore, #tpu.memory_space<semaphore_mem>>)
        %dma_wait3A_168 = arith.constant 0 : i32
        %dma_wait3A_169 = tpu.memref_slice %arg7[%add3A_152, %dma_wait3A_168] : memref<160x128xi32, #tpu.memory_space<vmem>> -> memref<1x128xi32, #tpu.memory_space<vmem>>
        %dma_wait3A_170 = tpu.memref_squeeze %dma_wait3A_169 : memref<1x128xi32, #tpu.memory_space<vmem>> -> memref<128xi32, #tpu.memory_space<vmem>>
        %dma_wait3A_171 = arith.constant 0 : i32
        %dma_wait3A_172 = arith.constant 0 : i32
        %dma_wait3A_173 = tpu.memref_slice %arg3[%dma_wait3A_171, %dma_wait3A_172] : memref<10240x64xf32, #tpu.memory_space<hbm>> -> memref<10240x64xf32, #tpu.memory_space<hbm>>
        tpu.wait_indirect_dma semaphore(%arg14 : memref<!tpu.dma_semaphore, #tpu.memory_space<semaphore_mem>>) src(%dma_wait3A_173 : memref<10240x64xf32, #tpu.memory_space<hbm>>) dst(%arg10 : memref<128x64xf32, #tpu.memory_space<vmem>>)
        %dma_start3A_174 = arith.constant 0 : i32
        %dma_start3A_175 = tpu.memref_slice %arg8[%add3A_152, %dma_start3A_174] : memref<160x128xi32, #tpu.memory_space<vmem>> -> memref<1x128xi32, #tpu.memory_space<vmem>>
        %dma_start3A_176 = tpu.memref_squeeze %dma_start3A_175 : memref<1x128xi32, #tpu.memory_space<vmem>> -> memref<128xi32, #tpu.memory_space<vmem>>
        %dma_start3A_177 = arith.constant 0 : i32
        %dma_start3A_178 = arith.constant 0 : i32
        %dma_start3A_179 = tpu.memref_slice %arg21[%dma_start3A_177, %dma_start3A_178] : memref<10240x64xf32, #tpu.memory_space<vmem_shared>> -> memref<10240x64xf32, #tpu.memory_space<vmem_shared>>
        tpu.enqueue_indirect_dma source(%arg10 : memref<128x64xf32, #tpu.memory_space<vmem>>) target(%dma_start3A_179 : memref<10240x64xf32, #tpu.memory_space<vmem_shared>>) offsets(%dma_start3A_176 : memref<128xi32, #tpu.memory_space<vmem>>) semaphore(%arg18 : memref<!tpu.dma_semaphore, #tpu.memory_space<semaphore_mem>>) {add = true}
        %add3A_180 = arith.constant 2 : i32
        %add3A_181 = arith.addi %mul3A_123, %add3A_180 : i32
        %sub3A = arith.constant 2 : i32
        %sub3A_182 = arith.subi %add3A_181, %sub3A : i32
        %dma_wait3A_183 = arith.constant 0 : i32
        %dma_wait3A_184 = tpu.memref_slice %arg8[%sub3A_182, %dma_wait3A_183] : memref<160x128xi32, #tpu.memory_space<vmem>> -> memref<1x128xi32, #tpu.memory_space<vmem>>
        %dma_wait3A_185 = tpu.memref_squeeze %dma_wait3A_184 : memref<1x128xi32, #tpu.memory_space<vmem>> -> memref<128xi32, #tpu.memory_space<vmem>>
        %dma_wait3A_186 = arith.constant 0 : i32
        %dma_wait3A_187 = arith.constant 0 : i32
        %dma_wait3A_188 = tpu.memref_slice %arg21[%dma_wait3A_186, %dma_wait3A_187] : memref<10240x64xf32, #tpu.memory_space<vmem_shared>> -> memref<10240x64xf32, #tpu.memory_space<vmem_shared>>
        tpu.wait_indirect_dma semaphore(%arg17 : memref<!tpu.dma_semaphore, #tpu.memory_space<semaphore_mem>>) src(%arg9 : memref<128x64xf32, #tpu.memory_space<vmem>>) dst(%dma_wait3A_188 : memref<10240x64xf32, #tpu.memory_space<vmem_shared>>)
        %add3A_189 = arith.constant 2 : i32
        %add3A_190 = arith.addi %add3A_181, %add3A_189 : i32
        %min3A_191 = arith.constant 159 : i32
        %min3A_192 = arith.minsi %add3A_190, %min3A_191 : i32
        %dma_start3A_193 = arith.constant 0 : i32
        %dma_start3A_194 = tpu.memref_slice %arg7[%min3A_192, %dma_start3A_193] : memref<160x128xi32, #tpu.memory_space<vmem>> -> memref<1x128xi32, #tpu.memory_space<vmem>>
        %dma_start3A_195 = tpu.memref_squeeze %dma_start3A_194 : memref<1x128xi32, #tpu.memory_space<vmem>> -> memref<128xi32, #tpu.memory_space<vmem>>
        %dma_start3A_196 = arith.constant 0 : i32
        %dma_start3A_197 = arith.constant 0 : i32
        %dma_start3A_198 = tpu.memref_slice %arg3[%dma_start3A_196, %dma_start3A_197] : memref<10240x64xf32, #tpu.memory_space<hbm>> -> memref<10240x64xf32, #tpu.memory_space<hbm>>
        tpu.enqueue_indirect_dma source(%dma_start3A_198 : memref<10240x64xf32, #tpu.memory_space<hbm>>) target(%arg9 : memref<128x64xf32, #tpu.memory_space<vmem>>) offsets(%dma_start3A_195 : memref<128xi32, #tpu.memory_space<vmem>>) semaphore(%arg13 : memref<!tpu.dma_semaphore, #tpu.memory_space<semaphore_mem>>)
        %dma_wait3A_199 = arith.constant 0 : i32
        %dma_wait3A_200 = tpu.memref_slice %arg7[%add3A_181, %dma_wait3A_199] : memref<160x128xi32, #tpu.memory_space<vmem>> -> memref<1x128xi32, #tpu.memory_space<vmem>>
        %dma_wait3A_201 = tpu.memref_squeeze %dma_wait3A_200 : memref<1x128xi32, #tpu.memory_space<vmem>> -> memref<128xi32, #tpu.memory_space<vmem>>
        %dma_wait3A_202 = arith.constant 0 : i32
        %dma_wait3A_203 = arith.constant 0 : i32
        %dma_wait3A_204 = tpu.memref_slice %arg3[%dma_wait3A_202, %dma_wait3A_203] : memref<10240x64xf32, #tpu.memory_space<hbm>> -> memref<10240x64xf32, #tpu.memory_space<hbm>>
        tpu.wait_indirect_dma semaphore(%arg15 : memref<!tpu.dma_semaphore, #tpu.memory_space<semaphore_mem>>) src(%dma_wait3A_204 : memref<10240x64xf32, #tpu.memory_space<hbm>>) dst(%arg11 : memref<128x64xf32, #tpu.memory_space<vmem>>)
        %dma_start3A_205 = arith.constant 0 : i32
        %dma_start3A_206 = tpu.memref_slice %arg8[%add3A_181, %dma_start3A_205] : memref<160x128xi32, #tpu.memory_space<vmem>> -> memref<1x128xi32, #tpu.memory_space<vmem>>
        %dma_start3A_207 = tpu.memref_squeeze %dma_start3A_206 : memref<1x128xi32, #tpu.memory_space<vmem>> -> memref<128xi32, #tpu.memory_space<vmem>>
        %dma_start3A_208 = arith.constant 0 : i32
        %dma_start3A_209 = arith.constant 0 : i32
        %dma_start3A_210 = tpu.memref_slice %arg21[%dma_start3A_208, %dma_start3A_209] : memref<10240x64xf32, #tpu.memory_space<vmem_shared>> -> memref<10240x64xf32, #tpu.memory_space<vmem_shared>>
        tpu.enqueue_indirect_dma source(%arg11 : memref<128x64xf32, #tpu.memory_space<vmem>>) target(%dma_start3A_210 : memref<10240x64xf32, #tpu.memory_space<vmem_shared>>) offsets(%dma_start3A_207 : memref<128xi32, #tpu.memory_space<vmem>>) semaphore(%arg19 : memref<!tpu.dma_semaphore, #tpu.memory_space<semaphore_mem>>) {add = true}
        %add3A_211 = arith.constant 3 : i32
        %add3A_212 = arith.addi %mul3A_123, %add3A_211 : i32
        %sub3A_213 = arith.constant 2 : i32
        %sub3A_214 = arith.subi %add3A_212, %sub3A_213 : i32
        %dma_wait3A_215 = arith.constant 0 : i32
        %dma_wait3A_216 = tpu.memref_slice %arg8[%sub3A_214, %dma_wait3A_215] : memref<160x128xi32, #tpu.memory_space<vmem>> -> memref<1x128xi32, #tpu.memory_space<vmem>>
        %dma_wait3A_217 = tpu.memref_squeeze %dma_wait3A_216 : memref<1x128xi32, #tpu.memory_space<vmem>> -> memref<128xi32, #tpu.memory_space<vmem>>
        %dma_wait3A_218 = arith.constant 0 : i32
        %dma_wait3A_219 = arith.constant 0 : i32
        %dma_wait3A_220 = tpu.memref_slice %arg21[%dma_wait3A_218, %dma_wait3A_219] : memref<10240x64xf32, #tpu.memory_space<vmem_shared>> -> memref<10240x64xf32, #tpu.memory_space<vmem_shared>>
        tpu.wait_indirect_dma semaphore(%arg18 : memref<!tpu.dma_semaphore, #tpu.memory_space<semaphore_mem>>) src(%arg10 : memref<128x64xf32, #tpu.memory_space<vmem>>) dst(%dma_wait3A_220 : memref<10240x64xf32, #tpu.memory_space<vmem_shared>>)
        %add3A_221 = arith.constant 2 : i32
        %add3A_222 = arith.addi %add3A_212, %add3A_221 : i32
        %min3A_223 = arith.constant 159 : i32
        %min3A_224 = arith.minsi %add3A_222, %min3A_223 : i32
        %dma_start3A_225 = arith.constant 0 : i32
        %dma_start3A_226 = tpu.memref_slice %arg7[%min3A_224, %dma_start3A_225] : memref<160x128xi32, #tpu.memory_space<vmem>> -> memref<1x128xi32, #tpu.memory_space<vmem>>
        %dma_start3A_227 = tpu.memref_squeeze %dma_start3A_226 : memref<1x128xi32, #tpu.memory_space<vmem>> -> memref<128xi32, #tpu.memory_space<vmem>>
        %dma_start3A_228 = arith.constant 0 : i32
        %dma_start3A_229 = arith.constant 0 : i32
        %dma_start3A_230 = tpu.memref_slice %arg3[%dma_start3A_228, %dma_start3A_229] : memref<10240x64xf32, #tpu.memory_space<hbm>> -> memref<10240x64xf32, #tpu.memory_space<hbm>>
        tpu.enqueue_indirect_dma source(%dma_start3A_230 : memref<10240x64xf32, #tpu.memory_space<hbm>>) target(%arg10 : memref<128x64xf32, #tpu.memory_space<vmem>>) offsets(%dma_start3A_227 : memref<128xi32, #tpu.memory_space<vmem>>) semaphore(%arg14 : memref<!tpu.dma_semaphore, #tpu.memory_space<semaphore_mem>>)
        %dma_wait3A_231 = arith.constant 0 : i32
        %dma_wait3A_232 = tpu.memref_slice %arg7[%add3A_212, %dma_wait3A_231] : memref<160x128xi32, #tpu.memory_space<vmem>> -> memref<1x128xi32, #tpu.memory_space<vmem>>
        %dma_wait3A_233 = tpu.memref_squeeze %dma_wait3A_232 : memref<1x128xi32, #tpu.memory_space<vmem>> -> memref<128xi32, #tpu.memory_space<vmem>>
        %dma_wait3A_234 = arith.constant 0 : i32
        %dma_wait3A_235 = arith.constant 0 : i32
        %dma_wait3A_236 = tpu.memref_slice %arg3[%dma_wait3A_234, %dma_wait3A_235] : memref<10240x64xf32, #tpu.memory_space<hbm>> -> memref<10240x64xf32, #tpu.memory_space<hbm>>
        tpu.wait_indirect_dma semaphore(%arg16 : memref<!tpu.dma_semaphore, #tpu.memory_space<semaphore_mem>>) src(%dma_wait3A_236 : memref<10240x64xf32, #tpu.memory_space<hbm>>) dst(%arg12 : memref<128x64xf32, #tpu.memory_space<vmem>>)
        %dma_start3A_237 = arith.constant 0 : i32
        %dma_start3A_238 = tpu.memref_slice %arg8[%add3A_212, %dma_start3A_237] : memref<160x128xi32, #tpu.memory_space<vmem>> -> memref<1x128xi32, #tpu.memory_space<vmem>>
        %dma_start3A_239 = tpu.memref_squeeze %dma_start3A_238 : memref<1x128xi32, #tpu.memory_space<vmem>> -> memref<128xi32, #tpu.memory_space<vmem>>
        %dma_start3A_240 = arith.constant 0 : i32
        %dma_start3A_241 = arith.constant 0 : i32
        %dma_start3A_242 = tpu.memref_slice %arg21[%dma_start3A_240, %dma_start3A_241] : memref<10240x64xf32, #tpu.memory_space<vmem_shared>> -> memref<10240x64xf32, #tpu.memory_space<vmem_shared>>
        tpu.enqueue_indirect_dma source(%arg12 : memref<128x64xf32, #tpu.memory_space<vmem>>) target(%dma_start3A_242 : memref<10240x64xf32, #tpu.memory_space<vmem_shared>>) offsets(%dma_start3A_239 : memref<128xi32, #tpu.memory_space<vmem>>) semaphore(%arg20 : memref<!tpu.dma_semaphore, #tpu.memory_space<semaphore_mem>>) {add = true}
      }
      %scan3A_93 = arith.constant 40 : i32
      %dma_wait3A = arith.constant 159 : i32
      %dma_wait3A_94 = arith.constant 0 : i32
      %dma_wait3A_95 = tpu.memref_slice %arg7[%dma_wait3A, %dma_wait3A_94] : memref<160x128xi32, #tpu.memory_space<vmem>> -> memref<1x128xi32, #tpu.memory_space<vmem>>
      %dma_wait3A_96 = tpu.memref_squeeze %dma_wait3A_95 : memref<1x128xi32, #tpu.memory_space<vmem>> -> memref<128xi32, #tpu.memory_space<vmem>>
      %dma_wait3A_97 = arith.constant 0 : i32
      %dma_wait3A_98 = arith.constant 0 : i32
      %dma_wait3A_99 = tpu.memref_slice %arg3[%dma_wait3A_97, %dma_wait3A_98] : memref<10240x64xf32, #tpu.memory_space<hbm>> -> memref<10240x64xf32, #tpu.memory_space<hbm>>
      tpu.wait_indirect_dma semaphore(%arg13 : memref<!tpu.dma_semaphore, #tpu.memory_space<semaphore_mem>>) src(%dma_wait3A_99 : memref<10240x64xf32, #tpu.memory_space<hbm>>) dst(%arg9 : memref<128x64xf32, #tpu.memory_space<vmem>>)
      %dma_wait3A_100 = arith.constant 158 : i32
      %dma_wait3A_101 = arith.constant 0 : i32
      %dma_wait3A_102 = tpu.memref_slice %arg8[%dma_wait3A_100, %dma_wait3A_101] : memref<160x128xi32, #tpu.memory_space<vmem>> -> memref<1x128xi32, #tpu.memory_space<vmem>>
      %dma_wait3A_103 = tpu.memref_squeeze %dma_wait3A_102 : memref<1x128xi32, #tpu.memory_space<vmem>> -> memref<128xi32, #tpu.memory_space<vmem>>
      %dma_wait3A_104 = arith.constant 0 : i32
      %dma_wait3A_105 = arith.constant 0 : i32
      %dma_wait3A_106 = tpu.memref_slice %arg21[%dma_wait3A_104, %dma_wait3A_105] : memref<10240x64xf32, #tpu.memory_space<vmem_shared>> -> memref<10240x64xf32, #tpu.memory_space<vmem_shared>>
      tpu.wait_indirect_dma semaphore(%arg19 : memref<!tpu.dma_semaphore, #tpu.memory_space<semaphore_mem>>) src(%arg11 : memref<128x64xf32, #tpu.memory_space<vmem>>) dst(%dma_wait3A_106 : memref<10240x64xf32, #tpu.memory_space<vmem_shared>>)
      %dma_wait3A_107 = arith.constant 159 : i32
      %dma_wait3A_108 = arith.constant 0 : i32
      %dma_wait3A_109 = tpu.memref_slice %arg7[%dma_wait3A_107, %dma_wait3A_108] : memref<160x128xi32, #tpu.memory_space<vmem>> -> memref<1x128xi32, #tpu.memory_space<vmem>>
      %dma_wait3A_110 = tpu.memref_squeeze %dma_wait3A_109 : memref<1x128xi32, #tpu.memory_space<vmem>> -> memref<128xi32, #tpu.memory_space<vmem>>
      %dma_wait3A_111 = arith.constant 0 : i32
      %dma_wait3A_112 = arith.constant 0 : i32
      %dma_wait3A_113 = tpu.memref_slice %arg3[%dma_wait3A_111, %dma_wait3A_112] : memref<10240x64xf32, #tpu.memory_space<hbm>> -> memref<10240x64xf32, #tpu.memory_space<hbm>>
      tpu.wait_indirect_dma semaphore(%arg14 : memref<!tpu.dma_semaphore, #tpu.memory_space<semaphore_mem>>) src(%dma_wait3A_113 : memref<10240x64xf32, #tpu.memory_space<hbm>>) dst(%arg10 : memref<128x64xf32, #tpu.memory_space<vmem>>)
      %dma_wait3A_114 = arith.constant 159 : i32
      %dma_wait3A_115 = arith.constant 0 : i32
      %dma_wait3A_116 = tpu.memref_slice %arg8[%dma_wait3A_114, %dma_wait3A_115] : memref<160x128xi32, #tpu.memory_space<vmem>> -> memref<1x128xi32, #tpu.memory_space<vmem>>
      %dma_wait3A_117 = tpu.memref_squeeze %dma_wait3A_116 : memref<1x128xi32, #tpu.memory_space<vmem>> -> memref<128xi32, #tpu.memory_space<vmem>>
      %dma_wait3A_118 = arith.constant 0 : i32
      %dma_wait3A_119 = arith.constant 0 : i32
      %dma_wait3A_120 = tpu.memref_slice %arg21[%dma_wait3A_118, %dma_wait3A_119] : memref<10240x64xf32, #tpu.memory_space<vmem_shared>> -> memref<10240x64xf32, #tpu.memory_space<vmem_shared>>
      tpu.wait_indirect_dma semaphore(%arg20 : memref<!tpu.dma_semaphore, #tpu.memory_space<semaphore_mem>>) src(%arg12 : memref<128x64xf32, #tpu.memory_space<vmem>>) dst(%dma_wait3A_120 : memref<10240x64xf32, #tpu.memory_space<vmem_shared>>)
    } else {
    }
    %barrier3A_34 = arith.constant 0 : index
    tpu.barrier barrier_id(%barrier3A_34)
    %mul3A_35 = arith.constant 640 : i32
    %mul3A_36 = arith.muli %arg1, %mul3A_35 : i32
    %add3A_37 = arith.constant 0 : i32
    %add3A_38 = arith.addi %mul3A_36, %add3A_37 : i32
    %mul3A_39 = arith.constant 640 : i32
    %mul3A_40 = arith.muli %arg1, %mul3A_39 : i32
    %add3A_41 = arith.constant 0 : i32
    %add3A_42 = arith.addi %mul3A_40, %add3A_41 : i32
    "tpu.region"() ({
      %run_scoped3A = tpu.sem_alloc : memref<!tpu.dma_semaphore, #tpu.memory_space<semaphore_mem>>
      %dma_start3A = arith.constant 0 : i32
      %dma_start3A_75 = tpu.memref_slice %arg6[%arg0, %add3A_42, %dma_start3A] : memref<2x10240x64xf32, #tpu.memory_space<hbm>> -> memref<1x128x64xf32, #tpu.memory_space<hbm>>
      %dma_start3A_76 = tpu.memref_squeeze %dma_start3A_75 : memref<1x128x64xf32, #tpu.memory_space<hbm>> -> memref<128x64xf32, #tpu.memory_space<hbm>>
      %dma_start3A_77 = arith.constant 0 : i32
      %dma_start3A_78 = tpu.memref_slice %arg21[%add3A_38, %dma_start3A_77] : memref<10240x64xf32, #tpu.memory_space<vmem_shared>> -> memref<128x64xf32, #tpu.memory_space<vmem_shared>>
      tpu.enqueue_dma source(%dma_start3A_78 : memref<128x64xf32, #tpu.memory_space<vmem_shared>>) target(%dma_start3A_76 : memref<128x64xf32, #tpu.memory_space<hbm>>) target_semaphore(%run_scoped3A : memref<!tpu.dma_semaphore, #tpu.memory_space<semaphore_mem>>)
      %dma_wait3A = arith.constant 0 : i32
      %dma_wait3A_79 = tpu.memref_slice %arg6[%arg0, %add3A_42, %dma_wait3A] : memref<2x10240x64xf32, #tpu.memory_space<hbm>> -> memref<1x128x64xf32, #tpu.memory_space<hbm>>
      %dma_wait3A_80 = tpu.memref_squeeze %dma_wait3A_79 : memref<1x128x64xf32, #tpu.memory_space<hbm>> -> memref<128x64xf32, #tpu.memory_space<hbm>>
      %dma_wait3A_81 = arith.constant 0 : i32
      %dma_wait3A_82 = tpu.memref_slice %arg21[%add3A_38, %dma_wait3A_81] : memref<10240x64xf32, #tpu.memory_space<vmem_shared>> -> memref<128x64xf32, #tpu.memory_space<vmem_shared>>
      tpu.wait_dma2 semaphore(%run_scoped3A : memref<!tpu.dma_semaphore, #tpu.memory_space<semaphore_mem>>) src(%dma_wait3A_82 : memref<128x64xf32, #tpu.memory_space<vmem_shared>>) dst(%dma_wait3A_80 : memref<128x64xf32, #tpu.memory_space<hbm>>)
      tpu.yield
    }) : () -> ()
    %mul3A_43 = arith.constant 640 : i32
    %mul3A_44 = arith.muli %arg1, %mul3A_43 : i32
    %add3A_45 = arith.constant 128 : i32
    %add3A_46 = arith.addi %mul3A_44, %add3A_45 : i32
    %mul3A_47 = arith.constant 640 : i32
    %mul3A_48 = arith.muli %arg1, %mul3A_47 : i32
    %add3A_49 = arith.constant 128 : i32
    %add3A_50 = arith.addi %mul3A_48, %add3A_49 : i32
    "tpu.region"() ({
      %run_scoped3A = tpu.sem_alloc : memref<!tpu.dma_semaphore, #tpu.memory_space<semaphore_mem>>
      %dma_start3A = arith.constant 0 : i32
      %dma_start3A_75 = tpu.memref_slice %arg6[%arg0, %add3A_50, %dma_start3A] : memref<2x10240x64xf32, #tpu.memory_space<hbm>> -> memref<1x128x64xf32, #tpu.memory_space<hbm>>
      %dma_start3A_76 = tpu.memref_squeeze %dma_start3A_75 : memref<1x128x64xf32, #tpu.memory_space<hbm>> -> memref<128x64xf32, #tpu.memory_space<hbm>>
      %dma_start3A_77 = arith.constant 0 : i32
      %dma_start3A_78 = tpu.memref_slice %arg21[%add3A_46, %dma_start3A_77] : memref<10240x64xf32, #tpu.memory_space<vmem_shared>> -> memref<128x64xf32, #tpu.memory_space<vmem_shared>>
      tpu.enqueue_dma source(%dma_start3A_78 : memref<128x64xf32, #tpu.memory_space<vmem_shared>>) target(%dma_start3A_76 : memref<128x64xf32, #tpu.memory_space<hbm>>) target_semaphore(%run_scoped3A : memref<!tpu.dma_semaphore, #tpu.memory_space<semaphore_mem>>)
      %dma_wait3A = arith.constant 0 : i32
      %dma_wait3A_79 = tpu.memref_slice %arg6[%arg0, %add3A_50, %dma_wait3A] : memref<2x10240x64xf32, #tpu.memory_space<hbm>> -> memref<1x128x64xf32, #tpu.memory_space<hbm>>
      %dma_wait3A_80 = tpu.memref_squeeze %dma_wait3A_79 : memref<1x128x64xf32, #tpu.memory_space<hbm>> -> memref<128x64xf32, #tpu.memory_space<hbm>>
      %dma_wait3A_81 = arith.constant 0 : i32
      %dma_wait3A_82 = tpu.memref_slice %arg21[%add3A_46, %dma_wait3A_81] : memref<10240x64xf32, #tpu.memory_space<vmem_shared>> -> memref<128x64xf32, #tpu.memory_space<vmem_shared>>
      tpu.wait_dma2 semaphore(%run_scoped3A : memref<!tpu.dma_semaphore, #tpu.memory_space<semaphore_mem>>) src(%dma_wait3A_82 : memref<128x64xf32, #tpu.memory_space<vmem_shared>>) dst(%dma_wait3A_80 : memref<128x64xf32, #tpu.memory_space<hbm>>)
      tpu.yield
    }) : () -> ()
    %mul3A_51 = arith.constant 640 : i32
    %mul3A_52 = arith.muli %arg1, %mul3A_51 : i32
    %add3A_53 = arith.constant 256 : i32
    %add3A_54 = arith.addi %mul3A_52, %add3A_53 : i32
    %mul3A_55 = arith.constant 640 : i32
    %mul3A_56 = arith.muli %arg1, %mul3A_55 : i32
    %add3A_57 = arith.constant 256 : i32
    %add3A_58 = arith.addi %mul3A_56, %add3A_57 : i32
    "tpu.region"() ({
      %run_scoped3A = tpu.sem_alloc : memref<!tpu.dma_semaphore, #tpu.memory_space<semaphore_mem>>
      %dma_start3A = arith.constant 0 : i32
      %dma_start3A_75 = tpu.memref_slice %arg6[%arg0, %add3A_58, %dma_start3A] : memref<2x10240x64xf32, #tpu.memory_space<hbm>> -> memref<1x128x64xf32, #tpu.memory_space<hbm>>
      %dma_start3A_76 = tpu.memref_squeeze %dma_start3A_75 : memref<1x128x64xf32, #tpu.memory_space<hbm>> -> memref<128x64xf32, #tpu.memory_space<hbm>>
      %dma_start3A_77 = arith.constant 0 : i32
      %dma_start3A_78 = tpu.memref_slice %arg21[%add3A_54, %dma_start3A_77] : memref<10240x64xf32, #tpu.memory_space<vmem_shared>> -> memref<128x64xf32, #tpu.memory_space<vmem_shared>>
      tpu.enqueue_dma source(%dma_start3A_78 : memref<128x64xf32, #tpu.memory_space<vmem_shared>>) target(%dma_start3A_76 : memref<128x64xf32, #tpu.memory_space<hbm>>) target_semaphore(%run_scoped3A : memref<!tpu.dma_semaphore, #tpu.memory_space<semaphore_mem>>)
      %dma_wait3A = arith.constant 0 : i32
      %dma_wait3A_79 = tpu.memref_slice %arg6[%arg0, %add3A_58, %dma_wait3A] : memref<2x10240x64xf32, #tpu.memory_space<hbm>> -> memref<1x128x64xf32, #tpu.memory_space<hbm>>
      %dma_wait3A_80 = tpu.memref_squeeze %dma_wait3A_79 : memref<1x128x64xf32, #tpu.memory_space<hbm>> -> memref<128x64xf32, #tpu.memory_space<hbm>>
      %dma_wait3A_81 = arith.constant 0 : i32
      %dma_wait3A_82 = tpu.memref_slice %arg21[%add3A_54, %dma_wait3A_81] : memref<10240x64xf32, #tpu.memory_space<vmem_shared>> -> memref<128x64xf32, #tpu.memory_space<vmem_shared>>
      tpu.wait_dma2 semaphore(%run_scoped3A : memref<!tpu.dma_semaphore, #tpu.memory_space<semaphore_mem>>) src(%dma_wait3A_82 : memref<128x64xf32, #tpu.memory_space<vmem_shared>>) dst(%dma_wait3A_80 : memref<128x64xf32, #tpu.memory_space<hbm>>)
      tpu.yield
    }) : () -> ()
    %mul3A_59 = arith.constant 640 : i32
    %mul3A_60 = arith.muli %arg1, %mul3A_59 : i32
    %add3A_61 = arith.constant 384 : i32
    %add3A_62 = arith.addi %mul3A_60, %add3A_61 : i32
    %mul3A_63 = arith.constant 640 : i32
    %mul3A_64 = arith.muli %arg1, %mul3A_63 : i32
    %add3A_65 = arith.constant 384 : i32
    %add3A_66 = arith.addi %mul3A_64, %add3A_65 : i32
    "tpu.region"() ({
      %run_scoped3A = tpu.sem_alloc : memref<!tpu.dma_semaphore, #tpu.memory_space<semaphore_mem>>
      %dma_start3A = arith.constant 0 : i32
      %dma_start3A_75 = tpu.memref_slice %arg6[%arg0, %add3A_66, %dma_start3A] : memref<2x10240x64xf32, #tpu.memory_space<hbm>> -> memref<1x128x64xf32, #tpu.memory_space<hbm>>
      %dma_start3A_76 = tpu.memref_squeeze %dma_start3A_75 : memref<1x128x64xf32, #tpu.memory_space<hbm>> -> memref<128x64xf32, #tpu.memory_space<hbm>>
      %dma_start3A_77 = arith.constant 0 : i32
      %dma_start3A_78 = tpu.memref_slice %arg21[%add3A_62, %dma_start3A_77] : memref<10240x64xf32, #tpu.memory_space<vmem_shared>> -> memref<128x64xf32, #tpu.memory_space<vmem_shared>>
      tpu.enqueue_dma source(%dma_start3A_78 : memref<128x64xf32, #tpu.memory_space<vmem_shared>>) target(%dma_start3A_76 : memref<128x64xf32, #tpu.memory_space<hbm>>) target_semaphore(%run_scoped3A : memref<!tpu.dma_semaphore, #tpu.memory_space<semaphore_mem>>)
      %dma_wait3A = arith.constant 0 : i32
      %dma_wait3A_79 = tpu.memref_slice %arg6[%arg0, %add3A_66, %dma_wait3A] : memref<2x10240x64xf32, #tpu.memory_space<hbm>> -> memref<1x128x64xf32, #tpu.memory_space<hbm>>
      %dma_wait3A_80 = tpu.memref_squeeze %dma_wait3A_79 : memref<1x128x64xf32, #tpu.memory_space<hbm>> -> memref<128x64xf32, #tpu.memory_space<hbm>>
      %dma_wait3A_81 = arith.constant 0 : i32
      %dma_wait3A_82 = tpu.memref_slice %arg21[%add3A_62, %dma_wait3A_81] : memref<10240x64xf32, #tpu.memory_space<vmem_shared>> -> memref<128x64xf32, #tpu.memory_space<vmem_shared>>
      tpu.wait_dma2 semaphore(%run_scoped3A : memref<!tpu.dma_semaphore, #tpu.memory_space<semaphore_mem>>) src(%dma_wait3A_82 : memref<128x64xf32, #tpu.memory_space<vmem_shared>>) dst(%dma_wait3A_80 : memref<128x64xf32, #tpu.memory_space<hbm>>)
      tpu.yield
    }) : () -> ()
    %mul3A_67 = arith.constant 640 : i32
    %mul3A_68 = arith.muli %arg1, %mul3A_67 : i32
    %add3A_69 = arith.constant 512 : i32
    %add3A_70 = arith.addi %mul3A_68, %add3A_69 : i32
    %mul3A_71 = arith.constant 640 : i32
    %mul3A_72 = arith.muli %arg1, %mul3A_71 : i32
    %add3A_73 = arith.constant 512 : i32
    %add3A_74 = arith.addi %mul3A_72, %add3A_73 : i32
    "tpu.region"() ({
      %run_scoped3A = tpu.sem_alloc : memref<!tpu.dma_semaphore, #tpu.memory_space<semaphore_mem>>
      %dma_start3A = arith.constant 0 : i32
      %dma_start3A_75 = tpu.memref_slice %arg6[%arg0, %add3A_74, %dma_start3A] : memref<2x10240x64xf32, #tpu.memory_space<hbm>> -> memref<1x128x64xf32, #tpu.memory_space<hbm>>
      %dma_start3A_76 = tpu.memref_squeeze %dma_start3A_75 : memref<1x128x64xf32, #tpu.memory_space<hbm>> -> memref<128x64xf32, #tpu.memory_space<hbm>>
      %dma_start3A_77 = arith.constant 0 : i32
      %dma_start3A_78 = tpu.memref_slice %arg21[%add3A_70, %dma_start3A_77] : memref<10240x64xf32, #tpu.memory_space<vmem_shared>> -> memref<128x64xf32, #tpu.memory_space<vmem_shared>>
      tpu.enqueue_dma source(%dma_start3A_78 : memref<128x64xf32, #tpu.memory_space<vmem_shared>>) target(%dma_start3A_76 : memref<128x64xf32, #tpu.memory_space<hbm>>) target_semaphore(%run_scoped3A : memref<!tpu.dma_semaphore, #tpu.memory_space<semaphore_mem>>)
      %dma_wait3A = arith.constant 0 : i32
      %dma_wait3A_79 = tpu.memref_slice %arg6[%arg0, %add3A_74, %dma_wait3A] : memref<2x10240x64xf32, #tpu.memory_space<hbm>> -> memref<1x128x64xf32, #tpu.memory_space<hbm>>
      %dma_wait3A_80 = tpu.memref_squeeze %dma_wait3A_79 : memref<1x128x64xf32, #tpu.memory_space<hbm>> -> memref<128x64xf32, #tpu.memory_space<hbm>>
      %dma_wait3A_81 = arith.constant 0 : i32
      %dma_wait3A_82 = tpu.memref_slice %arg21[%add3A_70, %dma_wait3A_81] : memref<10240x64xf32, #tpu.memory_space<vmem_shared>> -> memref<128x64xf32, #tpu.memory_space<vmem_shared>>
      tpu.wait_dma2 semaphore(%run_scoped3A : memref<!tpu.dma_semaphore, #tpu.memory_space<semaphore_mem>>) src(%dma_wait3A_82 : memref<128x64xf32, #tpu.memory_space<vmem_shared>>) dst(%dma_wait3A_80 : memref<128x64xf32, #tpu.memory_space<hbm>>)
      tpu.yield
    }) : () -> ()
    return
  }
}

module attributes {stable_mosaic.version = 14 : i64} {
  func.func @_scale_body(%arg0: i32, %arg1: memref<512x128xf32, #tpu.memory_space<vmem>>, %arg2: memref<512x1xf32, #tpu.memory_space<vmem>>, %arg3: memref<512x1xf32, #tpu.memory_space<vmem>>, %arg4: memref<512x64xf32, #tpu.memory_space<vmem>>, %arg5: memref<512x64xf32, #tpu.memory_space<vmem>>) attributes {dimension_semantics = [#tpu.dimension_semantics<arbitrary>], iteration_bounds = array<i64: 20>, scalar_prefetch = 0 : i64, scratch_operands = 0 : i64, tpu.core_type = #tpu.core_type<tc>, window_params = [{transform_indices = @transform_0, window_bounds = array<i64: 512, 128>}, {transform_indices = @transform_1, window_bounds = array<i64: 512, 1>}, {transform_indices = @transform_2, window_bounds = array<i64: 512, 1>}, {transform_indices = @transform_3, window_bounds = array<i64: 512, 64>}, {transform_indices = @transform_4, window_bounds = array<i64: 512, 64>}]} {
    %get3A = arith.constant 0 : index
    %get3A_0 = arith.constant 0 : index
    %get3A_1 = vector.load %arg1[%get3A, %get3A_0] : memref<512x128xf32, #tpu.memory_space<vmem>>, vector<512x128xf32>
    %get3A_2 = arith.constant 0 : index
    %get3A_3 = arith.constant 0 : index
    %get3A_4 = vector.load %arg2[%get3A_2, %get3A_3] : memref<512x1xf32, #tpu.memory_space<vmem>>, vector<512x1xf32>
    %get3A_5 = arith.constant 0 : index
    %get3A_6 = arith.constant 0 : index
    %get3A_7 = vector.load %arg3[%get3A_5, %get3A_6] : memref<512x1xf32, #tpu.memory_space<vmem>>, vector<512x1xf32>
    %add3A = arith.addf %get3A_4, %get3A_7 : vector<512x1xf32>
    %max3A = arith.constant 1.000000e+00 : f32
    %max3A_8 = vector.broadcast %max3A : f32 to vector<512x1xf32>
    %max3A_9 = arith.maximumf %add3A, %max3A_8 : vector<512x1xf32>
    %rsqrt3A = math.rsqrt %max3A_9 : vector<512x1xf32>
    %mul3A = vector.broadcast %rsqrt3A : vector<512x1xf32> to vector<512x128xf32>
    %mul3A_10 = arith.mulf %get3A_1, %mul3A : vector<512x128xf32>
    %slice3A = vector.extract_strided_slice %mul3A_10 {offsets = [0, 0], sizes = [512, 64], strides = [1, 1]} : vector<512x128xf32> to vector<512x64xf32>
    %swap3A = arith.constant 0 : index
    %swap3A_11 = arith.constant 0 : index
    %swap3A_12 = vector.load %arg4[%swap3A, %swap3A_11] : memref<512x64xf32, #tpu.memory_space<vmem>>, vector<512x64xf32>
    tpu.vector_store %arg4[%swap3A, %swap3A_11], %slice3A {strides = array<i32>} : memref<512x64xf32, #tpu.memory_space<vmem>>, vector<512x64xf32>,
    %slice3A_13 = vector.extract_strided_slice %mul3A_10 {offsets = [0, 64], sizes = [512, 64], strides = [1, 1]} : vector<512x128xf32> to vector<512x64xf32>
    %swap3A_14 = arith.constant 0 : index
    %swap3A_15 = arith.constant 0 : index
    %swap3A_16 = vector.load %arg5[%swap3A_14, %swap3A_15] : memref<512x64xf32, #tpu.memory_space<vmem>>, vector<512x64xf32>
    tpu.vector_store %arg5[%swap3A_14, %swap3A_15], %slice3A_13 {strides = array<i32>} : memref<512x64xf32, #tpu.memory_space<vmem>>, vector<512x64xf32>,
    return
  }
  func.func @transform_0(%arg0: i32) -> (i32, i32) {
    %c0_i32 = arith.constant 0 : i32
    %c0_i32_0 = arith.constant 0 : i32
    return %arg0, %c0_i32 : i32, i32
  }
  func.func @transform_1(%arg0: i32) -> (i32, i32) {
    %c0_i32 = arith.constant 0 : i32
    %c0_i32_0 = arith.constant 0 : i32
    return %arg0, %c0_i32 : i32, i32
  }
  func.func @transform_2(%arg0: i32) -> (i32, i32) {
    %c0_i32 = arith.constant 0 : i32
    %c0_i32_0 = arith.constant 0 : i32
    return %arg0, %c0_i32 : i32, i32
  }
  func.func @transform_3(%arg0: i32) -> (i32, i32) {
    %c0_i32 = arith.constant 0 : i32
    %c0_i32_0 = arith.constant 0 : i32
    return %arg0, %c0_i32 : i32, i32
  }
  func.func @transform_4(%arg0: i32) -> (i32, i32) {
    %c0_i32 = arith.constant 0 : i32
    %c0_i32_0 = arith.constant 0 : i32
    return %arg0, %c0_i32 : i32, i32
  }
}

module attributes {stable_mosaic.version = 14 : i64} {
  func.func @_mid_body(%arg0: i32, %arg1: memref<512x64xf32, #tpu.memory_space<vmem>>, %arg2: memref<512x64xf32, #tpu.memory_space<vmem>>, %arg3: memref<512x1xf32, #tpu.memory_space<vmem>>, %arg4: memref<512x1xf32, #tpu.memory_space<vmem>>, %arg5: memref<512x1xf32, #tpu.memory_space<vmem>>, %arg6: memref<512x1xf32, #tpu.memory_space<vmem>>, %arg7: memref<128x128xf32, #tpu.memory_space<vmem>>, %arg8: memref<512x64xf32, #tpu.memory_space<vmem>>, %arg9: memref<512x64xf32, #tpu.memory_space<vmem>>) attributes {dimension_semantics = [#tpu.dimension_semantics<arbitrary>], iteration_bounds = array<i64: 20>, scalar_prefetch = 0 : i64, scratch_operands = 0 : i64, tpu.core_type = #tpu.core_type<tc>, window_params = [{transform_indices = @transform_0, window_bounds = array<i64: 512, 64>}, {transform_indices = @transform_1, window_bounds = array<i64: 512, 64>}, {transform_indices = @transform_2, window_bounds = array<i64: 512, 1>}, {transform_indices = @transform_3, window_bounds = array<i64: 512, 1>}, {transform_indices = @transform_4, window_bounds = array<i64: 512, 1>}, {transform_indices = @transform_5, window_bounds = array<i64: 512, 1>}, {pipeline_mode = #tpu.pipeline_mode<synchronous>, transform_indices = @transform_6, window_bounds = array<i64: 128, 128>}, {transform_indices = @transform_7, window_bounds = array<i64: 512, 64>}, {transform_indices = @transform_8, window_bounds = array<i64: 512, 64>}]} {
    %get3A = arith.constant 0 : index
    %get3A_0 = arith.constant 0 : index
    %get3A_1 = vector.load %arg1[%get3A, %get3A_0] : memref<512x64xf32, #tpu.memory_space<vmem>>, vector<512x64xf32>
    %get3A_2 = arith.constant 0 : index
    %get3A_3 = arith.constant 0 : index
    %get3A_4 = vector.load %arg2[%get3A_2, %get3A_3] : memref<512x64xf32, #tpu.memory_space<vmem>>, vector<512x64xf32>
    %concatenate3A = tpu.concatenate %get3A_1, %get3A_4 in 1 : vector<512x64xf32>, vector<512x64xf32> -> vector<512x128xf32>
    %get3A_5 = arith.constant 0 : index
    %get3A_6 = arith.constant 0 : index
    %get3A_7 = vector.load %arg3[%get3A_5, %get3A_6] : memref<512x1xf32, #tpu.memory_space<vmem>>, vector<512x1xf32>
    %get3A_8 = arith.constant 0 : index
    %get3A_9 = arith.constant 0 : index
    %get3A_10 = vector.load %arg4[%get3A_8, %get3A_9] : memref<512x1xf32, #tpu.memory_space<vmem>>, vector<512x1xf32>
    %add3A = arith.addf %get3A_7, %get3A_10 : vector<512x1xf32>
    %max3A = arith.constant 1.000000e+00 : f32
    %max3A_11 = vector.broadcast %max3A : f32 to vector<512x1xf32>
    %max3A_12 = arith.maximumf %add3A, %max3A_11 : vector<512x1xf32>
    %rsqrt3A = math.rsqrt %max3A_12 : vector<512x1xf32>
    %mul3A = vector.broadcast %rsqrt3A : vector<512x1xf32> to vector<512x128xf32>
    %mul3A_13 = arith.mulf %concatenate3A, %mul3A : vector<512x128xf32>
    %get3A_14 = arith.constant 0 : index
    %get3A_15 = arith.constant 0 : index
    %get3A_16 = vector.load %arg7[%get3A_14, %get3A_15] : memref<128x128xf32, #tpu.memory_space<vmem>>, vector<128x128xf32>
    %dot_general3A = arith.constant dense<0.000000e+00> : vector<512x128xf32>
    %dot_general3A_17 = tpu.matmul %mul3A_13, %get3A_16, %dot_general3A {dimension_numbers = #tpu.dot_dimension_numbers<[1], [0], [0], [1], [0, 0, 1, 1], [], []>, transpose_lhs_hint = false} : vector<512x128xf32>, vector<128x128xf32>, vector<512x128xf32> -> vector<512x128xf32>
    %max3A_18 = arith.constant 0.000000e+00 : f32
    %max3A_19 = vector.broadcast %max3A_18 : f32 to vector<512x128xf32>
    %max3A_20 = arith.maximumf %dot_general3A_17, %max3A_19 : vector<512x128xf32>
    %get3A_21 = arith.constant 0 : index
    %get3A_22 = arith.constant 0 : index
    %get3A_23 = vector.load %arg5[%get3A_21, %get3A_22] : memref<512x1xf32, #tpu.memory_space<vmem>>, vector<512x1xf32>
    %get3A_24 = arith.constant 0 : index
    %get3A_25 = arith.constant 0 : index
    %get3A_26 = vector.load %arg6[%get3A_24, %get3A_25] : memref<512x1xf32, #tpu.memory_space<vmem>>, vector<512x1xf32>
    %add3A_27 = arith.addf %get3A_23, %get3A_26 : vector<512x1xf32>
    %max3A_28 = arith.constant 1.000000e+00 : f32
    %max3A_29 = vector.broadcast %max3A_28 : f32 to vector<512x1xf32>
    %max3A_30 = arith.maximumf %add3A_27, %max3A_29 : vector<512x1xf32>
    %rsqrt3A_31 = math.rsqrt %max3A_30 : vector<512x1xf32>
    %mul3A_32 = vector.broadcast %rsqrt3A_31 : vector<512x1xf32> to vector<512x128xf32>
    %mul3A_33 = arith.mulf %max3A_20, %mul3A_32 : vector<512x128xf32>
    %slice3A = vector.extract_strided_slice %mul3A_33 {offsets = [0, 0], sizes = [512, 64], strides = [1, 1]} : vector<512x128xf32> to vector<512x64xf32>
    %swap3A = arith.constant 0 : index
    %swap3A_34 = arith.constant 0 : index
    %swap3A_35 = vector.load %arg8[%swap3A, %swap3A_34] : memref<512x64xf32, #tpu.memory_space<vmem>>, vector<512x64xf32>
    tpu.vector_store %arg8[%swap3A, %swap3A_34], %slice3A {strides = array<i32>} : memref<512x64xf32, #tpu.memory_space<vmem>>, vector<512x64xf32>,
    %slice3A_36 = vector.extract_strided_slice %mul3A_33 {offsets = [0, 64], sizes = [512, 64], strides = [1, 1]} : vector<512x128xf32> to vector<512x64xf32>
    %swap3A_37 = arith.constant 0 : index
    %swap3A_38 = arith.constant 0 : index
    %swap3A_39 = vector.load %arg9[%swap3A_37, %swap3A_38] : memref<512x64xf32, #tpu.memory_space<vmem>>, vector<512x64xf32>
    tpu.vector_store %arg9[%swap3A_37, %swap3A_38], %slice3A_36 {strides = array<i32>} : memref<512x64xf32, #tpu.memory_space<vmem>>, vector<512x64xf32>,
    return
  }
  func.func @transform_0(%arg0: i32) -> (i32, i32) {
    %c0_i32 = arith.constant 0 : i32
    %c0_i32_0 = arith.constant 0 : i32
    return %arg0, %c0_i32 : i32, i32
  }
  func.func @transform_1(%arg0: i32) -> (i32, i32) {
    %c0_i32 = arith.constant 0 : i32
    %c0_i32_0 = arith.constant 0 : i32
    return %arg0, %c0_i32 : i32, i32
  }
  func.func @transform_2(%arg0: i32) -> (i32, i32) {
    %c0_i32 = arith.constant 0 : i32
    %c0_i32_0 = arith.constant 0 : i32
    return %arg0, %c0_i32 : i32, i32
  }
  func.func @transform_3(%arg0: i32) -> (i32, i32) {
    %c0_i32 = arith.constant 0 : i32
    %c0_i32_0 = arith.constant 0 : i32
    return %arg0, %c0_i32 : i32, i32
  }
  func.func @transform_4(%arg0: i32) -> (i32, i32) {
    %c0_i32 = arith.constant 0 : i32
    %c0_i32_0 = arith.constant 0 : i32
    return %arg0, %c0_i32 : i32, i32
  }
  func.func @transform_5(%arg0: i32) -> (i32, i32) {
    %c0_i32 = arith.constant 0 : i32
    %c0_i32_0 = arith.constant 0 : i32
    return %arg0, %c0_i32 : i32, i32
  }
  func.func @transform_6(%arg0: i32) -> (i32, i32) {
    %c0_i32 = arith.constant 0 : i32
    %c0_i32_0 = arith.constant 0 : i32
    %c0_i32_1 = arith.constant 0 : i32
    return %c0_i32, %c0_i32_0 : i32, i32
  }
  func.func @transform_7(%arg0: i32) -> (i32, i32) {
    %c0_i32 = arith.constant 0 : i32
    %c0_i32_0 = arith.constant 0 : i32
    return %arg0, %c0_i32 : i32, i32
  }
  func.func @transform_8(%arg0: i32) -> (i32, i32) {
    %c0_i32 = arith.constant 0 : i32
    %c0_i32_0 = arith.constant 0 : i32
    return %arg0, %c0_i32 : i32, i32
  }
}

module attributes {stable_mosaic.version = 14 : i64} {
  func.func @_final_body(%arg0: i32, %arg1: memref<512x64xf32, #tpu.memory_space<vmem>>, %arg2: memref<512x64xf32, #tpu.memory_space<vmem>>, %arg3: memref<512x1xf32, #tpu.memory_space<vmem>>, %arg4: memref<512x1xf32, #tpu.memory_space<vmem>>, %arg5: memref<128x128xf32, #tpu.memory_space<vmem>>, %arg6: memref<512x128xf32, #tpu.memory_space<vmem>>) attributes {dimension_semantics = [#tpu.dimension_semantics<arbitrary>], iteration_bounds = array<i64: 20>, scalar_prefetch = 0 : i64, scratch_operands = 0 : i64, tpu.core_type = #tpu.core_type<tc>, window_params = [{transform_indices = @transform_0, window_bounds = array<i64: 512, 64>}, {transform_indices = @transform_1, window_bounds = array<i64: 512, 64>}, {transform_indices = @transform_2, window_bounds = array<i64: 512, 1>}, {transform_indices = @transform_3, window_bounds = array<i64: 512, 1>}, {pipeline_mode = #tpu.pipeline_mode<synchronous>, transform_indices = @transform_4, window_bounds = array<i64: 128, 128>}, {transform_indices = @transform_5, window_bounds = array<i64: 512, 128>}]} {
    %get3A = arith.constant 0 : index
    %get3A_0 = arith.constant 0 : index
    %get3A_1 = vector.load %arg1[%get3A, %get3A_0] : memref<512x64xf32, #tpu.memory_space<vmem>>, vector<512x64xf32>
    %get3A_2 = arith.constant 0 : index
    %get3A_3 = arith.constant 0 : index
    %get3A_4 = vector.load %arg2[%get3A_2, %get3A_3] : memref<512x64xf32, #tpu.memory_space<vmem>>, vector<512x64xf32>
    %concatenate3A = tpu.concatenate %get3A_1, %get3A_4 in 1 : vector<512x64xf32>, vector<512x64xf32> -> vector<512x128xf32>
    %get3A_5 = arith.constant 0 : index
    %get3A_6 = arith.constant 0 : index
    %get3A_7 = vector.load %arg3[%get3A_5, %get3A_6] : memref<512x1xf32, #tpu.memory_space<vmem>>, vector<512x1xf32>
    %get3A_8 = arith.constant 0 : index
    %get3A_9 = arith.constant 0 : index
    %get3A_10 = vector.load %arg4[%get3A_8, %get3A_9] : memref<512x1xf32, #tpu.memory_space<vmem>>, vector<512x1xf32>
    %add3A = arith.addf %get3A_7, %get3A_10 : vector<512x1xf32>
    %max3A = arith.constant 1.000000e+00 : f32
    %max3A_11 = vector.broadcast %max3A : f32 to vector<512x1xf32>
    %max3A_12 = arith.maximumf %add3A, %max3A_11 : vector<512x1xf32>
    %rsqrt3A = math.rsqrt %max3A_12 : vector<512x1xf32>
    %mul3A = vector.broadcast %rsqrt3A : vector<512x1xf32> to vector<512x128xf32>
    %mul3A_13 = arith.mulf %concatenate3A, %mul3A : vector<512x128xf32>
    %get3A_14 = arith.constant 0 : index
    %get3A_15 = arith.constant 0 : index
    %get3A_16 = vector.load %arg5[%get3A_14, %get3A_15] : memref<128x128xf32, #tpu.memory_space<vmem>>, vector<128x128xf32>
    %dot_general3A = arith.constant dense<0.000000e+00> : vector<512x128xf32>
    %dot_general3A_17 = tpu.matmul %mul3A_13, %get3A_16, %dot_general3A {dimension_numbers = #tpu.dot_dimension_numbers<[1], [0], [0], [1], [0, 0, 1, 1], [], []>, transpose_lhs_hint = false} : vector<512x128xf32>, vector<128x128xf32>, vector<512x128xf32> -> vector<512x128xf32>
    %swap3A = arith.constant 0 : index
    %swap3A_18 = arith.constant 0 : index
    %swap3A_19 = vector.load %arg6[%swap3A, %swap3A_18] : memref<512x128xf32, #tpu.memory_space<vmem>>, vector<512x128xf32>
    tpu.vector_store %arg6[%swap3A, %swap3A_18], %dot_general3A_17 {strides = array<i32>} : memref<512x128xf32, #tpu.memory_space<vmem>>, vector<512x128xf32>,
    return
  }
  func.func @transform_0(%arg0: i32) -> (i32, i32) {
    %c0_i32 = arith.constant 0 : i32
    %c0_i32_0 = arith.constant 0 : i32
    return %arg0, %c0_i32 : i32, i32
  }
  func.func @transform_1(%arg0: i32) -> (i32, i32) {
    %c0_i32 = arith.constant 0 : i32
    %c0_i32_0 = arith.constant 0 : i32
    return %arg0, %c0_i32 : i32, i32
  }
  func.func @transform_2(%arg0: i32) -> (i32, i32) {
    %c0_i32 = arith.constant 0 : i32
    %c0_i32_0 = arith.constant 0 : i32
    return %arg0, %c0_i32 : i32, i32
  }
  func.func @transform_3(%arg0: i32) -> (i32, i32) {
    %c0_i32 = arith.constant 0 : i32
    %c0_i32_0 = arith.constant 0 : i32
    return %arg0, %c0_i32 : i32, i32
  }
  func.func @transform_4(%arg0: i32) -> (i32, i32) {
    %c0_i32 = arith.constant 0 : i32
    %c0_i32_0 = arith.constant 0 : i32
    %c0_i32_1 = arith.constant 0 : i32
    return %c0_i32, %c0_i32_0 : i32, i32
  }
  func.func @transform_5(%arg0: i32) -> (i32, i32) {
    %c0_i32 = arith.constant 0 : i32
    %c0_i32_0 = arith.constant 0 : i32
    return %arg0, %c0_i32 : i32, i32
  }
}

</mosaic_0001>

<sc_bundles>
// kernel: kernel.11.cloned.1.call-start
scs
__scs_entry_jumppad:
0x0: {  	(pc) =	sbr.rel $0x88, $3  }
0x1: {  	(tag) =	ssettag $0x0;
	lr =	simm.s32 $0x1  }
0x2: {  	[smem:$0x3F9D] =	sst lr;
	_ =	strace $0xD0000000  }
0x3: {  	_ = 	snop  }
0x4: {  	_ = 	snop  }
0x5: {  	_ = 	snop  }
0x6: {  	_ = 	snop  }
0x7: {  	_ = 	snop  }
__scs_overlays_trampoline_lowered:
0x8: {  	[smem:$0x3FAC] =	sst s0  }
0x9: {  	[smem:$0x3FAD] =	sst s1  }
0xa: {  	[smem:$0x3FAE] =	sst s2  }
0xb: {  	[smem:$0x3FAF] =	sst s3  }
0xc: {  	[smem:$0x3FB0] =	sst s4  }
0xd: {  	[smem:$0x3FB1] =	sst s5  }
0xe: {  	[smem:$0x3FB2] =	sst s6  }
0xf: {  	[smem:$0x3FB3] =	sst s7  }
0x10: {  	[smem:$0x3FB4] =	sst s8  }
0x11: {  	[smem:$0x3FB5] =	sst s9;
	s0 =	simm.s32 @!p0 $0x0  }
0x12: {  	s1 =	sld [smem:$0x3F9B];
	s0 =	simm.s32 @p0 $0x1  }
0x13: {  	[smem:$0x3FB6] =	sst s0;
	s0 =	simm.s32 @!p1 $0x0  }
0x14: {  	s2 =	sld [smem:$0x3F9A];
	s0 =	simm.s32 @p1 $0x1  }
0x15: {  	[smem:$0x3FB7] =	sst s0;
	s0 =	simm.s32 @!p2 $0x0  }
0x16: {  	s3 =	sld [smem:$0x3FDB];
	s0 =	simm.s32 @p2 $0x1  }
0x17: {  	s4 =	simm.s32 $0x1BF5;
	[smem:$0x3FB9] =	sst s0  }
0x18: {  	s0 =	sld [smem:$0x3F9C];
	_ =	swait.ge [sflag:s4], $0x0  }
0x19: {  	s7 =	sld [smem:$0x3F9D]  }
0x1a: {  	s8 =	sadd.s32 $0xFFFFE003, lr  }
0x1b: {  	s9 =	sadd.s32 $0xFFFFFEF7, lr;
	s5 =	simm.s32 $0xFFFFFFFF;
	p2 =	slt.u32 s8, $0xFFFFF086  }
0x1c: {  	p1 =	slt.u32 s9, $0xF7A;
	s5 =	simm.s32 @!p2 $0x0  }
0x1d: {  	s5 =	simm.s32 @p1 $0x1;
	p0 =	seq.s32 s7, s2  }
0x1e: {  	s7 =	smul.u32 @!p0 $0xF7A, s2;
	p2 =	seq.s32 @!p0 s5, $0x0  }
0x1f: {  	s9 =	smul.u32 $0xF7A, s1;
	s8 =	simm.s32 @!p0 $0x1BF5;
	p2 =	por !p2, p0  }
0x20: {  	[sflag:s8] =	ssyncset.s32 @!p0 $0xFFFFF086;
	s6 =	sadd.s32 @!p0 s3, s7;
	s7 =	simm.s32 @!p0 $0x108  }
0x21: {  	s3 =	sadd.s32 s3, s9;
	s6 =	sadd.s32 @!p0 $0x88, s6;
	s7 =	simm.s32 @p2 $0x1082  }
0x22: {  	[simem:s7], [sflag:s8] =	dma.local @!p0 [hbm:s6], $0xF7A  }
0x23: {  	s9 =	sor.u32 $0xD0000000, s2;
	s6 =	simm.s32 $0x108;
	_ =	swait.ge @!p0 [sflag:s8], $0x0  }
0x24: {  	s3 =	sadd.s32 $0x88, s3;
	s6 =	simm.s32 @!p1 $0x1082;
	[sflag:s4] =	ssyncset.s32 $0xFFFFF086  }
0x25: {  	[simem:s6], [sflag:s4] =	dma.local [hbm:s3], $0xF7A  }
0x26: {  	[smem:$0x3F9D] =	sst s1;
	(tag) =	ssettag s2;
	_ =	strace s9  }
0x27: {  	s1 =	sld [smem:$0x3FAD]  }
0x28: {  	s2 =	sld [smem:$0x3FAE]  }
0x29: {  	s4 =	sld [smem:$0x3FB0]  }
0x2a: {  	p0 =	seq.s32 s5, $0x0;
	s5 =	sld [smem:$0x3FB1]  }
0x2b: {  	s6 =	sld [smem:$0x3FB2]  }
0x2c: {  	s7 =	sld [smem:$0x3FB3]  }
0x2d: {  	s3 =	simm.s32 $0x108;
	s8 =	sld [smem:$0x3FB4]  }
0x2e: {  	s3 =	simm.s32 @!p0 $0x1082;
	s9 =	sld [smem:$0x3FB5]  }
0x2f: {  	lr =	sadd.s32 s0, s3;
	s0 =	sld [smem:$0x3FAC]  }
0x30: {  	s3 =	sld [smem:$0x3FAF]  }
0x31: {  	[smem:$0x3FB8] =	sst s10  }
0x32: {  	s10 =	sld [smem:$0x3FB6];
	_ =	sdelay $0x3  }
0x33: {  	p0 =	seq.s32 s10, $0x1;
	s10 =	sld [smem:$0x3FB8];
	_ =	sdelay $0x3  }
0x34: {  	[smem:$0x3FB8] =	sst s10  }
0x35: {  	s10 =	sld [smem:$0x3FB7];
	_ =	sdelay $0x3  }
0x36: {  	p1 =	seq.s32 s10, $0x1;
	s10 =	sld [smem:$0x3FB8];
	_ =	sdelay $0x3  }
0x37: {  	[smem:$0x3FB8] =	sst s10  }
0x38: {  	s10 =	sld [smem:$0x3FB9]  }
0x39: {  	_ = 	snop;
	(pc) =	sbr.ind lr, $3  }
0x3a: {  	_ = 	snop  }
0x3b: {  	_ = 	snop  }
0x3c: {  	p2 =	seq.s32 s10, $0x1;
	s10 =	sld [smem:$0x3FB8]  }
0x3d: {  	_ =	shalt  }
0x3e: {  	_ =	shalt  }
0x3f: {  	_ =	shalt  }
0x40: {  	_ =	shalt  }
0x41: {  	_ =	shalt  }
0x42: {  	_ =	shalt  }
0x43: {  	_ =	shalt  }
0x44: {  	_ =	shalt  }
0x45: {  	_ =	shalt  }
0x46: {  	_ =	shalt  }
0x47: {  	_ =	shalt  }
0x48: {  	_ =	shalt  }
0x49: {  	_ =	shalt  }
0x4a: {  	_ =	shalt  }
0x4b: {  	_ =	shalt  }
0x4c: {  	_ =	shalt  }
0x4d: {  	_ =	shalt  }
0x4e: {  	_ =	shalt  }
0x4f: {  	_ =	shalt  }
0x50: {  	_ =	shalt  }
0x51: {  	_ =	shalt  }
0x52: {  	_ =	shalt  }
0x53: {  	_ =	shalt  }
0x54: {  	_ =	shalt  }
0x55: {  	_ =	shalt  }
0x56: {  	_ =	shalt  }
0x57: {  	_ =	shalt  }
0x58: {  	_ =	shalt  }
0x59: {  	_ =	shalt  }
0x5a: {  	_ =	shalt  }
0x5b: {  	_ =	shalt  }
0x5c: {  	_ =	shalt  }
0x5d: {  	_ =	shalt  }
0x5e: {  	_ =	shalt  }
0x5f: {  	_ =	shalt  }
0x60: {  	_ =	shalt  }
0x61: {  	_ =	shalt  }
0x62: {  	_ =	shalt  }
0x63: {  	_ =	shalt  }
0x64: {  	_ =	shalt  }
0x65: {  	_ =	shalt  }
0x66: {  	_ =	shalt  }
0x67: {  	_ =	shalt  }
0x68: {  	_ =	shalt  }
0x69: {  	_ =	shalt  }
0x6a: {  	_ =	shalt  }
0x6b: {  	_ =	shalt  }
0x6c: {  	_ =	shalt  }
0x6d: {  	_ =	shalt  }
0x6e: {  	_ =	shalt  }
0x6f: {  	_ =	shalt  }
0x70: {  	_ =	shalt  }
0x71: {  	_ =	shalt  }
0x72: {  	_ =	shalt  }
0x73: {  	_ =	shalt  }
0x74: {  	_ =	shalt  }
0x75: {  	_ =	shalt  }
0x76: {  	_ =	shalt  }
0x77: {  	_ =	shalt  }
0x78: {  	_ =	shalt  }
0x79: {  	_ =	shalt  }
0x7a: {  	_ =	shalt  }
0x7b: {  	_ =	shalt  }
0x7c: {  	_ =	shalt  }
0x7d: {  	_ =	shalt  }
0x7e: {  	_ =	shalt  }
0x7f: {  	_ =	shalt  }
0x80: {  	_ =	shalt  }
0x81: {  	_ =	shalt  }
0x82: {  	_ =	shalt  }
0x83: {  	_ =	shalt  }
0x84: {  	_ =	shalt  }
0x85: {  	_ =	shalt  }
0x86: {  	_ =	shalt  }
0x87: {  	_ =	shalt  }
.Lfunc_end0:
.L_simem_size_0:
called_computation.1_lowered:
.L_overlay_start_0:
0x88: {  	s2 =	sld [smem:$0x3FD9]  }
0x89: {  	s3 =	sld [smem:$0x3FFE];
	_ =	sdelay $0x1  }
0x8a: {  	s1 =	srdreg.scid  }
0x8b: {  	s0 =	sand.u32 $0x1, s1  }
0x8c: {  	s17 =	sshll.u32 s0, $0xA;
	s2 =	sadd.s32 s3, s2  }
0x8d: {  	s2 =	sadd.s32 s2, s17  }
0x8e: {  	[smem:$0x3FC4] =	sst s2  }
0x8f: {  	_ = 	snop  }
0x90: {  	s2 =	sld [smem:$0x3FD0];
	(tm) =	ssettm $0x1  }
0x91: {  	s18 =	sld [smem:$0x3FFB];
	_ =	sdelay $0x3  }
0x92: {  	_ =	strace s18  }
0x93: {  	s3 =	sld [smem:$0x3FFC];
	_ =	sdelay $0x3  }
0x94: {  	_ =	strace s3  }
0x95: {  	s3 =	sld [smem:$0x3FFD];
	_ =	sdelay $0x3  }
0x96: {  	_ =	strace s3  }
0x97: {  	_ =	strace $0x8FFFFFFF  }
0x98: {  	s19 =	sld [smem:$0x3FDB];
	_ =	sdelay $0x1  }
0x99: {  	s4 =	simm.s32 $_scs_section_size  }
0x9a: {  	s5 =	simm.s32 $_size__tile_overlayer_lowered;
	s6 =	simm.s32 $_tile_overlayer_lowered  }
0x9b: {  	s22 =	simm.s32 $0x1BFF;
	s21 =	sshll.u32 s6, $0x1;
	s3 =	sadd.s32 s4, s19  }
0x9c: {  	s7 =	simm.s32 $0x0;
	s20 =	sshll.u32 s5, $0x1;
	s5 =	sadd.s32 s21, s3  }
0x9d: {  	[timem:s7], [sflag:s22] =	dma.local [hbm:s5], s20  }
0x9e: {  	_ =	swait.ge [sflag:s22], s20  }
0x9f: {  	s4 =	ssub.s32 $0x0, s20;
	[sflag:s22] =	ssyncset.done $0x0  }
0xa0: {  	[sflag:s22] =	ssyncadd.s32 s4;
	_ =	sdelay $0x1  }
0xa1: {  	s23 =	simm.s32 $0x1B8B  }
0xa2: {  	_ =	swait.ge [sflag:s23], $0x1  }
0xa3: {  	[sflag:s23] =	ssyncset.done $0x0  }
0xa4: {  	s25 =	simm.s32 $0x1B8E;
	s24 =	sld [smem:$0x3FFE];
	[sflag:s23] =	ssyncadd.s32 $0xFFFFFFFF  }
0xa5: {  	s26 =	simm.s32 $execute0_lowered;
	[smem:$0x3FD2] =	sst s25  }
0xa6: {  	s5 =	sshll.u32 s26, $0x1;
	_ =	strace $0x80000049;
	[dreg:$0x1] =	wrdreg $0xFFFFFFFF  }
0xa7: {  	s28 =	simm.s32 $_size_execute0_lowered;
	s3 =	sadd.s32 s3, s5;
	[dreg:$0x0] =	wrdreg $0x0  }
0xa8: {  	s5 =	sshll.u32 s28, $0x1;
	[dreg:$0x2] =	wrdreg s3  }
0xa9: {  	[dreg:$0x3] =	wrdreg s5  }
0xaa: {  	[dreg:$0x4] =	wrdreg $0xC0  }
0xab: {  	_ =	task [dreg:s7], $0x5FFFF  }
0xac: {  	[dreg:$0x1] =	wrdreg $0xFFFFFFFF  }
0xad: {  	[dreg:$0x0] =	wrdreg $0x60  }
0xae: {  	[dreg:$0x2] =	wrdreg s2  }
0xaf: {  	[dreg:$0x3] =	wrdreg s24  }
0xb0: {  	[dreg:$0x4] =	wrdreg $0x120000  }
0xb1: {  	[dreg:$0x5] =	wrdreg $0x9  }
0xb2: {  	_ =	task.clear_ibuf [dreg:s7], $0x6FFFF;
	_ =	strace $0x90000049  }
0xb3: {  	s29 =	simm.s32 $0x9;
	_ =	strace $0x8000004B  }
0xb4: {  	_ =	swait.ge [sflag:s29], $0x1  }
0xb5: {  	[sflag:s29] =	ssyncadd.s32 $0xFFFFFFFF  }
0xb6: {  	_ =	strace $0x9000004B  }
0xb7: {  	_ =	sfence  }
0xb8: {  	s30 =	sld [smem:$0x0];
	_ =	sdelay $0x2  }
0xb9: {  	s31 =	sshll.u32 s1, $0xD;
	s1 =	sshrl.u32 s1, $0x2  }
0xba: {  	s3 =	sand.u32 $0x4000, s31;
	s1 =	sadd.s32 s1, s30  }
0xbb: {  	s0 =	sor.u32 s3, s0;
	s1 =	sshll.u32 s1, $0x11  }
0xbc: {  	s0 =	sor.u32 s1, s0  }
0xbd: {  	s0 =	sadd.s32 $0x8F2B, s0  }
0xbe: {  	[sflag:s0] =	ssyncadd.remote.s32 $0x1  }
0xbf: {  	_ =	sfence.sel $0xFFFF  }
0xc0: {  	[dreg:$0x0] =	wrdreg $0xFFFFFFFF;
	(pc) =	sbr.abs _section_cstart, $3  }
0xc1: {  	[dreg:$0x1] =	wrdreg $0xFFFFFFFF  }
0xc2: {  	_ =	task.clear_ibuf [dreg:s7], $0x2FFFF;
	_ =	strace $0x9FFFFFFF  }
0xc3: {  	(tm) =	ssettm $0x7FFFFFFF  }
tec
execute0_lowered:
.L_overlay_start_1:
0x0: {  	(tag) =	ssettag $0x1  }
0x1: {  	s1 =	rddreg [dreg:$0x0]  }
0x2: {  	s0 =	rddreg [dreg:$0x1]  }
0x3: {  	s3 =	rddreg [dreg:$0x2];
	s4 =	simm.s32 $0x0  }
0x4: {  	s8 =	stileid.u32;
	s2 =	srdreg.scid;
	s29 =	simm.s32 $0x10000  }
0x5: {  	s30 =	simm.s32 $0x2;
	s31 =	simm.s32 $0x6;
	s28 =	simm.s32 $0x4  }
0x6: {  	[smem:$0x7FF] =	sst s4;
	s18 =	smul.u32 $0xA00, s8;
	s2 =	sand.u32 $0x1, s2  }
0x7: {  	s5 =	sadd.s32 $0x70600, s0;
	s12 =	smul.u32 $0xA000, s8;
	_ =	strace $0x8000004A  }
0x8: {  	s6 =	ssub.s32 $0x2, s2;
	s14 =	smul.u32 $0xA0000, s2;
	p0 =	seq.s32 s2, $0x1  }
0x9: {  	s4 =	sadd.s32 s18, s0;
	s7 =	sshrl.u32 s6, $0x1;
	s0 =	sadd.s32 $0x84600, s0  }
0xa: {  	s8 =	sadd.s32 s12, s3;
	s20 =	sadd.s32 $0x2000, s12;
	s21 =	sadd.s32 $0x4000, s12  }
0xb: {  	s13 =	sadd.s32 $0x6000, s12;
	s15 =	sadd.s32 $0x8000, s12;
	s6 =	ssub.s32 s6, s7  }
0xc: {  	s19 =	sadd.s32 $0x16600, s4;
	s4 =	sadd.s32 $0xC600, s4;
	s9 =	sadd.s32 s20, s3  }
0xd: {  	s10 =	sadd.s32 s21, s3;
	s11 =	sadd.s32 s13, s3;
	s16 =	sadd.s32 s12, s14  }
0xe: {  	s12 =	sadd.s32 s15, s3;
	s24 =	sadd.s32 s14, s21;
	s25 =	sadd.s32 s14, s13  }
0xf: {  	s26 =	sadd.s32 s14, s15;
	s21 =	simm.s32 $0xA000;
	[dreg:$0x4] =	wrdreg s19  }
0x10: {  	[dreg:$0x5] =	wrdreg s4;
	s4 =	sadd.s32 s14, s20;
	s16 =	sshrl.u32 s16, $0x3  }
0x11: {  	s2 =	sshrl.u32 s24, $0x3;
	s7 =	sshrl.u32 s26, $0x3;
	s18 =	smax.u32 s6, $0x1  }
0x12: {  	s19 =	simm.s32 $0x9;
	s26 =	simm.s32 $0x1;
	s24 =	simm.s32 $0x3  }
0x13: {  	s6 =	simm.s32 $0x4F80;
	s4 =	sshrl.u32 s4, $0x3;
	s22 =	sadd.s32 s0, s16  }
.Ltmp0:
0x14: {  	s15 =	sadd.s32 s0, s2;
	s17 =	sadd.s32 s0, s7;
	(pc) =	sbr.rel .LBB2_1-.Ltmp0, $4  }
0x15: {  	s2 =	simm.s32 $0x7;
	s7 =	simm.s32 $0x0;
	[dreg:$0x6] =	wrdreg s22  }
0x16: {  	s23 =	sadd.s32 s0, s4;
	s4 =	sshrl.u32 s25, $0x3;
	s22 =	simm.s32 $0x80  }
0x17: {  	s25 =	simm.s32 $0xE000;
	[dreg:$0x7] =	wrdreg s23;
	s16 =	sadd.s32 s0, s4  }
0x18: {  	v0 =	vimm.f32 $0.0e+00;
	s23 =	simm.s32 $0xC000;
	s0 =	simm.s32 $0x5;
	s4 =	simm.s32 $0x8  }
.LBB2_6:
0x19: {  	[spmem:s3] =	stream.indirect.scatter.add.f32 [tilespmem:s29], [sflag:$0x8], $0x40, s14, s22, $0xb8;
	[tilespmem:$0x1C000] =	vst v63  }
0x1a: {  	_ =	swait.ge [sflag:s2], $0x2000  }
0x1b: {  	[sflag:s2] =	ssyncset.done $0x0  }
0x1c: {  	s13 =	simm.s32 $0x4F00;
	[sflag:s2] =	ssyncadd.s32 $0xFFFFE000  }
0x1d: {  	[tilespmem:s25], [sflag:$0x3] =	stream.indirect.gather [hbm4b:s1+s22], $0x40, s13, s22, $0xb8;
	[tilespmem:$0x1C000] =	vst v63  }
0x1e: {  	_ =	swait.ge [sflag:s26], $0x2000  }
0x1f: {  	[sflag:s26] =	ssyncset.done $0x0  }
0x20: {  	s14 =	simm.s32 $0x9E00;
	[sflag:s26] =	ssyncadd.s32 $0xFFFFE000  }
0x21: {  	[spmem:s3] =	stream.indirect.scatter.add.f32 [tilespmem:s21], [sflag:$0x5], $0x40, s14, s22, $0xb8;
	[tilespmem:$0x1C000] =	vst v63  }
0x22: {  	_ =	swait.ge [sflag:s4], $0x2000  }
0x23: {  	[sflag:s4] =	ssyncset.done $0x0  }
0x24: {  	[sflag:s4] =	ssyncadd.s32 $0xFFFFE000  }
0x25: {  	[tilespmem:s29], [sflag:$0x4] =	stream.indirect.gather [hbm4b:s1+s22], $0x40, s6, s22, $0xb8;
	[tilespmem:$0x1C000] =	vst v63  }
0x26: {  	_ =	swait.ge [sflag:s30], $0x2000  }
0x27: {  	[sflag:s30] =	ssyncset.done $0x0  }
0x28: {  	s20 =	simm.s32 $0x9E80;
	[sflag:s30] =	ssyncadd.s32 $0xFFFFE000  }
0x29: {  	[spmem:s3] =	stream.indirect.scatter.add.f32 [tilespmem:s23], [sflag:$0x6], $0x40, s20, s22, $0xb8;
	[tilespmem:$0x1C000] =	vst v63  }
0x2a: {  	_ =	swait.ge [sflag:s0], $0x2000  }
0x2b: {  	[sflag:s0] =	ssyncset.done $0x0  }
0x2c: {  	[sflag:s0] =	ssyncadd.s32 $0xFFFFE000  }
0x2d: {  	[tilespmem:s21], [sflag:$0x1] =	stream.indirect.gather [hbm4b:s1+s22], $0x40, s6, s22, $0xb8;
	[tilespmem:$0x1C000] =	vst v63  }
0x2e: {  	_ =	swait.ge [sflag:s24], $0x2000  }
0x2f: {  	[sflag:s24] =	ssyncset.done $0x0  }
0x30: {  	s14 =	simm.s32 $0x9F00;
	[sflag:s24] =	ssyncadd.s32 $0xFFFFE000  }
0x31: {  	[spmem:s3] =	stream.indirect.scatter.add.f32 [tilespmem:s25], [sflag:$0x7], $0x40, s14, s22, $0xb8;
	[tilespmem:$0x1C000] =	vst v63  }
0x32: {  	_ =	swait.ge [sflag:s31], $0x2000  }
0x33: {  	[sflag:s31] =	ssyncset.done $0x0  }
0x34: {  	[sflag:s31] =	ssyncadd.s32 $0xFFFFE000  }
0x35: {  	[tilespmem:s23], [sflag:$0x2] =	stream.indirect.gather [hbm4b:s1+s22], $0x40, s6, s22, $0xb8;
	[tilespmem:$0x1C000] =	vst v63  }
0x36: {  	_ =	swait.ge [sflag:s28], $0x2000  }
0x37: {  	[sflag:s28] =	ssyncset.done $0x0  }
0x38: {  	s20 =	simm.s32 $0x9F80;
	[sflag:s28] =	ssyncadd.s32 $0xFFFFE000  }
0x39: {  	[spmem:s3] =	stream.indirect.scatter.add.f32 [tilespmem:s29], [sflag:$0x8], $0x40, s20, s22, $0xb8;
	[tilespmem:$0x1C000] =	vst v63  }
.LBB2_10:
0x3a: {  	_ =	swait.ge [sflag:s26], $0x2000  }
0x3b: {  	[sflag:s26] =	ssyncset.done $0x0  }
0x3c: {  	[sflag:s26] =	ssyncadd.s32 $0xFFFFE000  }
0x3d: {  	_ =	swait.ge [sflag:s2], $0x2000  }
0x3e: {  	[sflag:s2] =	ssyncset.done $0x0  }
0x3f: {  	[sflag:s2] =	ssyncadd.s32 $0xFFFFE000  }
0x40: {  	_ =	swait.ge [sflag:s30], $0x2000  }
0x41: {  	[sflag:s30] =	ssyncset.done $0x0  }
0x42: {  	[sflag:s30] =	ssyncadd.s32 $0xFFFFE000  }
0x43: {  	_ =	swait.ge [sflag:s4], $0x2000  }
0x44: {  	[sflag:s4] =	ssyncset.done $0x0  }
0x45: {  	s13 =	stileid.u32;
	[sflag:s4] =	ssyncadd.s32 $0xFFFFE000  }
0x46: {  	s13 =	sshll.u32 s13, $0x6;
	[bflag:$0x0] =	sbarrier.arrive $0xFFFF  }
0x47: {  	s14 =	sshrl.u32 s8, $0x3;
	s13 =	sor.u32 $0x1C09, s13;
	s20 =	rddreg [dreg:$0x6]  }
0x48: {  	[hbm:s20], [sflag:s13] =	dma.local [spmem:s14], $0x400  }
0x49: {  	_ =	swait.ge [sflag:s19], $0x400  }
0x4a: {  	[sflag:s19] =	ssyncset.done $0x0  }
0x4b: {  	s14 =	sshrl.u32 s9, $0x3;
	s20 =	rddreg [dreg:$0x7];
	[sflag:s19] =	ssyncadd.s32 $0xFFFFFC00  }
0x4c: {  	[hbm:s20], [sflag:s13] =	dma.local [spmem:s14], $0x400  }
0x4d: {  	_ =	swait.ge [sflag:s19], $0x400  }
0x4e: {  	[sflag:s19] =	ssyncset.done $0x0  }
0x4f: {  	s20 =	sshrl.u32 s10, $0x3;
	[sflag:s19] =	ssyncadd.s32 $0xFFFFFC00  }
0x50: {  	[hbm:s15], [sflag:s13] =	dma.local [spmem:s20], $0x400  }
0x51: {  	_ =	swait.ge [sflag:s19], $0x400  }
0x52: {  	[sflag:s19] =	ssyncset.done $0x0  }
0x53: {  	s20 =	sshrl.u32 s11, $0x3;
	[sflag:s19] =	ssyncadd.s32 $0xFFFFFC00  }
0x54: {  	[hbm:s16], [sflag:s13] =	dma.local [spmem:s20], $0x400  }
0x55: {  	s7 =	sadd.s32 $0x1, s7;
	_ =	swait.ge [sflag:s19], $0x400  }
0x56: {  	p1 =	sne.s32 s7, s18;
	[sflag:s19] =	ssyncset.done $0x0  }
.Ltmp1:
0x57: {  	s20 =	sshrl.u32 s12, $0x3;
	[sflag:s19] =	ssyncadd.s32 $0xFFFFFC00;
	(pc) =	sbr.rel @!p1 .LBB2_11-.Ltmp1, $4  }
0x58: {  	[hbm:s17], [sflag:s13] =	dma.local [spmem:s20], $0x400  }
0x59: {  	_ =	swait.ge [sflag:s19], $0x400  }
0x5a: {  	[sflag:s19] =	ssyncset.done $0x0  }
0x5b: {  	[sflag:s19] =	ssyncadd.s32 $0xFFFFFC00  }
.LBB2_1:
0x5c: {  	s13 =	simm.s32 $0x0;
	s14 =	rddreg [dreg:$0x4]  }
0x5d: {  	[tilespmem:s13], [sflag:$0x9] =	stream.linear.gather [hbm4b:s14+s13], $0x5000, $0x38;
	[tilespmem:$0x1C000] =	vst v63  }
0x5e: {  	_ =	swait.ge [sflag:s19], $0x5000  }
0x5f: {  	[sflag:s19] =	ssyncset.done $0x0  }
0x60: {  	s20 =	simm.s32 $0x5000;
	s14 =	rddreg [dreg:$0x5];
	[sflag:s19] =	ssyncadd.s32 $0xFFFFB000  }
0x61: {  	[tilespmem:s20], [sflag:$0x9] =	stream.linear.gather [hbm4b:s14+s13], $0x5000, $0x38;
	[tilespmem:$0x1C000] =	vst v63  }
0x62: {  	_ =	swait.ge [sflag:s19], $0x5000  }
0x63: {  	[sflag:s19] =	ssyncset.done $0x0  }
0x64: {  	s14 =	simm.s32 $0x100;
	s13 =	simm.s32 $0x0;
	[sflag:s19] =	ssyncadd.s32 $0xFFFFB000  }
.LBB2_2:
0x65: {  	p1 =	sne.s32 s14, $0x7F00;
	[tilespmem:s13+$0xA030] =	vst v0;
	s20 =	smov.u32 s14;
	s14 =	sadd.s32 $0x100, s14  }
.Ltmp2:
0x66: {  	[tilespmem:s13+$0xA020] =	vst v0;
	(pc) =	sbr.rel @p1 .LBB2_2-.Ltmp2, $3  }
0x67: {  	[tilespmem:s13+$0xA000] =	vst v0  }
0x68: {  	[tilespmem:s13+$0xA010] =	vst v0;
	_ =	sdelay $0x1  }
0x69: {  	s13 =	sshra.s32 s20, $0x2  }
0x6a: {  	[tilespmem:s13+$0xA030] =	vst v0  }
0x6b: {  	[tilespmem:s13+$0xA020] =	vst v0  }
0x6c: {  	[tilespmem:s13+$0xA000] =	vst v0  }
0x6d: {  	[tilespmem:s13+$0xA010] =	vst v0  }
0x6e: {  	[spmem:s8] =	stream.linear.scatter [tilespmem:s21], [sflag:$0x9], $0x2000, $0x38;
	[tilespmem:$0x1C000] =	vst v63  }
0x6f: {  	_ =	swait.ge [sflag:s19], $0x2000  }
0x70: {  	[sflag:s19] =	ssyncset.done $0x0  }
0x71: {  	[sflag:s19] =	ssyncadd.s32 $0xFFFFE000  }
0x72: {  	[spmem:s9] =	stream.linear.scatter [tilespmem:s21], [sflag:$0x9], $0x2000, $0x38;
	[tilespmem:$0x1C000] =	vst v63  }
0x73: {  	_ =	swait.ge [sflag:s19], $0x2000  }
0x74: {  	[sflag:s19] =	ssyncset.done $0x0  }
0x75: {  	[sflag:s19] =	ssyncadd.s32 $0xFFFFE000  }
0x76: {  	[spmem:s10] =	stream.linear.scatter [tilespmem:s21], [sflag:$0x9], $0x2000, $0x38;
	[tilespmem:$0x1C000] =	vst v63  }
0x77: {  	_ =	swait.ge [sflag:s19], $0x2000  }
0x78: {  	[sflag:s19] =	ssyncset.done $0x0  }
0x79: {  	[sflag:s19] =	ssyncadd.s32 $0xFFFFE000  }
0x7a: {  	[spmem:s11] =	stream.linear.scatter [tilespmem:s21], [sflag:$0x9], $0x2000, $0x38;
	[tilespmem:$0x1C000] =	vst v63  }
0x7b: {  	_ =	swait.ge [sflag:s19], $0x2000  }
0x7c: {  	[sflag:s19] =	ssyncset.done $0x0  }
0x7d: {  	[sflag:s19] =	ssyncadd.s32 $0xFFFFE000  }
0x7e: {  	[spmem:s12] =	stream.linear.scatter [tilespmem:s21], [sflag:$0x9], $0x2000, $0x38;
	[tilespmem:$0x1C000] =	vst v63  }
.Ltmp3:
0x7f: {  	_ =	swait.ge [sflag:s19], $0x2000;
	(pc) =	sbr.rel @!p0 .LBB2_4-.Ltmp3, $4  }
0x80: {  	[sflag:s19] =	ssyncset.done $0x0  }
0x81: {  	[sflag:s19] =	ssyncadd.s32 $0xFFFFE000  }
0x82: {  	[bflag:$0x0] =	sbarrier.arrive $0xFFFF  }
0x83: {  	s13 =	simm.s32 $0x0  }
0x84: {  	[tilespmem:s21], [sflag:$0x1] =	stream.indirect.gather [hbm4b:s5+s22], $0x40, s13, s22, $0xb8;
	[tilespmem:$0x1C000] =	vst v63  }
0x85: {  	_ = 	snop  }
0x86: {  	[tilespmem:s23], [sflag:$0x2] =	stream.indirect.gather [hbm4b:s5+s22], $0x40, s22, s22, $0xb8;
	[tilespmem:$0x1C000] =	vst v63  }
0x87: {  	s20 =	simm.s32 $0x100  }
0x88: {  	[tilespmem:s25], [sflag:$0x3] =	stream.indirect.gather [hbm4b:s5+s22], $0x40, s20, s22, $0xb8;
	[tilespmem:$0x1C000] =	vst v63  }
0x89: {  	_ =	swait.ge [sflag:s26], $0x2000  }
0x8a: {  	[sflag:s26] =	ssyncset.done $0x0  }
0x8b: {  	s14 =	simm.s32 $0x5000;
	[sflag:s26] =	ssyncadd.s32 $0xFFFFE000  }
0x8c: {  	[spmem:s3] =	stream.indirect.scatter.add.f32 [tilespmem:s21], [sflag:$0x5], $0x40, s14, s22, $0xb8;
	[tilespmem:$0x1C000] =	vst v63  }
0x8d: {  	s20 =	simm.s32 $0x180  }
0x8e: {  	[tilespmem:s29], [sflag:$0x4] =	stream.indirect.gather [hbm4b:s5+s22], $0x40, s20, s22, $0xb8;
	[tilespmem:$0x1C000] =	vst v63  }
0x8f: {  	_ =	swait.ge [sflag:s30], $0x2000  }
0x90: {  	[sflag:s30] =	ssyncset.done $0x0  }
0x91: {  	s14 =	simm.s32 $0x5080;
	[sflag:s30] =	ssyncadd.s32 $0xFFFFE000  }
0x92: {  	[spmem:s3] =	stream.indirect.scatter.add.f32 [tilespmem:s23], [sflag:$0x6], $0x40, s14, s22, $0xb8;
	[tilespmem:$0x1C000] =	vst v63  }
0x93: {  	_ =	swait.ge [sflag:s0], $0x2000  }
0x94: {  	[sflag:s0] =	ssyncset.done $0x0  }
0x95: {  	s20 =	simm.s32 $0x200;
	[sflag:s0] =	ssyncadd.s32 $0xFFFFE000  }
0x96: {  	[tilespmem:s21], [sflag:$0x1] =	stream.indirect.gather [hbm4b:s5+s22], $0x40, s20, s22, $0xb8;
	[tilespmem:$0x1C000] =	vst v63  }
0x97: {  	_ =	swait.ge [sflag:s24], $0x2000  }
0x98: {  	[sflag:s24] =	ssyncset.done $0x0  }
0x99: {  	s14 =	simm.s32 $0x5100;
	[sflag:s24] =	ssyncadd.s32 $0xFFFFE000  }
0x9a: {  	[spmem:s3] =	stream.indirect.scatter.add.f32 [tilespmem:s25], [sflag:$0x7], $0x40, s14, s22, $0xb8;
	[tilespmem:$0x1C000] =	vst v63  }
0x9b: {  	_ =	swait.ge [sflag:s31], $0x2000  }
0x9c: {  	[sflag:s31] =	ssyncset.done $0x0  }
0x9d: {  	s20 =	simm.s32 $0x280;
	[sflag:s31] =	ssyncadd.s32 $0xFFFFE000  }
0x9e: {  	[tilespmem:s23], [sflag:$0x2] =	stream.indirect.gather [hbm4b:s5+s22], $0x40, s20, s22, $0xb8;
	[tilespmem:$0x1C000] =	vst v63  }
0x9f: {  	_ =	swait.ge [sflag:s28], $0x2000  }
0xa0: {  	[sflag:s28] =	ssyncset.done $0x0  }
0xa1: {  	s14 =	simm.s32 $0x5180;
	[sflag:s28] =	ssyncadd.s32 $0xFFFFE000  }
0xa2: {  	[spmem:s3] =	stream.indirect.scatter.add.f32 [tilespmem:s29], [sflag:$0x8], $0x40, s14, s22, $0xb8;
	[tilespmem:$0x1C000] =	vst v63  }
0xa3: {  	_ =	swait.ge [sflag:s2], $0x2000  }
0xa4: {  	[sflag:s2] =	ssyncset.done $0x0  }
0xa5: {  	s20 =	simm.s32 $0x300;
	[sflag:s2] =	ssyncadd.s32 $0xFFFFE000  }
0xa6: {  	[tilespmem:s25], [sflag:$0x3] =	stream.indirect.gather [hbm4b:s5+s22], $0x40, s20, s22, $0xb8;
	[tilespmem:$0x1C000] =	vst v63  }
0xa7: {  	_ =	swait.ge [sflag:s26], $0x2000  }
0xa8: {  	[sflag:s26] =	ssyncset.done $0x0  }
0xa9: {  	s14 =	simm.s32 $0x5200;
	[sflag:s26] =	ssyncadd.s32 $0xFFFFE000  }
0xaa: {  	[spmem:s3] =	stream.indirect.scatter.add.f32 [tilespmem:s21], [sflag:$0x5], $0x40, s14, s22, $0xb8;
	[tilespmem:$0x1C000] =	vst v63  }
0xab: {  	_ =	swait.ge [sflag:s4], $0x2000  }
0xac: {  	[sflag:s4] =	ssyncset.done $0x0  }
0xad: {  	s20 =	simm.s32 $0x380;
	[sflag:s4] =	ssyncadd.s32 $0xFFFFE000  }
0xae: {  	[tilespmem:s29], [sflag:$0x4] =	stream.indirect.gather [hbm4b:s5+s22], $0x40, s20, s22, $0xb8;
	[tilespmem:$0x1C000] =	vst v63  }
0xaf: {  	_ =	swait.ge [sflag:s30], $0x2000  }
0xb0: {  	[sflag:s30] =	ssyncset.done $0x0  }
0xb1: {  	s14 =	simm.s32 $0x5280;
	[sflag:s30] =	ssyncadd.s32 $0xFFFFE000  }
0xb2: {  	[spmem:s3] =	stream.indirect.scatter.add.f32 [tilespmem:s23], [sflag:$0x6], $0x40, s14, s22, $0xb8;
	[tilespmem:$0x1C000] =	vst v63  }
0xb3: {  	_ =	swait.ge [sflag:s0], $0x2000  }
0xb4: {  	[sflag:s0] =	ssyncset.done $0x0  }
0xb5: {  	s20 =	simm.s32 $0x400;
	[sflag:s0] =	ssyncadd.s32 $0xFFFFE000  }
0xb6: {  	[tilespmem:s21], [sflag:$0x1] =	stream.indirect.gather [hbm4b:s5+s22], $0x40, s20, s22, $0xb8;
	[tilespmem:$0x1C000] =	vst v63  }
0xb7: {  	_ =	swait.ge [sflag:s24], $0x2000  }
0xb8: {  	[sflag:s24] =	ssyncset.done $0x0  }
0xb9: {  	s14 =	simm.s32 $0x5300;
	[sflag:s24] =	ssyncadd.s32 $0xFFFFE000  }
0xba: {  	[spmem:s3] =	stream.indirect.scatter.add.f32 [tilespmem:s25], [sflag:$0x7], $0x40, s14, s22, $0xb8;
	[tilespmem:$0x1C000] =	vst v63  }
0xbb: {  	_ =	swait.ge [sflag:s31], $0x2000  }
0xbc: {  	[sflag:s31] =	ssyncset.done $0x0  }
0xbd: {  	s20 =	simm.s32 $0x480;
	[sflag:s31] =	ssyncadd.s32 $0xFFFFE000  }
0xbe: {  	[tilespmem:s23], [sflag:$0x2] =	stream.indirect.gather [hbm4b:s5+s22], $0x40, s20, s22, $0xb8;
	[tilespmem:$0x1C000] =	vst v63  }
0xbf: {  	_ =	swait.ge [sflag:s28], $0x2000  }
0xc0: {  	[sflag:s28] =	ssyncset.done $0x0  }
0xc1: {  	s13 =	simm.s32 $0x800;
	s14 =	simm.s32 $0x5380;
	[sflag:s28] =	ssyncadd.s32 $0xFFFFE000  }
.LBB2_8:
0xc2: {  	[spmem:s3] =	stream.indirect.scatter.add.f32 [tilespmem:s29], [sflag:$0x8], $0x40, s14, s22, $0xb8;
	[tilespmem:$0x1C000] =	vst v63  }
0xc3: {  	s14 =	smov.u32 s13  }
0xc4: {  	p1 =	sne.s32 s13, $0x12800;
	s13 =	sadd.s32 $0x800, s13;
	_ =	swait.ge [sflag:s2], $0x2000  }
0xc5: {  	s14 =	sshra.s32 s14, $0x2;
	[sflag:s2] =	ssyncset.done $0x0  }
0xc6: {  	s20 =	sadd.s32 $0x300, s14;
	[sflag:s2] =	ssyncadd.s32 $0xFFFFE000  }
0xc7: {  	[tilespmem:s25], [sflag:$0x3] =	stream.indirect.gather [hbm4b:s5+s22], $0x40, s20, s22, $0xb8;
	[tilespmem:$0x1C000] =	vst v63  }
0xc8: {  	_ =	swait.ge [sflag:s26], $0x2000  }
0xc9: {  	[sflag:s26] =	ssyncset.done $0x0  }
0xca: {  	s20 =	sadd.s32 $0x5200, s14;
	[sflag:s26] =	ssyncadd.s32 $0xFFFFE000  }
0xcb: {  	[spmem:s3] =	stream.indirect.scatter.add.f32 [tilespmem:s21], [sflag:$0x5], $0x40, s20, s22, $0xb8;
	[tilespmem:$0x1C000] =	vst v63  }
0xcc: {  	_ =	swait.ge [sflag:s4], $0x2000  }
0xcd: {  	[sflag:s4] =	ssyncset.done $0x0  }
0xce: {  	s20 =	sadd.s32 $0x380, s14;
	[sflag:s4] =	ssyncadd.s32 $0xFFFFE000  }
0xcf: {  	[tilespmem:s29], [sflag:$0x4] =	stream.indirect.gather [hbm4b:s5+s22], $0x40, s20, s22, $0xb8;
	[tilespmem:$0x1C000] =	vst v63  }
0xd0: {  	_ =	swait.ge [sflag:s30], $0x2000  }
0xd1: {  	[sflag:s30] =	ssyncset.done $0x0  }
0xd2: {  	s20 =	sadd.s32 $0x5280, s14;
	[sflag:s30] =	ssyncadd.s32 $0xFFFFE000  }
0xd3: {  	[spmem:s3] =	stream.indirect.scatter.add.f32 [tilespmem:s23], [sflag:$0x6], $0x40, s20, s22, $0xb8;
	[tilespmem:$0x1C000] =	vst v63  }
0xd4: {  	_ =	swait.ge [sflag:s0], $0x2000  }
0xd5: {  	[sflag:s0] =	ssyncset.done $0x0  }
0xd6: {  	s20 =	sadd.s32 $0x400, s14;
	[sflag:s0] =	ssyncadd.s32 $0xFFFFE000  }
0xd7: {  	[tilespmem:s21], [sflag:$0x1] =	stream.indirect.gather [hbm4b:s5+s22], $0x40, s20, s22, $0xb8;
	[tilespmem:$0x1C000] =	vst v63  }
0xd8: {  	_ =	swait.ge [sflag:s24], $0x2000  }
0xd9: {  	[sflag:s24] =	ssyncset.done $0x0  }
0xda: {  	s20 =	sadd.s32 $0x5300, s14;
	[sflag:s24] =	ssyncadd.s32 $0xFFFFE000  }
0xdb: {  	[spmem:s3] =	stream.indirect.scatter.add.f32 [tilespmem:s25], [sflag:$0x7], $0x40, s20, s22, $0xb8;
	[tilespmem:$0x1C000] =	vst v63  }
0xdc: {  	_ =	swait.ge [sflag:s31], $0x2000  }
0xdd: {  	[sflag:s31] =	ssyncset.done $0x0  }
.Ltmp4:
0xde: {  	s20 =	sadd.s32 $0x480, s14;
	[sflag:s31] =	ssyncadd.s32 $0xFFFFE000;
	(pc) =	sbr.rel @p1 .LBB2_8-.Ltmp4, $4  }
0xdf: {  	[tilespmem:s23], [sflag:$0x2] =	stream.indirect.gather [hbm4b:s5+s22], $0x40, s20, s22, $0xb8;
	[tilespmem:$0x1C000] =	vst v63  }
0xe0: {  	_ =	swait.ge [sflag:s28], $0x2000  }
0xe1: {  	[sflag:s28] =	ssyncset.done $0x0  }
0xe2: {  	s14 =	sadd.s32 $0x5380, s14;
	[sflag:s28] =	ssyncadd.s32 $0xFFFFE000  }
0xe3: {  	[spmem:s3] =	stream.indirect.scatter.add.f32 [tilespmem:s29], [sflag:$0x8], $0x40, s14, s22, $0xb8;
	[tilespmem:$0x1C000] =	vst v63  }
0xe4: {  	_ =	swait.ge [sflag:s2], $0x2000  }
0xe5: {  	[sflag:s2] =	ssyncset.done $0x0  }
0xe6: {  	s13 =	simm.s32 $0x4F00;
	[sflag:s2] =	ssyncadd.s32 $0xFFFFE000  }
0xe7: {  	[tilespmem:s25], [sflag:$0x3] =	stream.indirect.gather [hbm4b:s5+s22], $0x40, s13, s22, $0xb8;
	[tilespmem:$0x1C000] =	vst v63  }
0xe8: {  	_ =	swait.ge [sflag:s26], $0x2000  }
0xe9: {  	[sflag:s26] =	ssyncset.done $0x0  }
0xea: {  	s14 =	simm.s32 $0x9E00;
	[sflag:s26] =	ssyncadd.s32 $0xFFFFE000  }
0xeb: {  	[spmem:s3] =	stream.indirect.scatter.add.f32 [tilespmem:s21], [sflag:$0x5], $0x40, s14, s22, $0xb8;
	[tilespmem:$0x1C000] =	vst v63  }
0xec: {  	_ =	swait.ge [sflag:s4], $0x2000  }
0xed: {  	[sflag:s4] =	ssyncset.done $0x0  }
0xee: {  	[sflag:s4] =	ssyncadd.s32 $0xFFFFE000  }
0xef: {  	[tilespmem:s29], [sflag:$0x4] =	stream.indirect.gather [hbm4b:s5+s22], $0x40, s6, s22, $0xb8;
	[tilespmem:$0x1C000] =	vst v63  }
0xf0: {  	_ =	swait.ge [sflag:s30], $0x2000  }
0xf1: {  	[sflag:s30] =	ssyncset.done $0x0  }
0xf2: {  	s20 =	simm.s32 $0x9E80;
	[sflag:s30] =	ssyncadd.s32 $0xFFFFE000  }
0xf3: {  	[spmem:s3] =	stream.indirect.scatter.add.f32 [tilespmem:s23], [sflag:$0x6], $0x40, s20, s22, $0xb8;
	[tilespmem:$0x1C000] =	vst v63  }
0xf4: {  	_ =	swait.ge [sflag:s0], $0x2000  }
0xf5: {  	[sflag:s0] =	ssyncset.done $0x0  }
0xf6: {  	[sflag:s0] =	ssyncadd.s32 $0xFFFFE000  }
0xf7: {  	[tilespmem:s21], [sflag:$0x1] =	stream.indirect.gather [hbm4b:s5+s22], $0x40, s6, s22, $0xb8;
	[tilespmem:$0x1C000] =	vst v63  }
0xf8: {  	_ =	swait.ge [sflag:s24], $0x2000  }
0xf9: {  	[sflag:s24] =	ssyncset.done $0x0  }
0xfa: {  	s14 =	simm.s32 $0x9F00;
	[sflag:s24] =	ssyncadd.s32 $0xFFFFE000  }
0xfb: {  	[spmem:s3] =	stream.indirect.scatter.add.f32 [tilespmem:s25], [sflag:$0x7], $0x40, s14, s22, $0xb8;
	[tilespmem:$0x1C000] =	vst v63  }
0xfc: {  	_ =	swait.ge [sflag:s31], $0x2000  }
0xfd: {  	[sflag:s31] =	ssyncset.done $0x0  }
0xfe: {  	[sflag:s31] =	ssyncadd.s32 $0xFFFFE000  }
0xff: {  	[tilespmem:s23], [sflag:$0x2] =	stream.indirect.gather [hbm4b:s5+s22], $0x40, s6, s22, $0xb8;
	[tilespmem:$0x1C000] =	vst v63  }
.Ltmp5:
0x100: {  	_ = 	snop;
	(pc) =	sbr.rel .LBB2_10-.Ltmp5, $4  }
0x101: {  	_ =	swait.ge [sflag:s28], $0x2000  }
0x102: {  	[sflag:s28] =	ssyncset.done $0x0  }
0x103: {  	s20 =	simm.s32 $0x9F80;
	[sflag:s28] =	ssyncadd.s32 $0xFFFFE000  }
0x104: {  	[spmem:s3] =	stream.indirect.scatter.add.f32 [tilespmem:s29], [sflag:$0x8], $0x40, s20, s22, $0xb8;
	[tilespmem:$0x1C000] =	vst v63  }
.LBB2_4:
0x105: {  	[tilespmem:s21], [sflag:$0x1] =	stream.indirect.gather [hbm4b:s1+s22], $0x40, s13, s22, $0xb8;
	[tilespmem:$0x1C000] =	vst v63  }
0x106: {  	_ = 	snop  }
0x107: {  	[tilespmem:s23], [sflag:$0x2] =	stream.indirect.gather [hbm4b:s1+s22], $0x40, s22, s22, $0xb8;
	[tilespmem:$0x1C000] =	vst v63  }
0x108: {  	s20 =	simm.s32 $0x100  }
0x109: {  	[tilespmem:s25], [sflag:$0x3] =	stream.indirect.gather [hbm4b:s1+s22], $0x40, s20, s22, $0xb8;
	[tilespmem:$0x1C000] =	vst v63  }
0x10a: {  	_ =	swait.ge [sflag:s26], $0x2000  }
0x10b: {  	[sflag:s26] =	ssyncset.done $0x0  }
0x10c: {  	s14 =	simm.s32 $0x5000;
	[sflag:s26] =	ssyncadd.s32 $0xFFFFE000  }
0x10d: {  	[spmem:s3] =	stream.indirect.scatter.add.f32 [tilespmem:s21], [sflag:$0x5], $0x40, s14, s22, $0xb8;
	[tilespmem:$0x1C000] =	vst v63  }
0x10e: {  	s20 =	simm.s32 $0x180  }
0x10f: {  	[tilespmem:s29], [sflag:$0x4] =	stream.indirect.gather [hbm4b:s1+s22], $0x40, s20, s22, $0xb8;
	[tilespmem:$0x1C000] =	vst v63  }
0x110: {  	_ =	swait.ge [sflag:s30], $0x2000  }
0x111: {  	[sflag:s30] =	ssyncset.done $0x0  }
0x112: {  	s14 =	simm.s32 $0x5080;
	[sflag:s30] =	ssyncadd.s32 $0xFFFFE000  }
0x113: {  	[spmem:s3] =	stream.indirect.scatter.add.f32 [tilespmem:s23], [sflag:$0x6], $0x40, s14, s22, $0xb8;
	[tilespmem:$0x1C000] =	vst v63  }
0x114: {  	_ =	swait.ge [sflag:s0], $0x2000  }
0x115: {  	[sflag:s0] =	ssyncset.done $0x0  }
0x116: {  	s20 =	simm.s32 $0x200;
	[sflag:s0] =	ssyncadd.s32 $0xFFFFE000  }
0x117: {  	[tilespmem:s21], [sflag:$0x1] =	stream.indirect.gather [hbm4b:s1+s22], $0x40, s20, s22, $0xb8;
	[tilespmem:$0x1C000] =	vst v63  }
0x118: {  	_ =	swait.ge [sflag:s24], $0x2000  }
0x119: {  	[sflag:s24] =	ssyncset.done $0x0  }
0x11a: {  	s14 =	simm.s32 $0x5100;
	[sflag:s24] =	ssyncadd.s32 $0xFFFFE000  }
0x11b: {  	[spmem:s3] =	stream.indirect.scatter.add.f32 [tilespmem:s25], [sflag:$0x7], $0x40, s14, s22, $0xb8;
	[tilespmem:$0x1C000] =	vst v63  }
0x11c: {  	_ =	swait.ge [sflag:s31], $0x2000  }
0x11d: {  	[sflag:s31] =	ssyncset.done $0x0  }
0x11e: {  	s20 =	simm.s32 $0x280;
	[sflag:s31] =	ssyncadd.s32 $0xFFFFE000  }
0x11f: {  	[tilespmem:s23], [sflag:$0x2] =	stream.indirect.gather [hbm4b:s1+s22], $0x40, s20, s22, $0xb8;
	[tilespmem:$0x1C000] =	vst v63  }
0x120: {  	_ =	swait.ge [sflag:s28], $0x2000  }
0x121: {  	[sflag:s28] =	ssyncset.done $0x0  }
0x122: {  	s14 =	simm.s32 $0x5180;
	[sflag:s28] =	ssyncadd.s32 $0xFFFFE000  }
0x123: {  	[spmem:s3] =	stream.indirect.scatter.add.f32 [tilespmem:s29], [sflag:$0x8], $0x40, s14, s22, $0xb8;
	[tilespmem:$0x1C000] =	vst v63  }
0x124: {  	_ =	swait.ge [sflag:s2], $0x2000  }
0x125: {  	[sflag:s2] =	ssyncset.done $0x0  }
0x126: {  	s20 =	simm.s32 $0x300;
	[sflag:s2] =	ssyncadd.s32 $0xFFFFE000  }
0x127: {  	[tilespmem:s25], [sflag:$0x3] =	stream.indirect.gather [hbm4b:s1+s22], $0x40, s20, s22, $0xb8;
	[tilespmem:$0x1C000] =	vst v63  }
0x128: {  	_ =	swait.ge [sflag:s26], $0x2000  }
0x129: {  	[sflag:s26] =	ssyncset.done $0x0  }
0x12a: {  	s14 =	simm.s32 $0x5200;
	[sflag:s26] =	ssyncadd.s32 $0xFFFFE000  }
0x12b: {  	[spmem:s3] =	stream.indirect.scatter.add.f32 [tilespmem:s21], [sflag:$0x5], $0x40, s14, s22, $0xb8;
	[tilespmem:$0x1C000] =	vst v63  }
0x12c: {  	_ =	swait.ge [sflag:s4], $0x2000  }
0x12d: {  	[sflag:s4] =	ssyncset.done $0x0  }
0x12e: {  	s20 =	simm.s32 $0x380;
	[sflag:s4] =	ssyncadd.s32 $0xFFFFE000  }
0x12f: {  	[tilespmem:s29], [sflag:$0x4] =	stream.indirect.gather [hbm4b:s1+s22], $0x40, s20, s22, $0xb8;
	[tilespmem:$0x1C000] =	vst v63  }
0x130: {  	_ =	swait.ge [sflag:s30], $0x2000  }
0x131: {  	[sflag:s30] =	ssyncset.done $0x0  }
0x132: {  	s14 =	simm.s32 $0x5280;
	[sflag:s30] =	ssyncadd.s32 $0xFFFFE000  }
0x133: {  	[spmem:s3] =	stream.indirect.scatter.add.f32 [tilespmem:s23], [sflag:$0x6], $0x40, s14, s22, $0xb8;
	[tilespmem:$0x1C000] =	vst v63  }
0x134: {  	_ =	swait.ge [sflag:s0], $0x2000  }
0x135: {  	[sflag:s0] =	ssyncset.done $0x0  }
0x136: {  	s20 =	simm.s32 $0x400;
	[sflag:s0] =	ssyncadd.s32 $0xFFFFE000  }
0x137: {  	[tilespmem:s21], [sflag:$0x1] =	stream.indirect.gather [hbm4b:s1+s22], $0x40, s20, s22, $0xb8;
	[tilespmem:$0x1C000] =	vst v63  }
0x138: {  	_ =	swait.ge [sflag:s24], $0x2000  }
0x139: {  	[sflag:s24] =	ssyncset.done $0x0  }
0x13a: {  	s14 =	simm.s32 $0x5300;
	[sflag:s24] =	ssyncadd.s32 $0xFFFFE000  }
0x13b: {  	[spmem:s3] =	stream.indirect.scatter.add.f32 [tilespmem:s25], [sflag:$0x7], $0x40, s14, s22, $0xb8;
	[tilespmem:$0x1C000] =	vst v63  }
0x13c: {  	_ =	swait.ge [sflag:s31], $0x2000  }
0x13d: {  	[sflag:s31] =	ssyncset.done $0x0  }
0x13e: {  	s20 =	simm.s32 $0x480;
	[sflag:s31] =	ssyncadd.s32 $0xFFFFE000  }
0x13f: {  	[tilespmem:s23], [sflag:$0x2] =	stream.indirect.gather [hbm4b:s1+s22], $0x40, s20, s22, $0xb8;
	[tilespmem:$0x1C000] =	vst v63  }
0x140: {  	_ =	swait.ge [sflag:s28], $0x2000  }
0x141: {  	[sflag:s28] =	ssyncset.done $0x0  }
0x142: {  	s13 =	simm.s32 $0x800;
	s14 =	simm.s32 $0x5380;
	[sflag:s28] =	ssyncadd.s32 $0xFFFFE000  }
.LBB2_5:
0x143: {  	[spmem:s3] =	stream.indirect.scatter.add.f32 [tilespmem:s29], [sflag:$0x8], $0x40, s14, s22, $0xb8;
	[tilespmem:$0x1C000] =	vst v63  }
0x144: {  	s14 =	smov.u32 s13  }
0x145: {  	p1 =	seq.s32 s13, $0x12800;
	s13 =	sadd.s32 $0x800, s13;
	_ =	swait.ge [sflag:s2], $0x2000  }
0x146: {  	s14 =	sshra.s32 s14, $0x2;
	[sflag:s2] =	ssyncset.done $0x0  }
0x147: {  	s20 =	sadd.s32 $0x300, s14;
	[sflag:s2] =	ssyncadd.s32 $0xFFFFE000  }
0x148: {  	[tilespmem:s25], [sflag:$0x3] =	stream.indirect.gather [hbm4b:s1+s22], $0x40, s20, s22, $0xb8;
	[tilespmem:$0x1C000] =	vst v63  }
0x149: {  	_ =	swait.ge [sflag:s26], $0x2000  }
0x14a: {  	[sflag:s26] =	ssyncset.done $0x0  }
0x14b: {  	s20 =	sadd.s32 $0x5200, s14;
	[sflag:s26] =	ssyncadd.s32 $0xFFFFE000  }
0x14c: {  	[spmem:s3] =	stream.indirect.scatter.add.f32 [tilespmem:s21], [sflag:$0x5], $0x40, s20, s22, $0xb8;
	[tilespmem:$0x1C000] =	vst v63  }
0x14d: {  	_ =	swait.ge [sflag:s4], $0x2000  }
0x14e: {  	[sflag:s4] =	ssyncset.done $0x0  }
0x14f: {  	s20 =	sadd.s32 $0x380, s14;
	[sflag:s4] =	ssyncadd.s32 $0xFFFFE000  }
0x150: {  	[tilespmem:s29], [sflag:$0x4] =	stream.indirect.gather [hbm4b:s1+s22], $0x40, s20, s22, $0xb8;
	[tilespmem:$0x1C000] =	vst v63  }
0x151: {  	_ =	swait.ge [sflag:s30], $0x2000  }
0x152: {  	[sflag:s30] =	ssyncset.done $0x0  }
0x153: {  	s20 =	sadd.s32 $0x5280, s14;
	[sflag:s30] =	ssyncadd.s32 $0xFFFFE000  }
0x154: {  	[spmem:s3] =	stream.indirect.scatter.add.f32 [tilespmem:s23], [sflag:$0x6], $0x40, s20, s22, $0xb8;
	[tilespmem:$0x1C000] =	vst v63  }
0x155: {  	_ =	swait.ge [sflag:s0], $0x2000  }
0x156: {  	[sflag:s0] =	ssyncset.done $0x0  }
0x157: {  	s20 =	sadd.s32 $0x400, s14;
	[sflag:s0] =	ssyncadd.s32 $0xFFFFE000  }
0x158: {  	[tilespmem:s21], [sflag:$0x1] =	stream.indirect.gather [hbm4b:s1+s22], $0x40, s20, s22, $0xb8;
	[tilespmem:$0x1C000] =	vst v63  }
0x159: {  	_ =	swait.ge [sflag:s24], $0x2000  }
0x15a: {  	[sflag:s24] =	ssyncset.done $0x0  }
0x15b: {  	s20 =	sadd.s32 $0x5300, s14;
	[sflag:s24] =	ssyncadd.s32 $0xFFFFE000  }
0x15c: {  	[spmem:s3] =	stream.indirect.scatter.add.f32 [tilespmem:s25], [sflag:$0x7], $0x40, s20, s22, $0xb8;
	[tilespmem:$0x1C000] =	vst v63  }
0x15d: {  	_ =	swait.ge [sflag:s31], $0x2000  }
0x15e: {  	[sflag:s31] =	ssyncset.done $0x0  }
.Ltmp6:
0x15f: {  	s20 =	sadd.s32 $0x480, s14;
	[sflag:s31] =	ssyncadd.s32 $0xFFFFE000;
	(pc) =	sbr.rel @!p1 .LBB2_5-.Ltmp6, $4  }
0x160: {  	[tilespmem:s23], [sflag:$0x2] =	stream.indirect.gather [hbm4b:s1+s22], $0x40, s20, s22, $0xb8;
	[tilespmem:$0x1C000] =	vst v63  }
0x161: {  	_ =	swait.ge [sflag:s28], $0x2000  }
0x162: {  	[sflag:s28] =	ssyncset.done $0x0  }
0x163: {  	s14 =	sadd.s32 $0x5380, s14;
	[sflag:s28] =	ssyncadd.s32 $0xFFFFE000  }
.Ltmp7:
0x164: {  	_ = 	snop;
	(pc) =	sbr.rel .LBB2_6-.Ltmp7, $1  }
0x165: {  	_ =	sdelay $0x3  }
.LBB2_11:
0x166: {  	_ =	sfence.sel $0x180000  }
0x167: {  	[bflag:$0x0] =	sbarrier.arrive $0xFFFF  }
0x168: {  	_ =	strace $0x9000004A  }
0x169: {  	s0 =	stileid.u32;
	[bflag:$0x2] =	sbarrier.arrive $0xFFFF  }
0x16a: {  	p0 =	sne.s32 s0, $0x0;
	s0 =	rddreg [dreg:$0x3]  }
0x16b: {  	s0 =	sadd.s32 @!p0 $0x100000, s0  }
0x16c: {  	[sflag:s0] =	ssyncadd.tile.s32 @!p0 $0x1;
	_ =	shalt  }
.Lfunc_end2:
_tile_overlayer_lowered:
.L_overlay_start_2:
0x16d: {  	(tag) =	ssettag $0x2  }
0x16e: {  	s0 =	rddreg [dreg:$0x0];
	s2 =	stileid.u32  }
0x16f: {  	s1 =	rddreg [dreg:$0x1];
	p0 =	sne.s32 s2, $0x0  }
0x170: {  	s3 =	rddreg [dreg:$0x2];
	[bflag:$0x3] =	sbarrier.arrive $0xFFFF;
	s2 =	simm.s32 @!p0 $0x1C09  }
0x171: {  	[timem:s3], [sflag:s2] =	dma.local @!p0 [hbm:s0], s1  }
0x172: {  	s0 =	simm.s32 @!p0 $0x9  }
0x173: {  	_ =	swait.ge @!p0 [sflag:s0], s1  }
0x174: {  	s1 =	ssub.s32 @!p0 $0x0, s1;
	[sflag:s0] =	ssyncset.done @!p0 $0x0  }
0x175: {  	[sflag:s0] =	ssyncadd.s32 @!p0 s1  }
0x176: {  	[bflag:$0x3] =	sbarrier.arrive $0xFFFF  }
0x177: {  	_ =	shalt  }

// kernel: kernel.14.cloned.1.call-start
scs
__scs_entry_jumppad:
0x0: {  	(pc) =	sbr.rel $0x88, $3  }
0x1: {  	(tag) =	ssettag $0x0;
	lr =	simm.s32 $0x1  }
0x2: {  	[smem:$0x3F9D] =	sst lr;
	_ =	strace $0xD0000000  }
0x3: {  	_ = 	snop  }
0x4: {  	_ = 	snop  }
0x5: {  	_ = 	snop  }
0x6: {  	_ = 	snop  }
0x7: {  	_ = 	snop  }
__scs_overlays_trampoline_lowered:
0x8: {  	[smem:$0x3FAC] =	sst s0  }
0x9: {  	[smem:$0x3FAD] =	sst s1  }
0xa: {  	[smem:$0x3FAE] =	sst s2  }
0xb: {  	[smem:$0x3FAF] =	sst s3  }
0xc: {  	[smem:$0x3FB0] =	sst s4  }
0xd: {  	[smem:$0x3FB1] =	sst s5  }
0xe: {  	[smem:$0x3FB2] =	sst s6  }
0xf: {  	[smem:$0x3FB3] =	sst s7  }
0x10: {  	[smem:$0x3FB4] =	sst s8  }
0x11: {  	[smem:$0x3FB5] =	sst s9;
	s0 =	simm.s32 @!p0 $0x0  }
0x12: {  	s1 =	sld [smem:$0x3F9B];
	s0 =	simm.s32 @p0 $0x1  }
0x13: {  	[smem:$0x3FB6] =	sst s0;
	s0 =	simm.s32 @!p1 $0x0  }
0x14: {  	s2 =	sld [smem:$0x3F9A];
	s0 =	simm.s32 @p1 $0x1  }
0x15: {  	[smem:$0x3FB7] =	sst s0;
	s0 =	simm.s32 @!p2 $0x0  }
0x16: {  	s3 =	sld [smem:$0x3FDB];
	s0 =	simm.s32 @p2 $0x1  }
0x17: {  	s4 =	simm.s32 $0x1BF5;
	[smem:$0x3FB9] =	sst s0  }
0x18: {  	s0 =	sld [smem:$0x3F9C];
	_ =	swait.ge [sflag:s4], $0x0  }
0x19: {  	s7 =	sld [smem:$0x3F9D]  }
0x1a: {  	s8 =	sadd.s32 $0xFFFFE003, lr  }
0x1b: {  	s9 =	sadd.s32 $0xFFFFFEF7, lr;
	s5 =	simm.s32 $0xFFFFFFFF;
	p2 =	slt.u32 s8, $0xFFFFF086  }
0x1c: {  	p1 =	slt.u32 s9, $0xF7A;
	s5 =	simm.s32 @!p2 $0x0  }
0x1d: {  	s5 =	simm.s32 @p1 $0x1;
	p0 =	seq.s32 s7, s2  }
0x1e: {  	s7 =	smul.u32 @!p0 $0xF7A, s2;
	p2 =	seq.s32 @!p0 s5, $0x0  }
0x1f: {  	s9 =	smul.u32 $0xF7A, s1;
	s8 =	simm.s32 @!p0 $0x1BF5;
	p2 =	por !p2, p0  }
0x20: {  	[sflag:s8] =	ssyncset.s32 @!p0 $0xFFFFF086;
	s6 =	sadd.s32 @!p0 s3, s7;
	s7 =	simm.s32 @!p0 $0x108  }
0x21: {  	s3 =	sadd.s32 s3, s9;
	s6 =	sadd.s32 @!p0 $0x88, s6;
	s7 =	simm.s32 @p2 $0x1082  }
0x22: {  	[simem:s7], [sflag:s8] =	dma.local @!p0 [hbm:s6], $0xF7A  }
0x23: {  	s9 =	sor.u32 $0xD0000000, s2;
	s6 =	simm.s32 $0x108;
	_ =	swait.ge @!p0 [sflag:s8], $0x0  }
0x24: {  	s3 =	sadd.s32 $0x88, s3;
	s6 =	simm.s32 @!p1 $0x1082;
	[sflag:s4] =	ssyncset.s32 $0xFFFFF086  }
0x25: {  	[simem:s6], [sflag:s4] =	dma.local [hbm:s3], $0xF7A  }
0x26: {  	[smem:$0x3F9D] =	sst s1;
	(tag) =	ssettag s2;
	_ =	strace s9  }
0x27: {  	s1 =	sld [smem:$0x3FAD]  }
0x28: {  	s2 =	sld [smem:$0x3FAE]  }
0x29: {  	s4 =	sld [smem:$0x3FB0]  }
0x2a: {  	p0 =	seq.s32 s5, $0x0;
	s5 =	sld [smem:$0x3FB1]  }
0x2b: {  	s6 =	sld [smem:$0x3FB2]  }
0x2c: {  	s7 =	sld [smem:$0x3FB3]  }
0x2d: {  	s3 =	simm.s32 $0x108;
	s8 =	sld [smem:$0x3FB4]  }
0x2e: {  	s3 =	simm.s32 @!p0 $0x1082;
	s9 =	sld [smem:$0x3FB5]  }
0x2f: {  	lr =	sadd.s32 s0, s3;
	s0 =	sld [smem:$0x3FAC]  }
0x30: {  	s3 =	sld [smem:$0x3FAF]  }
0x31: {  	[smem:$0x3FB8] =	sst s10  }
0x32: {  	s10 =	sld [smem:$0x3FB6];
	_ =	sdelay $0x3  }
0x33: {  	p0 =	seq.s32 s10, $0x1;
	s10 =	sld [smem:$0x3FB8];
	_ =	sdelay $0x3  }
0x34: {  	[smem:$0x3FB8] =	sst s10  }
0x35: {  	s10 =	sld [smem:$0x3FB7];
	_ =	sdelay $0x3  }
0x36: {  	p1 =	seq.s32 s10, $0x1;
	s10 =	sld [smem:$0x3FB8];
	_ =	sdelay $0x3  }
0x37: {  	[smem:$0x3FB8] =	sst s10  }
0x38: {  	s10 =	sld [smem:$0x3FB9]  }
0x39: {  	_ = 	snop;
	(pc) =	sbr.ind lr, $3  }
0x3a: {  	_ = 	snop  }
0x3b: {  	_ = 	snop  }
0x3c: {  	p2 =	seq.s32 s10, $0x1;
	s10 =	sld [smem:$0x3FB8]  }
0x3d: {  	_ =	shalt  }
0x3e: {  	_ =	shalt  }
0x3f: {  	_ =	shalt  }
0x40: {  	_ =	shalt  }
0x41: {  	_ =	shalt  }
0x42: {  	_ =	shalt  }
0x43: {  	_ =	shalt  }
0x44: {  	_ =	shalt  }
0x45: {  	_ =	shalt  }
0x46: {  	_ =	shalt  }
0x47: {  	_ =	shalt  }
0x48: {  	_ =	shalt  }
0x49: {  	_ =	shalt  }
0x4a: {  	_ =	shalt  }
0x4b: {  	_ =	shalt  }
0x4c: {  	_ =	shalt  }
0x4d: {  	_ =	shalt  }
0x4e: {  	_ =	shalt  }
0x4f: {  	_ =	shalt  }
0x50: {  	_ =	shalt  }
0x51: {  	_ =	shalt  }
0x52: {  	_ =	shalt  }
0x53: {  	_ =	shalt  }
0x54: {  	_ =	shalt  }
0x55: {  	_ =	shalt  }
0x56: {  	_ =	shalt  }
0x57: {  	_ =	shalt  }
0x58: {  	_ =	shalt  }
0x59: {  	_ =	shalt  }
0x5a: {  	_ =	shalt  }
0x5b: {  	_ =	shalt  }
0x5c: {  	_ =	shalt  }
0x5d: {  	_ =	shalt  }
0x5e: {  	_ =	shalt  }
0x5f: {  	_ =	shalt  }
0x60: {  	_ =	shalt  }
0x61: {  	_ =	shalt  }
0x62: {  	_ =	shalt  }
0x63: {  	_ =	shalt  }
0x64: {  	_ =	shalt  }
0x65: {  	_ =	shalt  }
0x66: {  	_ =	shalt  }
0x67: {  	_ =	shalt  }
0x68: {  	_ =	shalt  }
0x69: {  	_ =	shalt  }
0x6a: {  	_ =	shalt  }
0x6b: {  	_ =	shalt  }
0x6c: {  	_ =	shalt  }
0x6d: {  	_ =	shalt  }
0x6e: {  	_ =	shalt  }
0x6f: {  	_ =	shalt  }
0x70: {  	_ =	shalt  }
0x71: {  	_ =	shalt  }
0x72: {  	_ =	shalt  }
0x73: {  	_ =	shalt  }
0x74: {  	_ =	shalt  }
0x75: {  	_ =	shalt  }
0x76: {  	_ =	shalt  }
0x77: {  	_ =	shalt  }
0x78: {  	_ =	shalt  }
0x79: {  	_ =	shalt  }
0x7a: {  	_ =	shalt  }
0x7b: {  	_ =	shalt  }
0x7c: {  	_ =	shalt  }
0x7d: {  	_ =	shalt  }
0x7e: {  	_ =	shalt  }
0x7f: {  	_ =	shalt  }
0x80: {  	_ =	shalt  }
0x81: {  	_ =	shalt  }
0x82: {  	_ =	shalt  }
0x83: {  	_ =	shalt  }
0x84: {  	_ =	shalt  }
0x85: {  	_ =	shalt  }
0x86: {  	_ =	shalt  }
0x87: {  	_ =	shalt  }
.Lfunc_end0:
.L_simem_size_0:
called_computation.2_lowered:
.L_overlay_start_0:
0x88: {  	s2 =	sld [smem:$0x3FD9]  }
0x89: {  	s3 =	sld [smem:$0x3FFE];
	_ =	sdelay $0x1  }
0x8a: {  	s1 =	srdreg.scid  }
0x8b: {  	s0 =	sand.u32 $0x1, s1  }
0x8c: {  	s17 =	sshll.u32 s0, $0xA;
	s2 =	sadd.s32 s3, s2  }
0x8d: {  	s2 =	sadd.s32 s2, s17  }
0x8e: {  	[smem:$0x3FC4] =	sst s2  }
0x8f: {  	_ = 	snop  }
0x90: {  	s2 =	sld [smem:$0x3FD0];
	(tm) =	ssettm $0x1  }
0x91: {  	s18 =	sld [smem:$0x3FFB];
	_ =	sdelay $0x3  }
0x92: {  	_ =	strace s18  }
0x93: {  	s3 =	sld [smem:$0x3FFC];
	_ =	sdelay $0x3  }
0x94: {  	_ =	strace s3  }
0x95: {  	s3 =	sld [smem:$0x3FFD];
	_ =	sdelay $0x3  }
0x96: {  	_ =	strace s3  }
0x97: {  	_ =	strace $0x8FFFFFFF  }
0x98: {  	s19 =	sld [smem:$0x3FDB];
	_ =	sdelay $0x1  }
0x99: {  	s4 =	simm.s32 $_scs_section_size  }
0x9a: {  	s5 =	simm.s32 $_size__tile_overlayer_lowered;
	s6 =	simm.s32 $_tile_overlayer_lowered  }
0x9b: {  	s22 =	simm.s32 $0x1BFF;
	s21 =	sshll.u32 s6, $0x1;
	s3 =	sadd.s32 s4, s19  }
0x9c: {  	s7 =	simm.s32 $0x0;
	s20 =	sshll.u32 s5, $0x1;
	s5 =	sadd.s32 s21, s3  }
0x9d: {  	[timem:s7], [sflag:s22] =	dma.local [hbm:s5], s20  }
0x9e: {  	_ =	swait.ge [sflag:s22], s20  }
0x9f: {  	s4 =	ssub.s32 $0x0, s20;
	[sflag:s22] =	ssyncset.done $0x0  }
0xa0: {  	[sflag:s22] =	ssyncadd.s32 s4;
	_ =	sdelay $0x1  }
0xa1: {  	s23 =	simm.s32 $0x1B8B  }
0xa2: {  	_ =	swait.ge [sflag:s23], $0x1  }
0xa3: {  	[sflag:s23] =	ssyncset.done $0x0  }
0xa4: {  	s25 =	simm.s32 $0x1B8E;
	s24 =	sld [smem:$0x3FFE];
	[sflag:s23] =	ssyncadd.s32 $0xFFFFFFFF  }
0xa5: {  	s26 =	simm.s32 $execute0_lowered;
	[smem:$0x3FD2] =	sst s25  }
0xa6: {  	s5 =	sshll.u32 s26, $0x1;
	_ =	strace $0x8000004C;
	[dreg:$0x1] =	wrdreg $0xFFFFFFFF  }
0xa7: {  	s28 =	simm.s32 $_size_execute0_lowered;
	s3 =	sadd.s32 s3, s5;
	[dreg:$0x0] =	wrdreg $0x0  }
0xa8: {  	s5 =	sshll.u32 s28, $0x1;
	[dreg:$0x2] =	wrdreg s3  }
0xa9: {  	[dreg:$0x3] =	wrdreg s5  }
0xaa: {  	[dreg:$0x4] =	wrdreg $0xC0  }
0xab: {  	_ =	task [dreg:s7], $0x5FFFF  }
0xac: {  	[dreg:$0x1] =	wrdreg $0xFFFFFFFF  }
0xad: {  	[dreg:$0x0] =	wrdreg $0x60  }
0xae: {  	[dreg:$0x2] =	wrdreg s2  }
0xaf: {  	[dreg:$0x3] =	wrdreg s24  }
0xb0: {  	[dreg:$0x4] =	wrdreg $0x120000  }
0xb1: {  	[dreg:$0x5] =	wrdreg $0x9  }
0xb2: {  	_ =	task.clear_ibuf [dreg:s7], $0x6FFFF;
	_ =	strace $0x9000004C  }
0xb3: {  	s29 =	simm.s32 $0x9;
	_ =	strace $0x8000004E  }
0xb4: {  	_ =	swait.ge [sflag:s29], $0x1  }
0xb5: {  	[sflag:s29] =	ssyncadd.s32 $0xFFFFFFFF  }
0xb6: {  	_ =	strace $0x9000004E  }
0xb7: {  	_ =	sfence  }
0xb8: {  	s30 =	sld [smem:$0x0];
	_ =	sdelay $0x2  }
0xb9: {  	s31 =	sshll.u32 s1, $0xD;
	s1 =	sshrl.u32 s1, $0x2  }
0xba: {  	s3 =	sand.u32 $0x4000, s31;
	s1 =	sadd.s32 s1, s30  }
0xbb: {  	s0 =	sor.u32 s3, s0;
	s1 =	sshll.u32 s1, $0x11  }
0xbc: {  	s0 =	sor.u32 s1, s0  }
0xbd: {  	s0 =	sadd.s32 $0x8F2B, s0  }
0xbe: {  	[sflag:s0] =	ssyncadd.remote.s32 $0x1  }
0xbf: {  	_ =	sfence.sel $0xFFFF  }
0xc0: {  	[dreg:$0x0] =	wrdreg $0xFFFFFFFF;
	(pc) =	sbr.abs _section_cstart, $3  }
0xc1: {  	[dreg:$0x1] =	wrdreg $0xFFFFFFFF  }
0xc2: {  	_ =	task.clear_ibuf [dreg:s7], $0x2FFFF;
	_ =	strace $0x9FFFFFFF  }
0xc3: {  	(tm) =	ssettm $0x7FFFFFFF  }
tec
execute0_lowered:
.L_overlay_start_1:
0x0: {  	(tag) =	ssettag $0x1  }
0x1: {  	s1 =	rddreg [dreg:$0x0]  }
0x2: {  	s0 =	rddreg [dreg:$0x1]  }
0x3: {  	s3 =	rddreg [dreg:$0x2];
	s4 =	simm.s32 $0x0  }
0x4: {  	s8 =	stileid.u32;
	s2 =	srdreg.scid;
	s29 =	simm.s32 $0x10000  }
0x5: {  	s30 =	simm.s32 $0x2;
	s31 =	simm.s32 $0x6;
	s28 =	simm.s32 $0x4  }
0x6: {  	[smem:$0x7FF] =	sst s4;
	s18 =	smul.u32 $0xA00, s8;
	s2 =	sand.u32 $0x1, s2  }
0x7: {  	s5 =	sadd.s32 $0x20600, s0;
	s12 =	smul.u32 $0xA000, s8;
	_ =	strace $0x8000004D  }
0x8: {  	s6 =	ssub.s32 $0x2, s2;
	s14 =	smul.u32 $0xA0000, s2;
	p0 =	seq.s32 s2, $0x1  }
0x9: {  	s4 =	sadd.s32 s18, s0;
	s7 =	sshrl.u32 s6, $0x1;
	s0 =	sadd.s32 $0x34600, s0  }
0xa: {  	s8 =	sadd.s32 s12, s3;
	s20 =	sadd.s32 $0x2000, s12;
	s21 =	sadd.s32 $0x4000, s12  }
0xb: {  	s13 =	sadd.s32 $0x6000, s12;
	s15 =	sadd.s32 $0x8000, s12;
	s6 =	ssub.s32 s6, s7  }
0xc: {  	s19 =	sadd.s32 $0x16600, s4;
	s4 =	sadd.s32 $0xC600, s4;
	s9 =	sadd.s32 s20, s3  }
0xd: {  	s10 =	sadd.s32 s21, s3;
	s11 =	sadd.s32 s13, s3;
	s16 =	sadd.s32 s12, s14  }
0xe: {  	s12 =	sadd.s32 s15, s3;
	s24 =	sadd.s32 s14, s21;
	s25 =	sadd.s32 s14, s13  }
0xf: {  	s26 =	sadd.s32 s14, s15;
	s21 =	simm.s32 $0xA000;
	[dreg:$0x4] =	wrdreg s19  }
0x10: {  	[dreg:$0x5] =	wrdreg s4;
	s4 =	sadd.s32 s14, s20;
	s16 =	sshrl.u32 s16, $0x3  }
0x11: {  	s2 =	sshrl.u32 s24, $0x3;
	s7 =	sshrl.u32 s26, $0x3;
	s18 =	smax.u32 s6, $0x1  }
0x12: {  	s19 =	simm.s32 $0x9;
	s26 =	simm.s32 $0x1;
	s24 =	simm.s32 $0x3  }
0x13: {  	s6 =	simm.s32 $0x4F80;
	s4 =	sshrl.u32 s4, $0x3;
	s22 =	sadd.s32 s0, s16  }
.Ltmp0:
0x14: {  	s15 =	sadd.s32 s0, s2;
	s17 =	sadd.s32 s0, s7;
	(pc) =	sbr.rel .LBB2_1-.Ltmp0, $4  }
0x15: {  	s2 =	simm.s32 $0x7;
	s7 =	simm.s32 $0x0;
	[dreg:$0x6] =	wrdreg s22  }
0x16: {  	s23 =	sadd.s32 s0, s4;
	s4 =	sshrl.u32 s25, $0x3;
	s22 =	simm.s32 $0x80  }
0x17: {  	s25 =	simm.s32 $0xE000;
	[dreg:$0x7] =	wrdreg s23;
	s16 =	sadd.s32 s0, s4  }
0x18: {  	v0 =	vimm.f32 $0.0e+00;
	s23 =	simm.s32 $0xC000;
	s0 =	simm.s32 $0x5;
	s4 =	simm.s32 $0x8  }
.LBB2_6:
0x19: {  	[spmem:s3] =	stream.indirect.scatter.add.f32 [tilespmem:s29], [sflag:$0x8], $0x40, s14, s22, $0xb8;
	[tilespmem:$0x1C000] =	vst v63  }
0x1a: {  	_ =	swait.ge [sflag:s2], $0x2000  }
0x1b: {  	[sflag:s2] =	ssyncset.done $0x0  }
0x1c: {  	s13 =	simm.s32 $0x4F00;
	[sflag:s2] =	ssyncadd.s32 $0xFFFFE000  }
0x1d: {  	[tilespmem:s25], [sflag:$0x3] =	stream.indirect.gather [hbm4b:s1+s22], $0x40, s13, s22, $0xb8;
	[tilespmem:$0x1C000] =	vst v63  }
0x1e: {  	_ =	swait.ge [sflag:s26], $0x2000  }
0x1f: {  	[sflag:s26] =	ssyncset.done $0x0  }
0x20: {  	s14 =	simm.s32 $0x9E00;
	[sflag:s26] =	ssyncadd.s32 $0xFFFFE000  }
0x21: {  	[spmem:s3] =	stream.indirect.scatter.add.f32 [tilespmem:s21], [sflag:$0x5], $0x40, s14, s22, $0xb8;
	[tilespmem:$0x1C000] =	vst v63  }
0x22: {  	_ =	swait.ge [sflag:s4], $0x2000  }
0x23: {  	[sflag:s4] =	ssyncset.done $0x0  }
0x24: {  	[sflag:s4] =	ssyncadd.s32 $0xFFFFE000  }
0x25: {  	[tilespmem:s29], [sflag:$0x4] =	stream.indirect.gather [hbm4b:s1+s22], $0x40, s6, s22, $0xb8;
	[tilespmem:$0x1C000] =	vst v63  }
0x26: {  	_ =	swait.ge [sflag:s30], $0x2000  }
0x27: {  	[sflag:s30] =	ssyncset.done $0x0  }
0x28: {  	s20 =	simm.s32 $0x9E80;
	[sflag:s30] =	ssyncadd.s32 $0xFFFFE000  }
0x29: {  	[spmem:s3] =	stream.indirect.scatter.add.f32 [tilespmem:s23], [sflag:$0x6], $0x40, s20, s22, $0xb8;
	[tilespmem:$0x1C000] =	vst v63  }
0x2a: {  	_ =	swait.ge [sflag:s0], $0x2000  }
0x2b: {  	[sflag:s0] =	ssyncset.done $0x0  }
0x2c: {  	[sflag:s0] =	ssyncadd.s32 $0xFFFFE000  }
0x2d: {  	[tilespmem:s21], [sflag:$0x1] =	stream.indirect.gather [hbm4b:s1+s22], $0x40, s6, s22, $0xb8;
	[tilespmem:$0x1C000] =	vst v63  }
0x2e: {  	_ =	swait.ge [sflag:s24], $0x2000  }
0x2f: {  	[sflag:s24] =	ssyncset.done $0x0  }
0x30: {  	s14 =	simm.s32 $0x9F00;
	[sflag:s24] =	ssyncadd.s32 $0xFFFFE000  }
0x31: {  	[spmem:s3] =	stream.indirect.scatter.add.f32 [tilespmem:s25], [sflag:$0x7], $0x40, s14, s22, $0xb8;
	[tilespmem:$0x1C000] =	vst v63  }
0x32: {  	_ =	swait.ge [sflag:s31], $0x2000  }
0x33: {  	[sflag:s31] =	ssyncset.done $0x0  }
0x34: {  	[sflag:s31] =	ssyncadd.s32 $0xFFFFE000  }
0x35: {  	[tilespmem:s23], [sflag:$0x2] =	stream.indirect.gather [hbm4b:s1+s22], $0x40, s6, s22, $0xb8;
	[tilespmem:$0x1C000] =	vst v63  }
0x36: {  	_ =	swait.ge [sflag:s28], $0x2000  }
0x37: {  	[sflag:s28] =	ssyncset.done $0x0  }
0x38: {  	s20 =	simm.s32 $0x9F80;
	[sflag:s28] =	ssyncadd.s32 $0xFFFFE000  }
0x39: {  	[spmem:s3] =	stream.indirect.scatter.add.f32 [tilespmem:s29], [sflag:$0x8], $0x40, s20, s22, $0xb8;
	[tilespmem:$0x1C000] =	vst v63  }
.LBB2_10:
0x3a: {  	_ =	swait.ge [sflag:s26], $0x2000  }
0x3b: {  	[sflag:s26] =	ssyncset.done $0x0  }
0x3c: {  	[sflag:s26] =	ssyncadd.s32 $0xFFFFE000  }
0x3d: {  	_ =	swait.ge [sflag:s2], $0x2000  }
0x3e: {  	[sflag:s2] =	ssyncset.done $0x0  }
0x3f: {  	[sflag:s2] =	ssyncadd.s32 $0xFFFFE000  }
0x40: {  	_ =	swait.ge [sflag:s30], $0x2000  }
0x41: {  	[sflag:s30] =	ssyncset.done $0x0  }
0x42: {  	[sflag:s30] =	ssyncadd.s32 $0xFFFFE000  }
0x43: {  	_ =	swait.ge [sflag:s4], $0x2000  }
0x44: {  	[sflag:s4] =	ssyncset.done $0x0  }
0x45: {  	s13 =	stileid.u32;
	[sflag:s4] =	ssyncadd.s32 $0xFFFFE000  }
0x46: {  	s13 =	sshll.u32 s13, $0x6;
	[bflag:$0x0] =	sbarrier.arrive $0xFFFF  }
0x47: {  	s14 =	sshrl.u32 s8, $0x3;
	s13 =	sor.u32 $0x1C09, s13;
	s20 =	rddreg [dreg:$0x6]  }
0x48: {  	[hbm:s20], [sflag:s13] =	dma.local [spmem:s14], $0x400  }
0x49: {  	_ =	swait.ge [sflag:s19], $0x400  }
0x4a: {  	[sflag:s19] =	ssyncset.done $0x0  }
0x4b: {  	s14 =	sshrl.u32 s9, $0x3;
	s20 =	rddreg [dreg:$0x7];
	[sflag:s19] =	ssyncadd.s32 $0xFFFFFC00  }
0x4c: {  	[hbm:s20], [sflag:s13] =	dma.local [spmem:s14], $0x400  }
0x4d: {  	_ =	swait.ge [sflag:s19], $0x400  }
0x4e: {  	[sflag:s19] =	ssyncset.done $0x0  }
0x4f: {  	s20 =	sshrl.u32 s10, $0x3;
	[sflag:s19] =	ssyncadd.s32 $0xFFFFFC00  }
0x50: {  	[hbm:s15], [sflag:s13] =	dma.local [spmem:s20], $0x400  }
0x51: {  	_ =	swait.ge [sflag:s19], $0x400  }
0x52: {  	[sflag:s19] =	ssyncset.done $0x0  }
0x53: {  	s20 =	sshrl.u32 s11, $0x3;
	[sflag:s19] =	ssyncadd.s32 $0xFFFFFC00  }
0x54: {  	[hbm:s16], [sflag:s13] =	dma.local [spmem:s20], $0x400  }
0x55: {  	s7 =	sadd.s32 $0x1, s7;
	_ =	swait.ge [sflag:s19], $0x400  }
0x56: {  	p1 =	sne.s32 s7, s18;
	[sflag:s19] =	ssyncset.done $0x0  }
.Ltmp1:
0x57: {  	s20 =	sshrl.u32 s12, $0x3;
	[sflag:s19] =	ssyncadd.s32 $0xFFFFFC00;
	(pc) =	sbr.rel @!p1 .LBB2_11-.Ltmp1, $4  }
0x58: {  	[hbm:s17], [sflag:s13] =	dma.local [spmem:s20], $0x400  }
0x59: {  	_ =	swait.ge [sflag:s19], $0x400  }
0x5a: {  	[sflag:s19] =	ssyncset.done $0x0  }
0x5b: {  	[sflag:s19] =	ssyncadd.s32 $0xFFFFFC00  }
.LBB2_1:
0x5c: {  	s13 =	simm.s32 $0x0;
	s14 =	rddreg [dreg:$0x4]  }
0x5d: {  	[tilespmem:s13], [sflag:$0x9] =	stream.linear.gather [hbm4b:s14+s13], $0x5000, $0x38;
	[tilespmem:$0x1C000] =	vst v63  }
0x5e: {  	_ =	swait.ge [sflag:s19], $0x5000  }
0x5f: {  	[sflag:s19] =	ssyncset.done $0x0  }
0x60: {  	s20 =	simm.s32 $0x5000;
	s14 =	rddreg [dreg:$0x5];
	[sflag:s19] =	ssyncadd.s32 $0xFFFFB000  }
0x61: {  	[tilespmem:s20], [sflag:$0x9] =	stream.linear.gather [hbm4b:s14+s13], $0x5000, $0x38;
	[tilespmem:$0x1C000] =	vst v63  }
0x62: {  	_ =	swait.ge [sflag:s19], $0x5000  }
0x63: {  	[sflag:s19] =	ssyncset.done $0x0  }
0x64: {  	s14 =	simm.s32 $0x100;
	s13 =	simm.s32 $0x0;
	[sflag:s19] =	ssyncadd.s32 $0xFFFFB000  }
.LBB2_2:
0x65: {  	p1 =	sne.s32 s14, $0x7F00;
	[tilespmem:s13+$0xA030] =	vst v0;
	s20 =	smov.u32 s14;
	s14 =	sadd.s32 $0x100, s14  }
.Ltmp2:
0x66: {  	[tilespmem:s13+$0xA020] =	vst v0;
	(pc) =	sbr.rel @p1 .LBB2_2-.Ltmp2, $3  }
0x67: {  	[tilespmem:s13+$0xA000] =	vst v0  }
0x68: {  	[tilespmem:s13+$0xA010] =	vst v0;
	_ =	sdelay $0x1  }
0x69: {  	s13 =	sshra.s32 s20, $0x2  }
0x6a: {  	[tilespmem:s13+$0xA030] =	vst v0  }
0x6b: {  	[tilespmem:s13+$0xA020] =	vst v0  }
0x6c: {  	[tilespmem:s13+$0xA000] =	vst v0  }
0x6d: {  	[tilespmem:s13+$0xA010] =	vst v0  }
0x6e: {  	[spmem:s8] =	stream.linear.scatter [tilespmem:s21], [sflag:$0x9], $0x2000, $0x38;
	[tilespmem:$0x1C000] =	vst v63  }
0x6f: {  	_ =	swait.ge [sflag:s19], $0x2000  }
0x70: {  	[sflag:s19] =	ssyncset.done $0x0  }
0x71: {  	[sflag:s19] =	ssyncadd.s32 $0xFFFFE000  }
0x72: {  	[spmem:s9] =	stream.linear.scatter [tilespmem:s21], [sflag:$0x9], $0x2000, $0x38;
	[tilespmem:$0x1C000] =	vst v63  }
0x73: {  	_ =	swait.ge [sflag:s19], $0x2000  }
0x74: {  	[sflag:s19] =	ssyncset.done $0x0  }
0x75: {  	[sflag:s19] =	ssyncadd.s32 $0xFFFFE000  }
0x76: {  	[spmem:s10] =	stream.linear.scatter [tilespmem:s21], [sflag:$0x9], $0x2000, $0x38;
	[tilespmem:$0x1C000] =	vst v63  }
0x77: {  	_ =	swait.ge [sflag:s19], $0x2000  }
0x78: {  	[sflag:s19] =	ssyncset.done $0x0  }
0x79: {  	[sflag:s19] =	ssyncadd.s32 $0xFFFFE000  }
0x7a: {  	[spmem:s11] =	stream.linear.scatter [tilespmem:s21], [sflag:$0x9], $0x2000, $0x38;
	[tilespmem:$0x1C000] =	vst v63  }
0x7b: {  	_ =	swait.ge [sflag:s19], $0x2000  }
0x7c: {  	[sflag:s19] =	ssyncset.done $0x0  }
0x7d: {  	[sflag:s19] =	ssyncadd.s32 $0xFFFFE000  }
0x7e: {  	[spmem:s12] =	stream.linear.scatter [tilespmem:s21], [sflag:$0x9], $0x2000, $0x38;
	[tilespmem:$0x1C000] =	vst v63  }
.Ltmp3:
0x7f: {  	_ =	swait.ge [sflag:s19], $0x2000;
	(pc) =	sbr.rel @!p0 .LBB2_4-.Ltmp3, $4  }
0x80: {  	[sflag:s19] =	ssyncset.done $0x0  }
0x81: {  	[sflag:s19] =	ssyncadd.s32 $0xFFFFE000  }
0x82: {  	[bflag:$0x0] =	sbarrier.arrive $0xFFFF  }
0x83: {  	s13 =	simm.s32 $0x0  }
0x84: {  	[tilespmem:s21], [sflag:$0x1] =	stream.indirect.gather [hbm4b:s5+s22], $0x40, s13, s22, $0xb8;
	[tilespmem:$0x1C000] =	vst v63  }
0x85: {  	_ = 	snop  }
0x86: {  	[tilespmem:s23], [sflag:$0x2] =	stream.indirect.gather [hbm4b:s5+s22], $0x40, s22, s22, $0xb8;
	[tilespmem:$0x1C000] =	vst v63  }
0x87: {  	s20 =	simm.s32 $0x100  }
0x88: {  	[tilespmem:s25], [sflag:$0x3] =	stream.indirect.gather [hbm4b:s5+s22], $0x40, s20, s22, $0xb8;
	[tilespmem:$0x1C000] =	vst v63  }
0x89: {  	_ =	swait.ge [sflag:s26], $0x2000  }
0x8a: {  	[sflag:s26] =	ssyncset.done $0x0  }
0x8b: {  	s14 =	simm.s32 $0x5000;
	[sflag:s26] =	ssyncadd.s32 $0xFFFFE000  }
0x8c: {  	[spmem:s3] =	stream.indirect.scatter.add.f32 [tilespmem:s21], [sflag:$0x5], $0x40, s14, s22, $0xb8;
	[tilespmem:$0x1C000] =	vst v63  }
0x8d: {  	s20 =	simm.s32 $0x180  }
0x8e: {  	[tilespmem:s29], [sflag:$0x4] =	stream.indirect.gather [hbm4b:s5+s22], $0x40, s20, s22, $0xb8;
	[tilespmem:$0x1C000] =	vst v63  }
0x8f: {  	_ =	swait.ge [sflag:s30], $0x2000  }
0x90: {  	[sflag:s30] =	ssyncset.done $0x0  }
0x91: {  	s14 =	simm.s32 $0x5080;
	[sflag:s30] =	ssyncadd.s32 $0xFFFFE000  }
0x92: {  	[spmem:s3] =	stream.indirect.scatter.add.f32 [tilespmem:s23], [sflag:$0x6], $0x40, s14, s22, $0xb8;
	[tilespmem:$0x1C000] =	vst v63  }
0x93: {  	_ =	swait.ge [sflag:s0], $0x2000  }
0x94: {  	[sflag:s0] =	ssyncset.done $0x0  }
0x95: {  	s20 =	simm.s32 $0x200;
	[sflag:s0] =	ssyncadd.s32 $0xFFFFE000  }
0x96: {  	[tilespmem:s21], [sflag:$0x1] =	stream.indirect.gather [hbm4b:s5+s22], $0x40, s20, s22, $0xb8;
	[tilespmem:$0x1C000] =	vst v63  }
0x97: {  	_ =	swait.ge [sflag:s24], $0x2000  }
0x98: {  	[sflag:s24] =	ssyncset.done $0x0  }
0x99: {  	s14 =	simm.s32 $0x5100;
	[sflag:s24] =	ssyncadd.s32 $0xFFFFE000  }
0x9a: {  	[spmem:s3] =	stream.indirect.scatter.add.f32 [tilespmem:s25], [sflag:$0x7], $0x40, s14, s22, $0xb8;
	[tilespmem:$0x1C000] =	vst v63  }
0x9b: {  	_ =	swait.ge [sflag:s31], $0x2000  }
0x9c: {  	[sflag:s31] =	ssyncset.done $0x0  }
0x9d: {  	s20 =	simm.s32 $0x280;
	[sflag:s31] =	ssyncadd.s32 $0xFFFFE000  }
0x9e: {  	[tilespmem:s23], [sflag:$0x2] =	stream.indirect.gather [hbm4b:s5+s22], $0x40, s20, s22, $0xb8;
	[tilespmem:$0x1C000] =	vst v63  }
0x9f: {  	_ =	swait.ge [sflag:s28], $0x2000  }
0xa0: {  	[sflag:s28] =	ssyncset.done $0x0  }
0xa1: {  	s14 =	simm.s32 $0x5180;
	[sflag:s28] =	ssyncadd.s32 $0xFFFFE000  }
0xa2: {  	[spmem:s3] =	stream.indirect.scatter.add.f32 [tilespmem:s29], [sflag:$0x8], $0x40, s14, s22, $0xb8;
	[tilespmem:$0x1C000] =	vst v63  }
0xa3: {  	_ =	swait.ge [sflag:s2], $0x2000  }
0xa4: {  	[sflag:s2] =	ssyncset.done $0x0  }
0xa5: {  	s20 =	simm.s32 $0x300;
	[sflag:s2] =	ssyncadd.s32 $0xFFFFE000  }
0xa6: {  	[tilespmem:s25], [sflag:$0x3] =	stream.indirect.gather [hbm4b:s5+s22], $0x40, s20, s22, $0xb8;
	[tilespmem:$0x1C000] =	vst v63  }
0xa7: {  	_ =	swait.ge [sflag:s26], $0x2000  }
0xa8: {  	[sflag:s26] =	ssyncset.done $0x0  }
0xa9: {  	s14 =	simm.s32 $0x5200;
	[sflag:s26] =	ssyncadd.s32 $0xFFFFE000  }
0xaa: {  	[spmem:s3] =	stream.indirect.scatter.add.f32 [tilespmem:s21], [sflag:$0x5], $0x40, s14, s22, $0xb8;
	[tilespmem:$0x1C000] =	vst v63  }
0xab: {  	_ =	swait.ge [sflag:s4], $0x2000  }
0xac: {  	[sflag:s4] =	ssyncset.done $0x0  }
0xad: {  	s20 =	simm.s32 $0x380;
	[sflag:s4] =	ssyncadd.s32 $0xFFFFE000  }
0xae: {  	[tilespmem:s29], [sflag:$0x4] =	stream.indirect.gather [hbm4b:s5+s22], $0x40, s20, s22, $0xb8;
	[tilespmem:$0x1C000] =	vst v63  }
0xaf: {  	_ =	swait.ge [sflag:s30], $0x2000  }
0xb0: {  	[sflag:s30] =	ssyncset.done $0x0  }
0xb1: {  	s14 =	simm.s32 $0x5280;
	[sflag:s30] =	ssyncadd.s32 $0xFFFFE000  }
0xb2: {  	[spmem:s3] =	stream.indirect.scatter.add.f32 [tilespmem:s23], [sflag:$0x6], $0x40, s14, s22, $0xb8;
	[tilespmem:$0x1C000] =	vst v63  }
0xb3: {  	_ =	swait.ge [sflag:s0], $0x2000  }
0xb4: {  	[sflag:s0] =	ssyncset.done $0x0  }
0xb5: {  	s20 =	simm.s32 $0x400;
	[sflag:s0] =	ssyncadd.s32 $0xFFFFE000  }
0xb6: {  	[tilespmem:s21], [sflag:$0x1] =	stream.indirect.gather [hbm4b:s5+s22], $0x40, s20, s22, $0xb8;
	[tilespmem:$0x1C000] =	vst v63  }
0xb7: {  	_ =	swait.ge [sflag:s24], $0x2000  }
0xb8: {  	[sflag:s24] =	ssyncset.done $0x0  }
0xb9: {  	s14 =	simm.s32 $0x5300;
	[sflag:s24] =	ssyncadd.s32 $0xFFFFE000  }
0xba: {  	[spmem:s3] =	stream.indirect.scatter.add.f32 [tilespmem:s25], [sflag:$0x7], $0x40, s14, s22, $0xb8;
	[tilespmem:$0x1C000] =	vst v63  }
0xbb: {  	_ =	swait.ge [sflag:s31], $0x2000  }
0xbc: {  	[sflag:s31] =	ssyncset.done $0x0  }
0xbd: {  	s20 =	simm.s32 $0x480;
	[sflag:s31] =	ssyncadd.s32 $0xFFFFE000  }
0xbe: {  	[tilespmem:s23], [sflag:$0x2] =	stream.indirect.gather [hbm4b:s5+s22], $0x40, s20, s22, $0xb8;
	[tilespmem:$0x1C000] =	vst v63  }
0xbf: {  	_ =	swait.ge [sflag:s28], $0x2000  }
0xc0: {  	[sflag:s28] =	ssyncset.done $0x0  }
0xc1: {  	s13 =	simm.s32 $0x800;
	s14 =	simm.s32 $0x5380;
	[sflag:s28] =	ssyncadd.s32 $0xFFFFE000  }
.LBB2_8:
0xc2: {  	[spmem:s3] =	stream.indirect.scatter.add.f32 [tilespmem:s29], [sflag:$0x8], $0x40, s14, s22, $0xb8;
	[tilespmem:$0x1C000] =	vst v63  }
0xc3: {  	s14 =	smov.u32 s13  }
0xc4: {  	p1 =	sne.s32 s13, $0x12800;
	s13 =	sadd.s32 $0x800, s13;
	_ =	swait.ge [sflag:s2], $0x2000  }
0xc5: {  	s14 =	sshra.s32 s14, $0x2;
	[sflag:s2] =	ssyncset.done $0x0  }
0xc6: {  	s20 =	sadd.s32 $0x300, s14;
	[sflag:s2] =	ssyncadd.s32 $0xFFFFE000  }
0xc7: {  	[tilespmem:s25], [sflag:$0x3] =	stream.indirect.gather [hbm4b:s5+s22], $0x40, s20, s22, $0xb8;
	[tilespmem:$0x1C000] =	vst v63  }
0xc8: {  	_ =	swait.ge [sflag:s26], $0x2000  }
0xc9: {  	[sflag:s26] =	ssyncset.done $0x0  }
0xca: {  	s20 =	sadd.s32 $0x5200, s14;
	[sflag:s26] =	ssyncadd.s32 $0xFFFFE000  }
0xcb: {  	[spmem:s3] =	stream.indirect.scatter.add.f32 [tilespmem:s21], [sflag:$0x5], $0x40, s20, s22, $0xb8;
	[tilespmem:$0x1C000] =	vst v63  }
0xcc: {  	_ =	swait.ge [sflag:s4], $0x2000  }
0xcd: {  	[sflag:s4] =	ssyncset.done $0x0  }
0xce: {  	s20 =	sadd.s32 $0x380, s14;
	[sflag:s4] =	ssyncadd.s32 $0xFFFFE000  }
0xcf: {  	[tilespmem:s29], [sflag:$0x4] =	stream.indirect.gather [hbm4b:s5+s22], $0x40, s20, s22, $0xb8;
	[tilespmem:$0x1C000] =	vst v63  }
0xd0: {  	_ =	swait.ge [sflag:s30], $0x2000  }
0xd1: {  	[sflag:s30] =	ssyncset.done $0x0  }
0xd2: {  	s20 =	sadd.s32 $0x5280, s14;
	[sflag:s30] =	ssyncadd.s32 $0xFFFFE000  }
0xd3: {  	[spmem:s3] =	stream.indirect.scatter.add.f32 [tilespmem:s23], [sflag:$0x6], $0x40, s20, s22, $0xb8;
	[tilespmem:$0x1C000] =	vst v63  }
0xd4: {  	_ =	swait.ge [sflag:s0], $0x2000  }
0xd5: {  	[sflag:s0] =	ssyncset.done $0x0  }
0xd6: {  	s20 =	sadd.s32 $0x400, s14;
	[sflag:s0] =	ssyncadd.s32 $0xFFFFE000  }
0xd7: {  	[tilespmem:s21], [sflag:$0x1] =	stream.indirect.gather [hbm4b:s5+s22], $0x40, s20, s22, $0xb8;
	[tilespmem:$0x1C000] =	vst v63  }
0xd8: {  	_ =	swait.ge [sflag:s24], $0x2000  }
0xd9: {  	[sflag:s24] =	ssyncset.done $0x0  }
0xda: {  	s20 =	sadd.s32 $0x5300, s14;
	[sflag:s24] =	ssyncadd.s32 $0xFFFFE000  }
0xdb: {  	[spmem:s3] =	stream.indirect.scatter.add.f32 [tilespmem:s25], [sflag:$0x7], $0x40, s20, s22, $0xb8;
	[tilespmem:$0x1C000] =	vst v63  }
0xdc: {  	_ =	swait.ge [sflag:s31], $0x2000  }
0xdd: {  	[sflag:s31] =	ssyncset.done $0x0  }
.Ltmp4:
0xde: {  	s20 =	sadd.s32 $0x480, s14;
	[sflag:s31] =	ssyncadd.s32 $0xFFFFE000;
	(pc) =	sbr.rel @p1 .LBB2_8-.Ltmp4, $4  }
0xdf: {  	[tilespmem:s23], [sflag:$0x2] =	stream.indirect.gather [hbm4b:s5+s22], $0x40, s20, s22, $0xb8;
	[tilespmem:$0x1C000] =	vst v63  }
0xe0: {  	_ =	swait.ge [sflag:s28], $0x2000  }
0xe1: {  	[sflag:s28] =	ssyncset.done $0x0  }
0xe2: {  	s14 =	sadd.s32 $0x5380, s14;
	[sflag:s28] =	ssyncadd.s32 $0xFFFFE000  }
0xe3: {  	[spmem:s3] =	stream.indirect.scatter.add.f32 [tilespmem:s29], [sflag:$0x8], $0x40, s14, s22, $0xb8;
	[tilespmem:$0x1C000] =	vst v63  }
0xe4: {  	_ =	swait.ge [sflag:s2], $0x2000  }
0xe5: {  	[sflag:s2] =	ssyncset.done $0x0  }
0xe6: {  	s13 =	simm.s32 $0x4F00;
	[sflag:s2] =	ssyncadd.s32 $0xFFFFE000  }
0xe7: {  	[tilespmem:s25], [sflag:$0x3] =	stream.indirect.gather [hbm4b:s5+s22], $0x40, s13, s22, $0xb8;
	[tilespmem:$0x1C000] =	vst v63  }
0xe8: {  	_ =	swait.ge [sflag:s26], $0x2000  }
0xe9: {  	[sflag:s26] =	ssyncset.done $0x0  }
0xea: {  	s14 =	simm.s32 $0x9E00;
	[sflag:s26] =	ssyncadd.s32 $0xFFFFE000  }
0xeb: {  	[spmem:s3] =	stream.indirect.scatter.add.f32 [tilespmem:s21], [sflag:$0x5], $0x40, s14, s22, $0xb8;
	[tilespmem:$0x1C000] =	vst v63  }
0xec: {  	_ =	swait.ge [sflag:s4], $0x2000  }
0xed: {  	[sflag:s4] =	ssyncset.done $0x0  }
0xee: {  	[sflag:s4] =	ssyncadd.s32 $0xFFFFE000  }
0xef: {  	[tilespmem:s29], [sflag:$0x4] =	stream.indirect.gather [hbm4b:s5+s22], $0x40, s6, s22, $0xb8;
	[tilespmem:$0x1C000] =	vst v63  }
0xf0: {  	_ =	swait.ge [sflag:s30], $0x2000  }
0xf1: {  	[sflag:s30] =	ssyncset.done $0x0  }
0xf2: {  	s20 =	simm.s32 $0x9E80;
	[sflag:s30] =	ssyncadd.s32 $0xFFFFE000  }
0xf3: {  	[spmem:s3] =	stream.indirect.scatter.add.f32 [tilespmem:s23], [sflag:$0x6], $0x40, s20, s22, $0xb8;
	[tilespmem:$0x1C000] =	vst v63  }
0xf4: {  	_ =	swait.ge [sflag:s0], $0x2000  }
0xf5: {  	[sflag:s0] =	ssyncset.done $0x0  }
0xf6: {  	[sflag:s0] =	ssyncadd.s32 $0xFFFFE000  }
0xf7: {  	[tilespmem:s21], [sflag:$0x1] =	stream.indirect.gather [hbm4b:s5+s22], $0x40, s6, s22, $0xb8;
	[tilespmem:$0x1C000] =	vst v63  }
0xf8: {  	_ =	swait.ge [sflag:s24], $0x2000  }
0xf9: {  	[sflag:s24] =	ssyncset.done $0x0  }
0xfa: {  	s14 =	simm.s32 $0x9F00;
	[sflag:s24] =	ssyncadd.s32 $0xFFFFE000  }
0xfb: {  	[spmem:s3] =	stream.indirect.scatter.add.f32 [tilespmem:s25], [sflag:$0x7], $0x40, s14, s22, $0xb8;
	[tilespmem:$0x1C000] =	vst v63  }
0xfc: {  	_ =	swait.ge [sflag:s31], $0x2000  }
0xfd: {  	[sflag:s31] =	ssyncset.done $0x0  }
0xfe: {  	[sflag:s31] =	ssyncadd.s32 $0xFFFFE000  }
0xff: {  	[tilespmem:s23], [sflag:$0x2] =	stream.indirect.gather [hbm4b:s5+s22], $0x40, s6, s22, $0xb8;
	[tilespmem:$0x1C000] =	vst v63  }
.Ltmp5:
0x100: {  	_ = 	snop;
	(pc) =	sbr.rel .LBB2_10-.Ltmp5, $4  }
0x101: {  	_ =	swait.ge [sflag:s28], $0x2000  }
0x102: {  	[sflag:s28] =	ssyncset.done $0x0  }
0x103: {  	s20 =	simm.s32 $0x9F80;
	[sflag:s28] =	ssyncadd.s32 $0xFFFFE000  }
0x104: {  	[spmem:s3] =	stream.indirect.scatter.add.f32 [tilespmem:s29], [sflag:$0x8], $0x40, s20, s22, $0xb8;
	[tilespmem:$0x1C000] =	vst v63  }
.LBB2_4:
0x105: {  	[tilespmem:s21], [sflag:$0x1] =	stream.indirect.gather [hbm4b:s1+s22], $0x40, s13, s22, $0xb8;
	[tilespmem:$0x1C000] =	vst v63  }
0x106: {  	_ = 	snop  }
0x107: {  	[tilespmem:s23], [sflag:$0x2] =	stream.indirect.gather [hbm4b:s1+s22], $0x40, s22, s22, $0xb8;
	[tilespmem:$0x1C000] =	vst v63  }
0x108: {  	s20 =	simm.s32 $0x100  }
0x109: {  	[tilespmem:s25], [sflag:$0x3] =	stream.indirect.gather [hbm4b:s1+s22], $0x40, s20, s22, $0xb8;
	[tilespmem:$0x1C000] =	vst v63  }
0x10a: {  	_ =	swait.ge [sflag:s26], $0x2000  }
0x10b: {  	[sflag:s26] =	ssyncset.done $0x0  }
0x10c: {  	s14 =	simm.s32 $0x5000;
	[sflag:s26] =	ssyncadd.s32 $0xFFFFE000  }
0x10d: {  	[spmem:s3] =	stream.indirect.scatter.add.f32 [tilespmem:s21], [sflag:$0x5], $0x40, s14, s22, $0xb8;
	[tilespmem:$0x1C000] =	vst v63  }
0x10e: {  	s20 =	simm.s32 $0x180  }
0x10f: {  	[tilespmem:s29], [sflag:$0x4] =	stream.indirect.gather [hbm4b:s1+s22], $0x40, s20, s22, $0xb8;
	[tilespmem:$0x1C000] =	vst v63  }
0x110: {  	_ =	swait.ge [sflag:s30], $0x2000  }
0x111: {  	[sflag:s30] =	ssyncset.done $0x0  }
0x112: {  	s14 =	simm.s32 $0x5080;
	[sflag:s30] =	ssyncadd.s32 $0xFFFFE000  }
0x113: {  	[spmem:s3] =	stream.indirect.scatter.add.f32 [tilespmem:s23], [sflag:$0x6], $0x40, s14, s22, $0xb8;
	[tilespmem:$0x1C000] =	vst v63  }
0x114: {  	_ =	swait.ge [sflag:s0], $0x2000  }
0x115: {  	[sflag:s0] =	ssyncset.done $0x0  }
0x116: {  	s20 =	simm.s32 $0x200;
	[sflag:s0] =	ssyncadd.s32 $0xFFFFE000  }
0x117: {  	[tilespmem:s21], [sflag:$0x1] =	stream.indirect.gather [hbm4b:s1+s22], $0x40, s20, s22, $0xb8;
	[tilespmem:$0x1C000] =	vst v63  }
0x118: {  	_ =	swait.ge [sflag:s24], $0x2000  }
0x119: {  	[sflag:s24] =	ssyncset.done $0x0  }
0x11a: {  	s14 =	simm.s32 $0x5100;
	[sflag:s24] =	ssyncadd.s32 $0xFFFFE000  }
0x11b: {  	[spmem:s3] =	stream.indirect.scatter.add.f32 [tilespmem:s25], [sflag:$0x7], $0x40, s14, s22, $0xb8;
	[tilespmem:$0x1C000] =	vst v63  }
0x11c: {  	_ =	swait.ge [sflag:s31], $0x2000  }
0x11d: {  	[sflag:s31] =	ssyncset.done $0x0  }
0x11e: {  	s20 =	simm.s32 $0x280;
	[sflag:s31] =	ssyncadd.s32 $0xFFFFE000  }
0x11f: {  	[tilespmem:s23], [sflag:$0x2] =	stream.indirect.gather [hbm4b:s1+s22], $0x40, s20, s22, $0xb8;
	[tilespmem:$0x1C000] =	vst v63  }
0x120: {  	_ =	swait.ge [sflag:s28], $0x2000  }
0x121: {  	[sflag:s28] =	ssyncset.done $0x0  }
0x122: {  	s14 =	simm.s32 $0x5180;
	[sflag:s28] =	ssyncadd.s32 $0xFFFFE000  }
0x123: {  	[spmem:s3] =	stream.indirect.scatter.add.f32 [tilespmem:s29], [sflag:$0x8], $0x40, s14, s22, $0xb8;
	[tilespmem:$0x1C000] =	vst v63  }
0x124: {  	_ =	swait.ge [sflag:s2], $0x2000  }
0x125: {  	[sflag:s2] =	ssyncset.done $0x0  }
0x126: {  	s20 =	simm.s32 $0x300;
	[sflag:s2] =	ssyncadd.s32 $0xFFFFE000  }
0x127: {  	[tilespmem:s25], [sflag:$0x3] =	stream.indirect.gather [hbm4b:s1+s22], $0x40, s20, s22, $0xb8;
	[tilespmem:$0x1C000] =	vst v63  }
0x128: {  	_ =	swait.ge [sflag:s26], $0x2000  }
0x129: {  	[sflag:s26] =	ssyncset.done $0x0  }
0x12a: {  	s14 =	simm.s32 $0x5200;
	[sflag:s26] =	ssyncadd.s32 $0xFFFFE000  }
0x12b: {  	[spmem:s3] =	stream.indirect.scatter.add.f32 [tilespmem:s21], [sflag:$0x5], $0x40, s14, s22, $0xb8;
	[tilespmem:$0x1C000] =	vst v63  }
0x12c: {  	_ =	swait.ge [sflag:s4], $0x2000  }
0x12d: {  	[sflag:s4] =	ssyncset.done $0x0  }
0x12e: {  	s20 =	simm.s32 $0x380;
	[sflag:s4] =	ssyncadd.s32 $0xFFFFE000  }
0x12f: {  	[tilespmem:s29], [sflag:$0x4] =	stream.indirect.gather [hbm4b:s1+s22], $0x40, s20, s22, $0xb8;
	[tilespmem:$0x1C000] =	vst v63  }
0x130: {  	_ =	swait.ge [sflag:s30], $0x2000  }
0x131: {  	[sflag:s30] =	ssyncset.done $0x0  }
0x132: {  	s14 =	simm.s32 $0x5280;
	[sflag:s30] =	ssyncadd.s32 $0xFFFFE000  }
0x133: {  	[spmem:s3] =	stream.indirect.scatter.add.f32 [tilespmem:s23], [sflag:$0x6], $0x40, s14, s22, $0xb8;
	[tilespmem:$0x1C000] =	vst v63  }
0x134: {  	_ =	swait.ge [sflag:s0], $0x2000  }
0x135: {  	[sflag:s0] =	ssyncset.done $0x0  }
0x136: {  	s20 =	simm.s32 $0x400;
	[sflag:s0] =	ssyncadd.s32 $0xFFFFE000  }
0x137: {  	[tilespmem:s21], [sflag:$0x1] =	stream.indirect.gather [hbm4b:s1+s22], $0x40, s20, s22, $0xb8;
	[tilespmem:$0x1C000] =	vst v63  }
0x138: {  	_ =	swait.ge [sflag:s24], $0x2000  }
0x139: {  	[sflag:s24] =	ssyncset.done $0x0  }
0x13a: {  	s14 =	simm.s32 $0x5300;
	[sflag:s24] =	ssyncadd.s32 $0xFFFFE000  }
0x13b: {  	[spmem:s3] =	stream.indirect.scatter.add.f32 [tilespmem:s25], [sflag:$0x7], $0x40, s14, s22, $0xb8;
	[tilespmem:$0x1C000] =	vst v63  }
0x13c: {  	_ =	swait.ge [sflag:s31], $0x2000  }
0x13d: {  	[sflag:s31] =	ssyncset.done $0x0  }
0x13e: {  	s20 =	simm.s32 $0x480;
	[sflag:s31] =	ssyncadd.s32 $0xFFFFE000  }
0x13f: {  	[tilespmem:s23], [sflag:$0x2] =	stream.indirect.gather [hbm4b:s1+s22], $0x40, s20, s22, $0xb8;
	[tilespmem:$0x1C000] =	vst v63  }
0x140: {  	_ =	swait.ge [sflag:s28], $0x2000  }
0x141: {  	[sflag:s28] =	ssyncset.done $0x0  }
0x142: {  	s13 =	simm.s32 $0x800;
	s14 =	simm.s32 $0x5380;
	[sflag:s28] =	ssyncadd.s32 $0xFFFFE000  }
.LBB2_5:
0x143: {  	[spmem:s3] =	stream.indirect.scatter.add.f32 [tilespmem:s29], [sflag:$0x8], $0x40, s14, s22, $0xb8;
	[tilespmem:$0x1C000] =	vst v63  }
0x144: {  	s14 =	smov.u32 s13  }
0x145: {  	p1 =	seq.s32 s13, $0x12800;
	s13 =	sadd.s32 $0x800, s13;
	_ =	swait.ge [sflag:s2], $0x2000  }
0x146: {  	s14 =	sshra.s32 s14, $0x2;
	[sflag:s2] =	ssyncset.done $0x0  }
0x147: {  	s20 =	sadd.s32 $0x300, s14;
	[sflag:s2] =	ssyncadd.s32 $0xFFFFE000  }
0x148: {  	[tilespmem:s25], [sflag:$0x3] =	stream.indirect.gather [hbm4b:s1+s22], $0x40, s20, s22, $0xb8;
	[tilespmem:$0x1C000] =	vst v63  }
0x149: {  	_ =	swait.ge [sflag:s26], $0x2000  }
0x14a: {  	[sflag:s26] =	ssyncset.done $0x0  }
0x14b: {  	s20 =	sadd.s32 $0x5200, s14;
	[sflag:s26] =	ssyncadd.s32 $0xFFFFE000  }
0x14c: {  	[spmem:s3] =	stream.indirect.scatter.add.f32 [tilespmem:s21], [sflag:$0x5], $0x40, s20, s22, $0xb8;
	[tilespmem:$0x1C000] =	vst v63  }
0x14d: {  	_ =	swait.ge [sflag:s4], $0x2000  }
0x14e: {  	[sflag:s4] =	ssyncset.done $0x0  }
0x14f: {  	s20 =	sadd.s32 $0x380, s14;
	[sflag:s4] =	ssyncadd.s32 $0xFFFFE000  }
0x150: {  	[tilespmem:s29], [sflag:$0x4] =	stream.indirect.gather [hbm4b:s1+s22], $0x40, s20, s22, $0xb8;
	[tilespmem:$0x1C000] =	vst v63  }
0x151: {  	_ =	swait.ge [sflag:s30], $0x2000  }
0x152: {  	[sflag:s30] =	ssyncset.done $0x0  }
0x153: {  	s20 =	sadd.s32 $0x5280, s14;
	[sflag:s30] =	ssyncadd.s32 $0xFFFFE000  }
0x154: {  	[spmem:s3] =	stream.indirect.scatter.add.f32 [tilespmem:s23], [sflag:$0x6], $0x40, s20, s22, $0xb8;
	[tilespmem:$0x1C000] =	vst v63  }
0x155: {  	_ =	swait.ge [sflag:s0], $0x2000  }
0x156: {  	[sflag:s0] =	ssyncset.done $0x0  }
0x157: {  	s20 =	sadd.s32 $0x400, s14;
	[sflag:s0] =	ssyncadd.s32 $0xFFFFE000  }
0x158: {  	[tilespmem:s21], [sflag:$0x1] =	stream.indirect.gather [hbm4b:s1+s22], $0x40, s20, s22, $0xb8;
	[tilespmem:$0x1C000] =	vst v63  }
0x159: {  	_ =	swait.ge [sflag:s24], $0x2000  }
0x15a: {  	[sflag:s24] =	ssyncset.done $0x0  }
0x15b: {  	s20 =	sadd.s32 $0x5300, s14;
	[sflag:s24] =	ssyncadd.s32 $0xFFFFE000  }
0x15c: {  	[spmem:s3] =	stream.indirect.scatter.add.f32 [tilespmem:s25], [sflag:$0x7], $0x40, s20, s22, $0xb8;
	[tilespmem:$0x1C000] =	vst v63  }
0x15d: {  	_ =	swait.ge [sflag:s31], $0x2000  }
0x15e: {  	[sflag:s31] =	ssyncset.done $0x0  }
.Ltmp6:
0x15f: {  	s20 =	sadd.s32 $0x480, s14;
	[sflag:s31] =	ssyncadd.s32 $0xFFFFE000;
	(pc) =	sbr.rel @!p1 .LBB2_5-.Ltmp6, $4  }
0x160: {  	[tilespmem:s23], [sflag:$0x2] =	stream.indirect.gather [hbm4b:s1+s22], $0x40, s20, s22, $0xb8;
	[tilespmem:$0x1C000] =	vst v63  }
0x161: {  	_ =	swait.ge [sflag:s28], $0x2000  }
0x162: {  	[sflag:s28] =	ssyncset.done $0x0  }
0x163: {  	s14 =	sadd.s32 $0x5380, s14;
	[sflag:s28] =	ssyncadd.s32 $0xFFFFE000  }
.Ltmp7:
0x164: {  	_ = 	snop;
	(pc) =	sbr.rel .LBB2_6-.Ltmp7, $1  }
0x165: {  	_ =	sdelay $0x3  }
.LBB2_11:
0x166: {  	_ =	sfence.sel $0x180000  }
0x167: {  	[bflag:$0x0] =	sbarrier.arrive $0xFFFF  }
0x168: {  	_ =	strace $0x9000004D  }
0x169: {  	s0 =	stileid.u32;
	[bflag:$0x2] =	sbarrier.arrive $0xFFFF  }
0x16a: {  	p0 =	sne.s32 s0, $0x0;
	s0 =	rddreg [dreg:$0x3]  }
0x16b: {  	s0 =	sadd.s32 @!p0 $0x100000, s0  }
0x16c: {  	[sflag:s0] =	ssyncadd.tile.s32 @!p0 $0x1;
	_ =	shalt  }
.Lfunc_end2:
_tile_overlayer_lowered:
.L_overlay_start_2:
0x16d: {  	(tag) =	ssettag $0x2  }
0x16e: {  	s0 =	rddreg [dreg:$0x0];
	s2 =	stileid.u32  }
0x16f: {  	s1 =	rddreg [dreg:$0x1];
	p0 =	sne.s32 s2, $0x0  }
0x170: {  	s3 =	rddreg [dreg:$0x2];
	[bflag:$0x3] =	sbarrier.arrive $0xFFFF;
	s2 =	simm.s32 @!p0 $0x1C09  }
0x171: {  	[timem:s3], [sflag:s2] =	dma.local @!p0 [hbm:s0], s1  }
0x172: {  	s0 =	simm.s32 @!p0 $0x9  }
0x173: {  	_ =	swait.ge @!p0 [sflag:s0], s1  }
0x174: {  	s1 =	ssub.s32 @!p0 $0x0, s1;
	[sflag:s0] =	ssyncset.done @!p0 $0x0  }
0x175: {  	[sflag:s0] =	ssyncadd.s32 @!p0 s1  }
0x176: {  	[bflag:$0x3] =	sbarrier.arrive $0xFFFF  }
0x177: {  	_ =	shalt  }

// kernel: kernel.8.cloned.1.call-start
scs
__scs_entry_jumppad:
0x0: {  	(pc) =	sbr.rel $0x88, $3  }
0x1: {  	(tag) =	ssettag $0x0;
	lr =	simm.s32 $0x1  }
0x2: {  	[smem:$0x3F9D] =	sst lr;
	_ =	strace $0xD0000000  }
0x3: {  	_ = 	snop  }
0x4: {  	_ = 	snop  }
0x5: {  	_ = 	snop  }
0x6: {  	_ = 	snop  }
0x7: {  	_ = 	snop  }
__scs_overlays_trampoline_lowered:
0x8: {  	[smem:$0x3FAC] =	sst s0  }
0x9: {  	[smem:$0x3FAD] =	sst s1  }
0xa: {  	[smem:$0x3FAE] =	sst s2  }
0xb: {  	[smem:$0x3FAF] =	sst s3  }
0xc: {  	[smem:$0x3FB0] =	sst s4  }
0xd: {  	[smem:$0x3FB1] =	sst s5  }
0xe: {  	[smem:$0x3FB2] =	sst s6  }
0xf: {  	[smem:$0x3FB3] =	sst s7  }
0x10: {  	[smem:$0x3FB4] =	sst s8  }
0x11: {  	[smem:$0x3FB5] =	sst s9;
	s0 =	simm.s32 @!p0 $0x0  }
0x12: {  	s1 =	sld [smem:$0x3F9B];
	s0 =	simm.s32 @p0 $0x1  }
0x13: {  	[smem:$0x3FB6] =	sst s0;
	s0 =	simm.s32 @!p1 $0x0  }
0x14: {  	s2 =	sld [smem:$0x3F9A];
	s0 =	simm.s32 @p1 $0x1  }
0x15: {  	[smem:$0x3FB7] =	sst s0;
	s0 =	simm.s32 @!p2 $0x0  }
0x16: {  	s3 =	sld [smem:$0x3FDB];
	s0 =	simm.s32 @p2 $0x1  }
0x17: {  	s4 =	simm.s32 $0x1BF5;
	[smem:$0x3FB9] =	sst s0  }
0x18: {  	s0 =	sld [smem:$0x3F9C];
	_ =	swait.ge [sflag:s4], $0x0  }
0x19: {  	s7 =	sld [smem:$0x3F9D]  }
0x1a: {  	s8 =	sadd.s32 $0xFFFFE003, lr  }
0x1b: {  	s9 =	sadd.s32 $0xFFFFFEF7, lr;
	s5 =	simm.s32 $0xFFFFFFFF;
	p2 =	slt.u32 s8, $0xFFFFF086  }
0x1c: {  	p1 =	slt.u32 s9, $0xF7A;
	s5 =	simm.s32 @!p2 $0x0  }
0x1d: {  	s5 =	simm.s32 @p1 $0x1;
	p0 =	seq.s32 s7, s2  }
0x1e: {  	s7 =	smul.u32 @!p0 $0xF7A, s2;
	p2 =	seq.s32 @!p0 s5, $0x0  }
0x1f: {  	s9 =	smul.u32 $0xF7A, s1;
	s8 =	simm.s32 @!p0 $0x1BF5;
	p2 =	por !p2, p0  }
0x20: {  	[sflag:s8] =	ssyncset.s32 @!p0 $0xFFFFF086;
	s6 =	sadd.s32 @!p0 s3, s7;
	s7 =	simm.s32 @!p0 $0x108  }
0x21: {  	s3 =	sadd.s32 s3, s9;
	s6 =	sadd.s32 @!p0 $0x88, s6;
	s7 =	simm.s32 @p2 $0x1082  }
0x22: {  	[simem:s7], [sflag:s8] =	dma.local @!p0 [hbm:s6], $0xF7A  }
0x23: {  	s9 =	sor.u32 $0xD0000000, s2;
	s6 =	simm.s32 $0x108;
	_ =	swait.ge @!p0 [sflag:s8], $0x0  }
0x24: {  	s3 =	sadd.s32 $0x88, s3;
	s6 =	simm.s32 @!p1 $0x1082;
	[sflag:s4] =	ssyncset.s32 $0xFFFFF086  }
0x25: {  	[simem:s6], [sflag:s4] =	dma.local [hbm:s3], $0xF7A  }
0x26: {  	[smem:$0x3F9D] =	sst s1;
	(tag) =	ssettag s2;
	_ =	strace s9  }
0x27: {  	s1 =	sld [smem:$0x3FAD]  }
0x28: {  	s2 =	sld [smem:$0x3FAE]  }
0x29: {  	s4 =	sld [smem:$0x3FB0]  }
0x2a: {  	p0 =	seq.s32 s5, $0x0;
	s5 =	sld [smem:$0x3FB1]  }
0x2b: {  	s6 =	sld [smem:$0x3FB2]  }
0x2c: {  	s7 =	sld [smem:$0x3FB3]  }
0x2d: {  	s3 =	simm.s32 $0x108;
	s8 =	sld [smem:$0x3FB4]  }
0x2e: {  	s3 =	simm.s32 @!p0 $0x1082;
	s9 =	sld [smem:$0x3FB5]  }
0x2f: {  	lr =	sadd.s32 s0, s3;
	s0 =	sld [smem:$0x3FAC]  }
0x30: {  	s3 =	sld [smem:$0x3FAF]  }
0x31: {  	[smem:$0x3FB8] =	sst s10  }
0x32: {  	s10 =	sld [smem:$0x3FB6];
	_ =	sdelay $0x3  }
0x33: {  	p0 =	seq.s32 s10, $0x1;
	s10 =	sld [smem:$0x3FB8];
	_ =	sdelay $0x3  }
0x34: {  	[smem:$0x3FB8] =	sst s10  }
0x35: {  	s10 =	sld [smem:$0x3FB7];
	_ =	sdelay $0x3  }
0x36: {  	p1 =	seq.s32 s10, $0x1;
	s10 =	sld [smem:$0x3FB8];
	_ =	sdelay $0x3  }
0x37: {  	[smem:$0x3FB8] =	sst s10  }
0x38: {  	s10 =	sld [smem:$0x3FB9]  }
0x39: {  	_ = 	snop;
	(pc) =	sbr.ind lr, $3  }
0x3a: {  	_ = 	snop  }
0x3b: {  	_ = 	snop  }
0x3c: {  	p2 =	seq.s32 s10, $0x1;
	s10 =	sld [smem:$0x3FB8]  }
0x3d: {  	_ =	shalt  }
0x3e: {  	_ =	shalt  }
0x3f: {  	_ =	shalt  }
0x40: {  	_ =	shalt  }
0x41: {  	_ =	shalt  }
0x42: {  	_ =	shalt  }
0x43: {  	_ =	shalt  }
0x44: {  	_ =	shalt  }
0x45: {  	_ =	shalt  }
0x46: {  	_ =	shalt  }
0x47: {  	_ =	shalt  }
0x48: {  	_ =	shalt  }
0x49: {  	_ =	shalt  }
0x4a: {  	_ =	shalt  }
0x4b: {  	_ =	shalt  }
0x4c: {  	_ =	shalt  }
0x4d: {  	_ =	shalt  }
0x4e: {  	_ =	shalt  }
0x4f: {  	_ =	shalt  }
0x50: {  	_ =	shalt  }
0x51: {  	_ =	shalt  }
0x52: {  	_ =	shalt  }
0x53: {  	_ =	shalt  }
0x54: {  	_ =	shalt  }
0x55: {  	_ =	shalt  }
0x56: {  	_ =	shalt  }
0x57: {  	_ =	shalt  }
0x58: {  	_ =	shalt  }
0x59: {  	_ =	shalt  }
0x5a: {  	_ =	shalt  }
0x5b: {  	_ =	shalt  }
0x5c: {  	_ =	shalt  }
0x5d: {  	_ =	shalt  }
0x5e: {  	_ =	shalt  }
0x5f: {  	_ =	shalt  }
0x60: {  	_ =	shalt  }
0x61: {  	_ =	shalt  }
0x62: {  	_ =	shalt  }
0x63: {  	_ =	shalt  }
0x64: {  	_ =	shalt  }
0x65: {  	_ =	shalt  }
0x66: {  	_ =	shalt  }
0x67: {  	_ =	shalt  }
0x68: {  	_ =	shalt  }
0x69: {  	_ =	shalt  }
0x6a: {  	_ =	shalt  }
0x6b: {  	_ =	shalt  }
0x6c: {  	_ =	shalt  }
0x6d: {  	_ =	shalt  }
0x6e: {  	_ =	shalt  }
0x6f: {  	_ =	shalt  }
0x70: {  	_ =	shalt  }
0x71: {  	_ =	shalt  }
0x72: {  	_ =	shalt  }
0x73: {  	_ =	shalt  }
0x74: {  	_ =	shalt  }
0x75: {  	_ =	shalt  }
0x76: {  	_ =	shalt  }
0x77: {  	_ =	shalt  }
0x78: {  	_ =	shalt  }
0x79: {  	_ =	shalt  }
0x7a: {  	_ =	shalt  }
0x7b: {  	_ =	shalt  }
0x7c: {  	_ =	shalt  }
0x7d: {  	_ =	shalt  }
0x7e: {  	_ =	shalt  }
0x7f: {  	_ =	shalt  }
0x80: {  	_ =	shalt  }
0x81: {  	_ =	shalt  }
0x82: {  	_ =	shalt  }
0x83: {  	_ =	shalt  }
0x84: {  	_ =	shalt  }
0x85: {  	_ =	shalt  }
0x86: {  	_ =	shalt  }
0x87: {  	_ =	shalt  }
.Lfunc_end0:
.L_simem_size_0:
called_computation_lowered:
.L_overlay_start_0:
0x88: {  	s2 =	sld [smem:$0x3FD9]  }
0x89: {  	s3 =	sld [smem:$0x3FFE];
	_ =	sdelay $0x1  }
0x8a: {  	s1 =	srdreg.scid  }
0x8b: {  	s0 =	sand.u32 $0x1, s1  }
0x8c: {  	s17 =	sshll.u32 s0, $0xA;
	s2 =	sadd.s32 s3, s2  }
0x8d: {  	s2 =	sadd.s32 s2, s17  }
0x8e: {  	[smem:$0x3FC4] =	sst s2  }
0x8f: {  	_ = 	snop  }
0x90: {  	s2 =	sld [smem:$0x3FD0];
	(tm) =	ssettm $0x1  }
0x91: {  	s18 =	sld [smem:$0x3FFB];
	_ =	sdelay $0x3  }
0x92: {  	_ =	strace s18  }
0x93: {  	s3 =	sld [smem:$0x3FFC];
	_ =	sdelay $0x3  }
0x94: {  	_ =	strace s3  }
0x95: {  	s3 =	sld [smem:$0x3FFD];
	_ =	sdelay $0x3  }
0x96: {  	_ =	strace s3  }
0x97: {  	_ =	strace $0x8FFFFFFF  }
0x98: {  	s19 =	sld [smem:$0x3FDB];
	_ =	sdelay $0x1  }
0x99: {  	s4 =	simm.s32 $_scs_section_size  }
0x9a: {  	s5 =	simm.s32 $_size__tile_overlayer_lowered;
	s6 =	simm.s32 $_tile_overlayer_lowered  }
0x9b: {  	s22 =	simm.s32 $0x1BFF;
	s21 =	sshll.u32 s6, $0x1;
	s3 =	sadd.s32 s4, s19  }
0x9c: {  	s7 =	simm.s32 $0x0;
	s20 =	sshll.u32 s5, $0x1;
	s5 =	sadd.s32 s21, s3  }
0x9d: {  	[timem:s7], [sflag:s22] =	dma.local [hbm:s5], s20  }
0x9e: {  	_ =	swait.ge [sflag:s22], s20  }
0x9f: {  	s4 =	ssub.s32 $0x0, s20;
	[sflag:s22] =	ssyncset.done $0x0  }
0xa0: {  	[sflag:s22] =	ssyncadd.s32 s4;
	_ =	sdelay $0x1  }
0xa1: {  	s23 =	simm.s32 $0x1B8B  }
0xa2: {  	_ =	swait.ge [sflag:s23], $0x1  }
0xa3: {  	[sflag:s23] =	ssyncset.done $0x0  }
0xa4: {  	s25 =	simm.s32 $0x1B8E;
	s24 =	sld [smem:$0x3FFE];
	[sflag:s23] =	ssyncadd.s32 $0xFFFFFFFF  }
0xa5: {  	s26 =	simm.s32 $execute0_lowered;
	[smem:$0x3FD2] =	sst s25  }
0xa6: {  	s5 =	sshll.u32 s26, $0x1;
	_ =	strace $0x80000046;
	[dreg:$0x1] =	wrdreg $0xFFFFFFFF  }
0xa7: {  	s28 =	simm.s32 $_size_execute0_lowered;
	s3 =	sadd.s32 s3, s5;
	[dreg:$0x0] =	wrdreg $0x0  }
0xa8: {  	s5 =	sshll.u32 s28, $0x1;
	[dreg:$0x2] =	wrdreg s3  }
0xa9: {  	[dreg:$0x3] =	wrdreg s5  }
0xaa: {  	[dreg:$0x4] =	wrdreg $0xC0  }
0xab: {  	_ =	task [dreg:s7], $0x5FFFF  }
0xac: {  	[dreg:$0x1] =	wrdreg $0xFFFFFFFF  }
0xad: {  	[dreg:$0x0] =	wrdreg $0x60  }
0xae: {  	[dreg:$0x2] =	wrdreg s24  }
0xaf: {  	[dreg:$0x3] =	wrdreg s2  }
0xb0: {  	[dreg:$0x4] =	wrdreg $0x79000  }
0xb1: {  	[dreg:$0x5] =	wrdreg $0x9  }
0xb2: {  	_ =	task.clear_ibuf [dreg:s7], $0x6FFFF;
	_ =	strace $0x90000046  }
0xb3: {  	s29 =	simm.s32 $0x9;
	_ =	strace $0x80000048  }
0xb4: {  	_ =	swait.ge [sflag:s29], $0x1  }
0xb5: {  	[sflag:s29] =	ssyncadd.s32 $0xFFFFFFFF  }
0xb6: {  	_ =	strace $0x90000048  }
0xb7: {  	_ =	sfence  }
0xb8: {  	s30 =	sld [smem:$0x0];
	_ =	sdelay $0x2  }
0xb9: {  	s31 =	sshll.u32 s1, $0xD;
	s1 =	sshrl.u32 s1, $0x2  }
0xba: {  	s3 =	sand.u32 $0x4000, s31;
	s1 =	sadd.s32 s1, s30  }
0xbb: {  	s0 =	sor.u32 s3, s0;
	s1 =	sshll.u32 s1, $0x11  }
0xbc: {  	s0 =	sor.u32 s1, s0  }
0xbd: {  	s0 =	sadd.s32 $0x8F2B, s0  }
0xbe: {  	[sflag:s0] =	ssyncadd.remote.s32 $0x1  }
0xbf: {  	_ =	sfence.sel $0xFFFF  }
0xc0: {  	[dreg:$0x0] =	wrdreg $0xFFFFFFFF;
	(pc) =	sbr.abs _section_cstart, $3  }
0xc1: {  	[dreg:$0x1] =	wrdreg $0xFFFFFFFF  }
0xc2: {  	_ =	task.clear_ibuf [dreg:s7], $0x2FFFF;
	_ =	strace $0x9FFFFFFF  }
0xc3: {  	(tm) =	ssettm $0x7FFFFFFF  }
tec
execute0_lowered:
.L_overlay_start_1:
0x0: {  	(tag) =	ssettag $0x1  }
0x1: {  	s4 =	rddreg [dreg:$0x0]  }
0x2: {  	s6 =	rddreg [dreg:$0x1]  }
0x3: {  	s2 =	rddreg [dreg:$0x2]  }
0x4: {  	s3 =	srdreg.scid;
	s1 =	stileid.u32  }
0x5: {  	s0 =	rddreg [dreg:$0x3];
	s13 =	simm.s32 $0x7800;
	s14 =	simm.s32 $0x7880  }
0x6: {  	s5 =	sand.u32 $0x1, s3;
	s7 =	sshll.u32 s1, $0x1;
	s3 =	simm.s32 $0x0  }
0x7: {  	s9 =	sshll.u32 s1, $0xB;
	s10 =	smul.u32 $0x1400, s1;
	p0 =	sgt.u32 s1, $0x9  }
0x8: {  	s7 =	sor.u32 s5, s7;
	s8 =	smul.u32 $0x5000, s5;
	[smem:$0x7FF] =	sst s3  }
0x9: {  	s5 =	ssub.s32 $0x2, s5;
	s15 =	sadd.s32 s9, s2;
	s7 =	smul.u32 $0x500, s7  }
0xa: {  	_ =	strace $0x80000047;
	s31 =	sshrl.u32 s5, $0x1;
	s10 =	sshrl.u32 s10, $0x2  }
0xb: {  	s15 =	sshrl.u32 @!p0 s15, $0x3;
	s8 =	sadd.s32 s9, s8;
	s12 =	ssub.s32 s5, s31  }
0xc: {  	s9 =	simm.s32 $0x5000;
	s11 =	sadd.s32 s7, s4;
	s8 =	sshrl.u32 s8, $0x3  }
0xd: {  	s6 =	sadd.s32 s6, s7;
	s8 =	sadd.s32 s8, s4;
	s4 =	sadd.s32 s10, s2  }
0xe: {  	s5 =	sadd.s32 $0x2600, s11;
	s10 =	simm.s32 $0x1;
	s11 =	simm.s32 $0x2800  }
0xf: {  	v0 =	vimm.s32 $0x0;
	v1 =	vlaneseq.u32;
	s7 =	sadd.s32 $0x20600, s8;
	s8 =	smax.u32 s12, $0x1;
	s12 =	simm.s32 $0x50  }
.LBB2_1:
0x10: {  	s16 =	simm.s32 $0x0;
	s17 =	simm.s32 $0x200  }
.LBB2_2:
0x11: {  	p1 =	sne.s32 s17, $0x9E00;
	[tilespmem:s16+$0x5070] =	vst v0  }
0x12: {  	[tilespmem:s16+$0x5000] =	vst v0  }
0x13: {  	[tilespmem:s16+$0x5010] =	vst v0  }
.Ltmp0:
0x14: {  	[tilespmem:s16+$0x5020] =	vst v0;
	(pc) =	sbr.rel @p1 .LBB2_2-.Ltmp0, $4  }
0x15: {  	[tilespmem:s16+$0x5030] =	vst v0  }
0x16: {  	[tilespmem:s16+$0x5040] =	vst v0  }
0x17: {  	[tilespmem:s16+$0x5050] =	vst v0  }
0x18: {  	[tilespmem:s16+$0x5060] =	vst v0;
	s16 =	sshra.s32 s17, $0x2;
	s17 =	sadd.s32 $0x200, s17  }
0x19: {  	[tilespmem:s16+$0x5070] =	vst v0  }
0x1a: {  	[tilespmem:s16+$0x5000] =	vst v0  }
0x1b: {  	[tilespmem:s16+$0x5010] =	vst v0  }
0x1c: {  	[tilespmem:s16+$0x5020] =	vst v0  }
0x1d: {  	[tilespmem:s16+$0x5030] =	vst v0  }
0x1e: {  	[tilespmem:s16+$0x5040] =	vst v0  }
0x1f: {  	[tilespmem:s16+$0x5050] =	vst v0;
	s17 =	simm.s32 $0x0  }
0x20: {  	[tilespmem:s16+$0x5060] =	vst v0;
	s18 =	simm.s32 $0x7800;
	s31 =	simm.s32 $0x50;
	v2 =	vor.u32 s17, v1  }
0x21: {  	s16 =	simm.s32 $0x7880;
	[tilespmem:s18+$0x0] =	vst v2;
	v2 =	vor.u32 s31, v1  }
0x22: {  	s17 =	simm.s32 $0x10;
	s18 =	simm.s32 $0x7810;
	[tilespmem:s16+$0x0] =	vst v2  }
.LBB2_4:
0x23: {  	v2 =	vor.u32 s17, v1;
	s19 =	sadd.s32 $0x50, s17;
	p1 =	sne.s32 s17, $0x40;
	s17 =	sadd.s32 $0x10, s17  }
.Ltmp1:
0x24: {  	s16 =	sadd.s32 $0x10, s16;
	[tilespmem:s18+$0x0] =	vst v2;
	v2 =	vor.u32 s19, v1;
	(pc) =	sbr.rel @p1 .LBB2_4-.Ltmp1, $2  }
0x25: {  	[tilespmem:s16+$0x0] =	vst v2;
	_ =	sdelay $0x2  }
0x26: {  	s18 =	sadd.s32 $0x10, s18  }
0x27: {  	[spmem:s4] =	stream.linear.scatter [tilespmem:s9], [sflag:$0x1], $0x500, $0x38;
	[tilespmem:$0x7E00] =	vst v63  }
0x28: {  	_ =	swait.ge [sflag:s10], $0x500  }
0x29: {  	[sflag:s10] =	ssyncset.done $0x0  }
0x2a: {  	[sflag:s10] =	ssyncadd.s32 $0xFFFFFB00  }
0x2b: {  	s16 =	simm.s32 $0x40;
	s17 =	simm.s32 $0x0;
	[bflag:$0x0] =	sbarrier.arrive $0xFFFF  }
.LBB2_6:
0x2c: {  	p1 =	sne.s32 s16, $0x9FC0;
	[tilespmem:s17+$0x2800] =	vst v0;
	s17 =	smov.u32 s16;
	s16 =	sadd.s32 $0x40, s16  }
.Ltmp2:
0x2d: {  	(pc) =	sbr.rel @p1 .LBB2_6-.Ltmp2, $2  }
0x2e: {  	_ =	sdelay $0x2  }
0x2f: {  	s17 =	sshra.s32 s17, $0x2  }
0x30: {  	[tilespmem:s17+$0x2800] =	vst v0;
	s16 =	simm.s32 $0x0  }
0x31: {  	[tilespmem:s16], [sflag:$0x1] =	stream.linear.gather [hbm4b:s5+s16], $0x2800, $0x38;
	[tilespmem:$0x7E00] =	vst v63  }
0x32: {  	s30 =	sand.u32 $0xFE00, s16;
	_ =	swait.ge [sflag:s10], $0x2800  }
0x33: {  	s16 =	sand.u32 $0x70, s16;
	s17 =	sshrl.u32 s30, $0x2;
	[sflag:s10] =	ssyncset.done $0x0  }
0x34: {  	s16 =	sor.u32 s16, s17;
	[sflag:s10] =	ssyncadd.s32 $0xFFFFD800  }
0x35: {  	v2 =	vld [tilespmem:s16+$0x0];
	_ =	sdelay $0x4  }
0x36: {  	(xrf1) =	vunique.msk.u32 $0xffff, v2;
	_ =	sdelay $0xd  }
0x37: {  	_, v3, vm0 =	vpop (xrf1);
	_ =	sdelay $0x5  }
0x38: {  	v4 =	vld.idx.msk [tilespmem:v2+s11+$0x0], vm0;
	_ =	sdelay $0x2  }
0x39: {  	s31 =	simm.s32 $0x40  }
0x3a: {  	s18 =	sand.u32 $0xFE00, s31;
	s17 =	simm.s32 $0x80;
	s16 =	simm.s32 $0x10  }
.LBB2_8:
0x3b: {  	p1 =	sne.s32 s17, $0x9FC0;
	s19 =	sand.u32 $0x70, s16;
	s18 =	sshrl.u32 s18, $0x2;
	v3 =	vadd.s32 v4, v3  }
0x3c: {  	s18 =	sor.u32 s19, s18;
	[tilespmem:v2+s11+$0x0] =	vst.idx.msk vm0, v3  }
0x3d: {  	v2 =	vld [tilespmem:s18+$0x0];
	_ =	sdelay $0x4  }
0x3e: {  	(xrf1) =	vunique.msk.u32 $0xffff, v2;
	_ =	sdelay $0xd  }
0x3f: {  	_, v3, vm0 =	vpop (xrf1);
	_ =	sdelay $0x5  }
0x40: {  	v4 =	vld.idx.msk [tilespmem:v2+s11+$0x0], vm0  }
.Ltmp3:
0x41: {  	(pc) =	sbr.rel @p1 .LBB2_8-.Ltmp3, $2  }
0x42: {  	_ =	sdelay $0x2  }
0x43: {  	s16 =	sadd.s32 $0x10, s16;
	s18 =	sand.u32 $0xFE00, s17;
	s17 =	sadd.s32 $0x40, s17  }
0x44: {  	_ =	sdelay $0x3  }
0x45: {  	s16 =	sand.u32 $0x70, s16;
	s17 =	sshrl.u32 s18, $0x2;
	v3 =	vadd.s32 v4, v3  }
0x46: {  	s16 =	sor.u32 s16, s17;
	[tilespmem:v2+s11+$0x0] =	vst.idx.msk vm0, v3  }
0x47: {  	v2 =	vld [tilespmem:s16+$0x0];
	_ =	sdelay $0x4  }
0x48: {  	(xrf1) =	vunique.msk.u32 $0xffff, v2;
	_ =	sdelay $0xd  }
0x49: {  	_, v3, vm0 =	vpop (xrf1);
	_ =	sdelay $0x5  }
0x4a: {  	v4 =	vld.idx.msk [tilespmem:v2+s11+$0x0], vm0;
	_ =	sdelay $0x4  }
0x4b: {  	v3 =	vadd.s32 v4, v3  }
0x4c: {  	s16 =	simm.s32 $0x0;
	[tilespmem:v2+s11+$0x0] =	vst.idx.msk vm0, v3  }
0x4d: {  	v5 =	vld [tilespmem:s16+$0x2870]  }
0x4e: {  	v6 =	vld [tilespmem:s16+$0x2800]  }
0x4f: {  	v7 =	vld [tilespmem:s16+$0x2810]  }
0x50: {  	v4 =	vld [tilespmem:s16+$0x2820]  }
0x51: {  	v2 =	vld [tilespmem:s16+$0x2830]  }
0x52: {  	v3 =	vld [tilespmem:s16+$0x2840];
	[tilespmem:s16+$0x5070] =	vst v5  }
0x53: {  	[tilespmem:s16+$0x5000] =	vst v6;
	v5 =	vld [tilespmem:s16+$0x2850]  }
0x54: {  	s18 =	simm.s32 $0x400;
	s17 =	simm.s32 $0x80;
	[tilespmem:s16+$0x5010] =	vst v7;
	v6 =	vld [tilespmem:s16+$0x2860]  }
.LBB2_10:
0x55: {  	p1 =	sne.s32 s18, $0x9E00;
	v7 =	vld [tilespmem:s17+$0x2870];
	[tilespmem:s16+$0x5020] =	vst v4  }
0x56: {  	v8 =	vld [tilespmem:s17+$0x2800];
	[tilespmem:s16+$0x5030] =	vst v2  }
0x57: {  	v9 =	vld [tilespmem:s17+$0x2810];
	[tilespmem:s16+$0x5040] =	vst v3  }
.Ltmp4:
0x58: {  	v4 =	vld [tilespmem:s17+$0x2820];
	[tilespmem:s16+$0x5050] =	vst v5;
	(pc) =	sbr.rel @p1 .LBB2_10-.Ltmp4, $4  }
0x59: {  	v2 =	vld [tilespmem:s17+$0x2830];
	[tilespmem:s16+$0x5060] =	vst v6;
	s16 =	smov.u32 s17  }
0x5a: {  	v3 =	vld [tilespmem:s16+$0x2840];
	[tilespmem:s16+$0x5070] =	vst v7  }
0x5b: {  	[tilespmem:s16+$0x5000] =	vst v8;
	v5 =	vld [tilespmem:s16+$0x2850]  }
0x5c: {  	s17 =	sshra.s32 s18, $0x2;
	s18 =	sadd.s32 $0x200, s18;
	[tilespmem:s16+$0x5010] =	vst v9;
	v6 =	vld [tilespmem:s16+$0x2860]  }
0x5d: {  	v7 =	vld [tilespmem:s17+$0x2870];
	[tilespmem:s16+$0x5020] =	vst v4  }
0x5e: {  	v4 =	vld [tilespmem:s17+$0x2800];
	[tilespmem:s16+$0x5030] =	vst v2  }
0x5f: {  	v2 =	vld [tilespmem:s17+$0x2810];
	[tilespmem:s16+$0x5040] =	vst v3  }
0x60: {  	v3 =	vld [tilespmem:s17+$0x2820];
	[tilespmem:s16+$0x5050] =	vst v5  }
0x61: {  	v5 =	vld [tilespmem:s17+$0x2830];
	[tilespmem:s16+$0x5060] =	vst v6  }
0x62: {  	v6 =	vld [tilespmem:s17+$0x2840];
	[tilespmem:s17+$0x5070] =	vst v7  }
0x63: {  	v63 =	vld [tilespmem:s17+$0x2850];
	[tilespmem:s17+$0x5000] =	vst v4  }
0x64: {  	[tilespmem:s17+$0x5010] =	vst v2;
	v2 =	vld [tilespmem:s17+$0x2860]  }
0x65: {  	[tilespmem:s17+$0x5020] =	vst v3  }
0x66: {  	[tilespmem:s17+$0x5030] =	vst v5  }
0x67: {  	[tilespmem:s17+$0x5040] =	vst v6  }
0x68: {  	[tilespmem:s17+$0x5050] =	vst v63  }
0x69: {  	[tilespmem:s17+$0x5060] =	vst v2  }
0x6a: {  	[spmem:s2] =	stream.indirect.scatter.add.s32 [tilespmem:s9], [sflag:$0x1], $0x80, s13, s12, $0xb8;
	[tilespmem:$0x7E00] =	vst v63  }
0x6b: {  	_ =	swait.ge [sflag:s10], $0x2800  }
0x6c: {  	[sflag:s10] =	ssyncset.done $0x0  }
0x6d: {  	s16 =	simm.s32 $0x40;
	s17 =	simm.s32 $0x0;
	[sflag:s10] =	ssyncadd.s32 $0xFFFFD800  }
.LBB2_12:
0x6e: {  	p1 =	sne.s32 s16, $0x9FC0;
	[tilespmem:s17+$0x2800] =	vst v0;
	s17 =	smov.u32 s16;
	s16 =	sadd.s32 $0x40, s16  }
.Ltmp5:
0x6f: {  	(pc) =	sbr.rel @p1 .LBB2_12-.Ltmp5, $2  }
0x70: {  	_ =	sdelay $0x2  }
0x71: {  	s17 =	sshra.s32 s17, $0x2  }
0x72: {  	[tilespmem:s17+$0x2800] =	vst v0;
	s16 =	simm.s32 $0x0  }
0x73: {  	[tilespmem:s16], [sflag:$0x1] =	stream.linear.gather [hbm4b:s6+s16], $0x2800, $0x38;
	[tilespmem:$0x7E00] =	vst v63  }
0x74: {  	s30 =	sand.u32 $0xFE00, s16;
	_ =	swait.ge [sflag:s10], $0x2800  }
0x75: {  	s16 =	sand.u32 $0x70, s16;
	s17 =	sshrl.u32 s30, $0x2;
	[sflag:s10] =	ssyncset.done $0x0  }
0x76: {  	s16 =	sor.u32 s16, s17;
	[sflag:s10] =	ssyncadd.s32 $0xFFFFD800  }
0x77: {  	v2 =	vld [tilespmem:s16+$0x0];
	_ =	sdelay $0x4  }
0x78: {  	(xrf1) =	vunique.msk.u32 $0xffff, v2;
	_ =	sdelay $0xd  }
0x79: {  	_, v3, vm0 =	vpop (xrf1);
	_ =	sdelay $0x5  }
0x7a: {  	v4 =	vld.idx.msk [tilespmem:v2+s11+$0x0], vm0;
	_ =	sdelay $0x2  }
0x7b: {  	s31 =	simm.s32 $0x40  }
0x7c: {  	s18 =	sand.u32 $0xFE00, s31;
	s17 =	simm.s32 $0x80;
	s16 =	simm.s32 $0x10  }
.LBB2_14:
0x7d: {  	p1 =	sne.s32 s17, $0x9FC0;
	s19 =	sand.u32 $0x70, s16;
	s18 =	sshrl.u32 s18, $0x2;
	v3 =	vadd.s32 v4, v3  }
0x7e: {  	s18 =	sor.u32 s19, s18;
	[tilespmem:v2+s11+$0x0] =	vst.idx.msk vm0, v3  }
0x7f: {  	v2 =	vld [tilespmem:s18+$0x0];
	_ =	sdelay $0x4  }
0x80: {  	(xrf1) =	vunique.msk.u32 $0xffff, v2;
	_ =	sdelay $0xd  }
0x81: {  	_, v3, vm0 =	vpop (xrf1);
	_ =	sdelay $0x5  }
0x82: {  	v4 =	vld.idx.msk [tilespmem:v2+s11+$0x0], vm0  }
.Ltmp6:
0x83: {  	(pc) =	sbr.rel @p1 .LBB2_14-.Ltmp6, $2  }
0x84: {  	_ =	sdelay $0x2  }
0x85: {  	s16 =	sadd.s32 $0x10, s16;
	s18 =	sand.u32 $0xFE00, s17;
	s17 =	sadd.s32 $0x40, s17  }
0x86: {  	_ =	sdelay $0x3  }
0x87: {  	s16 =	sand.u32 $0x70, s16;
	s17 =	sshrl.u32 s18, $0x2;
	v3 =	vadd.s32 v4, v3  }
0x88: {  	s16 =	sor.u32 s16, s17;
	[tilespmem:v2+s11+$0x0] =	vst.idx.msk vm0, v3  }
0x89: {  	v2 =	vld [tilespmem:s16+$0x0];
	_ =	sdelay $0x4  }
0x8a: {  	(xrf1) =	vunique.msk.u32 $0xffff, v2;
	_ =	sdelay $0xd  }
0x8b: {  	_, v3, vm0 =	vpop (xrf1);
	_ =	sdelay $0x5  }
0x8c: {  	v4 =	vld.idx.msk [tilespmem:v2+s11+$0x0], vm0;
	_ =	sdelay $0x4  }
0x8d: {  	v3 =	vadd.s32 v4, v3  }
0x8e: {  	s16 =	simm.s32 $0x0;
	[tilespmem:v2+s11+$0x0] =	vst.idx.msk vm0, v3  }
0x8f: {  	v5 =	vld [tilespmem:s16+$0x2870]  }
0x90: {  	v6 =	vld [tilespmem:s16+$0x2800]  }
0x91: {  	v7 =	vld [tilespmem:s16+$0x2810]  }
0x92: {  	v4 =	vld [tilespmem:s16+$0x2820]  }
0x93: {  	v2 =	vld [tilespmem:s16+$0x2830]  }
0x94: {  	v3 =	vld [tilespmem:s16+$0x2840];
	[tilespmem:s16+$0x5070] =	vst v5  }
0x95: {  	[tilespmem:s16+$0x5000] =	vst v6;
	v5 =	vld [tilespmem:s16+$0x2850]  }
0x96: {  	s18 =	simm.s32 $0x400;
	s17 =	simm.s32 $0x80;
	[tilespmem:s16+$0x5010] =	vst v7;
	v6 =	vld [tilespmem:s16+$0x2860]  }
.LBB2_16:
0x97: {  	p1 =	sne.s32 s18, $0x9E00;
	v7 =	vld [tilespmem:s17+$0x2870];
	[tilespmem:s16+$0x5020] =	vst v4  }
0x98: {  	v8 =	vld [tilespmem:s17+$0x2800];
	[tilespmem:s16+$0x5030] =	vst v2  }
0x99: {  	v9 =	vld [tilespmem:s17+$0x2810];
	[tilespmem:s16+$0x5040] =	vst v3  }
.Ltmp7:
0x9a: {  	v4 =	vld [tilespmem:s17+$0x2820];
	[tilespmem:s16+$0x5050] =	vst v5;
	(pc) =	sbr.rel @p1 .LBB2_16-.Ltmp7, $4  }
0x9b: {  	v2 =	vld [tilespmem:s17+$0x2830];
	[tilespmem:s16+$0x5060] =	vst v6;
	s16 =	smov.u32 s17  }
0x9c: {  	v3 =	vld [tilespmem:s16+$0x2840];
	[tilespmem:s16+$0x5070] =	vst v7  }
0x9d: {  	[tilespmem:s16+$0x5000] =	vst v8;
	v5 =	vld [tilespmem:s16+$0x2850]  }
0x9e: {  	s17 =	sshra.s32 s18, $0x2;
	s18 =	sadd.s32 $0x200, s18;
	[tilespmem:s16+$0x5010] =	vst v9;
	v6 =	vld [tilespmem:s16+$0x2860]  }
0x9f: {  	v7 =	vld [tilespmem:s17+$0x2870];
	[tilespmem:s16+$0x5020] =	vst v4  }
0xa0: {  	v4 =	vld [tilespmem:s17+$0x2800];
	[tilespmem:s16+$0x5030] =	vst v2  }
0xa1: {  	v2 =	vld [tilespmem:s17+$0x2810];
	[tilespmem:s16+$0x5040] =	vst v3  }
0xa2: {  	v3 =	vld [tilespmem:s17+$0x2820];
	[tilespmem:s16+$0x5050] =	vst v5  }
0xa3: {  	v5 =	vld [tilespmem:s17+$0x2830];
	[tilespmem:s16+$0x5060] =	vst v6  }
0xa4: {  	v6 =	vld [tilespmem:s17+$0x2840];
	[tilespmem:s17+$0x5070] =	vst v7  }
0xa5: {  	v63 =	vld [tilespmem:s17+$0x2850];
	[tilespmem:s17+$0x5000] =	vst v4  }
0xa6: {  	[tilespmem:s17+$0x5010] =	vst v2;
	v2 =	vld [tilespmem:s17+$0x2860]  }
0xa7: {  	[tilespmem:s17+$0x5020] =	vst v3  }
0xa8: {  	[tilespmem:s17+$0x5030] =	vst v5  }
0xa9: {  	[tilespmem:s17+$0x5040] =	vst v6  }
0xaa: {  	[tilespmem:s17+$0x5050] =	vst v63  }
0xab: {  	[tilespmem:s17+$0x5060] =	vst v2  }
0xac: {  	[spmem:s2] =	stream.indirect.scatter.add.s32 [tilespmem:s9], [sflag:$0x1], $0x80, s14, s12, $0xb8;
	[tilespmem:$0x7E00] =	vst v63  }
0xad: {  	_ =	swait.ge [sflag:s10], $0x2800  }
0xae: {  	[sflag:s10] =	ssyncset.done $0x0  }
0xaf: {  	s3 =	sadd.s32 $0x1, s3;
	s16 =	sshll.u32 @!p0 s1, $0x6;
	[sflag:s10] =	ssyncadd.s32 $0xFFFFD800  }
0xb0: {  	p1 =	sne.s32 s3, s8;
	s16 =	sor.u32 @!p0 $0x1C01, s16;
	[bflag:$0x0] =	sbarrier.arrive $0xFFFF  }
0xb1: {  	[hbm:s7], [sflag:s16] =	dma.local @!p0 [spmem:s15], $0x100  }
.Ltmp8:
0xb2: {  	_ = 	snop;
	(pc) =	sbr.rel @p1 .LBB2_1-.Ltmp8, $4  }
0xb3: {  	s16 =	simm.s32 @!p0 $0x1  }
0xb4: {  	_ =	swait.ge @!p0 [sflag:s16], $0x100  }
0xb5: {  	[sflag:s16] =	ssyncset.done @!p0 $0x0  }
0xb6: {  	[sflag:s16] =	ssyncadd.s32 @!p0 $0xFFFFFF00  }
0xb7: {  	_ =	sfence.sel $0x180000  }
0xb8: {  	[bflag:$0x0] =	sbarrier.arrive $0xFFFF  }
0xb9: {  	p0 =	sne.s32 s1, $0x0;
	_ =	strace $0x90000047  }
0xba: {  	s0 =	sadd.s32 @!p0 $0x100000, s0;
	[bflag:$0x2] =	sbarrier.arrive $0xFFFF  }
0xbb: {  	[sflag:s0] =	ssyncadd.tile.s32 @!p0 $0x1;
	_ =	shalt  }
.Lfunc_end2:
_tile_overlayer_lowered:
.L_overlay_start_2:
0xbc: {  	(tag) =	ssettag $0x2  }
0xbd: {  	s0 =	rddreg [dreg:$0x0];
	s2 =	stileid.u32  }
0xbe: {  	s1 =	rddreg [dreg:$0x1];
	p0 =	sne.s32 s2, $0x0  }
0xbf: {  	s3 =	rddreg [dreg:$0x2];
	[bflag:$0x3] =	sbarrier.arrive $0xFFFF;
	s2 =	simm.s32 @!p0 $0x1C01  }
0xc0: {  	[timem:s3], [sflag:s2] =	dma.local @!p0 [hbm:s0], s1  }
0xc1: {  	s0 =	simm.s32 @!p0 $0x1  }
0xc2: {  	_ =	swait.ge @!p0 [sflag:s0], s1  }
0xc3: {  	s1 =	ssub.s32 @!p0 $0x0, s1;
	[sflag:s0] =	ssyncset.done @!p0 $0x0  }
0xc4: {  	[sflag:s0] =	ssyncadd.s32 @!p0 s1  }
0xc5: {  	[bflag:$0x3] =	sbarrier.arrive $0xFFFF  }
0xc6: {  	_ =	shalt  }

</sc_bundles>
